<compile_context>
chip_gen: v7x
topology: tpu7x:2x2x1
jax: 0.10.2.dev20260603
libtpu: 0.0.44.dev20260713+nightly
codegen_flags: <defaults>
</compile_context>

<pallas_src>
import functools

import jax
import jax.numpy as jnp
from jax import lax
from jax.experimental import pallas as pl
from jax.experimental.pallas import tpu as pltpu
from jax.experimental.pallas import tpu_sc as plsc

B, NQ, T = 16, 8, 2048
DIM = 128
N = B * NQ * T
NW = 32
PER_W = N // NW
C = 128
NCHUNK = PER_W // C
NBUF = 7
PRO = 5


def _body(idx_hbm, offs_hbm, table_hbm, out_hbm, offs_v, idx_v, rows_v,
          *sems):
    cid = lax.axis_index("c")
    sid = lax.axis_index("s")
    wid = sid * 2 + cid
    base = wid * PER_W

    gsems = sems[:NBUF]
    osems = sems[NBUF:]

    pltpu.sync_copy(offs_hbm, offs_v)
    pltpu.sync_copy(idx_hbm.at[pl.ds(wid * NCHUNK, NCHUNK)], idx_v)

    def prep(g):
        q = lax.rem((base + g * C) // T, NQ)
        off = offs_v[pl.ds(q * 16, 16)]
        for j in range(8):
            sl = pl.ds(j * 16, 16)
            idx_v[g, sl] = idx_v[g, sl] + off

    def fire_gather(g, b):
        pltpu.async_copy(table_hbm.at[idx_v.at[g]], rows_v.at[b], gsems[b])

    def wait_gather(b):
        pltpu.make_async_copy(
            table_hbm.at[idx_v.at[0]], rows_v.at[b], gsems[b]
        ).wait()

    def fire_store(g, b):
        pltpu.async_copy(
            rows_v.at[b], out_hbm.at[pl.ds(base + g * C, C)], osems[b]
        )

    def wait_store(b):
        pltpu.make_async_copy(
            rows_v.at[b], out_hbm.at[pl.ds(base, C)], osems[b]
        ).wait()

    def step(g, b, fire, wait_st):
        if fire:
            gn = g + PRO
            bn = (b + PRO) % NBUF
            prep(gn)
            if wait_st:
                wait_store(bn)
            fire_gather(gn, bn)
        wait_gather(b)
        fire_store(g, b)

    for g in range(PRO):
        prep(g)
        fire_gather(g, g % NBUF)
    for g in range(NBUF):
        step(g, g % NBUF, g + PRO < NCHUNK, g >= NBUF - PRO)

    def round_body(r, carry):
        for b in range(NBUF):
            step(r * NBUF + b, b, True, True)
        return carry

    rounds = (NCHUNK - PRO) // NBUF
    lax.fori_loop(1, rounds, round_body, 0)

    for g in range(rounds * NBUF, NCHUNK):
        step(g, g % NBUF, g + PRO < NCHUNK, True)

    for b in range(NBUF):
        wait_store(b)


@jax.jit
def _gather(idx2d, offs_rep, table):
    mesh = plsc.VectorSubcoreMesh(core_axis_name="c", subcore_axis_name="s")
    f = functools.partial(
        pl.kernel,
        out_type=jax.ShapeDtypeStruct((N, DIM), jnp.float32),
        mesh=mesh,
        scratch_types=[
            pltpu.VMEM((NQ * 16,), jnp.int32),
            pltpu.VMEM((NCHUNK, C), jnp.int32),
            pltpu.VMEM((NBUF, C, DIM), jnp.float32),
        ] + [pltpu.SemaphoreType.DMA] * (2 * NBUF),
    )(_body)
    return f(idx2d, offs_rep, table)


def kernel(input_ids, offsets, table):
    idx2d = input_ids.reshape(N // C, C)
    offs_rep = jnp.repeat(offsets, 16)
    out = _gather(idx2d, offs_rep, table)
    return out.reshape(B, NQ, T, DIM)

# --- scband reference (transcript-rebuilt; emitter-appended) ---
"""Pipeline reference for scband-multi-vocab-embeddings-1013612282281 (READ-ONLY COPY).

The authoritative reference and input builder live on the scoring server;
editing this copy changes nothing except your own understanding.
"""

import jax, jax.numpy as jnp
import numpy as np

B, NQ, T = 16, 8, 2048
CODEBOOK = 4096
TOTAL_VOCAB = NQ * CODEBOOK  # 32768
ALIGNED = 128 * ((TOTAL_VOCAB + 127) // 128)  # 32768 (already aligned)
DIM = 128


def setup_inputs(seed: int = 0) -> dict:
    key = jax.random.key(seed)
    k1, k2 = jax.random.split(key)
    input_ids = jax.random.randint(k1, (B, NQ, T), 0, CODEBOOK, dtype=jnp.int32)
    # cumulative offsets: [0, 4096, 8192, ...]
    offsets = jnp.arange(NQ, dtype=jnp.int32) * CODEBOOK
    table = jax.random.normal(k2, (ALIGNED, DIM), dtype=jnp.float32) * 0.02
    return {"input_ids": input_ids, "offsets": offsets, "table": table}


def reference(input_ids, offsets, table):
    # shift each codebook's ids into its slice of the shared table
    shifted = input_ids + offsets[None, :, None]
    # embedding lookup -> [B, NQ, T, DIM]
    return jnp.take(table, shifted, axis=0)

if __name__ == "__main__":
    import jax
    _d = setup_inputs()
    print(jax.jit(kernel)(*tuple(_d.values())))

</pallas_src>

<mosaic_0001>
#map = affine_map<(d0, d1) -> (0, 0)>
#map1 = affine_map<(d0, d1) -> (0)>
module attributes {stable_mosaic.version = 14 : i64} {
  func.func @_body(%arg0: i32, %arg1: i32, %arg2: memref<2048x128xi32, #tpu.memory_space<hbm>>, %arg3: memref<128xi32, #tpu.memory_space<hbm>>, %arg4: memref<32768x128xf32, #tpu.memory_space<hbm>>, %arg5: memref<262144x128xf32, #tpu.memory_space<hbm>>, %arg6: memref<128xi32, #tpu.memory_space<vmem>>, %arg7: memref<64x128xi32, #tpu.memory_space<vmem>>, %arg8: memref<7x128x128xf32, #tpu.memory_space<vmem>>, %arg9: memref<!tpu.dma_semaphore, #tpu.memory_space<semaphore_mem>>, %arg10: memref<!tpu.dma_semaphore, #tpu.memory_space<semaphore_mem>>, %arg11: memref<!tpu.dma_semaphore, #tpu.memory_space<semaphore_mem>>, %arg12: memref<!tpu.dma_semaphore, #tpu.memory_space<semaphore_mem>>, %arg13: memref<!tpu.dma_semaphore, #tpu.memory_space<semaphore_mem>>, %arg14: memref<!tpu.dma_semaphore, #tpu.memory_space<semaphore_mem>>, %arg15: memref<!tpu.dma_semaphore, #tpu.memory_space<semaphore_mem>>, %arg16: memref<!tpu.dma_semaphore, #tpu.memory_space<semaphore_mem>>, %arg17: memref<!tpu.dma_semaphore, #tpu.memory_space<semaphore_mem>>, %arg18: memref<!tpu.dma_semaphore, #tpu.memory_space<semaphore_mem>>, %arg19: memref<!tpu.dma_semaphore, #tpu.memory_space<semaphore_mem>>, %arg20: memref<!tpu.dma_semaphore, #tpu.memory_space<semaphore_mem>>, %arg21: memref<!tpu.dma_semaphore, #tpu.memory_space<semaphore_mem>>, %arg22: memref<!tpu.dma_semaphore, #tpu.memory_space<semaphore_mem>>) attributes {dimension_semantics = [#tpu.dimension_semantics<core_parallel>, #tpu.dimension_semantics<subcore_parallel>], iteration_bounds = array<i64: 2, 16>, scalar_prefetch = 0 : i64, scratch_operands = 17 : i64, tpu.core_type = #tpu.core_type<sc_vector_subcore>, window_params = [{transform_indices = #map}, {transform_indices = #map1}, {transform_indices = #map}, {transform_indices = #map}]} {
    %mul3A = arith.constant 2 : i32
    %mul3A_0 = arith.muli %arg1, %mul3A : i32
    %add3A = arith.addi %mul3A_0, %arg0 : i32
    %mul3A_1 = arith.constant 8192 : i32
    %mul3A_2 = arith.muli %add3A, %mul3A_1 : i32
    "tpu.region"() ({
      %run_scoped3A = tpu.sem_alloc : memref<!tpu.dma_semaphore, #tpu.memory_space<semaphore_mem>>
      tpu.enqueue_dma source(%arg3 : memref<128xi32, #tpu.memory_space<hbm>>) target(%arg6 : memref<128xi32, #tpu.memory_space<vmem>>) target_semaphore(%run_scoped3A : memref<!tpu.dma_semaphore, #tpu.memory_space<semaphore_mem>>)
      tpu.wait_dma2 semaphore(%run_scoped3A : memref<!tpu.dma_semaphore, #tpu.memory_space<semaphore_mem>>) src(%arg3 : memref<128xi32, #tpu.memory_space<hbm>>) dst(%arg6 : memref<128xi32, #tpu.memory_space<vmem>>)
      tpu.yield
    }) : () -> ()
    %mul3A_3 = arith.constant 64 : i32
    %mul3A_4 = arith.muli %add3A, %mul3A_3 : i32
    "tpu.region"() ({
      %run_scoped3A = tpu.sem_alloc : memref<!tpu.dma_semaphore, #tpu.memory_space<semaphore_mem>>
      %dma_start3A_2713 = arith.constant 0 : i32
      %dma_start3A_2714 = tpu.memref_slice %arg2[%mul3A_4, %dma_start3A_2713] : memref<2048x128xi32, #tpu.memory_space<hbm>> -> memref<64x128xi32, #tpu.memory_space<hbm>>
      %dma_start3A_2715 = arith.constant 0 : i32
      %dma_start3A_2716 = tpu.memref_slice %arg2[%mul3A_4, %dma_start3A_2715] : memref<2048x128xi32, #tpu.memory_space<hbm>> -> memref<64x128xi32, #tpu.memory_space<hbm>>
      tpu.enqueue_dma source(%dma_start3A_2716 : memref<64x128xi32, #tpu.memory_space<hbm>>) target(%arg7 : memref<64x128xi32, #tpu.memory_space<vmem>>) target_semaphore(%run_scoped3A : memref<!tpu.dma_semaphore, #tpu.memory_space<semaphore_mem>>)
      %dma_wait3A_2717 = arith.constant 0 : i32
      %dma_wait3A_2718 = tpu.memref_slice %arg2[%mul3A_4, %dma_wait3A_2717] : memref<2048x128xi32, #tpu.memory_space<hbm>> -> memref<64x128xi32, #tpu.memory_space<hbm>>
      %dma_wait3A_2719 = arith.constant 0 : i32
      %dma_wait3A_2720 = tpu.memref_slice %arg2[%mul3A_4, %dma_wait3A_2719] : memref<2048x128xi32, #tpu.memory_space<hbm>> -> memref<64x128xi32, #tpu.memory_space<hbm>>
      tpu.wait_dma2 semaphore(%run_scoped3A : memref<!tpu.dma_semaphore, #tpu.memory_space<semaphore_mem>>) src(%dma_wait3A_2720 : memref<64x128xi32, #tpu.memory_space<hbm>>) dst(%arg7 : memref<64x128xi32, #tpu.memory_space<vmem>>)
      tpu.yield
    }) : () -> ()
    %add3A_5 = arith.constant 0 : i32
    %add3A_6 = arith.addi %mul3A_2, %add3A_5 : i32
    %jit3A = arith.constant 2048 : i32
    %div3A = arith.divsi %add3A_6, %jit3A : i32
    %sign3A = arith.constant 0 : i32
    %sign3A_7 = arith.cmpi sgt, %add3A_6, %sign3A : i32
    %sign3A_8 = arith.extui %sign3A_7 : i1 to i32
    %sign3A_9 = arith.constant 0 : i32
    %sign3A_10 = arith.cmpi slt, %add3A_6, %sign3A_9 : i32
    %sign3A_11 = arith.extui %sign3A_10 : i1 to i32
    %sign3A_12 = arith.subi %sign3A_8, %sign3A_11 : i32
    %sign3A_13 = arith.constant 0 : i32
    %sign3A_14 = arith.cmpi sgt, %jit3A, %sign3A_13 : i32
    %sign3A_15 = arith.extui %sign3A_14 : i1 to i32
    %sign3A_16 = arith.constant 0 : i32
    %sign3A_17 = arith.cmpi slt, %jit3A, %sign3A_16 : i32
    %sign3A_18 = arith.extui %sign3A_17 : i1 to i32
    %sign3A_19 = arith.subi %sign3A_15, %sign3A_18 : i32
    %ne3A = arith.cmpi ne, %sign3A_12, %sign3A_19 : i32
    %rem3A = arith.remsi %add3A_6, %jit3A : i32
    %ne3A_20 = arith.constant 0 : i32
    %ne3A_21 = arith.cmpi ne, %rem3A, %ne3A_20 : i32
    %and3A = arith.andi %ne3A, %ne3A_21 : i1
    %sub3A = arith.constant 1 : i32
    %sub3A_22 = arith.subi %div3A, %sub3A : i32
    %select_n3A = arith.select %and3A, %sub3A_22, %div3A : i32
    %rem3A_23 = arith.constant 8 : i32
    %rem3A_24 = arith.remsi %select_n3A, %rem3A_23 : i32
    %mul3A_25 = arith.constant 16 : i32
    %mul3A_26 = arith.muli %rem3A_24, %mul3A_25 : i32
    %get3A = arith.index_cast %mul3A_26 : i32 to index
    %get3A_27 = tpu.vector_load %arg6[%get3A] {strides = array<i32>} : memref<128xi32, #tpu.memory_space<vmem>>, vector<16xi32>,
    %get3A_28 = vector.shape_cast %get3A_27 : vector<16xi32> to vector<16xi32>
    %get3A_29 = arith.constant 0 : i32
    %get3A_30 = arith.index_cast %get3A_29 : i32 to index
    %get3A_31 = arith.constant 0 : index
    %get3A_32 = tpu.vector_load %arg7[%get3A_30, %get3A_31] {strides = array<i32>} : memref<64x128xi32, #tpu.memory_space<vmem>>, vector<1x16xi32>,
    %get3A_33 = vector.shape_cast %get3A_32 : vector<1x16xi32> to vector<16xi32>
    %add3A_34 = arith.addi %get3A_33, %get3A_28 : vector<16xi32>
    %swap3A = arith.constant 0 : i32
    %swap3A_35 = arith.index_cast %swap3A : i32 to index
    %swap3A_36 = arith.constant 0 : index
    %swap3A_37 = tpu.vector_load %arg7[%swap3A_35, %swap3A_36] {strides = array<i32>} : memref<64x128xi32, #tpu.memory_space<vmem>>, vector<1x16xi32>,
    %swap3A_38 = vector.shape_cast %swap3A_37 : vector<1x16xi32> to vector<16xi32>
    %swap3A_39 = vector.shape_cast %add3A_34 : vector<16xi32> to vector<1x16xi32>
    tpu.vector_store %arg7[%swap3A_35, %swap3A_36], %swap3A_39 {strides = array<i32>} : memref<64x128xi32, #tpu.memory_space<vmem>>, vector<1x16xi32>,
    %get3A_40 = arith.constant 0 : i32
    %get3A_41 = arith.index_cast %get3A_40 : i32 to index
    %get3A_42 = arith.constant 16 : index
    %get3A_43 = tpu.vector_load %arg7[%get3A_41, %get3A_42] {strides = array<i32>} : memref<64x128xi32, #tpu.memory_space<vmem>>, vector<1x16xi32>,
    %get3A_44 = vector.shape_cast %get3A_43 : vector<1x16xi32> to vector<16xi32>
    %add3A_45 = arith.addi %get3A_44, %get3A_28 : vector<16xi32>
    %swap3A_46 = arith.constant 0 : i32
    %swap3A_47 = arith.index_cast %swap3A_46 : i32 to index
    %swap3A_48 = arith.constant 16 : index
    %swap3A_49 = tpu.vector_load %arg7[%swap3A_47, %swap3A_48] {strides = array<i32>} : memref<64x128xi32, #tpu.memory_space<vmem>>, vector<1x16xi32>,
    %swap3A_50 = vector.shape_cast %swap3A_49 : vector<1x16xi32> to vector<16xi32>
    %swap3A_51 = vector.shape_cast %add3A_45 : vector<16xi32> to vector<1x16xi32>
    tpu.vector_store %arg7[%swap3A_47, %swap3A_48], %swap3A_51 {strides = array<i32>} : memref<64x128xi32, #tpu.memory_space<vmem>>, vector<1x16xi32>,
    %get3A_52 = arith.constant 0 : i32
    %get3A_53 = arith.index_cast %get3A_52 : i32 to index
    %get3A_54 = arith.constant 32 : index
    %get3A_55 = tpu.vector_load %arg7[%get3A_53, %get3A_54] {strides = array<i32>} : memref<64x128xi32, #tpu.memory_space<vmem>>, vector<1x16xi32>,
    %get3A_56 = vector.shape_cast %get3A_55 : vector<1x16xi32> to vector<16xi32>
    %add3A_57 = arith.addi %get3A_56, %get3A_28 : vector<16xi32>
    %swap3A_58 = arith.constant 0 : i32
    %swap3A_59 = arith.index_cast %swap3A_58 : i32 to index
    %swap3A_60 = arith.constant 32 : index
    %swap3A_61 = tpu.vector_load %arg7[%swap3A_59, %swap3A_60] {strides = array<i32>} : memref<64x128xi32, #tpu.memory_space<vmem>>, vector<1x16xi32>,
    %swap3A_62 = vector.shape_cast %swap3A_61 : vector<1x16xi32> to vector<16xi32>
    %swap3A_63 = vector.shape_cast %add3A_57 : vector<16xi32> to vector<1x16xi32>
    tpu.vector_store %arg7[%swap3A_59, %swap3A_60], %swap3A_63 {strides = array<i32>} : memref<64x128xi32, #tpu.memory_space<vmem>>, vector<1x16xi32>,
    %get3A_64 = arith.constant 0 : i32
    %get3A_65 = arith.index_cast %get3A_64 : i32 to index
    %get3A_66 = arith.constant 48 : index
    %get3A_67 = tpu.vector_load %arg7[%get3A_65, %get3A_66] {strides = array<i32>} : memref<64x128xi32, #tpu.memory_space<vmem>>, vector<1x16xi32>,
    %get3A_68 = vector.shape_cast %get3A_67 : vector<1x16xi32> to vector<16xi32>
    %add3A_69 = arith.addi %get3A_68, %get3A_28 : vector<16xi32>
    %swap3A_70 = arith.constant 0 : i32
    %swap3A_71 = arith.index_cast %swap3A_70 : i32 to index
    %swap3A_72 = arith.constant 48 : index
    %swap3A_73 = tpu.vector_load %arg7[%swap3A_71, %swap3A_72] {strides = array<i32>} : memref<64x128xi32, #tpu.memory_space<vmem>>, vector<1x16xi32>,
    %swap3A_74 = vector.shape_cast %swap3A_73 : vector<1x16xi32> to vector<16xi32>
    %swap3A_75 = vector.shape_cast %add3A_69 : vector<16xi32> to vector<1x16xi32>
    tpu.vector_store %arg7[%swap3A_71, %swap3A_72], %swap3A_75 {strides = array<i32>} : memref<64x128xi32, #tpu.memory_space<vmem>>, vector<1x16xi32>,
    %get3A_76 = arith.constant 0 : i32
    %get3A_77 = arith.index_cast %get3A_76 : i32 to index
    %get3A_78 = arith.constant 64 : index
    %get3A_79 = tpu.vector_load %arg7[%get3A_77, %get3A_78] {strides = array<i32>} : memref<64x128xi32, #tpu.memory_space<vmem>>, vector<1x16xi32>,
    %get3A_80 = vector.shape_cast %get3A_79 : vector<1x16xi32> to vector<16xi32>
    %add3A_81 = arith.addi %get3A_80, %get3A_28 : vector<16xi32>
    %swap3A_82 = arith.constant 0 : i32
    %swap3A_83 = arith.index_cast %swap3A_82 : i32 to index
    %swap3A_84 = arith.constant 64 : index
    %swap3A_85 = tpu.vector_load %arg7[%swap3A_83, %swap3A_84] {strides = array<i32>} : memref<64x128xi32, #tpu.memory_space<vmem>>, vector<1x16xi32>,
    %swap3A_86 = vector.shape_cast %swap3A_85 : vector<1x16xi32> to vector<16xi32>
    %swap3A_87 = vector.shape_cast %add3A_81 : vector<16xi32> to vector<1x16xi32>
    tpu.vector_store %arg7[%swap3A_83, %swap3A_84], %swap3A_87 {strides = array<i32>} : memref<64x128xi32, #tpu.memory_space<vmem>>, vector<1x16xi32>,
    %get3A_88 = arith.constant 0 : i32
    %get3A_89 = arith.index_cast %get3A_88 : i32 to index
    %get3A_90 = arith.constant 80 : index
    %get3A_91 = tpu.vector_load %arg7[%get3A_89, %get3A_90] {strides = array<i32>} : memref<64x128xi32, #tpu.memory_space<vmem>>, vector<1x16xi32>,
    %get3A_92 = vector.shape_cast %get3A_91 : vector<1x16xi32> to vector<16xi32>
    %add3A_93 = arith.addi %get3A_92, %get3A_28 : vector<16xi32>
    %swap3A_94 = arith.constant 0 : i32
    %swap3A_95 = arith.index_cast %swap3A_94 : i32 to index
    %swap3A_96 = arith.constant 80 : index
    %swap3A_97 = tpu.vector_load %arg7[%swap3A_95, %swap3A_96] {strides = array<i32>} : memref<64x128xi32, #tpu.memory_space<vmem>>, vector<1x16xi32>,
    %swap3A_98 = vector.shape_cast %swap3A_97 : vector<1x16xi32> to vector<16xi32>
    %swap3A_99 = vector.shape_cast %add3A_93 : vector<16xi32> to vector<1x16xi32>
    tpu.vector_store %arg7[%swap3A_95, %swap3A_96], %swap3A_99 {strides = array<i32>} : memref<64x128xi32, #tpu.memory_space<vmem>>, vector<1x16xi32>,
    %get3A_100 = arith.constant 0 : i32
    %get3A_101 = arith.index_cast %get3A_100 : i32 to index
    %get3A_102 = arith.constant 96 : index
    %get3A_103 = tpu.vector_load %arg7[%get3A_101, %get3A_102] {strides = array<i32>} : memref<64x128xi32, #tpu.memory_space<vmem>>, vector<1x16xi32>,
    %get3A_104 = vector.shape_cast %get3A_103 : vector<1x16xi32> to vector<16xi32>
    %add3A_105 = arith.addi %get3A_104, %get3A_28 : vector<16xi32>
    %swap3A_106 = arith.constant 0 : i32
    %swap3A_107 = arith.index_cast %swap3A_106 : i32 to index
    %swap3A_108 = arith.constant 96 : index
    %swap3A_109 = tpu.vector_load %arg7[%swap3A_107, %swap3A_108] {strides = array<i32>} : memref<64x128xi32, #tpu.memory_space<vmem>>, vector<1x16xi32>,
    %swap3A_110 = vector.shape_cast %swap3A_109 : vector<1x16xi32> to vector<16xi32>
    %swap3A_111 = vector.shape_cast %add3A_105 : vector<16xi32> to vector<1x16xi32>
    tpu.vector_store %arg7[%swap3A_107, %swap3A_108], %swap3A_111 {strides = array<i32>} : memref<64x128xi32, #tpu.memory_space<vmem>>, vector<1x16xi32>,
    %get3A_112 = arith.constant 0 : i32
    %get3A_113 = arith.index_cast %get3A_112 : i32 to index
    %get3A_114 = arith.constant 112 : index
    %get3A_115 = tpu.vector_load %arg7[%get3A_113, %get3A_114] {strides = array<i32>} : memref<64x128xi32, #tpu.memory_space<vmem>>, vector<1x16xi32>,
    %get3A_116 = vector.shape_cast %get3A_115 : vector<1x16xi32> to vector<16xi32>
    %add3A_117 = arith.addi %get3A_116, %get3A_28 : vector<16xi32>
    %swap3A_118 = arith.constant 0 : i32
    %swap3A_119 = arith.index_cast %swap3A_118 : i32 to index
    %swap3A_120 = arith.constant 112 : index
    %swap3A_121 = tpu.vector_load %arg7[%swap3A_119, %swap3A_120] {strides = array<i32>} : memref<64x128xi32, #tpu.memory_space<vmem>>, vector<1x16xi32>,
    %swap3A_122 = vector.shape_cast %swap3A_121 : vector<1x16xi32> to vector<16xi32>
    %swap3A_123 = vector.shape_cast %add3A_117 : vector<16xi32> to vector<1x16xi32>
    tpu.vector_store %arg7[%swap3A_119, %swap3A_120], %swap3A_123 {strides = array<i32>} : memref<64x128xi32, #tpu.memory_space<vmem>>, vector<1x16xi32>,
    %dma_start3A = arith.constant 0 : i32
    %dma_start3A_124 = arith.constant 0 : i32
    %dma_start3A_125 = arith.constant 0 : i32
    %dma_start3A_126 = arith.constant 0 : i32
    %dma_start3A_127 = tpu.memref_slice %arg8[%dma_start3A_124, %dma_start3A_125, %dma_start3A_126] : memref<7x128x128xf32, #tpu.memory_space<vmem>> -> memref<1x128x128xf32, #tpu.memory_space<vmem>>
    %dma_start3A_128 = tpu.memref_squeeze %dma_start3A_127 : memref<1x128x128xf32, #tpu.memory_space<vmem>> -> memref<128x128xf32, #tpu.memory_space<vmem>>
    %dma_start3A_129 = arith.constant 0 : i32
    %dma_start3A_130 = tpu.memref_slice %arg7[%dma_start3A, %dma_start3A_129] : memref<64x128xi32, #tpu.memory_space<vmem>> -> memref<1x128xi32, #tpu.memory_space<vmem>>
    %dma_start3A_131 = tpu.memref_squeeze %dma_start3A_130 : memref<1x128xi32, #tpu.memory_space<vmem>> -> memref<128xi32, #tpu.memory_space<vmem>>
    %dma_start3A_132 = arith.constant 0 : i32
    %dma_start3A_133 = arith.constant 0 : i32
    %dma_start3A_134 = tpu.memref_slice %arg4[%dma_start3A_132, %dma_start3A_133] : memref<32768x128xf32, #tpu.memory_space<hbm>> -> memref<32768x128xf32, #tpu.memory_space<hbm>>
    tpu.enqueue_indirect_dma source(%dma_start3A_134 : memref<32768x128xf32, #tpu.memory_space<hbm>>) target(%dma_start3A_128 : memref<128x128xf32, #tpu.memory_space<vmem>>) offsets(%dma_start3A_131 : memref<128xi32, #tpu.memory_space<vmem>>) semaphore(%arg9 : memref<!tpu.dma_semaphore, #tpu.memory_space<semaphore_mem>>)
    %add3A_135 = arith.constant 128 : i32
    %add3A_136 = arith.addi %mul3A_2, %add3A_135 : i32
    %jit3A_137 = arith.constant 2048 : i32
    %div3A_138 = arith.divsi %add3A_136, %jit3A_137 : i32
    %sign3A_139 = arith.constant 0 : i32
    %sign3A_140 = arith.cmpi sgt, %add3A_136, %sign3A_139 : i32
    %sign3A_141 = arith.extui %sign3A_140 : i1 to i32
    %sign3A_142 = arith.constant 0 : i32
    %sign3A_143 = arith.cmpi slt, %add3A_136, %sign3A_142 : i32
    %sign3A_144 = arith.extui %sign3A_143 : i1 to i32
    %sign3A_145 = arith.subi %sign3A_141, %sign3A_144 : i32
    %sign3A_146 = arith.constant 0 : i32
    %sign3A_147 = arith.cmpi sgt, %jit3A_137, %sign3A_146 : i32
    %sign3A_148 = arith.extui %sign3A_147 : i1 to i32
    %sign3A_149 = arith.constant 0 : i32
    %sign3A_150 = arith.cmpi slt, %jit3A_137, %sign3A_149 : i32
    %sign3A_151 = arith.extui %sign3A_150 : i1 to i32
    %sign3A_152 = arith.subi %sign3A_148, %sign3A_151 : i32
    %ne3A_153 = arith.cmpi ne, %sign3A_145, %sign3A_152 : i32
    %rem3A_154 = arith.remsi %add3A_136, %jit3A_137 : i32
    %ne3A_155 = arith.constant 0 : i32
    %ne3A_156 = arith.cmpi ne, %rem3A_154, %ne3A_155 : i32
    %and3A_157 = arith.andi %ne3A_153, %ne3A_156 : i1
    %sub3A_158 = arith.constant 1 : i32
    %sub3A_159 = arith.subi %div3A_138, %sub3A_158 : i32
    %select_n3A_160 = arith.select %and3A_157, %sub3A_159, %div3A_138 : i32
    %rem3A_161 = arith.constant 8 : i32
    %rem3A_162 = arith.remsi %select_n3A_160, %rem3A_161 : i32
    %mul3A_163 = arith.constant 16 : i32
    %mul3A_164 = arith.muli %rem3A_162, %mul3A_163 : i32
    %get3A_165 = arith.index_cast %mul3A_164 : i32 to index
    %get3A_166 = tpu.vector_load %arg6[%get3A_165] {strides = array<i32>} : memref<128xi32, #tpu.memory_space<vmem>>, vector<16xi32>,
    %get3A_167 = vector.shape_cast %get3A_166 : vector<16xi32> to vector<16xi32>
    %get3A_168 = arith.constant 1 : i32
    %get3A_169 = arith.index_cast %get3A_168 : i32 to index
    %get3A_170 = arith.constant 0 : index
    %get3A_171 = tpu.vector_load %arg7[%get3A_169, %get3A_170] {strides = array<i32>} : memref<64x128xi32, #tpu.memory_space<vmem>>, vector<1x16xi32>,
    %get3A_172 = vector.shape_cast %get3A_171 : vector<1x16xi32> to vector<16xi32>
    %add3A_173 = arith.addi %get3A_172, %get3A_167 : vector<16xi32>
    %swap3A_174 = arith.constant 1 : i32
    %swap3A_175 = arith.index_cast %swap3A_174 : i32 to index
    %swap3A_176 = arith.constant 0 : index
    %swap3A_177 = tpu.vector_load %arg7[%swap3A_175, %swap3A_176] {strides = array<i32>} : memref<64x128xi32, #tpu.memory_space<vmem>>, vector<1x16xi32>,
    %swap3A_178 = vector.shape_cast %swap3A_177 : vector<1x16xi32> to vector<16xi32>
    %swap3A_179 = vector.shape_cast %add3A_173 : vector<16xi32> to vector<1x16xi32>
    tpu.vector_store %arg7[%swap3A_175, %swap3A_176], %swap3A_179 {strides = array<i32>} : memref<64x128xi32, #tpu.memory_space<vmem>>, vector<1x16xi32>,
    %get3A_180 = arith.constant 1 : i32
    %get3A_181 = arith.index_cast %get3A_180 : i32 to index
    %get3A_182 = arith.constant 16 : index
    %get3A_183 = tpu.vector_load %arg7[%get3A_181, %get3A_182] {strides = array<i32>} : memref<64x128xi32, #tpu.memory_space<vmem>>, vector<1x16xi32>,
    %get3A_184 = vector.shape_cast %get3A_183 : vector<1x16xi32> to vector<16xi32>
    %add3A_185 = arith.addi %get3A_184, %get3A_167 : vector<16xi32>
    %swap3A_186 = arith.constant 1 : i32
    %swap3A_187 = arith.index_cast %swap3A_186 : i32 to index
    %swap3A_188 = arith.constant 16 : index
    %swap3A_189 = tpu.vector_load %arg7[%swap3A_187, %swap3A_188] {strides = array<i32>} : memref<64x128xi32, #tpu.memory_space<vmem>>, vector<1x16xi32>,
    %swap3A_190 = vector.shape_cast %swap3A_189 : vector<1x16xi32> to vector<16xi32>
    %swap3A_191 = vector.shape_cast %add3A_185 : vector<16xi32> to vector<1x16xi32>
    tpu.vector_store %arg7[%swap3A_187, %swap3A_188], %swap3A_191 {strides = array<i32>} : memref<64x128xi32, #tpu.memory_space<vmem>>, vector<1x16xi32>,
    %get3A_192 = arith.constant 1 : i32
    %get3A_193 = arith.index_cast %get3A_192 : i32 to index
    %get3A_194 = arith.constant 32 : index
    %get3A_195 = tpu.vector_load %arg7[%get3A_193, %get3A_194] {strides = array<i32>} : memref<64x128xi32, #tpu.memory_space<vmem>>, vector<1x16xi32>,
    %get3A_196 = vector.shape_cast %get3A_195 : vector<1x16xi32> to vector<16xi32>
    %add3A_197 = arith.addi %get3A_196, %get3A_167 : vector<16xi32>
    %swap3A_198 = arith.constant 1 : i32
    %swap3A_199 = arith.index_cast %swap3A_198 : i32 to index
    %swap3A_200 = arith.constant 32 : index
    %swap3A_201 = tpu.vector_load %arg7[%swap3A_199, %swap3A_200] {strides = array<i32>} : memref<64x128xi32, #tpu.memory_space<vmem>>, vector<1x16xi32>,
    %swap3A_202 = vector.shape_cast %swap3A_201 : vector<1x16xi32> to vector<16xi32>
    %swap3A_203 = vector.shape_cast %add3A_197 : vector<16xi32> to vector<1x16xi32>
    tpu.vector_store %arg7[%swap3A_199, %swap3A_200], %swap3A_203 {strides = array<i32>} : memref<64x128xi32, #tpu.memory_space<vmem>>, vector<1x16xi32>,
    %get3A_204 = arith.constant 1 : i32
    %get3A_205 = arith.index_cast %get3A_204 : i32 to index
    %get3A_206 = arith.constant 48 : index
    %get3A_207 = tpu.vector_load %arg7[%get3A_205, %get3A_206] {strides = array<i32>} : memref<64x128xi32, #tpu.memory_space<vmem>>, vector<1x16xi32>,
    %get3A_208 = vector.shape_cast %get3A_207 : vector<1x16xi32> to vector<16xi32>
    %add3A_209 = arith.addi %get3A_208, %get3A_167 : vector<16xi32>
    %swap3A_210 = arith.constant 1 : i32
    %swap3A_211 = arith.index_cast %swap3A_210 : i32 to index
    %swap3A_212 = arith.constant 48 : index
    %swap3A_213 = tpu.vector_load %arg7[%swap3A_211, %swap3A_212] {strides = array<i32>} : memref<64x128xi32, #tpu.memory_space<vmem>>, vector<1x16xi32>,
    %swap3A_214 = vector.shape_cast %swap3A_213 : vector<1x16xi32> to vector<16xi32>
    %swap3A_215 = vector.shape_cast %add3A_209 : vector<16xi32> to vector<1x16xi32>
    tpu.vector_store %arg7[%swap3A_211, %swap3A_212], %swap3A_215 {strides = array<i32>} : memref<64x128xi32, #tpu.memory_space<vmem>>, vector<1x16xi32>,
    %get3A_216 = arith.constant 1 : i32
    %get3A_217 = arith.index_cast %get3A_216 : i32 to index
    %get3A_218 = arith.constant 64 : index
    %get3A_219 = tpu.vector_load %arg7[%get3A_217, %get3A_218] {strides = array<i32>} : memref<64x128xi32, #tpu.memory_space<vmem>>, vector<1x16xi32>,
    %get3A_220 = vector.shape_cast %get3A_219 : vector<1x16xi32> to vector<16xi32>
    %add3A_221 = arith.addi %get3A_220, %get3A_167 : vector<16xi32>
    %swap3A_222 = arith.constant 1 : i32
    %swap3A_223 = arith.index_cast %swap3A_222 : i32 to index
    %swap3A_224 = arith.constant 64 : index
    %swap3A_225 = tpu.vector_load %arg7[%swap3A_223, %swap3A_224] {strides = array<i32>} : memref<64x128xi32, #tpu.memory_space<vmem>>, vector<1x16xi32>,
    %swap3A_226 = vector.shape_cast %swap3A_225 : vector<1x16xi32> to vector<16xi32>
    %swap3A_227 = vector.shape_cast %add3A_221 : vector<16xi32> to vector<1x16xi32>
    tpu.vector_store %arg7[%swap3A_223, %swap3A_224], %swap3A_227 {strides = array<i32>} : memref<64x128xi32, #tpu.memory_space<vmem>>, vector<1x16xi32>,
    %get3A_228 = arith.constant 1 : i32
    %get3A_229 = arith.index_cast %get3A_228 : i32 to index
    %get3A_230 = arith.constant 80 : index
    %get3A_231 = tpu.vector_load %arg7[%get3A_229, %get3A_230] {strides = array<i32>} : memref<64x128xi32, #tpu.memory_space<vmem>>, vector<1x16xi32>,
    %get3A_232 = vector.shape_cast %get3A_231 : vector<1x16xi32> to vector<16xi32>
    %add3A_233 = arith.addi %get3A_232, %get3A_167 : vector<16xi32>
    %swap3A_234 = arith.constant 1 : i32
    %swap3A_235 = arith.index_cast %swap3A_234 : i32 to index
    %swap3A_236 = arith.constant 80 : index
    %swap3A_237 = tpu.vector_load %arg7[%swap3A_235, %swap3A_236] {strides = array<i32>} : memref<64x128xi32, #tpu.memory_space<vmem>>, vector<1x16xi32>,
    %swap3A_238 = vector.shape_cast %swap3A_237 : vector<1x16xi32> to vector<16xi32>
    %swap3A_239 = vector.shape_cast %add3A_233 : vector<16xi32> to vector<1x16xi32>
    tpu.vector_store %arg7[%swap3A_235, %swap3A_236], %swap3A_239 {strides = array<i32>} : memref<64x128xi32, #tpu.memory_space<vmem>>, vector<1x16xi32>,
    %get3A_240 = arith.constant 1 : i32
    %get3A_241 = arith.index_cast %get3A_240 : i32 to index
    %get3A_242 = arith.constant 96 : index
    %get3A_243 = tpu.vector_load %arg7[%get3A_241, %get3A_242] {strides = array<i32>} : memref<64x128xi32, #tpu.memory_space<vmem>>, vector<1x16xi32>,
    %get3A_244 = vector.shape_cast %get3A_243 : vector<1x16xi32> to vector<16xi32>
    %add3A_245 = arith.addi %get3A_244, %get3A_167 : vector<16xi32>
    %swap3A_246 = arith.constant 1 : i32
    %swap3A_247 = arith.index_cast %swap3A_246 : i32 to index
    %swap3A_248 = arith.constant 96 : index
    %swap3A_249 = tpu.vector_load %arg7[%swap3A_247, %swap3A_248] {strides = array<i32>} : memref<64x128xi32, #tpu.memory_space<vmem>>, vector<1x16xi32>,
    %swap3A_250 = vector.shape_cast %swap3A_249 : vector<1x16xi32> to vector<16xi32>
    %swap3A_251 = vector.shape_cast %add3A_245 : vector<16xi32> to vector<1x16xi32>
    tpu.vector_store %arg7[%swap3A_247, %swap3A_248], %swap3A_251 {strides = array<i32>} : memref<64x128xi32, #tpu.memory_space<vmem>>, vector<1x16xi32>,
    %get3A_252 = arith.constant 1 : i32
    %get3A_253 = arith.index_cast %get3A_252 : i32 to index
    %get3A_254 = arith.constant 112 : index
    %get3A_255 = tpu.vector_load %arg7[%get3A_253, %get3A_254] {strides = array<i32>} : memref<64x128xi32, #tpu.memory_space<vmem>>, vector<1x16xi32>,
    %get3A_256 = vector.shape_cast %get3A_255 : vector<1x16xi32> to vector<16xi32>
    %add3A_257 = arith.addi %get3A_256, %get3A_167 : vector<16xi32>
    %swap3A_258 = arith.constant 1 : i32
    %swap3A_259 = arith.index_cast %swap3A_258 : i32 to index
    %swap3A_260 = arith.constant 112 : index
    %swap3A_261 = tpu.vector_load %arg7[%swap3A_259, %swap3A_260] {strides = array<i32>} : memref<64x128xi32, #tpu.memory_space<vmem>>, vector<1x16xi32>,
    %swap3A_262 = vector.shape_cast %swap3A_261 : vector<1x16xi32> to vector<16xi32>
    %swap3A_263 = vector.shape_cast %add3A_257 : vector<16xi32> to vector<1x16xi32>
    tpu.vector_store %arg7[%swap3A_259, %swap3A_260], %swap3A_263 {strides = array<i32>} : memref<64x128xi32, #tpu.memory_space<vmem>>, vector<1x16xi32>,
    %dma_start3A_264 = arith.constant 1 : i32
    %dma_start3A_265 = arith.constant 1 : i32
    %dma_start3A_266 = arith.constant 0 : i32
    %dma_start3A_267 = arith.constant 0 : i32
    %dma_start3A_268 = tpu.memref_slice %arg8[%dma_start3A_265, %dma_start3A_266, %dma_start3A_267] : memref<7x128x128xf32, #tpu.memory_space<vmem>> -> memref<1x128x128xf32, #tpu.memory_space<vmem>>
    %dma_start3A_269 = tpu.memref_squeeze %dma_start3A_268 : memref<1x128x128xf32, #tpu.memory_space<vmem>> -> memref<128x128xf32, #tpu.memory_space<vmem>>
    %dma_start3A_270 = arith.constant 0 : i32
    %dma_start3A_271 = tpu.memref_slice %arg7[%dma_start3A_264, %dma_start3A_270] : memref<64x128xi32, #tpu.memory_space<vmem>> -> memref<1x128xi32, #tpu.memory_space<vmem>>
    %dma_start3A_272 = tpu.memref_squeeze %dma_start3A_271 : memref<1x128xi32, #tpu.memory_space<vmem>> -> memref<128xi32, #tpu.memory_space<vmem>>
    %dma_start3A_273 = arith.constant 0 : i32
    %dma_start3A_274 = arith.constant 0 : i32
    %dma_start3A_275 = tpu.memref_slice %arg4[%dma_start3A_273, %dma_start3A_274] : memref<32768x128xf32, #tpu.memory_space<hbm>> -> memref<32768x128xf32, #tpu.memory_space<hbm>>
    tpu.enqueue_indirect_dma source(%dma_start3A_275 : memref<32768x128xf32, #tpu.memory_space<hbm>>) target(%dma_start3A_269 : memref<128x128xf32, #tpu.memory_space<vmem>>) offsets(%dma_start3A_272 : memref<128xi32, #tpu.memory_space<vmem>>) semaphore(%arg10 : memref<!tpu.dma_semaphore, #tpu.memory_space<semaphore_mem>>)
    %add3A_276 = arith.constant 256 : i32
    %add3A_277 = arith.addi %mul3A_2, %add3A_276 : i32
    %jit3A_278 = arith.constant 2048 : i32
    %div3A_279 = arith.divsi %add3A_277, %jit3A_278 : i32
    %sign3A_280 = arith.constant 0 : i32
    %sign3A_281 = arith.cmpi sgt, %add3A_277, %sign3A_280 : i32
    %sign3A_282 = arith.extui %sign3A_281 : i1 to i32
    %sign3A_283 = arith.constant 0 : i32
    %sign3A_284 = arith.cmpi slt, %add3A_277, %sign3A_283 : i32
    %sign3A_285 = arith.extui %sign3A_284 : i1 to i32
    %sign3A_286 = arith.subi %sign3A_282, %sign3A_285 : i32
    %sign3A_287 = arith.constant 0 : i32
    %sign3A_288 = arith.cmpi sgt, %jit3A_278, %sign3A_287 : i32
    %sign3A_289 = arith.extui %sign3A_288 : i1 to i32
    %sign3A_290 = arith.constant 0 : i32
    %sign3A_291 = arith.cmpi slt, %jit3A_278, %sign3A_290 : i32
    %sign3A_292 = arith.extui %sign3A_291 : i1 to i32
    %sign3A_293 = arith.subi %sign3A_289, %sign3A_292 : i32
    %ne3A_294 = arith.cmpi ne, %sign3A_286, %sign3A_293 : i32
    %rem3A_295 = arith.remsi %add3A_277, %jit3A_278 : i32
    %ne3A_296 = arith.constant 0 : i32
    %ne3A_297 = arith.cmpi ne, %rem3A_295, %ne3A_296 : i32
    %and3A_298 = arith.andi %ne3A_294, %ne3A_297 : i1
    %sub3A_299 = arith.constant 1 : i32
    %sub3A_300 = arith.subi %div3A_279, %sub3A_299 : i32
    %select_n3A_301 = arith.select %and3A_298, %sub3A_300, %div3A_279 : i32
    %rem3A_302 = arith.constant 8 : i32
    %rem3A_303 = arith.remsi %select_n3A_301, %rem3A_302 : i32
    %mul3A_304 = arith.constant 16 : i32
    %mul3A_305 = arith.muli %rem3A_303, %mul3A_304 : i32
    %get3A_306 = arith.index_cast %mul3A_305 : i32 to index
    %get3A_307 = tpu.vector_load %arg6[%get3A_306] {strides = array<i32>} : memref<128xi32, #tpu.memory_space<vmem>>, vector<16xi32>,
    %get3A_308 = vector.shape_cast %get3A_307 : vector<16xi32> to vector<16xi32>
    %get3A_309 = arith.constant 2 : i32
    %get3A_310 = arith.index_cast %get3A_309 : i32 to index
    %get3A_311 = arith.constant 0 : index
    %get3A_312 = tpu.vector_load %arg7[%get3A_310, %get3A_311] {strides = array<i32>} : memref<64x128xi32, #tpu.memory_space<vmem>>, vector<1x16xi32>,
    %get3A_313 = vector.shape_cast %get3A_312 : vector<1x16xi32> to vector<16xi32>
    %add3A_314 = arith.addi %get3A_313, %get3A_308 : vector<16xi32>
    %swap3A_315 = arith.constant 2 : i32
    %swap3A_316 = arith.index_cast %swap3A_315 : i32 to index
    %swap3A_317 = arith.constant 0 : index
    %swap3A_318 = tpu.vector_load %arg7[%swap3A_316, %swap3A_317] {strides = array<i32>} : memref<64x128xi32, #tpu.memory_space<vmem>>, vector<1x16xi32>,
    %swap3A_319 = vector.shape_cast %swap3A_318 : vector<1x16xi32> to vector<16xi32>
    %swap3A_320 = vector.shape_cast %add3A_314 : vector<16xi32> to vector<1x16xi32>
    tpu.vector_store %arg7[%swap3A_316, %swap3A_317], %swap3A_320 {strides = array<i32>} : memref<64x128xi32, #tpu.memory_space<vmem>>, vector<1x16xi32>,
    %get3A_321 = arith.constant 2 : i32
    %get3A_322 = arith.index_cast %get3A_321 : i32 to index
    %get3A_323 = arith.constant 16 : index
    %get3A_324 = tpu.vector_load %arg7[%get3A_322, %get3A_323] {strides = array<i32>} : memref<64x128xi32, #tpu.memory_space<vmem>>, vector<1x16xi32>,
    %get3A_325 = vector.shape_cast %get3A_324 : vector<1x16xi32> to vector<16xi32>
    %add3A_326 = arith.addi %get3A_325, %get3A_308 : vector<16xi32>
    %swap3A_327 = arith.constant 2 : i32
    %swap3A_328 = arith.index_cast %swap3A_327 : i32 to index
    %swap3A_329 = arith.constant 16 : index
    %swap3A_330 = tpu.vector_load %arg7[%swap3A_328, %swap3A_329] {strides = array<i32>} : memref<64x128xi32, #tpu.memory_space<vmem>>, vector<1x16xi32>,
    %swap3A_331 = vector.shape_cast %swap3A_330 : vector<1x16xi32> to vector<16xi32>
    %swap3A_332 = vector.shape_cast %add3A_326 : vector<16xi32> to vector<1x16xi32>
    tpu.vector_store %arg7[%swap3A_328, %swap3A_329], %swap3A_332 {strides = array<i32>} : memref<64x128xi32, #tpu.memory_space<vmem>>, vector<1x16xi32>,
    %get3A_333 = arith.constant 2 : i32
    %get3A_334 = arith.index_cast %get3A_333 : i32 to index
    %get3A_335 = arith.constant 32 : index
    %get3A_336 = tpu.vector_load %arg7[%get3A_334, %get3A_335] {strides = array<i32>} : memref<64x128xi32, #tpu.memory_space<vmem>>, vector<1x16xi32>,
    %get3A_337 = vector.shape_cast %get3A_336 : vector<1x16xi32> to vector<16xi32>
    %add3A_338 = arith.addi %get3A_337, %get3A_308 : vector<16xi32>
    %swap3A_339 = arith.constant 2 : i32
    %swap3A_340 = arith.index_cast %swap3A_339 : i32 to index
    %swap3A_341 = arith.constant 32 : index
    %swap3A_342 = tpu.vector_load %arg7[%swap3A_340, %swap3A_341] {strides = array<i32>} : memref<64x128xi32, #tpu.memory_space<vmem>>, vector<1x16xi32>,
    %swap3A_343 = vector.shape_cast %swap3A_342 : vector<1x16xi32> to vector<16xi32>
    %swap3A_344 = vector.shape_cast %add3A_338 : vector<16xi32> to vector<1x16xi32>
    tpu.vector_store %arg7[%swap3A_340, %swap3A_341], %swap3A_344 {strides = array<i32>} : memref<64x128xi32, #tpu.memory_space<vmem>>, vector<1x16xi32>,
    %get3A_345 = arith.constant 2 : i32
    %get3A_346 = arith.index_cast %get3A_345 : i32 to index
    %get3A_347 = arith.constant 48 : index
    %get3A_348 = tpu.vector_load %arg7[%get3A_346, %get3A_347] {strides = array<i32>} : memref<64x128xi32, #tpu.memory_space<vmem>>, vector<1x16xi32>,
    %get3A_349 = vector.shape_cast %get3A_348 : vector<1x16xi32> to vector<16xi32>
    %add3A_350 = arith.addi %get3A_349, %get3A_308 : vector<16xi32>
    %swap3A_351 = arith.constant 2 : i32
    %swap3A_352 = arith.index_cast %swap3A_351 : i32 to index
    %swap3A_353 = arith.constant 48 : index
    %swap3A_354 = tpu.vector_load %arg7[%swap3A_352, %swap3A_353] {strides = array<i32>} : memref<64x128xi32, #tpu.memory_space<vmem>>, vector<1x16xi32>,
    %swap3A_355 = vector.shape_cast %swap3A_354 : vector<1x16xi32> to vector<16xi32>
    %swap3A_356 = vector.shape_cast %add3A_350 : vector<16xi32> to vector<1x16xi32>
    tpu.vector_store %arg7[%swap3A_352, %swap3A_353], %swap3A_356 {strides = array<i32>} : memref<64x128xi32, #tpu.memory_space<vmem>>, vector<1x16xi32>,
    %get3A_357 = arith.constant 2 : i32
    %get3A_358 = arith.index_cast %get3A_357 : i32 to index
    %get3A_359 = arith.constant 64 : index
    %get3A_360 = tpu.vector_load %arg7[%get3A_358, %get3A_359] {strides = array<i32>} : memref<64x128xi32, #tpu.memory_space<vmem>>, vector<1x16xi32>,
    %get3A_361 = vector.shape_cast %get3A_360 : vector<1x16xi32> to vector<16xi32>
    %add3A_362 = arith.addi %get3A_361, %get3A_308 : vector<16xi32>
    %swap3A_363 = arith.constant 2 : i32
    %swap3A_364 = arith.index_cast %swap3A_363 : i32 to index
    %swap3A_365 = arith.constant 64 : index
    %swap3A_366 = tpu.vector_load %arg7[%swap3A_364, %swap3A_365] {strides = array<i32>} : memref<64x128xi32, #tpu.memory_space<vmem>>, vector<1x16xi32>,
    %swap3A_367 = vector.shape_cast %swap3A_366 : vector<1x16xi32> to vector<16xi32>
    %swap3A_368 = vector.shape_cast %add3A_362 : vector<16xi32> to vector<1x16xi32>
    tpu.vector_store %arg7[%swap3A_364, %swap3A_365], %swap3A_368 {strides = array<i32>} : memref<64x128xi32, #tpu.memory_space<vmem>>, vector<1x16xi32>,
    %get3A_369 = arith.constant 2 : i32
    %get3A_370 = arith.index_cast %get3A_369 : i32 to index
    %get3A_371 = arith.constant 80 : index
    %get3A_372 = tpu.vector_load %arg7[%get3A_370, %get3A_371] {strides = array<i32>} : memref<64x128xi32, #tpu.memory_space<vmem>>, vector<1x16xi32>,
    %get3A_373 = vector.shape_cast %get3A_372 : vector<1x16xi32> to vector<16xi32>
    %add3A_374 = arith.addi %get3A_373, %get3A_308 : vector<16xi32>
    %swap3A_375 = arith.constant 2 : i32
    %swap3A_376 = arith.index_cast %swap3A_375 : i32 to index
    %swap3A_377 = arith.constant 80 : index
    %swap3A_378 = tpu.vector_load %arg7[%swap3A_376, %swap3A_377] {strides = array<i32>} : memref<64x128xi32, #tpu.memory_space<vmem>>, vector<1x16xi32>,
    %swap3A_379 = vector.shape_cast %swap3A_378 : vector<1x16xi32> to vector<16xi32>
    %swap3A_380 = vector.shape_cast %add3A_374 : vector<16xi32> to vector<1x16xi32>
    tpu.vector_store %arg7[%swap3A_376, %swap3A_377], %swap3A_380 {strides = array<i32>} : memref<64x128xi32, #tpu.memory_space<vmem>>, vector<1x16xi32>,
    %get3A_381 = arith.constant 2 : i32
    %get3A_382 = arith.index_cast %get3A_381 : i32 to index
    %get3A_383 = arith.constant 96 : index
    %get3A_384 = tpu.vector_load %arg7[%get3A_382, %get3A_383] {strides = array<i32>} : memref<64x128xi32, #tpu.memory_space<vmem>>, vector<1x16xi32>,
    %get3A_385 = vector.shape_cast %get3A_384 : vector<1x16xi32> to vector<16xi32>
    %add3A_386 = arith.addi %get3A_385, %get3A_308 : vector<16xi32>
    %swap3A_387 = arith.constant 2 : i32
    %swap3A_388 = arith.index_cast %swap3A_387 : i32 to index
    %swap3A_389 = arith.constant 96 : index
    %swap3A_390 = tpu.vector_load %arg7[%swap3A_388, %swap3A_389] {strides = array<i32>} : memref<64x128xi32, #tpu.memory_space<vmem>>, vector<1x16xi32>,
    %swap3A_391 = vector.shape_cast %swap3A_390 : vector<1x16xi32> to vector<16xi32>
    %swap3A_392 = vector.shape_cast %add3A_386 : vector<16xi32> to vector<1x16xi32>
    tpu.vector_store %arg7[%swap3A_388, %swap3A_389], %swap3A_392 {strides = array<i32>} : memref<64x128xi32, #tpu.memory_space<vmem>>, vector<1x16xi32>,
    %get3A_393 = arith.constant 2 : i32
    %get3A_394 = arith.index_cast %get3A_393 : i32 to index
    %get3A_395 = arith.constant 112 : index
    %get3A_396 = tpu.vector_load %arg7[%get3A_394, %get3A_395] {strides = array<i32>} : memref<64x128xi32, #tpu.memory_space<vmem>>, vector<1x16xi32>,
    %get3A_397 = vector.shape_cast %get3A_396 : vector<1x16xi32> to vector<16xi32>
    %add3A_398 = arith.addi %get3A_397, %get3A_308 : vector<16xi32>
    %swap3A_399 = arith.constant 2 : i32
    %swap3A_400 = arith.index_cast %swap3A_399 : i32 to index
    %swap3A_401 = arith.constant 112 : index
    %swap3A_402 = tpu.vector_load %arg7[%swap3A_400, %swap3A_401] {strides = array<i32>} : memref<64x128xi32, #tpu.memory_space<vmem>>, vector<1x16xi32>,
    %swap3A_403 = vector.shape_cast %swap3A_402 : vector<1x16xi32> to vector<16xi32>
    %swap3A_404 = vector.shape_cast %add3A_398 : vector<16xi32> to vector<1x16xi32>
    tpu.vector_store %arg7[%swap3A_400, %swap3A_401], %swap3A_404 {strides = array<i32>} : memref<64x128xi32, #tpu.memory_space<vmem>>, vector<1x16xi32>,
    %dma_start3A_405 = arith.constant 2 : i32
    %dma_start3A_406 = arith.constant 2 : i32
    %dma_start3A_407 = arith.constant 0 : i32
    %dma_start3A_408 = arith.constant 0 : i32
    %dma_start3A_409 = tpu.memref_slice %arg8[%dma_start3A_406, %dma_start3A_407, %dma_start3A_408] : memref<7x128x128xf32, #tpu.memory_space<vmem>> -> memref<1x128x128xf32, #tpu.memory_space<vmem>>
    %dma_start3A_410 = tpu.memref_squeeze %dma_start3A_409 : memref<1x128x128xf32, #tpu.memory_space<vmem>> -> memref<128x128xf32, #tpu.memory_space<vmem>>
    %dma_start3A_411 = arith.constant 0 : i32
    %dma_start3A_412 = tpu.memref_slice %arg7[%dma_start3A_405, %dma_start3A_411] : memref<64x128xi32, #tpu.memory_space<vmem>> -> memref<1x128xi32, #tpu.memory_space<vmem>>
    %dma_start3A_413 = tpu.memref_squeeze %dma_start3A_412 : memref<1x128xi32, #tpu.memory_space<vmem>> -> memref<128xi32, #tpu.memory_space<vmem>>
    %dma_start3A_414 = arith.constant 0 : i32
    %dma_start3A_415 = arith.constant 0 : i32
    %dma_start3A_416 = tpu.memref_slice %arg4[%dma_start3A_414, %dma_start3A_415] : memref<32768x128xf32, #tpu.memory_space<hbm>> -> memref<32768x128xf32, #tpu.memory_space<hbm>>
    tpu.enqueue_indirect_dma source(%dma_start3A_416 : memref<32768x128xf32, #tpu.memory_space<hbm>>) target(%dma_start3A_410 : memref<128x128xf32, #tpu.memory_space<vmem>>) offsets(%dma_start3A_413 : memref<128xi32, #tpu.memory_space<vmem>>) semaphore(%arg11 : memref<!tpu.dma_semaphore, #tpu.memory_space<semaphore_mem>>)
    %add3A_417 = arith.constant 384 : i32
    %add3A_418 = arith.addi %mul3A_2, %add3A_417 : i32
    %jit3A_419 = arith.constant 2048 : i32
    %div3A_420 = arith.divsi %add3A_418, %jit3A_419 : i32
    %sign3A_421 = arith.constant 0 : i32
    %sign3A_422 = arith.cmpi sgt, %add3A_418, %sign3A_421 : i32
    %sign3A_423 = arith.extui %sign3A_422 : i1 to i32
    %sign3A_424 = arith.constant 0 : i32
    %sign3A_425 = arith.cmpi slt, %add3A_418, %sign3A_424 : i32
    %sign3A_426 = arith.extui %sign3A_425 : i1 to i32
    %sign3A_427 = arith.subi %sign3A_423, %sign3A_426 : i32
    %sign3A_428 = arith.constant 0 : i32
    %sign3A_429 = arith.cmpi sgt, %jit3A_419, %sign3A_428 : i32
    %sign3A_430 = arith.extui %sign3A_429 : i1 to i32
    %sign3A_431 = arith.constant 0 : i32
    %sign3A_432 = arith.cmpi slt, %jit3A_419, %sign3A_431 : i32
    %sign3A_433 = arith.extui %sign3A_432 : i1 to i32
    %sign3A_434 = arith.subi %sign3A_430, %sign3A_433 : i32
    %ne3A_435 = arith.cmpi ne, %sign3A_427, %sign3A_434 : i32
    %rem3A_436 = arith.remsi %add3A_418, %jit3A_419 : i32
    %ne3A_437 = arith.constant 0 : i32
    %ne3A_438 = arith.cmpi ne, %rem3A_436, %ne3A_437 : i32
    %and3A_439 = arith.andi %ne3A_435, %ne3A_438 : i1
    %sub3A_440 = arith.constant 1 : i32
    %sub3A_441 = arith.subi %div3A_420, %sub3A_440 : i32
    %select_n3A_442 = arith.select %and3A_439, %sub3A_441, %div3A_420 : i32
    %rem3A_443 = arith.constant 8 : i32
    %rem3A_444 = arith.remsi %select_n3A_442, %rem3A_443 : i32
    %mul3A_445 = arith.constant 16 : i32
    %mul3A_446 = arith.muli %rem3A_444, %mul3A_445 : i32
    %get3A_447 = arith.index_cast %mul3A_446 : i32 to index
    %get3A_448 = tpu.vector_load %arg6[%get3A_447] {strides = array<i32>} : memref<128xi32, #tpu.memory_space<vmem>>, vector<16xi32>,
    %get3A_449 = vector.shape_cast %get3A_448 : vector<16xi32> to vector<16xi32>
    %get3A_450 = arith.constant 3 : i32
    %get3A_451 = arith.index_cast %get3A_450 : i32 to index
    %get3A_452 = arith.constant 0 : index
    %get3A_453 = tpu.vector_load %arg7[%get3A_451, %get3A_452] {strides = array<i32>} : memref<64x128xi32, #tpu.memory_space<vmem>>, vector<1x16xi32>,
    %get3A_454 = vector.shape_cast %get3A_453 : vector<1x16xi32> to vector<16xi32>
    %add3A_455 = arith.addi %get3A_454, %get3A_449 : vector<16xi32>
    %swap3A_456 = arith.constant 3 : i32
    %swap3A_457 = arith.index_cast %swap3A_456 : i32 to index
    %swap3A_458 = arith.constant 0 : index
    %swap3A_459 = tpu.vector_load %arg7[%swap3A_457, %swap3A_458] {strides = array<i32>} : memref<64x128xi32, #tpu.memory_space<vmem>>, vector<1x16xi32>,
    %swap3A_460 = vector.shape_cast %swap3A_459 : vector<1x16xi32> to vector<16xi32>
    %swap3A_461 = vector.shape_cast %add3A_455 : vector<16xi32> to vector<1x16xi32>
    tpu.vector_store %arg7[%swap3A_457, %swap3A_458], %swap3A_461 {strides = array<i32>} : memref<64x128xi32, #tpu.memory_space<vmem>>, vector<1x16xi32>,
    %get3A_462 = arith.constant 3 : i32
    %get3A_463 = arith.index_cast %get3A_462 : i32 to index
    %get3A_464 = arith.constant 16 : index
    %get3A_465 = tpu.vector_load %arg7[%get3A_463, %get3A_464] {strides = array<i32>} : memref<64x128xi32, #tpu.memory_space<vmem>>, vector<1x16xi32>,
    %get3A_466 = vector.shape_cast %get3A_465 : vector<1x16xi32> to vector<16xi32>
    %add3A_467 = arith.addi %get3A_466, %get3A_449 : vector<16xi32>
    %swap3A_468 = arith.constant 3 : i32
    %swap3A_469 = arith.index_cast %swap3A_468 : i32 to index
    %swap3A_470 = arith.constant 16 : index
    %swap3A_471 = tpu.vector_load %arg7[%swap3A_469, %swap3A_470] {strides = array<i32>} : memref<64x128xi32, #tpu.memory_space<vmem>>, vector<1x16xi32>,
    %swap3A_472 = vector.shape_cast %swap3A_471 : vector<1x16xi32> to vector<16xi32>
    %swap3A_473 = vector.shape_cast %add3A_467 : vector<16xi32> to vector<1x16xi32>
    tpu.vector_store %arg7[%swap3A_469, %swap3A_470], %swap3A_473 {strides = array<i32>} : memref<64x128xi32, #tpu.memory_space<vmem>>, vector<1x16xi32>,
    %get3A_474 = arith.constant 3 : i32
    %get3A_475 = arith.index_cast %get3A_474 : i32 to index
    %get3A_476 = arith.constant 32 : index
    %get3A_477 = tpu.vector_load %arg7[%get3A_475, %get3A_476] {strides = array<i32>} : memref<64x128xi32, #tpu.memory_space<vmem>>, vector<1x16xi32>,
    %get3A_478 = vector.shape_cast %get3A_477 : vector<1x16xi32> to vector<16xi32>
    %add3A_479 = arith.addi %get3A_478, %get3A_449 : vector<16xi32>
    %swap3A_480 = arith.constant 3 : i32
    %swap3A_481 = arith.index_cast %swap3A_480 : i32 to index
    %swap3A_482 = arith.constant 32 : index
    %swap3A_483 = tpu.vector_load %arg7[%swap3A_481, %swap3A_482] {strides = array<i32>} : memref<64x128xi32, #tpu.memory_space<vmem>>, vector<1x16xi32>,
    %swap3A_484 = vector.shape_cast %swap3A_483 : vector<1x16xi32> to vector<16xi32>
    %swap3A_485 = vector.shape_cast %add3A_479 : vector<16xi32> to vector<1x16xi32>
    tpu.vector_store %arg7[%swap3A_481, %swap3A_482], %swap3A_485 {strides = array<i32>} : memref<64x128xi32, #tpu.memory_space<vmem>>, vector<1x16xi32>,
    %get3A_486 = arith.constant 3 : i32
    %get3A_487 = arith.index_cast %get3A_486 : i32 to index
    %get3A_488 = arith.constant 48 : index
    %get3A_489 = tpu.vector_load %arg7[%get3A_487, %get3A_488] {strides = array<i32>} : memref<64x128xi32, #tpu.memory_space<vmem>>, vector<1x16xi32>,
    %get3A_490 = vector.shape_cast %get3A_489 : vector<1x16xi32> to vector<16xi32>
    %add3A_491 = arith.addi %get3A_490, %get3A_449 : vector<16xi32>
    %swap3A_492 = arith.constant 3 : i32
    %swap3A_493 = arith.index_cast %swap3A_492 : i32 to index
    %swap3A_494 = arith.constant 48 : index
    %swap3A_495 = tpu.vector_load %arg7[%swap3A_493, %swap3A_494] {strides = array<i32>} : memref<64x128xi32, #tpu.memory_space<vmem>>, vector<1x16xi32>,
    %swap3A_496 = vector.shape_cast %swap3A_495 : vector<1x16xi32> to vector<16xi32>
    %swap3A_497 = vector.shape_cast %add3A_491 : vector<16xi32> to vector<1x16xi32>
    tpu.vector_store %arg7[%swap3A_493, %swap3A_494], %swap3A_497 {strides = array<i32>} : memref<64x128xi32, #tpu.memory_space<vmem>>, vector<1x16xi32>,
    %get3A_498 = arith.constant 3 : i32
    %get3A_499 = arith.index_cast %get3A_498 : i32 to index
    %get3A_500 = arith.constant 64 : index
    %get3A_501 = tpu.vector_load %arg7[%get3A_499, %get3A_500] {strides = array<i32>} : memref<64x128xi32, #tpu.memory_space<vmem>>, vector<1x16xi32>,
    %get3A_502 = vector.shape_cast %get3A_501 : vector<1x16xi32> to vector<16xi32>
    %add3A_503 = arith.addi %get3A_502, %get3A_449 : vector<16xi32>
    %swap3A_504 = arith.constant 3 : i32
    %swap3A_505 = arith.index_cast %swap3A_504 : i32 to index
    %swap3A_506 = arith.constant 64 : index
    %swap3A_507 = tpu.vector_load %arg7[%swap3A_505, %swap3A_506] {strides = array<i32>} : memref<64x128xi32, #tpu.memory_space<vmem>>, vector<1x16xi32>,
    %swap3A_508 = vector.shape_cast %swap3A_507 : vector<1x16xi32> to vector<16xi32>
    %swap3A_509 = vector.shape_cast %add3A_503 : vector<16xi32> to vector<1x16xi32>
    tpu.vector_store %arg7[%swap3A_505, %swap3A_506], %swap3A_509 {strides = array<i32>} : memref<64x128xi32, #tpu.memory_space<vmem>>, vector<1x16xi32>,
    %get3A_510 = arith.constant 3 : i32
    %get3A_511 = arith.index_cast %get3A_510 : i32 to index
    %get3A_512 = arith.constant 80 : index
    %get3A_513 = tpu.vector_load %arg7[%get3A_511, %get3A_512] {strides = array<i32>} : memref<64x128xi32, #tpu.memory_space<vmem>>, vector<1x16xi32>,
    %get3A_514 = vector.shape_cast %get3A_513 : vector<1x16xi32> to vector<16xi32>
    %add3A_515 = arith.addi %get3A_514, %get3A_449 : vector<16xi32>
    %swap3A_516 = arith.constant 3 : i32
    %swap3A_517 = arith.index_cast %swap3A_516 : i32 to index
    %swap3A_518 = arith.constant 80 : index
    %swap3A_519 = tpu.vector_load %arg7[%swap3A_517, %swap3A_518] {strides = array<i32>} : memref<64x128xi32, #tpu.memory_space<vmem>>, vector<1x16xi32>,
    %swap3A_520 = vector.shape_cast %swap3A_519 : vector<1x16xi32> to vector<16xi32>
    %swap3A_521 = vector.shape_cast %add3A_515 : vector<16xi32> to vector<1x16xi32>
    tpu.vector_store %arg7[%swap3A_517, %swap3A_518], %swap3A_521 {strides = array<i32>} : memref<64x128xi32, #tpu.memory_space<vmem>>, vector<1x16xi32>,
    %get3A_522 = arith.constant 3 : i32
    %get3A_523 = arith.index_cast %get3A_522 : i32 to index
    %get3A_524 = arith.constant 96 : index
    %get3A_525 = tpu.vector_load %arg7[%get3A_523, %get3A_524] {strides = array<i32>} : memref<64x128xi32, #tpu.memory_space<vmem>>, vector<1x16xi32>,
    %get3A_526 = vector.shape_cast %get3A_525 : vector<1x16xi32> to vector<16xi32>
    %add3A_527 = arith.addi %get3A_526, %get3A_449 : vector<16xi32>
    %swap3A_528 = arith.constant 3 : i32
    %swap3A_529 = arith.index_cast %swap3A_528 : i32 to index
    %swap3A_530 = arith.constant 96 : index
    %swap3A_531 = tpu.vector_load %arg7[%swap3A_529, %swap3A_530] {strides = array<i32>} : memref<64x128xi32, #tpu.memory_space<vmem>>, vector<1x16xi32>,
    %swap3A_532 = vector.shape_cast %swap3A_531 : vector<1x16xi32> to vector<16xi32>
    %swap3A_533 = vector.shape_cast %add3A_527 : vector<16xi32> to vector<1x16xi32>
    tpu.vector_store %arg7[%swap3A_529, %swap3A_530], %swap3A_533 {strides = array<i32>} : memref<64x128xi32, #tpu.memory_space<vmem>>, vector<1x16xi32>,
    %get3A_534 = arith.constant 3 : i32
    %get3A_535 = arith.index_cast %get3A_534 : i32 to index
    %get3A_536 = arith.constant 112 : index
    %get3A_537 = tpu.vector_load %arg7[%get3A_535, %get3A_536] {strides = array<i32>} : memref<64x128xi32, #tpu.memory_space<vmem>>, vector<1x16xi32>,
    %get3A_538 = vector.shape_cast %get3A_537 : vector<1x16xi32> to vector<16xi32>
    %add3A_539 = arith.addi %get3A_538, %get3A_449 : vector<16xi32>
    %swap3A_540 = arith.constant 3 : i32
    %swap3A_541 = arith.index_cast %swap3A_540 : i32 to index
    %swap3A_542 = arith.constant 112 : index
    %swap3A_543 = tpu.vector_load %arg7[%swap3A_541, %swap3A_542] {strides = array<i32>} : memref<64x128xi32, #tpu.memory_space<vmem>>, vector<1x16xi32>,
    %swap3A_544 = vector.shape_cast %swap3A_543 : vector<1x16xi32> to vector<16xi32>
    %swap3A_545 = vector.shape_cast %add3A_539 : vector<16xi32> to vector<1x16xi32>
    tpu.vector_store %arg7[%swap3A_541, %swap3A_542], %swap3A_545 {strides = array<i32>} : memref<64x128xi32, #tpu.memory_space<vmem>>, vector<1x16xi32>,
    %dma_start3A_546 = arith.constant 3 : i32
    %dma_start3A_547 = arith.constant 3 : i32
    %dma_start3A_548 = arith.constant 0 : i32
    %dma_start3A_549 = arith.constant 0 : i32
    %dma_start3A_550 = tpu.memref_slice %arg8[%dma_start3A_547, %dma_start3A_548, %dma_start3A_549] : memref<7x128x128xf32, #tpu.memory_space<vmem>> -> memref<1x128x128xf32, #tpu.memory_space<vmem>>
    %dma_start3A_551 = tpu.memref_squeeze %dma_start3A_550 : memref<1x128x128xf32, #tpu.memory_space<vmem>> -> memref<128x128xf32, #tpu.memory_space<vmem>>
    %dma_start3A_552 = arith.constant 0 : i32
    %dma_start3A_553 = tpu.memref_slice %arg7[%dma_start3A_546, %dma_start3A_552] : memref<64x128xi32, #tpu.memory_space<vmem>> -> memref<1x128xi32, #tpu.memory_space<vmem>>
    %dma_start3A_554 = tpu.memref_squeeze %dma_start3A_553 : memref<1x128xi32, #tpu.memory_space<vmem>> -> memref<128xi32, #tpu.memory_space<vmem>>
    %dma_start3A_555 = arith.constant 0 : i32
    %dma_start3A_556 = arith.constant 0 : i32
    %dma_start3A_557 = tpu.memref_slice %arg4[%dma_start3A_555, %dma_start3A_556] : memref<32768x128xf32, #tpu.memory_space<hbm>> -> memref<32768x128xf32, #tpu.memory_space<hbm>>
    tpu.enqueue_indirect_dma source(%dma_start3A_557 : memref<32768x128xf32, #tpu.memory_space<hbm>>) target(%dma_start3A_551 : memref<128x128xf32, #tpu.memory_space<vmem>>) offsets(%dma_start3A_554 : memref<128xi32, #tpu.memory_space<vmem>>) semaphore(%arg12 : memref<!tpu.dma_semaphore, #tpu.memory_space<semaphore_mem>>)
    %add3A_558 = arith.constant 512 : i32
    %add3A_559 = arith.addi %mul3A_2, %add3A_558 : i32
    %jit3A_560 = arith.constant 2048 : i32
    %div3A_561 = arith.divsi %add3A_559, %jit3A_560 : i32
    %sign3A_562 = arith.constant 0 : i32
    %sign3A_563 = arith.cmpi sgt, %add3A_559, %sign3A_562 : i32
    %sign3A_564 = arith.extui %sign3A_563 : i1 to i32
    %sign3A_565 = arith.constant 0 : i32
    %sign3A_566 = arith.cmpi slt, %add3A_559, %sign3A_565 : i32
    %sign3A_567 = arith.extui %sign3A_566 : i1 to i32
    %sign3A_568 = arith.subi %sign3A_564, %sign3A_567 : i32
    %sign3A_569 = arith.constant 0 : i32
    %sign3A_570 = arith.cmpi sgt, %jit3A_560, %sign3A_569 : i32
    %sign3A_571 = arith.extui %sign3A_570 : i1 to i32
    %sign3A_572 = arith.constant 0 : i32
    %sign3A_573 = arith.cmpi slt, %jit3A_560, %sign3A_572 : i32
    %sign3A_574 = arith.extui %sign3A_573 : i1 to i32
    %sign3A_575 = arith.subi %sign3A_571, %sign3A_574 : i32
    %ne3A_576 = arith.cmpi ne, %sign3A_568, %sign3A_575 : i32
    %rem3A_577 = arith.remsi %add3A_559, %jit3A_560 : i32
    %ne3A_578 = arith.constant 0 : i32
    %ne3A_579 = arith.cmpi ne, %rem3A_577, %ne3A_578 : i32
    %and3A_580 = arith.andi %ne3A_576, %ne3A_579 : i1
    %sub3A_581 = arith.constant 1 : i32
    %sub3A_582 = arith.subi %div3A_561, %sub3A_581 : i32
    %select_n3A_583 = arith.select %and3A_580, %sub3A_582, %div3A_561 : i32
    %rem3A_584 = arith.constant 8 : i32
    %rem3A_585 = arith.remsi %select_n3A_583, %rem3A_584 : i32
    %mul3A_586 = arith.constant 16 : i32
    %mul3A_587 = arith.muli %rem3A_585, %mul3A_586 : i32
    %get3A_588 = arith.index_cast %mul3A_587 : i32 to index
    %get3A_589 = tpu.vector_load %arg6[%get3A_588] {strides = array<i32>} : memref<128xi32, #tpu.memory_space<vmem>>, vector<16xi32>,
    %get3A_590 = vector.shape_cast %get3A_589 : vector<16xi32> to vector<16xi32>
    %get3A_591 = arith.constant 4 : i32
    %get3A_592 = arith.index_cast %get3A_591 : i32 to index
    %get3A_593 = arith.constant 0 : index
    %get3A_594 = tpu.vector_load %arg7[%get3A_592, %get3A_593] {strides = array<i32>} : memref<64x128xi32, #tpu.memory_space<vmem>>, vector<1x16xi32>,
    %get3A_595 = vector.shape_cast %get3A_594 : vector<1x16xi32> to vector<16xi32>
    %add3A_596 = arith.addi %get3A_595, %get3A_590 : vector<16xi32>
    %swap3A_597 = arith.constant 4 : i32
    %swap3A_598 = arith.index_cast %swap3A_597 : i32 to index
    %swap3A_599 = arith.constant 0 : index
    %swap3A_600 = tpu.vector_load %arg7[%swap3A_598, %swap3A_599] {strides = array<i32>} : memref<64x128xi32, #tpu.memory_space<vmem>>, vector<1x16xi32>,
    %swap3A_601 = vector.shape_cast %swap3A_600 : vector<1x16xi32> to vector<16xi32>
    %swap3A_602 = vector.shape_cast %add3A_596 : vector<16xi32> to vector<1x16xi32>
    tpu.vector_store %arg7[%swap3A_598, %swap3A_599], %swap3A_602 {strides = array<i32>} : memref<64x128xi32, #tpu.memory_space<vmem>>, vector<1x16xi32>,
    %get3A_603 = arith.constant 4 : i32
    %get3A_604 = arith.index_cast %get3A_603 : i32 to index
    %get3A_605 = arith.constant 16 : index
    %get3A_606 = tpu.vector_load %arg7[%get3A_604, %get3A_605] {strides = array<i32>} : memref<64x128xi32, #tpu.memory_space<vmem>>, vector<1x16xi32>,
    %get3A_607 = vector.shape_cast %get3A_606 : vector<1x16xi32> to vector<16xi32>
    %add3A_608 = arith.addi %get3A_607, %get3A_590 : vector<16xi32>
    %swap3A_609 = arith.constant 4 : i32
    %swap3A_610 = arith.index_cast %swap3A_609 : i32 to index
    %swap3A_611 = arith.constant 16 : index
    %swap3A_612 = tpu.vector_load %arg7[%swap3A_610, %swap3A_611] {strides = array<i32>} : memref<64x128xi32, #tpu.memory_space<vmem>>, vector<1x16xi32>,
    %swap3A_613 = vector.shape_cast %swap3A_612 : vector<1x16xi32> to vector<16xi32>
    %swap3A_614 = vector.shape_cast %add3A_608 : vector<16xi32> to vector<1x16xi32>
    tpu.vector_store %arg7[%swap3A_610, %swap3A_611], %swap3A_614 {strides = array<i32>} : memref<64x128xi32, #tpu.memory_space<vmem>>, vector<1x16xi32>,
    %get3A_615 = arith.constant 4 : i32
    %get3A_616 = arith.index_cast %get3A_615 : i32 to index
    %get3A_617 = arith.constant 32 : index
    %get3A_618 = tpu.vector_load %arg7[%get3A_616, %get3A_617] {strides = array<i32>} : memref<64x128xi32, #tpu.memory_space<vmem>>, vector<1x16xi32>,
    %get3A_619 = vector.shape_cast %get3A_618 : vector<1x16xi32> to vector<16xi32>
    %add3A_620 = arith.addi %get3A_619, %get3A_590 : vector<16xi32>
    %swap3A_621 = arith.constant 4 : i32
    %swap3A_622 = arith.index_cast %swap3A_621 : i32 to index
    %swap3A_623 = arith.constant 32 : index
    %swap3A_624 = tpu.vector_load %arg7[%swap3A_622, %swap3A_623] {strides = array<i32>} : memref<64x128xi32, #tpu.memory_space<vmem>>, vector<1x16xi32>,
    %swap3A_625 = vector.shape_cast %swap3A_624 : vector<1x16xi32> to vector<16xi32>
    %swap3A_626 = vector.shape_cast %add3A_620 : vector<16xi32> to vector<1x16xi32>
    tpu.vector_store %arg7[%swap3A_622, %swap3A_623], %swap3A_626 {strides = array<i32>} : memref<64x128xi32, #tpu.memory_space<vmem>>, vector<1x16xi32>,
    %get3A_627 = arith.constant 4 : i32
    %get3A_628 = arith.index_cast %get3A_627 : i32 to index
    %get3A_629 = arith.constant 48 : index
    %get3A_630 = tpu.vector_load %arg7[%get3A_628, %get3A_629] {strides = array<i32>} : memref<64x128xi32, #tpu.memory_space<vmem>>, vector<1x16xi32>,
    %get3A_631 = vector.shape_cast %get3A_630 : vector<1x16xi32> to vector<16xi32>
    %add3A_632 = arith.addi %get3A_631, %get3A_590 : vector<16xi32>
    %swap3A_633 = arith.constant 4 : i32
    %swap3A_634 = arith.index_cast %swap3A_633 : i32 to index
    %swap3A_635 = arith.constant 48 : index
    %swap3A_636 = tpu.vector_load %arg7[%swap3A_634, %swap3A_635] {strides = array<i32>} : memref<64x128xi32, #tpu.memory_space<vmem>>, vector<1x16xi32>,
    %swap3A_637 = vector.shape_cast %swap3A_636 : vector<1x16xi32> to vector<16xi32>
    %swap3A_638 = vector.shape_cast %add3A_632 : vector<16xi32> to vector<1x16xi32>
    tpu.vector_store %arg7[%swap3A_634, %swap3A_635], %swap3A_638 {strides = array<i32>} : memref<64x128xi32, #tpu.memory_space<vmem>>, vector<1x16xi32>,
    %get3A_639 = arith.constant 4 : i32
    %get3A_640 = arith.index_cast %get3A_639 : i32 to index
    %get3A_641 = arith.constant 64 : index
    %get3A_642 = tpu.vector_load %arg7[%get3A_640, %get3A_641] {strides = array<i32>} : memref<64x128xi32, #tpu.memory_space<vmem>>, vector<1x16xi32>,
    %get3A_643 = vector.shape_cast %get3A_642 : vector<1x16xi32> to vector<16xi32>
    %add3A_644 = arith.addi %get3A_643, %get3A_590 : vector<16xi32>
    %swap3A_645 = arith.constant 4 : i32
    %swap3A_646 = arith.index_cast %swap3A_645 : i32 to index
    %swap3A_647 = arith.constant 64 : index
    %swap3A_648 = tpu.vector_load %arg7[%swap3A_646, %swap3A_647] {strides = array<i32>} : memref<64x128xi32, #tpu.memory_space<vmem>>, vector<1x16xi32>,
    %swap3A_649 = vector.shape_cast %swap3A_648 : vector<1x16xi32> to vector<16xi32>
    %swap3A_650 = vector.shape_cast %add3A_644 : vector<16xi32> to vector<1x16xi32>
    tpu.vector_store %arg7[%swap3A_646, %swap3A_647], %swap3A_650 {strides = array<i32>} : memref<64x128xi32, #tpu.memory_space<vmem>>, vector<1x16xi32>,
    %get3A_651 = arith.constant 4 : i32
    %get3A_652 = arith.index_cast %get3A_651 : i32 to index
    %get3A_653 = arith.constant 80 : index
    %get3A_654 = tpu.vector_load %arg7[%get3A_652, %get3A_653] {strides = array<i32>} : memref<64x128xi32, #tpu.memory_space<vmem>>, vector<1x16xi32>,
    %get3A_655 = vector.shape_cast %get3A_654 : vector<1x16xi32> to vector<16xi32>
    %add3A_656 = arith.addi %get3A_655, %get3A_590 : vector<16xi32>
    %swap3A_657 = arith.constant 4 : i32
    %swap3A_658 = arith.index_cast %swap3A_657 : i32 to index
    %swap3A_659 = arith.constant 80 : index
    %swap3A_660 = tpu.vector_load %arg7[%swap3A_658, %swap3A_659] {strides = array<i32>} : memref<64x128xi32, #tpu.memory_space<vmem>>, vector<1x16xi32>,
    %swap3A_661 = vector.shape_cast %swap3A_660 : vector<1x16xi32> to vector<16xi32>
    %swap3A_662 = vector.shape_cast %add3A_656 : vector<16xi32> to vector<1x16xi32>
    tpu.vector_store %arg7[%swap3A_658, %swap3A_659], %swap3A_662 {strides = array<i32>} : memref<64x128xi32, #tpu.memory_space<vmem>>, vector<1x16xi32>,
    %get3A_663 = arith.constant 4 : i32
    %get3A_664 = arith.index_cast %get3A_663 : i32 to index
    %get3A_665 = arith.constant 96 : index
    %get3A_666 = tpu.vector_load %arg7[%get3A_664, %get3A_665] {strides = array<i32>} : memref<64x128xi32, #tpu.memory_space<vmem>>, vector<1x16xi32>,
    %get3A_667 = vector.shape_cast %get3A_666 : vector<1x16xi32> to vector<16xi32>
    %add3A_668 = arith.addi %get3A_667, %get3A_590 : vector<16xi32>
    %swap3A_669 = arith.constant 4 : i32
    %swap3A_670 = arith.index_cast %swap3A_669 : i32 to index
    %swap3A_671 = arith.constant 96 : index
    %swap3A_672 = tpu.vector_load %arg7[%swap3A_670, %swap3A_671] {strides = array<i32>} : memref<64x128xi32, #tpu.memory_space<vmem>>, vector<1x16xi32>,
    %swap3A_673 = vector.shape_cast %swap3A_672 : vector<1x16xi32> to vector<16xi32>
    %swap3A_674 = vector.shape_cast %add3A_668 : vector<16xi32> to vector<1x16xi32>
    tpu.vector_store %arg7[%swap3A_670, %swap3A_671], %swap3A_674 {strides = array<i32>} : memref<64x128xi32, #tpu.memory_space<vmem>>, vector<1x16xi32>,
    %get3A_675 = arith.constant 4 : i32
    %get3A_676 = arith.index_cast %get3A_675 : i32 to index
    %get3A_677 = arith.constant 112 : index
    %get3A_678 = tpu.vector_load %arg7[%get3A_676, %get3A_677] {strides = array<i32>} : memref<64x128xi32, #tpu.memory_space<vmem>>, vector<1x16xi32>,
    %get3A_679 = vector.shape_cast %get3A_678 : vector<1x16xi32> to vector<16xi32>
    %add3A_680 = arith.addi %get3A_679, %get3A_590 : vector<16xi32>
    %swap3A_681 = arith.constant 4 : i32
    %swap3A_682 = arith.index_cast %swap3A_681 : i32 to index
    %swap3A_683 = arith.constant 112 : index
    %swap3A_684 = tpu.vector_load %arg7[%swap3A_682, %swap3A_683] {strides = array<i32>} : memref<64x128xi32, #tpu.memory_space<vmem>>, vector<1x16xi32>,
    %swap3A_685 = vector.shape_cast %swap3A_684 : vector<1x16xi32> to vector<16xi32>
    %swap3A_686 = vector.shape_cast %add3A_680 : vector<16xi32> to vector<1x16xi32>
    tpu.vector_store %arg7[%swap3A_682, %swap3A_683], %swap3A_686 {strides = array<i32>} : memref<64x128xi32, #tpu.memory_space<vmem>>, vector<1x16xi32>,
    %dma_start3A_687 = arith.constant 4 : i32
    %dma_start3A_688 = arith.constant 4 : i32
    %dma_start3A_689 = arith.constant 0 : i32
    %dma_start3A_690 = arith.constant 0 : i32
    %dma_start3A_691 = tpu.memref_slice %arg8[%dma_start3A_688, %dma_start3A_689, %dma_start3A_690] : memref<7x128x128xf32, #tpu.memory_space<vmem>> -> memref<1x128x128xf32, #tpu.memory_space<vmem>>
    %dma_start3A_692 = tpu.memref_squeeze %dma_start3A_691 : memref<1x128x128xf32, #tpu.memory_space<vmem>> -> memref<128x128xf32, #tpu.memory_space<vmem>>
    %dma_start3A_693 = arith.constant 0 : i32
    %dma_start3A_694 = tpu.memref_slice %arg7[%dma_start3A_687, %dma_start3A_693] : memref<64x128xi32, #tpu.memory_space<vmem>> -> memref<1x128xi32, #tpu.memory_space<vmem>>
    %dma_start3A_695 = tpu.memref_squeeze %dma_start3A_694 : memref<1x128xi32, #tpu.memory_space<vmem>> -> memref<128xi32, #tpu.memory_space<vmem>>
    %dma_start3A_696 = arith.constant 0 : i32
    %dma_start3A_697 = arith.constant 0 : i32
    %dma_start3A_698 = tpu.memref_slice %arg4[%dma_start3A_696, %dma_start3A_697] : memref<32768x128xf32, #tpu.memory_space<hbm>> -> memref<32768x128xf32, #tpu.memory_space<hbm>>
    tpu.enqueue_indirect_dma source(%dma_start3A_698 : memref<32768x128xf32, #tpu.memory_space<hbm>>) target(%dma_start3A_692 : memref<128x128xf32, #tpu.memory_space<vmem>>) offsets(%dma_start3A_695 : memref<128xi32, #tpu.memory_space<vmem>>) semaphore(%arg13 : memref<!tpu.dma_semaphore, #tpu.memory_space<semaphore_mem>>)
    %add3A_699 = arith.constant 640 : i32
    %add3A_700 = arith.addi %mul3A_2, %add3A_699 : i32
    %jit3A_701 = arith.constant 2048 : i32
    %div3A_702 = arith.divsi %add3A_700, %jit3A_701 : i32
    %sign3A_703 = arith.constant 0 : i32
    %sign3A_704 = arith.cmpi sgt, %add3A_700, %sign3A_703 : i32
    %sign3A_705 = arith.extui %sign3A_704 : i1 to i32
    %sign3A_706 = arith.constant 0 : i32
    %sign3A_707 = arith.cmpi slt, %add3A_700, %sign3A_706 : i32
    %sign3A_708 = arith.extui %sign3A_707 : i1 to i32
    %sign3A_709 = arith.subi %sign3A_705, %sign3A_708 : i32
    %sign3A_710 = arith.constant 0 : i32
    %sign3A_711 = arith.cmpi sgt, %jit3A_701, %sign3A_710 : i32
    %sign3A_712 = arith.extui %sign3A_711 : i1 to i32
    %sign3A_713 = arith.constant 0 : i32
    %sign3A_714 = arith.cmpi slt, %jit3A_701, %sign3A_713 : i32
    %sign3A_715 = arith.extui %sign3A_714 : i1 to i32
    %sign3A_716 = arith.subi %sign3A_712, %sign3A_715 : i32
    %ne3A_717 = arith.cmpi ne, %sign3A_709, %sign3A_716 : i32
    %rem3A_718 = arith.remsi %add3A_700, %jit3A_701 : i32
    %ne3A_719 = arith.constant 0 : i32
    %ne3A_720 = arith.cmpi ne, %rem3A_718, %ne3A_719 : i32
    %and3A_721 = arith.andi %ne3A_717, %ne3A_720 : i1
    %sub3A_722 = arith.constant 1 : i32
    %sub3A_723 = arith.subi %div3A_702, %sub3A_722 : i32
    %select_n3A_724 = arith.select %and3A_721, %sub3A_723, %div3A_702 : i32
    %rem3A_725 = arith.constant 8 : i32
    %rem3A_726 = arith.remsi %select_n3A_724, %rem3A_725 : i32
    %mul3A_727 = arith.constant 16 : i32
    %mul3A_728 = arith.muli %rem3A_726, %mul3A_727 : i32
    %get3A_729 = arith.index_cast %mul3A_728 : i32 to index
    %get3A_730 = tpu.vector_load %arg6[%get3A_729] {strides = array<i32>} : memref<128xi32, #tpu.memory_space<vmem>>, vector<16xi32>,
    %get3A_731 = vector.shape_cast %get3A_730 : vector<16xi32> to vector<16xi32>
    %get3A_732 = arith.constant 5 : i32
    %get3A_733 = arith.index_cast %get3A_732 : i32 to index
    %get3A_734 = arith.constant 0 : index
    %get3A_735 = tpu.vector_load %arg7[%get3A_733, %get3A_734] {strides = array<i32>} : memref<64x128xi32, #tpu.memory_space<vmem>>, vector<1x16xi32>,
    %get3A_736 = vector.shape_cast %get3A_735 : vector<1x16xi32> to vector<16xi32>
    %add3A_737 = arith.addi %get3A_736, %get3A_731 : vector<16xi32>
    %swap3A_738 = arith.constant 5 : i32
    %swap3A_739 = arith.index_cast %swap3A_738 : i32 to index
    %swap3A_740 = arith.constant 0 : index
    %swap3A_741 = tpu.vector_load %arg7[%swap3A_739, %swap3A_740] {strides = array<i32>} : memref<64x128xi32, #tpu.memory_space<vmem>>, vector<1x16xi32>,
    %swap3A_742 = vector.shape_cast %swap3A_741 : vector<1x16xi32> to vector<16xi32>
    %swap3A_743 = vector.shape_cast %add3A_737 : vector<16xi32> to vector<1x16xi32>
    tpu.vector_store %arg7[%swap3A_739, %swap3A_740], %swap3A_743 {strides = array<i32>} : memref<64x128xi32, #tpu.memory_space<vmem>>, vector<1x16xi32>,
    %get3A_744 = arith.constant 5 : i32
    %get3A_745 = arith.index_cast %get3A_744 : i32 to index
    %get3A_746 = arith.constant 16 : index
    %get3A_747 = tpu.vector_load %arg7[%get3A_745, %get3A_746] {strides = array<i32>} : memref<64x128xi32, #tpu.memory_space<vmem>>, vector<1x16xi32>,
    %get3A_748 = vector.shape_cast %get3A_747 : vector<1x16xi32> to vector<16xi32>
    %add3A_749 = arith.addi %get3A_748, %get3A_731 : vector<16xi32>
    %swap3A_750 = arith.constant 5 : i32
    %swap3A_751 = arith.index_cast %swap3A_750 : i32 to index
    %swap3A_752 = arith.constant 16 : index
    %swap3A_753 = tpu.vector_load %arg7[%swap3A_751, %swap3A_752] {strides = array<i32>} : memref<64x128xi32, #tpu.memory_space<vmem>>, vector<1x16xi32>,
    %swap3A_754 = vector.shape_cast %swap3A_753 : vector<1x16xi32> to vector<16xi32>
    %swap3A_755 = vector.shape_cast %add3A_749 : vector<16xi32> to vector<1x16xi32>
    tpu.vector_store %arg7[%swap3A_751, %swap3A_752], %swap3A_755 {strides = array<i32>} : memref<64x128xi32, #tpu.memory_space<vmem>>, vector<1x16xi32>,
    %get3A_756 = arith.constant 5 : i32
    %get3A_757 = arith.index_cast %get3A_756 : i32 to index
    %get3A_758 = arith.constant 32 : index
    %get3A_759 = tpu.vector_load %arg7[%get3A_757, %get3A_758] {strides = array<i32>} : memref<64x128xi32, #tpu.memory_space<vmem>>, vector<1x16xi32>,
    %get3A_760 = vector.shape_cast %get3A_759 : vector<1x16xi32> to vector<16xi32>
    %add3A_761 = arith.addi %get3A_760, %get3A_731 : vector<16xi32>
    %swap3A_762 = arith.constant 5 : i32
    %swap3A_763 = arith.index_cast %swap3A_762 : i32 to index
    %swap3A_764 = arith.constant 32 : index
    %swap3A_765 = tpu.vector_load %arg7[%swap3A_763, %swap3A_764] {strides = array<i32>} : memref<64x128xi32, #tpu.memory_space<vmem>>, vector<1x16xi32>,
    %swap3A_766 = vector.shape_cast %swap3A_765 : vector<1x16xi32> to vector<16xi32>
    %swap3A_767 = vector.shape_cast %add3A_761 : vector<16xi32> to vector<1x16xi32>
    tpu.vector_store %arg7[%swap3A_763, %swap3A_764], %swap3A_767 {strides = array<i32>} : memref<64x128xi32, #tpu.memory_space<vmem>>, vector<1x16xi32>,
    %get3A_768 = arith.constant 5 : i32
    %get3A_769 = arith.index_cast %get3A_768 : i32 to index
    %get3A_770 = arith.constant 48 : index
    %get3A_771 = tpu.vector_load %arg7[%get3A_769, %get3A_770] {strides = array<i32>} : memref<64x128xi32, #tpu.memory_space<vmem>>, vector<1x16xi32>,
    %get3A_772 = vector.shape_cast %get3A_771 : vector<1x16xi32> to vector<16xi32>
    %add3A_773 = arith.addi %get3A_772, %get3A_731 : vector<16xi32>
    %swap3A_774 = arith.constant 5 : i32
    %swap3A_775 = arith.index_cast %swap3A_774 : i32 to index
    %swap3A_776 = arith.constant 48 : index
    %swap3A_777 = tpu.vector_load %arg7[%swap3A_775, %swap3A_776] {strides = array<i32>} : memref<64x128xi32, #tpu.memory_space<vmem>>, vector<1x16xi32>,
    %swap3A_778 = vector.shape_cast %swap3A_777 : vector<1x16xi32> to vector<16xi32>
    %swap3A_779 = vector.shape_cast %add3A_773 : vector<16xi32> to vector<1x16xi32>
    tpu.vector_store %arg7[%swap3A_775, %swap3A_776], %swap3A_779 {strides = array<i32>} : memref<64x128xi32, #tpu.memory_space<vmem>>, vector<1x16xi32>,
    %get3A_780 = arith.constant 5 : i32
    %get3A_781 = arith.index_cast %get3A_780 : i32 to index
    %get3A_782 = arith.constant 64 : index
    %get3A_783 = tpu.vector_load %arg7[%get3A_781, %get3A_782] {strides = array<i32>} : memref<64x128xi32, #tpu.memory_space<vmem>>, vector<1x16xi32>,
    %get3A_784 = vector.shape_cast %get3A_783 : vector<1x16xi32> to vector<16xi32>
    %add3A_785 = arith.addi %get3A_784, %get3A_731 : vector<16xi32>
    %swap3A_786 = arith.constant 5 : i32
    %swap3A_787 = arith.index_cast %swap3A_786 : i32 to index
    %swap3A_788 = arith.constant 64 : index
    %swap3A_789 = tpu.vector_load %arg7[%swap3A_787, %swap3A_788] {strides = array<i32>} : memref<64x128xi32, #tpu.memory_space<vmem>>, vector<1x16xi32>,
    %swap3A_790 = vector.shape_cast %swap3A_789 : vector<1x16xi32> to vector<16xi32>
    %swap3A_791 = vector.shape_cast %add3A_785 : vector<16xi32> to vector<1x16xi32>
    tpu.vector_store %arg7[%swap3A_787, %swap3A_788], %swap3A_791 {strides = array<i32>} : memref<64x128xi32, #tpu.memory_space<vmem>>, vector<1x16xi32>,
    %get3A_792 = arith.constant 5 : i32
    %get3A_793 = arith.index_cast %get3A_792 : i32 to index
    %get3A_794 = arith.constant 80 : index
    %get3A_795 = tpu.vector_load %arg7[%get3A_793, %get3A_794] {strides = array<i32>} : memref<64x128xi32, #tpu.memory_space<vmem>>, vector<1x16xi32>,
    %get3A_796 = vector.shape_cast %get3A_795 : vector<1x16xi32> to vector<16xi32>
    %add3A_797 = arith.addi %get3A_796, %get3A_731 : vector<16xi32>
    %swap3A_798 = arith.constant 5 : i32
    %swap3A_799 = arith.index_cast %swap3A_798 : i32 to index
    %swap3A_800 = arith.constant 80 : index
    %swap3A_801 = tpu.vector_load %arg7[%swap3A_799, %swap3A_800] {strides = array<i32>} : memref<64x128xi32, #tpu.memory_space<vmem>>, vector<1x16xi32>,
    %swap3A_802 = vector.shape_cast %swap3A_801 : vector<1x16xi32> to vector<16xi32>
    %swap3A_803 = vector.shape_cast %add3A_797 : vector<16xi32> to vector<1x16xi32>
    tpu.vector_store %arg7[%swap3A_799, %swap3A_800], %swap3A_803 {strides = array<i32>} : memref<64x128xi32, #tpu.memory_space<vmem>>, vector<1x16xi32>,
    %get3A_804 = arith.constant 5 : i32
    %get3A_805 = arith.index_cast %get3A_804 : i32 to index
    %get3A_806 = arith.constant 96 : index
    %get3A_807 = tpu.vector_load %arg7[%get3A_805, %get3A_806] {strides = array<i32>} : memref<64x128xi32, #tpu.memory_space<vmem>>, vector<1x16xi32>,
    %get3A_808 = vector.shape_cast %get3A_807 : vector<1x16xi32> to vector<16xi32>
    %add3A_809 = arith.addi %get3A_808, %get3A_731 : vector<16xi32>
    %swap3A_810 = arith.constant 5 : i32
    %swap3A_811 = arith.index_cast %swap3A_810 : i32 to index
    %swap3A_812 = arith.constant 96 : index
    %swap3A_813 = tpu.vector_load %arg7[%swap3A_811, %swap3A_812] {strides = array<i32>} : memref<64x128xi32, #tpu.memory_space<vmem>>, vector<1x16xi32>,
    %swap3A_814 = vector.shape_cast %swap3A_813 : vector<1x16xi32> to vector<16xi32>
    %swap3A_815 = vector.shape_cast %add3A_809 : vector<16xi32> to vector<1x16xi32>
    tpu.vector_store %arg7[%swap3A_811, %swap3A_812], %swap3A_815 {strides = array<i32>} : memref<64x128xi32, #tpu.memory_space<vmem>>, vector<1x16xi32>,
    %get3A_816 = arith.constant 5 : i32
    %get3A_817 = arith.index_cast %get3A_816 : i32 to index
    %get3A_818 = arith.constant 112 : index
    %get3A_819 = tpu.vector_load %arg7[%get3A_817, %get3A_818] {strides = array<i32>} : memref<64x128xi32, #tpu.memory_space<vmem>>, vector<1x16xi32>,
    %get3A_820 = vector.shape_cast %get3A_819 : vector<1x16xi32> to vector<16xi32>
    %add3A_821 = arith.addi %get3A_820, %get3A_731 : vector<16xi32>
    %swap3A_822 = arith.constant 5 : i32
    %swap3A_823 = arith.index_cast %swap3A_822 : i32 to index
    %swap3A_824 = arith.constant 112 : index
    %swap3A_825 = tpu.vector_load %arg7[%swap3A_823, %swap3A_824] {strides = array<i32>} : memref<64x128xi32, #tpu.memory_space<vmem>>, vector<1x16xi32>,
    %swap3A_826 = vector.shape_cast %swap3A_825 : vector<1x16xi32> to vector<16xi32>
    %swap3A_827 = vector.shape_cast %add3A_821 : vector<16xi32> to vector<1x16xi32>
    tpu.vector_store %arg7[%swap3A_823, %swap3A_824], %swap3A_827 {strides = array<i32>} : memref<64x128xi32, #tpu.memory_space<vmem>>, vector<1x16xi32>,
    %dma_start3A_828 = arith.constant 5 : i32
    %dma_start3A_829 = arith.constant 5 : i32
    %dma_start3A_830 = arith.constant 0 : i32
    %dma_start3A_831 = arith.constant 0 : i32
    %dma_start3A_832 = tpu.memref_slice %arg8[%dma_start3A_829, %dma_start3A_830, %dma_start3A_831] : memref<7x128x128xf32, #tpu.memory_space<vmem>> -> memref<1x128x128xf32, #tpu.memory_space<vmem>>
    %dma_start3A_833 = tpu.memref_squeeze %dma_start3A_832 : memref<1x128x128xf32, #tpu.memory_space<vmem>> -> memref<128x128xf32, #tpu.memory_space<vmem>>
    %dma_start3A_834 = arith.constant 0 : i32
    %dma_start3A_835 = tpu.memref_slice %arg7[%dma_start3A_828, %dma_start3A_834] : memref<64x128xi32, #tpu.memory_space<vmem>> -> memref<1x128xi32, #tpu.memory_space<vmem>>
    %dma_start3A_836 = tpu.memref_squeeze %dma_start3A_835 : memref<1x128xi32, #tpu.memory_space<vmem>> -> memref<128xi32, #tpu.memory_space<vmem>>
    %dma_start3A_837 = arith.constant 0 : i32
    %dma_start3A_838 = arith.constant 0 : i32
    %dma_start3A_839 = tpu.memref_slice %arg4[%dma_start3A_837, %dma_start3A_838] : memref<32768x128xf32, #tpu.memory_space<hbm>> -> memref<32768x128xf32, #tpu.memory_space<hbm>>
    tpu.enqueue_indirect_dma source(%dma_start3A_839 : memref<32768x128xf32, #tpu.memory_space<hbm>>) target(%dma_start3A_833 : memref<128x128xf32, #tpu.memory_space<vmem>>) offsets(%dma_start3A_836 : memref<128xi32, #tpu.memory_space<vmem>>) semaphore(%arg14 : memref<!tpu.dma_semaphore, #tpu.memory_space<semaphore_mem>>)
    %dma_wait3A = arith.constant 0 : i32
    %dma_wait3A_840 = arith.constant 0 : i32
    %dma_wait3A_841 = arith.constant 0 : i32
    %dma_wait3A_842 = arith.constant 0 : i32
    %dma_wait3A_843 = tpu.memref_slice %arg8[%dma_wait3A_840, %dma_wait3A_841, %dma_wait3A_842] : memref<7x128x128xf32, #tpu.memory_space<vmem>> -> memref<1x128x128xf32, #tpu.memory_space<vmem>>
    %dma_wait3A_844 = tpu.memref_squeeze %dma_wait3A_843 : memref<1x128x128xf32, #tpu.memory_space<vmem>> -> memref<128x128xf32, #tpu.memory_space<vmem>>
    %dma_wait3A_845 = arith.constant 0 : i32
    %dma_wait3A_846 = tpu.memref_slice %arg7[%dma_wait3A, %dma_wait3A_845] : memref<64x128xi32, #tpu.memory_space<vmem>> -> memref<1x128xi32, #tpu.memory_space<vmem>>
    %dma_wait3A_847 = tpu.memref_squeeze %dma_wait3A_846 : memref<1x128xi32, #tpu.memory_space<vmem>> -> memref<128xi32, #tpu.memory_space<vmem>>
    %dma_wait3A_848 = arith.constant 0 : i32
    %dma_wait3A_849 = arith.constant 0 : i32
    %dma_wait3A_850 = tpu.memref_slice %arg4[%dma_wait3A_848, %dma_wait3A_849] : memref<32768x128xf32, #tpu.memory_space<hbm>> -> memref<32768x128xf32, #tpu.memory_space<hbm>>
    tpu.wait_indirect_dma semaphore(%arg9 : memref<!tpu.dma_semaphore, #tpu.memory_space<semaphore_mem>>) src(%dma_wait3A_850 : memref<32768x128xf32, #tpu.memory_space<hbm>>) dst(%dma_wait3A_844 : memref<128x128xf32, #tpu.memory_space<vmem>>)
    %add3A_851 = arith.constant 0 : i32
    %add3A_852 = arith.addi %mul3A_2, %add3A_851 : i32
    %dma_start3A_853 = arith.constant 0 : i32
    %dma_start3A_854 = arith.constant 0 : i32
    %dma_start3A_855 = arith.constant 0 : i32
    %dma_start3A_856 = tpu.memref_slice %arg8[%dma_start3A_853, %dma_start3A_854, %dma_start3A_855] : memref<7x128x128xf32, #tpu.memory_space<vmem>> -> memref<1x128x128xf32, #tpu.memory_space<vmem>>
    %dma_start3A_857 = tpu.memref_squeeze %dma_start3A_856 : memref<1x128x128xf32, #tpu.memory_space<vmem>> -> memref<128x128xf32, #tpu.memory_space<vmem>>
    %dma_start3A_858 = arith.constant 0 : i32
    %dma_start3A_859 = tpu.memref_slice %arg5[%add3A_852, %dma_start3A_858] : memref<262144x128xf32, #tpu.memory_space<hbm>> -> memref<128x128xf32, #tpu.memory_space<hbm>>
    %dma_start3A_860 = arith.constant 0 : i32
    %dma_start3A_861 = tpu.memref_slice %arg5[%add3A_852, %dma_start3A_860] : memref<262144x128xf32, #tpu.memory_space<hbm>> -> memref<128x128xf32, #tpu.memory_space<hbm>>
    %dma_start3A_862 = arith.constant 0 : i32
    %dma_start3A_863 = arith.constant 0 : i32
    %dma_start3A_864 = tpu.memref_slice %arg8[%dma_start3A_853, %dma_start3A_862, %dma_start3A_863] : memref<7x128x128xf32, #tpu.memory_space<vmem>> -> memref<1x128x128xf32, #tpu.memory_space<vmem>>
    %dma_start3A_865 = tpu.memref_squeeze %dma_start3A_864 : memref<1x128x128xf32, #tpu.memory_space<vmem>> -> memref<128x128xf32, #tpu.memory_space<vmem>>
    tpu.enqueue_dma source(%dma_start3A_865 : memref<128x128xf32, #tpu.memory_space<vmem>>) target(%dma_start3A_861 : memref<128x128xf32, #tpu.memory_space<hbm>>) target_semaphore(%arg16 : memref<!tpu.dma_semaphore, #tpu.memory_space<semaphore_mem>>)
    %add3A_866 = arith.constant 768 : i32
    %add3A_867 = arith.addi %mul3A_2, %add3A_866 : i32
    %jit3A_868 = arith.constant 2048 : i32
    %div3A_869 = arith.divsi %add3A_867, %jit3A_868 : i32
    %sign3A_870 = arith.constant 0 : i32
    %sign3A_871 = arith.cmpi sgt, %add3A_867, %sign3A_870 : i32
    %sign3A_872 = arith.extui %sign3A_871 : i1 to i32
    %sign3A_873 = arith.constant 0 : i32
    %sign3A_874 = arith.cmpi slt, %add3A_867, %sign3A_873 : i32
    %sign3A_875 = arith.extui %sign3A_874 : i1 to i32
    %sign3A_876 = arith.subi %sign3A_872, %sign3A_875 : i32
    %sign3A_877 = arith.constant 0 : i32
    %sign3A_878 = arith.cmpi sgt, %jit3A_868, %sign3A_877 : i32
    %sign3A_879 = arith.extui %sign3A_878 : i1 to i32
    %sign3A_880 = arith.constant 0 : i32
    %sign3A_881 = arith.cmpi slt, %jit3A_868, %sign3A_880 : i32
    %sign3A_882 = arith.extui %sign3A_881 : i1 to i32
    %sign3A_883 = arith.subi %sign3A_879, %sign3A_882 : i32
    %ne3A_884 = arith.cmpi ne, %sign3A_876, %sign3A_883 : i32
    %rem3A_885 = arith.remsi %add3A_867, %jit3A_868 : i32
    %ne3A_886 = arith.constant 0 : i32
    %ne3A_887 = arith.cmpi ne, %rem3A_885, %ne3A_886 : i32
    %and3A_888 = arith.andi %ne3A_884, %ne3A_887 : i1
    %sub3A_889 = arith.constant 1 : i32
    %sub3A_890 = arith.subi %div3A_869, %sub3A_889 : i32
    %select_n3A_891 = arith.select %and3A_888, %sub3A_890, %div3A_869 : i32
    %rem3A_892 = arith.constant 8 : i32
    %rem3A_893 = arith.remsi %select_n3A_891, %rem3A_892 : i32
    %mul3A_894 = arith.constant 16 : i32
    %mul3A_895 = arith.muli %rem3A_893, %mul3A_894 : i32
    %get3A_896 = arith.index_cast %mul3A_895 : i32 to index
    %get3A_897 = tpu.vector_load %arg6[%get3A_896] {strides = array<i32>} : memref<128xi32, #tpu.memory_space<vmem>>, vector<16xi32>,
    %get3A_898 = vector.shape_cast %get3A_897 : vector<16xi32> to vector<16xi32>
    %get3A_899 = arith.constant 6 : i32
    %get3A_900 = arith.index_cast %get3A_899 : i32 to index
    %get3A_901 = arith.constant 0 : index
    %get3A_902 = tpu.vector_load %arg7[%get3A_900, %get3A_901] {strides = array<i32>} : memref<64x128xi32, #tpu.memory_space<vmem>>, vector<1x16xi32>,
    %get3A_903 = vector.shape_cast %get3A_902 : vector<1x16xi32> to vector<16xi32>
    %add3A_904 = arith.addi %get3A_903, %get3A_898 : vector<16xi32>
    %swap3A_905 = arith.constant 6 : i32
    %swap3A_906 = arith.index_cast %swap3A_905 : i32 to index
    %swap3A_907 = arith.constant 0 : index
    %swap3A_908 = tpu.vector_load %arg7[%swap3A_906, %swap3A_907] {strides = array<i32>} : memref<64x128xi32, #tpu.memory_space<vmem>>, vector<1x16xi32>,
    %swap3A_909 = vector.shape_cast %swap3A_908 : vector<1x16xi32> to vector<16xi32>
    %swap3A_910 = vector.shape_cast %add3A_904 : vector<16xi32> to vector<1x16xi32>
    tpu.vector_store %arg7[%swap3A_906, %swap3A_907], %swap3A_910 {strides = array<i32>} : memref<64x128xi32, #tpu.memory_space<vmem>>, vector<1x16xi32>,
    %get3A_911 = arith.constant 6 : i32
    %get3A_912 = arith.index_cast %get3A_911 : i32 to index
    %get3A_913 = arith.constant 16 : index
    %get3A_914 = tpu.vector_load %arg7[%get3A_912, %get3A_913] {strides = array<i32>} : memref<64x128xi32, #tpu.memory_space<vmem>>, vector<1x16xi32>,
    %get3A_915 = vector.shape_cast %get3A_914 : vector<1x16xi32> to vector<16xi32>
    %add3A_916 = arith.addi %get3A_915, %get3A_898 : vector<16xi32>
    %swap3A_917 = arith.constant 6 : i32
    %swap3A_918 = arith.index_cast %swap3A_917 : i32 to index
    %swap3A_919 = arith.constant 16 : index
    %swap3A_920 = tpu.vector_load %arg7[%swap3A_918, %swap3A_919] {strides = array<i32>} : memref<64x128xi32, #tpu.memory_space<vmem>>, vector<1x16xi32>,
    %swap3A_921 = vector.shape_cast %swap3A_920 : vector<1x16xi32> to vector<16xi32>
    %swap3A_922 = vector.shape_cast %add3A_916 : vector<16xi32> to vector<1x16xi32>
    tpu.vector_store %arg7[%swap3A_918, %swap3A_919], %swap3A_922 {strides = array<i32>} : memref<64x128xi32, #tpu.memory_space<vmem>>, vector<1x16xi32>,
    %get3A_923 = arith.constant 6 : i32
    %get3A_924 = arith.index_cast %get3A_923 : i32 to index
    %get3A_925 = arith.constant 32 : index
    %get3A_926 = tpu.vector_load %arg7[%get3A_924, %get3A_925] {strides = array<i32>} : memref<64x128xi32, #tpu.memory_space<vmem>>, vector<1x16xi32>,
    %get3A_927 = vector.shape_cast %get3A_926 : vector<1x16xi32> to vector<16xi32>
    %add3A_928 = arith.addi %get3A_927, %get3A_898 : vector<16xi32>
    %swap3A_929 = arith.constant 6 : i32
    %swap3A_930 = arith.index_cast %swap3A_929 : i32 to index
    %swap3A_931 = arith.constant 32 : index
    %swap3A_932 = tpu.vector_load %arg7[%swap3A_930, %swap3A_931] {strides = array<i32>} : memref<64x128xi32, #tpu.memory_space<vmem>>, vector<1x16xi32>,
    %swap3A_933 = vector.shape_cast %swap3A_932 : vector<1x16xi32> to vector<16xi32>
    %swap3A_934 = vector.shape_cast %add3A_928 : vector<16xi32> to vector<1x16xi32>
    tpu.vector_store %arg7[%swap3A_930, %swap3A_931], %swap3A_934 {strides = array<i32>} : memref<64x128xi32, #tpu.memory_space<vmem>>, vector<1x16xi32>,
    %get3A_935 = arith.constant 6 : i32
    %get3A_936 = arith.index_cast %get3A_935 : i32 to index
    %get3A_937 = arith.constant 48 : index
    %get3A_938 = tpu.vector_load %arg7[%get3A_936, %get3A_937] {strides = array<i32>} : memref<64x128xi32, #tpu.memory_space<vmem>>, vector<1x16xi32>,
    %get3A_939 = vector.shape_cast %get3A_938 : vector<1x16xi32> to vector<16xi32>
    %add3A_940 = arith.addi %get3A_939, %get3A_898 : vector<16xi32>
    %swap3A_941 = arith.constant 6 : i32
    %swap3A_942 = arith.index_cast %swap3A_941 : i32 to index
    %swap3A_943 = arith.constant 48 : index
    %swap3A_944 = tpu.vector_load %arg7[%swap3A_942, %swap3A_943] {strides = array<i32>} : memref<64x128xi32, #tpu.memory_space<vmem>>, vector<1x16xi32>,
    %swap3A_945 = vector.shape_cast %swap3A_944 : vector<1x16xi32> to vector<16xi32>
    %swap3A_946 = vector.shape_cast %add3A_940 : vector<16xi32> to vector<1x16xi32>
    tpu.vector_store %arg7[%swap3A_942, %swap3A_943], %swap3A_946 {strides = array<i32>} : memref<64x128xi32, #tpu.memory_space<vmem>>, vector<1x16xi32>,
    %get3A_947 = arith.constant 6 : i32
    %get3A_948 = arith.index_cast %get3A_947 : i32 to index
    %get3A_949 = arith.constant 64 : index
    %get3A_950 = tpu.vector_load %arg7[%get3A_948, %get3A_949] {strides = array<i32>} : memref<64x128xi32, #tpu.memory_space<vmem>>, vector<1x16xi32>,
    %get3A_951 = vector.shape_cast %get3A_950 : vector<1x16xi32> to vector<16xi32>
    %add3A_952 = arith.addi %get3A_951, %get3A_898 : vector<16xi32>
    %swap3A_953 = arith.constant 6 : i32
    %swap3A_954 = arith.index_cast %swap3A_953 : i32 to index
    %swap3A_955 = arith.constant 64 : index
    %swap3A_956 = tpu.vector_load %arg7[%swap3A_954, %swap3A_955] {strides = array<i32>} : memref<64x128xi32, #tpu.memory_space<vmem>>, vector<1x16xi32>,
    %swap3A_957 = vector.shape_cast %swap3A_956 : vector<1x16xi32> to vector<16xi32>
    %swap3A_958 = vector.shape_cast %add3A_952 : vector<16xi32> to vector<1x16xi32>
    tpu.vector_store %arg7[%swap3A_954, %swap3A_955], %swap3A_958 {strides = array<i32>} : memref<64x128xi32, #tpu.memory_space<vmem>>, vector<1x16xi32>,
    %get3A_959 = arith.constant 6 : i32
    %get3A_960 = arith.index_cast %get3A_959 : i32 to index
    %get3A_961 = arith.constant 80 : index
    %get3A_962 = tpu.vector_load %arg7[%get3A_960, %get3A_961] {strides = array<i32>} : memref<64x128xi32, #tpu.memory_space<vmem>>, vector<1x16xi32>,
    %get3A_963 = vector.shape_cast %get3A_962 : vector<1x16xi32> to vector<16xi32>
    %add3A_964 = arith.addi %get3A_963, %get3A_898 : vector<16xi32>
    %swap3A_965 = arith.constant 6 : i32
    %swap3A_966 = arith.index_cast %swap3A_965 : i32 to index
    %swap3A_967 = arith.constant 80 : index
    %swap3A_968 = tpu.vector_load %arg7[%swap3A_966, %swap3A_967] {strides = array<i32>} : memref<64x128xi32, #tpu.memory_space<vmem>>, vector<1x16xi32>,
    %swap3A_969 = vector.shape_cast %swap3A_968 : vector<1x16xi32> to vector<16xi32>
    %swap3A_970 = vector.shape_cast %add3A_964 : vector<16xi32> to vector<1x16xi32>
    tpu.vector_store %arg7[%swap3A_966, %swap3A_967], %swap3A_970 {strides = array<i32>} : memref<64x128xi32, #tpu.memory_space<vmem>>, vector<1x16xi32>,
    %get3A_971 = arith.constant 6 : i32
    %get3A_972 = arith.index_cast %get3A_971 : i32 to index
    %get3A_973 = arith.constant 96 : index
    %get3A_974 = tpu.vector_load %arg7[%get3A_972, %get3A_973] {strides = array<i32>} : memref<64x128xi32, #tpu.memory_space<vmem>>, vector<1x16xi32>,
    %get3A_975 = vector.shape_cast %get3A_974 : vector<1x16xi32> to vector<16xi32>
    %add3A_976 = arith.addi %get3A_975, %get3A_898 : vector<16xi32>
    %swap3A_977 = arith.constant 6 : i32
    %swap3A_978 = arith.index_cast %swap3A_977 : i32 to index
    %swap3A_979 = arith.constant 96 : index
    %swap3A_980 = tpu.vector_load %arg7[%swap3A_978, %swap3A_979] {strides = array<i32>} : memref<64x128xi32, #tpu.memory_space<vmem>>, vector<1x16xi32>,
    %swap3A_981 = vector.shape_cast %swap3A_980 : vector<1x16xi32> to vector<16xi32>
    %swap3A_982 = vector.shape_cast %add3A_976 : vector<16xi32> to vector<1x16xi32>
    tpu.vector_store %arg7[%swap3A_978, %swap3A_979], %swap3A_982 {strides = array<i32>} : memref<64x128xi32, #tpu.memory_space<vmem>>, vector<1x16xi32>,
    %get3A_983 = arith.constant 6 : i32
    %get3A_984 = arith.index_cast %get3A_983 : i32 to index
    %get3A_985 = arith.constant 112 : index
    %get3A_986 = tpu.vector_load %arg7[%get3A_984, %get3A_985] {strides = array<i32>} : memref<64x128xi32, #tpu.memory_space<vmem>>, vector<1x16xi32>,
    %get3A_987 = vector.shape_cast %get3A_986 : vector<1x16xi32> to vector<16xi32>
    %add3A_988 = arith.addi %get3A_987, %get3A_898 : vector<16xi32>
    %swap3A_989 = arith.constant 6 : i32
    %swap3A_990 = arith.index_cast %swap3A_989 : i32 to index
    %swap3A_991 = arith.constant 112 : index
    %swap3A_992 = tpu.vector_load %arg7[%swap3A_990, %swap3A_991] {strides = array<i32>} : memref<64x128xi32, #tpu.memory_space<vmem>>, vector<1x16xi32>,
    %swap3A_993 = vector.shape_cast %swap3A_992 : vector<1x16xi32> to vector<16xi32>
    %swap3A_994 = vector.shape_cast %add3A_988 : vector<16xi32> to vector<1x16xi32>
    tpu.vector_store %arg7[%swap3A_990, %swap3A_991], %swap3A_994 {strides = array<i32>} : memref<64x128xi32, #tpu.memory_space<vmem>>, vector<1x16xi32>,
    %dma_start3A_995 = arith.constant 6 : i32
    %dma_start3A_996 = arith.constant 6 : i32
    %dma_start3A_997 = arith.constant 0 : i32
    %dma_start3A_998 = arith.constant 0 : i32
    %dma_start3A_999 = tpu.memref_slice %arg8[%dma_start3A_996, %dma_start3A_997, %dma_start3A_998] : memref<7x128x128xf32, #tpu.memory_space<vmem>> -> memref<1x128x128xf32, #tpu.memory_space<vmem>>
    %dma_start3A_1000 = tpu.memref_squeeze %dma_start3A_999 : memref<1x128x128xf32, #tpu.memory_space<vmem>> -> memref<128x128xf32, #tpu.memory_space<vmem>>
    %dma_start3A_1001 = arith.constant 0 : i32
    %dma_start3A_1002 = tpu.memref_slice %arg7[%dma_start3A_995, %dma_start3A_1001] : memref<64x128xi32, #tpu.memory_space<vmem>> -> memref<1x128xi32, #tpu.memory_space<vmem>>
    %dma_start3A_1003 = tpu.memref_squeeze %dma_start3A_1002 : memref<1x128xi32, #tpu.memory_space<vmem>> -> memref<128xi32, #tpu.memory_space<vmem>>
    %dma_start3A_1004 = arith.constant 0 : i32
    %dma_start3A_1005 = arith.constant 0 : i32
    %dma_start3A_1006 = tpu.memref_slice %arg4[%dma_start3A_1004, %dma_start3A_1005] : memref<32768x128xf32, #tpu.memory_space<hbm>> -> memref<32768x128xf32, #tpu.memory_space<hbm>>
    tpu.enqueue_indirect_dma source(%dma_start3A_1006 : memref<32768x128xf32, #tpu.memory_space<hbm>>) target(%dma_start3A_1000 : memref<128x128xf32, #tpu.memory_space<vmem>>) offsets(%dma_start3A_1003 : memref<128xi32, #tpu.memory_space<vmem>>) semaphore(%arg15 : memref<!tpu.dma_semaphore, #tpu.memory_space<semaphore_mem>>)
    %dma_wait3A_1007 = arith.constant 0 : i32
    %dma_wait3A_1008 = arith.constant 1 : i32
    %dma_wait3A_1009 = arith.constant 0 : i32
    %dma_wait3A_1010 = arith.constant 0 : i32
    %dma_wait3A_1011 = tpu.memref_slice %arg8[%dma_wait3A_1008, %dma_wait3A_1009, %dma_wait3A_1010] : memref<7x128x128xf32, #tpu.memory_space<vmem>> -> memref<1x128x128xf32, #tpu.memory_space<vmem>>
    %dma_wait3A_1012 = tpu.memref_squeeze %dma_wait3A_1011 : memref<1x128x128xf32, #tpu.memory_space<vmem>> -> memref<128x128xf32, #tpu.memory_space<vmem>>
    %dma_wait3A_1013 = arith.constant 0 : i32
    %dma_wait3A_1014 = tpu.memref_slice %arg7[%dma_wait3A_1007, %dma_wait3A_1013] : memref<64x128xi32, #tpu.memory_space<vmem>> -> memref<1x128xi32, #tpu.memory_space<vmem>>
    %dma_wait3A_1015 = tpu.memref_squeeze %dma_wait3A_1014 : memref<1x128xi32, #tpu.memory_space<vmem>> -> memref<128xi32, #tpu.memory_space<vmem>>
    %dma_wait3A_1016 = arith.constant 0 : i32
    %dma_wait3A_1017 = arith.constant 0 : i32
    %dma_wait3A_1018 = tpu.memref_slice %arg4[%dma_wait3A_1016, %dma_wait3A_1017] : memref<32768x128xf32, #tpu.memory_space<hbm>> -> memref<32768x128xf32, #tpu.memory_space<hbm>>
    tpu.wait_indirect_dma semaphore(%arg10 : memref<!tpu.dma_semaphore, #tpu.memory_space<semaphore_mem>>) src(%dma_wait3A_1018 : memref<32768x128xf32, #tpu.memory_space<hbm>>) dst(%dma_wait3A_1012 : memref<128x128xf32, #tpu.memory_space<vmem>>)
    %add3A_1019 = arith.constant 128 : i32
    %add3A_1020 = arith.addi %mul3A_2, %add3A_1019 : i32
    %dma_start3A_1021 = arith.constant 1 : i32
    %dma_start3A_1022 = arith.constant 0 : i32
    %dma_start3A_1023 = arith.constant 0 : i32
    %dma_start3A_1024 = tpu.memref_slice %arg8[%dma_start3A_1021, %dma_start3A_1022, %dma_start3A_1023] : memref<7x128x128xf32, #tpu.memory_space<vmem>> -> memref<1x128x128xf32, #tpu.memory_space<vmem>>
    %dma_start3A_1025 = tpu.memref_squeeze %dma_start3A_1024 : memref<1x128x128xf32, #tpu.memory_space<vmem>> -> memref<128x128xf32, #tpu.memory_space<vmem>>
    %dma_start3A_1026 = arith.constant 0 : i32
    %dma_start3A_1027 = tpu.memref_slice %arg5[%add3A_1020, %dma_start3A_1026] : memref<262144x128xf32, #tpu.memory_space<hbm>> -> memref<128x128xf32, #tpu.memory_space<hbm>>
    %dma_start3A_1028 = arith.constant 0 : i32
    %dma_start3A_1029 = tpu.memref_slice %arg5[%add3A_1020, %dma_start3A_1028] : memref<262144x128xf32, #tpu.memory_space<hbm>> -> memref<128x128xf32, #tpu.memory_space<hbm>>
    %dma_start3A_1030 = arith.constant 0 : i32
    %dma_start3A_1031 = arith.constant 0 : i32
    %dma_start3A_1032 = tpu.memref_slice %arg8[%dma_start3A_1021, %dma_start3A_1030, %dma_start3A_1031] : memref<7x128x128xf32, #tpu.memory_space<vmem>> -> memref<1x128x128xf32, #tpu.memory_space<vmem>>
    %dma_start3A_1033 = tpu.memref_squeeze %dma_start3A_1032 : memref<1x128x128xf32, #tpu.memory_space<vmem>> -> memref<128x128xf32, #tpu.memory_space<vmem>>
    tpu.enqueue_dma source(%dma_start3A_1033 : memref<128x128xf32, #tpu.memory_space<vmem>>) target(%dma_start3A_1029 : memref<128x128xf32, #tpu.memory_space<hbm>>) target_semaphore(%arg17 : memref<!tpu.dma_semaphore, #tpu.memory_space<semaphore_mem>>)
    %add3A_1034 = arith.constant 896 : i32
    %add3A_1035 = arith.addi %mul3A_2, %add3A_1034 : i32
    %jit3A_1036 = arith.constant 2048 : i32
    %div3A_1037 = arith.divsi %add3A_1035, %jit3A_1036 : i32
    %sign3A_1038 = arith.constant 0 : i32
    %sign3A_1039 = arith.cmpi sgt, %add3A_1035, %sign3A_1038 : i32
    %sign3A_1040 = arith.extui %sign3A_1039 : i1 to i32
    %sign3A_1041 = arith.constant 0 : i32
    %sign3A_1042 = arith.cmpi slt, %add3A_1035, %sign3A_1041 : i32
    %sign3A_1043 = arith.extui %sign3A_1042 : i1 to i32
    %sign3A_1044 = arith.subi %sign3A_1040, %sign3A_1043 : i32
    %sign3A_1045 = arith.constant 0 : i32
    %sign3A_1046 = arith.cmpi sgt, %jit3A_1036, %sign3A_1045 : i32
    %sign3A_1047 = arith.extui %sign3A_1046 : i1 to i32
    %sign3A_1048 = arith.constant 0 : i32
    %sign3A_1049 = arith.cmpi slt, %jit3A_1036, %sign3A_1048 : i32
    %sign3A_1050 = arith.extui %sign3A_1049 : i1 to i32
    %sign3A_1051 = arith.subi %sign3A_1047, %sign3A_1050 : i32
    %ne3A_1052 = arith.cmpi ne, %sign3A_1044, %sign3A_1051 : i32
    %rem3A_1053 = arith.remsi %add3A_1035, %jit3A_1036 : i32
    %ne3A_1054 = arith.constant 0 : i32
    %ne3A_1055 = arith.cmpi ne, %rem3A_1053, %ne3A_1054 : i32
    %and3A_1056 = arith.andi %ne3A_1052, %ne3A_1055 : i1
    %sub3A_1057 = arith.constant 1 : i32
    %sub3A_1058 = arith.subi %div3A_1037, %sub3A_1057 : i32
    %select_n3A_1059 = arith.select %and3A_1056, %sub3A_1058, %div3A_1037 : i32
    %rem3A_1060 = arith.constant 8 : i32
    %rem3A_1061 = arith.remsi %select_n3A_1059, %rem3A_1060 : i32
    %mul3A_1062 = arith.constant 16 : i32
    %mul3A_1063 = arith.muli %rem3A_1061, %mul3A_1062 : i32
    %get3A_1064 = arith.index_cast %mul3A_1063 : i32 to index
    %get3A_1065 = tpu.vector_load %arg6[%get3A_1064] {strides = array<i32>} : memref<128xi32, #tpu.memory_space<vmem>>, vector<16xi32>,
    %get3A_1066 = vector.shape_cast %get3A_1065 : vector<16xi32> to vector<16xi32>
    %get3A_1067 = arith.constant 7 : i32
    %get3A_1068 = arith.index_cast %get3A_1067 : i32 to index
    %get3A_1069 = arith.constant 0 : index
    %get3A_1070 = tpu.vector_load %arg7[%get3A_1068, %get3A_1069] {strides = array<i32>} : memref<64x128xi32, #tpu.memory_space<vmem>>, vector<1x16xi32>,
    %get3A_1071 = vector.shape_cast %get3A_1070 : vector<1x16xi32> to vector<16xi32>
    %add3A_1072 = arith.addi %get3A_1071, %get3A_1066 : vector<16xi32>
    %swap3A_1073 = arith.constant 7 : i32
    %swap3A_1074 = arith.index_cast %swap3A_1073 : i32 to index
    %swap3A_1075 = arith.constant 0 : index
    %swap3A_1076 = tpu.vector_load %arg7[%swap3A_1074, %swap3A_1075] {strides = array<i32>} : memref<64x128xi32, #tpu.memory_space<vmem>>, vector<1x16xi32>,
    %swap3A_1077 = vector.shape_cast %swap3A_1076 : vector<1x16xi32> to vector<16xi32>
    %swap3A_1078 = vector.shape_cast %add3A_1072 : vector<16xi32> to vector<1x16xi32>
    tpu.vector_store %arg7[%swap3A_1074, %swap3A_1075], %swap3A_1078 {strides = array<i32>} : memref<64x128xi32, #tpu.memory_space<vmem>>, vector<1x16xi32>,
    %get3A_1079 = arith.constant 7 : i32
    %get3A_1080 = arith.index_cast %get3A_1079 : i32 to index
    %get3A_1081 = arith.constant 16 : index
    %get3A_1082 = tpu.vector_load %arg7[%get3A_1080, %get3A_1081] {strides = array<i32>} : memref<64x128xi32, #tpu.memory_space<vmem>>, vector<1x16xi32>,
    %get3A_1083 = vector.shape_cast %get3A_1082 : vector<1x16xi32> to vector<16xi32>
    %add3A_1084 = arith.addi %get3A_1083, %get3A_1066 : vector<16xi32>
    %swap3A_1085 = arith.constant 7 : i32
    %swap3A_1086 = arith.index_cast %swap3A_1085 : i32 to index
    %swap3A_1087 = arith.constant 16 : index
    %swap3A_1088 = tpu.vector_load %arg7[%swap3A_1086, %swap3A_1087] {strides = array<i32>} : memref<64x128xi32, #tpu.memory_space<vmem>>, vector<1x16xi32>,
    %swap3A_1089 = vector.shape_cast %swap3A_1088 : vector<1x16xi32> to vector<16xi32>
    %swap3A_1090 = vector.shape_cast %add3A_1084 : vector<16xi32> to vector<1x16xi32>
    tpu.vector_store %arg7[%swap3A_1086, %swap3A_1087], %swap3A_1090 {strides = array<i32>} : memref<64x128xi32, #tpu.memory_space<vmem>>, vector<1x16xi32>,
    %get3A_1091 = arith.constant 7 : i32
    %get3A_1092 = arith.index_cast %get3A_1091 : i32 to index
    %get3A_1093 = arith.constant 32 : index
    %get3A_1094 = tpu.vector_load %arg7[%get3A_1092, %get3A_1093] {strides = array<i32>} : memref<64x128xi32, #tpu.memory_space<vmem>>, vector<1x16xi32>,
    %get3A_1095 = vector.shape_cast %get3A_1094 : vector<1x16xi32> to vector<16xi32>
    %add3A_1096 = arith.addi %get3A_1095, %get3A_1066 : vector<16xi32>
    %swap3A_1097 = arith.constant 7 : i32
    %swap3A_1098 = arith.index_cast %swap3A_1097 : i32 to index
    %swap3A_1099 = arith.constant 32 : index
    %swap3A_1100 = tpu.vector_load %arg7[%swap3A_1098, %swap3A_1099] {strides = array<i32>} : memref<64x128xi32, #tpu.memory_space<vmem>>, vector<1x16xi32>,
    %swap3A_1101 = vector.shape_cast %swap3A_1100 : vector<1x16xi32> to vector<16xi32>
    %swap3A_1102 = vector.shape_cast %add3A_1096 : vector<16xi32> to vector<1x16xi32>
    tpu.vector_store %arg7[%swap3A_1098, %swap3A_1099], %swap3A_1102 {strides = array<i32>} : memref<64x128xi32, #tpu.memory_space<vmem>>, vector<1x16xi32>,
    %get3A_1103 = arith.constant 7 : i32
    %get3A_1104 = arith.index_cast %get3A_1103 : i32 to index
    %get3A_1105 = arith.constant 48 : index
    %get3A_1106 = tpu.vector_load %arg7[%get3A_1104, %get3A_1105] {strides = array<i32>} : memref<64x128xi32, #tpu.memory_space<vmem>>, vector<1x16xi32>,
    %get3A_1107 = vector.shape_cast %get3A_1106 : vector<1x16xi32> to vector<16xi32>
    %add3A_1108 = arith.addi %get3A_1107, %get3A_1066 : vector<16xi32>
    %swap3A_1109 = arith.constant 7 : i32
    %swap3A_1110 = arith.index_cast %swap3A_1109 : i32 to index
    %swap3A_1111 = arith.constant 48 : index
    %swap3A_1112 = tpu.vector_load %arg7[%swap3A_1110, %swap3A_1111] {strides = array<i32>} : memref<64x128xi32, #tpu.memory_space<vmem>>, vector<1x16xi32>,
    %swap3A_1113 = vector.shape_cast %swap3A_1112 : vector<1x16xi32> to vector<16xi32>
    %swap3A_1114 = vector.shape_cast %add3A_1108 : vector<16xi32> to vector<1x16xi32>
    tpu.vector_store %arg7[%swap3A_1110, %swap3A_1111], %swap3A_1114 {strides = array<i32>} : memref<64x128xi32, #tpu.memory_space<vmem>>, vector<1x16xi32>,
    %get3A_1115 = arith.constant 7 : i32
    %get3A_1116 = arith.index_cast %get3A_1115 : i32 to index
    %get3A_1117 = arith.constant 64 : index
    %get3A_1118 = tpu.vector_load %arg7[%get3A_1116, %get3A_1117] {strides = array<i32>} : memref<64x128xi32, #tpu.memory_space<vmem>>, vector<1x16xi32>,
    %get3A_1119 = vector.shape_cast %get3A_1118 : vector<1x16xi32> to vector<16xi32>
    %add3A_1120 = arith.addi %get3A_1119, %get3A_1066 : vector<16xi32>
    %swap3A_1121 = arith.constant 7 : i32
    %swap3A_1122 = arith.index_cast %swap3A_1121 : i32 to index
    %swap3A_1123 = arith.constant 64 : index
    %swap3A_1124 = tpu.vector_load %arg7[%swap3A_1122, %swap3A_1123] {strides = array<i32>} : memref<64x128xi32, #tpu.memory_space<vmem>>, vector<1x16xi32>,
    %swap3A_1125 = vector.shape_cast %swap3A_1124 : vector<1x16xi32> to vector<16xi32>
    %swap3A_1126 = vector.shape_cast %add3A_1120 : vector<16xi32> to vector<1x16xi32>
    tpu.vector_store %arg7[%swap3A_1122, %swap3A_1123], %swap3A_1126 {strides = array<i32>} : memref<64x128xi32, #tpu.memory_space<vmem>>, vector<1x16xi32>,
    %get3A_1127 = arith.constant 7 : i32
    %get3A_1128 = arith.index_cast %get3A_1127 : i32 to index
    %get3A_1129 = arith.constant 80 : index
    %get3A_1130 = tpu.vector_load %arg7[%get3A_1128, %get3A_1129] {strides = array<i32>} : memref<64x128xi32, #tpu.memory_space<vmem>>, vector<1x16xi32>,
    %get3A_1131 = vector.shape_cast %get3A_1130 : vector<1x16xi32> to vector<16xi32>
    %add3A_1132 = arith.addi %get3A_1131, %get3A_1066 : vector<16xi32>
    %swap3A_1133 = arith.constant 7 : i32
    %swap3A_1134 = arith.index_cast %swap3A_1133 : i32 to index
    %swap3A_1135 = arith.constant 80 : index
    %swap3A_1136 = tpu.vector_load %arg7[%swap3A_1134, %swap3A_1135] {strides = array<i32>} : memref<64x128xi32, #tpu.memory_space<vmem>>, vector<1x16xi32>,
    %swap3A_1137 = vector.shape_cast %swap3A_1136 : vector<1x16xi32> to vector<16xi32>
    %swap3A_1138 = vector.shape_cast %add3A_1132 : vector<16xi32> to vector<1x16xi32>
    tpu.vector_store %arg7[%swap3A_1134, %swap3A_1135], %swap3A_1138 {strides = array<i32>} : memref<64x128xi32, #tpu.memory_space<vmem>>, vector<1x16xi32>,
    %get3A_1139 = arith.constant 7 : i32
    %get3A_1140 = arith.index_cast %get3A_1139 : i32 to index
    %get3A_1141 = arith.constant 96 : index
    %get3A_1142 = tpu.vector_load %arg7[%get3A_1140, %get3A_1141] {strides = array<i32>} : memref<64x128xi32, #tpu.memory_space<vmem>>, vector<1x16xi32>,
    %get3A_1143 = vector.shape_cast %get3A_1142 : vector<1x16xi32> to vector<16xi32>
    %add3A_1144 = arith.addi %get3A_1143, %get3A_1066 : vector<16xi32>
    %swap3A_1145 = arith.constant 7 : i32
    %swap3A_1146 = arith.index_cast %swap3A_1145 : i32 to index
    %swap3A_1147 = arith.constant 96 : index
    %swap3A_1148 = tpu.vector_load %arg7[%swap3A_1146, %swap3A_1147] {strides = array<i32>} : memref<64x128xi32, #tpu.memory_space<vmem>>, vector<1x16xi32>,
    %swap3A_1149 = vector.shape_cast %swap3A_1148 : vector<1x16xi32> to vector<16xi32>
    %swap3A_1150 = vector.shape_cast %add3A_1144 : vector<16xi32> to vector<1x16xi32>
    tpu.vector_store %arg7[%swap3A_1146, %swap3A_1147], %swap3A_1150 {strides = array<i32>} : memref<64x128xi32, #tpu.memory_space<vmem>>, vector<1x16xi32>,
    %get3A_1151 = arith.constant 7 : i32
    %get3A_1152 = arith.index_cast %get3A_1151 : i32 to index
    %get3A_1153 = arith.constant 112 : index
    %get3A_1154 = tpu.vector_load %arg7[%get3A_1152, %get3A_1153] {strides = array<i32>} : memref<64x128xi32, #tpu.memory_space<vmem>>, vector<1x16xi32>,
    %get3A_1155 = vector.shape_cast %get3A_1154 : vector<1x16xi32> to vector<16xi32>
    %add3A_1156 = arith.addi %get3A_1155, %get3A_1066 : vector<16xi32>
    %swap3A_1157 = arith.constant 7 : i32
    %swap3A_1158 = arith.index_cast %swap3A_1157 : i32 to index
    %swap3A_1159 = arith.constant 112 : index
    %swap3A_1160 = tpu.vector_load %arg7[%swap3A_1158, %swap3A_1159] {strides = array<i32>} : memref<64x128xi32, #tpu.memory_space<vmem>>, vector<1x16xi32>,
    %swap3A_1161 = vector.shape_cast %swap3A_1160 : vector<1x16xi32> to vector<16xi32>
    %swap3A_1162 = vector.shape_cast %add3A_1156 : vector<16xi32> to vector<1x16xi32>
    tpu.vector_store %arg7[%swap3A_1158, %swap3A_1159], %swap3A_1162 {strides = array<i32>} : memref<64x128xi32, #tpu.memory_space<vmem>>, vector<1x16xi32>,
    %dma_wait3A_1163 = arith.constant 0 : i32
    %dma_wait3A_1164 = arith.constant 0 : i32
    %dma_wait3A_1165 = arith.constant 0 : i32
    %dma_wait3A_1166 = tpu.memref_slice %arg8[%dma_wait3A_1163, %dma_wait3A_1164, %dma_wait3A_1165] : memref<7x128x128xf32, #tpu.memory_space<vmem>> -> memref<1x128x128xf32, #tpu.memory_space<vmem>>
    %dma_wait3A_1167 = tpu.memref_squeeze %dma_wait3A_1166 : memref<1x128x128xf32, #tpu.memory_space<vmem>> -> memref<128x128xf32, #tpu.memory_space<vmem>>
    %dma_wait3A_1168 = arith.constant 0 : i32
    %dma_wait3A_1169 = tpu.memref_slice %arg5[%mul3A_2, %dma_wait3A_1168] : memref<262144x128xf32, #tpu.memory_space<hbm>> -> memref<128x128xf32, #tpu.memory_space<hbm>>
    %dma_wait3A_1170 = arith.constant 0 : i32
    %dma_wait3A_1171 = tpu.memref_slice %arg5[%mul3A_2, %dma_wait3A_1170] : memref<262144x128xf32, #tpu.memory_space<hbm>> -> memref<128x128xf32, #tpu.memory_space<hbm>>
    %dma_wait3A_1172 = arith.constant 0 : i32
    %dma_wait3A_1173 = arith.constant 0 : i32
    %dma_wait3A_1174 = tpu.memref_slice %arg8[%dma_wait3A_1163, %dma_wait3A_1172, %dma_wait3A_1173] : memref<7x128x128xf32, #tpu.memory_space<vmem>> -> memref<1x128x128xf32, #tpu.memory_space<vmem>>
    %dma_wait3A_1175 = tpu.memref_squeeze %dma_wait3A_1174 : memref<1x128x128xf32, #tpu.memory_space<vmem>> -> memref<128x128xf32, #tpu.memory_space<vmem>>
    tpu.wait_dma2 semaphore(%arg16 : memref<!tpu.dma_semaphore, #tpu.memory_space<semaphore_mem>>) src(%dma_wait3A_1175 : memref<128x128xf32, #tpu.memory_space<vmem>>) dst(%dma_wait3A_1171 : memref<128x128xf32, #tpu.memory_space<hbm>>)
    %dma_start3A_1176 = arith.constant 7 : i32
    %dma_start3A_1177 = arith.constant 0 : i32
    %dma_start3A_1178 = arith.constant 0 : i32
    %dma_start3A_1179 = arith.constant 0 : i32
    %dma_start3A_1180 = tpu.memref_slice %arg8[%dma_start3A_1177, %dma_start3A_1178, %dma_start3A_1179] : memref<7x128x128xf32, #tpu.memory_space<vmem>> -> memref<1x128x128xf32, #tpu.memory_space<vmem>>
    %dma_start3A_1181 = tpu.memref_squeeze %dma_start3A_1180 : memref<1x128x128xf32, #tpu.memory_space<vmem>> -> memref<128x128xf32, #tpu.memory_space<vmem>>
    %dma_start3A_1182 = arith.constant 0 : i32
    %dma_start3A_1183 = tpu.memref_slice %arg7[%dma_start3A_1176, %dma_start3A_1182] : memref<64x128xi32, #tpu.memory_space<vmem>> -> memref<1x128xi32, #tpu.memory_space<vmem>>
    %dma_start3A_1184 = tpu.memref_squeeze %dma_start3A_1183 : memref<1x128xi32, #tpu.memory_space<vmem>> -> memref<128xi32, #tpu.memory_space<vmem>>
    %dma_start3A_1185 = arith.constant 0 : i32
    %dma_start3A_1186 = arith.constant 0 : i32
    %dma_start3A_1187 = tpu.memref_slice %arg4[%dma_start3A_1185, %dma_start3A_1186] : memref<32768x128xf32, #tpu.memory_space<hbm>> -> memref<32768x128xf32, #tpu.memory_space<hbm>>
    tpu.enqueue_indirect_dma source(%dma_start3A_1187 : memref<32768x128xf32, #tpu.memory_space<hbm>>) target(%dma_start3A_1181 : memref<128x128xf32, #tpu.memory_space<vmem>>) offsets(%dma_start3A_1184 : memref<128xi32, #tpu.memory_space<vmem>>) semaphore(%arg9 : memref<!tpu.dma_semaphore, #tpu.memory_space<semaphore_mem>>)
    %dma_wait3A_1188 = arith.constant 0 : i32
    %dma_wait3A_1189 = arith.constant 2 : i32
    %dma_wait3A_1190 = arith.constant 0 : i32
    %dma_wait3A_1191 = arith.constant 0 : i32
    %dma_wait3A_1192 = tpu.memref_slice %arg8[%dma_wait3A_1189, %dma_wait3A_1190, %dma_wait3A_1191] : memref<7x128x128xf32, #tpu.memory_space<vmem>> -> memref<1x128x128xf32, #tpu.memory_space<vmem>>
    %dma_wait3A_1193 = tpu.memref_squeeze %dma_wait3A_1192 : memref<1x128x128xf32, #tpu.memory_space<vmem>> -> memref<128x128xf32, #tpu.memory_space<vmem>>
    %dma_wait3A_1194 = arith.constant 0 : i32
    %dma_wait3A_1195 = tpu.memref_slice %arg7[%dma_wait3A_1188, %dma_wait3A_1194] : memref<64x128xi32, #tpu.memory_space<vmem>> -> memref<1x128xi32, #tpu.memory_space<vmem>>
    %dma_wait3A_1196 = tpu.memref_squeeze %dma_wait3A_1195 : memref<1x128xi32, #tpu.memory_space<vmem>> -> memref<128xi32, #tpu.memory_space<vmem>>
    %dma_wait3A_1197 = arith.constant 0 : i32
    %dma_wait3A_1198 = arith.constant 0 : i32
    %dma_wait3A_1199 = tpu.memref_slice %arg4[%dma_wait3A_1197, %dma_wait3A_1198] : memref<32768x128xf32, #tpu.memory_space<hbm>> -> memref<32768x128xf32, #tpu.memory_space<hbm>>
    tpu.wait_indirect_dma semaphore(%arg11 : memref<!tpu.dma_semaphore, #tpu.memory_space<semaphore_mem>>) src(%dma_wait3A_1199 : memref<32768x128xf32, #tpu.memory_space<hbm>>) dst(%dma_wait3A_1193 : memref<128x128xf32, #tpu.memory_space<vmem>>)
    %add3A_1200 = arith.constant 256 : i32
    %add3A_1201 = arith.addi %mul3A_2, %add3A_1200 : i32
    %dma_start3A_1202 = arith.constant 2 : i32
    %dma_start3A_1203 = arith.constant 0 : i32
    %dma_start3A_1204 = arith.constant 0 : i32
    %dma_start3A_1205 = tpu.memref_slice %arg8[%dma_start3A_1202, %dma_start3A_1203, %dma_start3A_1204] : memref<7x128x128xf32, #tpu.memory_space<vmem>> -> memref<1x128x128xf32, #tpu.memory_space<vmem>>
    %dma_start3A_1206 = tpu.memref_squeeze %dma_start3A_1205 : memref<1x128x128xf32, #tpu.memory_space<vmem>> -> memref<128x128xf32, #tpu.memory_space<vmem>>
    %dma_start3A_1207 = arith.constant 0 : i32
    %dma_start3A_1208 = tpu.memref_slice %arg5[%add3A_1201, %dma_start3A_1207] : memref<262144x128xf32, #tpu.memory_space<hbm>> -> memref<128x128xf32, #tpu.memory_space<hbm>>
    %dma_start3A_1209 = arith.constant 0 : i32
    %dma_start3A_1210 = tpu.memref_slice %arg5[%add3A_1201, %dma_start3A_1209] : memref<262144x128xf32, #tpu.memory_space<hbm>> -> memref<128x128xf32, #tpu.memory_space<hbm>>
    %dma_start3A_1211 = arith.constant 0 : i32
    %dma_start3A_1212 = arith.constant 0 : i32
    %dma_start3A_1213 = tpu.memref_slice %arg8[%dma_start3A_1202, %dma_start3A_1211, %dma_start3A_1212] : memref<7x128x128xf32, #tpu.memory_space<vmem>> -> memref<1x128x128xf32, #tpu.memory_space<vmem>>
    %dma_start3A_1214 = tpu.memref_squeeze %dma_start3A_1213 : memref<1x128x128xf32, #tpu.memory_space<vmem>> -> memref<128x128xf32, #tpu.memory_space<vmem>>
    tpu.enqueue_dma source(%dma_start3A_1214 : memref<128x128xf32, #tpu.memory_space<vmem>>) target(%dma_start3A_1210 : memref<128x128xf32, #tpu.memory_space<hbm>>) target_semaphore(%arg18 : memref<!tpu.dma_semaphore, #tpu.memory_space<semaphore_mem>>)
    %add3A_1215 = arith.constant 1024 : i32
    %add3A_1216 = arith.addi %mul3A_2, %add3A_1215 : i32
    %jit3A_1217 = arith.constant 2048 : i32
    %div3A_1218 = arith.divsi %add3A_1216, %jit3A_1217 : i32
    %sign3A_1219 = arith.constant 0 : i32
    %sign3A_1220 = arith.cmpi sgt, %add3A_1216, %sign3A_1219 : i32
    %sign3A_1221 = arith.extui %sign3A_1220 : i1 to i32
    %sign3A_1222 = arith.constant 0 : i32
    %sign3A_1223 = arith.cmpi slt, %add3A_1216, %sign3A_1222 : i32
    %sign3A_1224 = arith.extui %sign3A_1223 : i1 to i32
    %sign3A_1225 = arith.subi %sign3A_1221, %sign3A_1224 : i32
    %sign3A_1226 = arith.constant 0 : i32
    %sign3A_1227 = arith.cmpi sgt, %jit3A_1217, %sign3A_1226 : i32
    %sign3A_1228 = arith.extui %sign3A_1227 : i1 to i32
    %sign3A_1229 = arith.constant 0 : i32
    %sign3A_1230 = arith.cmpi slt, %jit3A_1217, %sign3A_1229 : i32
    %sign3A_1231 = arith.extui %sign3A_1230 : i1 to i32
    %sign3A_1232 = arith.subi %sign3A_1228, %sign3A_1231 : i32
    %ne3A_1233 = arith.cmpi ne, %sign3A_1225, %sign3A_1232 : i32
    %rem3A_1234 = arith.remsi %add3A_1216, %jit3A_1217 : i32
    %ne3A_1235 = arith.constant 0 : i32
    %ne3A_1236 = arith.cmpi ne, %rem3A_1234, %ne3A_1235 : i32
    %and3A_1237 = arith.andi %ne3A_1233, %ne3A_1236 : i1
    %sub3A_1238 = arith.constant 1 : i32
    %sub3A_1239 = arith.subi %div3A_1218, %sub3A_1238 : i32
    %select_n3A_1240 = arith.select %and3A_1237, %sub3A_1239, %div3A_1218 : i32
    %rem3A_1241 = arith.constant 8 : i32
    %rem3A_1242 = arith.remsi %select_n3A_1240, %rem3A_1241 : i32
    %mul3A_1243 = arith.constant 16 : i32
    %mul3A_1244 = arith.muli %rem3A_1242, %mul3A_1243 : i32
    %get3A_1245 = arith.index_cast %mul3A_1244 : i32 to index
    %get3A_1246 = tpu.vector_load %arg6[%get3A_1245] {strides = array<i32>} : memref<128xi32, #tpu.memory_space<vmem>>, vector<16xi32>,
    %get3A_1247 = vector.shape_cast %get3A_1246 : vector<16xi32> to vector<16xi32>
    %get3A_1248 = arith.constant 8 : i32
    %get3A_1249 = arith.index_cast %get3A_1248 : i32 to index
    %get3A_1250 = arith.constant 0 : index
    %get3A_1251 = tpu.vector_load %arg7[%get3A_1249, %get3A_1250] {strides = array<i32>} : memref<64x128xi32, #tpu.memory_space<vmem>>, vector<1x16xi32>,
    %get3A_1252 = vector.shape_cast %get3A_1251 : vector<1x16xi32> to vector<16xi32>
    %add3A_1253 = arith.addi %get3A_1252, %get3A_1247 : vector<16xi32>
    %swap3A_1254 = arith.constant 8 : i32
    %swap3A_1255 = arith.index_cast %swap3A_1254 : i32 to index
    %swap3A_1256 = arith.constant 0 : index
    %swap3A_1257 = tpu.vector_load %arg7[%swap3A_1255, %swap3A_1256] {strides = array<i32>} : memref<64x128xi32, #tpu.memory_space<vmem>>, vector<1x16xi32>,
    %swap3A_1258 = vector.shape_cast %swap3A_1257 : vector<1x16xi32> to vector<16xi32>
    %swap3A_1259 = vector.shape_cast %add3A_1253 : vector<16xi32> to vector<1x16xi32>
    tpu.vector_store %arg7[%swap3A_1255, %swap3A_1256], %swap3A_1259 {strides = array<i32>} : memref<64x128xi32, #tpu.memory_space<vmem>>, vector<1x16xi32>,
    %get3A_1260 = arith.constant 8 : i32
    %get3A_1261 = arith.index_cast %get3A_1260 : i32 to index
    %get3A_1262 = arith.constant 16 : index
    %get3A_1263 = tpu.vector_load %arg7[%get3A_1261, %get3A_1262] {strides = array<i32>} : memref<64x128xi32, #tpu.memory_space<vmem>>, vector<1x16xi32>,
    %get3A_1264 = vector.shape_cast %get3A_1263 : vector<1x16xi32> to vector<16xi32>
    %add3A_1265 = arith.addi %get3A_1264, %get3A_1247 : vector<16xi32>
    %swap3A_1266 = arith.constant 8 : i32
    %swap3A_1267 = arith.index_cast %swap3A_1266 : i32 to index
    %swap3A_1268 = arith.constant 16 : index
    %swap3A_1269 = tpu.vector_load %arg7[%swap3A_1267, %swap3A_1268] {strides = array<i32>} : memref<64x128xi32, #tpu.memory_space<vmem>>, vector<1x16xi32>,
    %swap3A_1270 = vector.shape_cast %swap3A_1269 : vector<1x16xi32> to vector<16xi32>
    %swap3A_1271 = vector.shape_cast %add3A_1265 : vector<16xi32> to vector<1x16xi32>
    tpu.vector_store %arg7[%swap3A_1267, %swap3A_1268], %swap3A_1271 {strides = array<i32>} : memref<64x128xi32, #tpu.memory_space<vmem>>, vector<1x16xi32>,
    %get3A_1272 = arith.constant 8 : i32
    %get3A_1273 = arith.index_cast %get3A_1272 : i32 to index
    %get3A_1274 = arith.constant 32 : index
    %get3A_1275 = tpu.vector_load %arg7[%get3A_1273, %get3A_1274] {strides = array<i32>} : memref<64x128xi32, #tpu.memory_space<vmem>>, vector<1x16xi32>,
    %get3A_1276 = vector.shape_cast %get3A_1275 : vector<1x16xi32> to vector<16xi32>
    %add3A_1277 = arith.addi %get3A_1276, %get3A_1247 : vector<16xi32>
    %swap3A_1278 = arith.constant 8 : i32
    %swap3A_1279 = arith.index_cast %swap3A_1278 : i32 to index
    %swap3A_1280 = arith.constant 32 : index
    %swap3A_1281 = tpu.vector_load %arg7[%swap3A_1279, %swap3A_1280] {strides = array<i32>} : memref<64x128xi32, #tpu.memory_space<vmem>>, vector<1x16xi32>,
    %swap3A_1282 = vector.shape_cast %swap3A_1281 : vector<1x16xi32> to vector<16xi32>
    %swap3A_1283 = vector.shape_cast %add3A_1277 : vector<16xi32> to vector<1x16xi32>
    tpu.vector_store %arg7[%swap3A_1279, %swap3A_1280], %swap3A_1283 {strides = array<i32>} : memref<64x128xi32, #tpu.memory_space<vmem>>, vector<1x16xi32>,
    %get3A_1284 = arith.constant 8 : i32
    %get3A_1285 = arith.index_cast %get3A_1284 : i32 to index
    %get3A_1286 = arith.constant 48 : index
    %get3A_1287 = tpu.vector_load %arg7[%get3A_1285, %get3A_1286] {strides = array<i32>} : memref<64x128xi32, #tpu.memory_space<vmem>>, vector<1x16xi32>,
    %get3A_1288 = vector.shape_cast %get3A_1287 : vector<1x16xi32> to vector<16xi32>
    %add3A_1289 = arith.addi %get3A_1288, %get3A_1247 : vector<16xi32>
    %swap3A_1290 = arith.constant 8 : i32
    %swap3A_1291 = arith.index_cast %swap3A_1290 : i32 to index
    %swap3A_1292 = arith.constant 48 : index
    %swap3A_1293 = tpu.vector_load %arg7[%swap3A_1291, %swap3A_1292] {strides = array<i32>} : memref<64x128xi32, #tpu.memory_space<vmem>>, vector<1x16xi32>,
    %swap3A_1294 = vector.shape_cast %swap3A_1293 : vector<1x16xi32> to vector<16xi32>
    %swap3A_1295 = vector.shape_cast %add3A_1289 : vector<16xi32> to vector<1x16xi32>
    tpu.vector_store %arg7[%swap3A_1291, %swap3A_1292], %swap3A_1295 {strides = array<i32>} : memref<64x128xi32, #tpu.memory_space<vmem>>, vector<1x16xi32>,
    %get3A_1296 = arith.constant 8 : i32
    %get3A_1297 = arith.index_cast %get3A_1296 : i32 to index
    %get3A_1298 = arith.constant 64 : index
    %get3A_1299 = tpu.vector_load %arg7[%get3A_1297, %get3A_1298] {strides = array<i32>} : memref<64x128xi32, #tpu.memory_space<vmem>>, vector<1x16xi32>,
    %get3A_1300 = vector.shape_cast %get3A_1299 : vector<1x16xi32> to vector<16xi32>
    %add3A_1301 = arith.addi %get3A_1300, %get3A_1247 : vector<16xi32>
    %swap3A_1302 = arith.constant 8 : i32
    %swap3A_1303 = arith.index_cast %swap3A_1302 : i32 to index
    %swap3A_1304 = arith.constant 64 : index
    %swap3A_1305 = tpu.vector_load %arg7[%swap3A_1303, %swap3A_1304] {strides = array<i32>} : memref<64x128xi32, #tpu.memory_space<vmem>>, vector<1x16xi32>,
    %swap3A_1306 = vector.shape_cast %swap3A_1305 : vector<1x16xi32> to vector<16xi32>
    %swap3A_1307 = vector.shape_cast %add3A_1301 : vector<16xi32> to vector<1x16xi32>
    tpu.vector_store %arg7[%swap3A_1303, %swap3A_1304], %swap3A_1307 {strides = array<i32>} : memref<64x128xi32, #tpu.memory_space<vmem>>, vector<1x16xi32>,
    %get3A_1308 = arith.constant 8 : i32
    %get3A_1309 = arith.index_cast %get3A_1308 : i32 to index
    %get3A_1310 = arith.constant 80 : index
    %get3A_1311 = tpu.vector_load %arg7[%get3A_1309, %get3A_1310] {strides = array<i32>} : memref<64x128xi32, #tpu.memory_space<vmem>>, vector<1x16xi32>,
    %get3A_1312 = vector.shape_cast %get3A_1311 : vector<1x16xi32> to vector<16xi32>
    %add3A_1313 = arith.addi %get3A_1312, %get3A_1247 : vector<16xi32>
    %swap3A_1314 = arith.constant 8 : i32
    %swap3A_1315 = arith.index_cast %swap3A_1314 : i32 to index
    %swap3A_1316 = arith.constant 80 : index
    %swap3A_1317 = tpu.vector_load %arg7[%swap3A_1315, %swap3A_1316] {strides = array<i32>} : memref<64x128xi32, #tpu.memory_space<vmem>>, vector<1x16xi32>,
    %swap3A_1318 = vector.shape_cast %swap3A_1317 : vector<1x16xi32> to vector<16xi32>
    %swap3A_1319 = vector.shape_cast %add3A_1313 : vector<16xi32> to vector<1x16xi32>
    tpu.vector_store %arg7[%swap3A_1315, %swap3A_1316], %swap3A_1319 {strides = array<i32>} : memref<64x128xi32, #tpu.memory_space<vmem>>, vector<1x16xi32>,
    %get3A_1320 = arith.constant 8 : i32
    %get3A_1321 = arith.index_cast %get3A_1320 : i32 to index
    %get3A_1322 = arith.constant 96 : index
    %get3A_1323 = tpu.vector_load %arg7[%get3A_1321, %get3A_1322] {strides = array<i32>} : memref<64x128xi32, #tpu.memory_space<vmem>>, vector<1x16xi32>,
    %get3A_1324 = vector.shape_cast %get3A_1323 : vector<1x16xi32> to vector<16xi32>
    %add3A_1325 = arith.addi %get3A_1324, %get3A_1247 : vector<16xi32>
    %swap3A_1326 = arith.constant 8 : i32
    %swap3A_1327 = arith.index_cast %swap3A_1326 : i32 to index
    %swap3A_1328 = arith.constant 96 : index
    %swap3A_1329 = tpu.vector_load %arg7[%swap3A_1327, %swap3A_1328] {strides = array<i32>} : memref<64x128xi32, #tpu.memory_space<vmem>>, vector<1x16xi32>,
    %swap3A_1330 = vector.shape_cast %swap3A_1329 : vector<1x16xi32> to vector<16xi32>
    %swap3A_1331 = vector.shape_cast %add3A_1325 : vector<16xi32> to vector<1x16xi32>
    tpu.vector_store %arg7[%swap3A_1327, %swap3A_1328], %swap3A_1331 {strides = array<i32>} : memref<64x128xi32, #tpu.memory_space<vmem>>, vector<1x16xi32>,
    %get3A_1332 = arith.constant 8 : i32
    %get3A_1333 = arith.index_cast %get3A_1332 : i32 to index
    %get3A_1334 = arith.constant 112 : index
    %get3A_1335 = tpu.vector_load %arg7[%get3A_1333, %get3A_1334] {strides = array<i32>} : memref<64x128xi32, #tpu.memory_space<vmem>>, vector<1x16xi32>,
    %get3A_1336 = vector.shape_cast %get3A_1335 : vector<1x16xi32> to vector<16xi32>
    %add3A_1337 = arith.addi %get3A_1336, %get3A_1247 : vector<16xi32>
    %swap3A_1338 = arith.constant 8 : i32
    %swap3A_1339 = arith.index_cast %swap3A_1338 : i32 to index
    %swap3A_1340 = arith.constant 112 : index
    %swap3A_1341 = tpu.vector_load %arg7[%swap3A_1339, %swap3A_1340] {strides = array<i32>} : memref<64x128xi32, #tpu.memory_space<vmem>>, vector<1x16xi32>,
    %swap3A_1342 = vector.shape_cast %swap3A_1341 : vector<1x16xi32> to vector<16xi32>
    %swap3A_1343 = vector.shape_cast %add3A_1337 : vector<16xi32> to vector<1x16xi32>
    tpu.vector_store %arg7[%swap3A_1339, %swap3A_1340], %swap3A_1343 {strides = array<i32>} : memref<64x128xi32, #tpu.memory_space<vmem>>, vector<1x16xi32>,
    %dma_wait3A_1344 = arith.constant 1 : i32
    %dma_wait3A_1345 = arith.constant 0 : i32
    %dma_wait3A_1346 = arith.constant 0 : i32
    %dma_wait3A_1347 = tpu.memref_slice %arg8[%dma_wait3A_1344, %dma_wait3A_1345, %dma_wait3A_1346] : memref<7x128x128xf32, #tpu.memory_space<vmem>> -> memref<1x128x128xf32, #tpu.memory_space<vmem>>
    %dma_wait3A_1348 = tpu.memref_squeeze %dma_wait3A_1347 : memref<1x128x128xf32, #tpu.memory_space<vmem>> -> memref<128x128xf32, #tpu.memory_space<vmem>>
    %dma_wait3A_1349 = arith.constant 0 : i32
    %dma_wait3A_1350 = tpu.memref_slice %arg5[%mul3A_2, %dma_wait3A_1349] : memref<262144x128xf32, #tpu.memory_space<hbm>> -> memref<128x128xf32, #tpu.memory_space<hbm>>
    %dma_wait3A_1351 = arith.constant 0 : i32
    %dma_wait3A_1352 = tpu.memref_slice %arg5[%mul3A_2, %dma_wait3A_1351] : memref<262144x128xf32, #tpu.memory_space<hbm>> -> memref<128x128xf32, #tpu.memory_space<hbm>>
    %dma_wait3A_1353 = arith.constant 0 : i32
    %dma_wait3A_1354 = arith.constant 0 : i32
    %dma_wait3A_1355 = tpu.memref_slice %arg8[%dma_wait3A_1344, %dma_wait3A_1353, %dma_wait3A_1354] : memref<7x128x128xf32, #tpu.memory_space<vmem>> -> memref<1x128x128xf32, #tpu.memory_space<vmem>>
    %dma_wait3A_1356 = tpu.memref_squeeze %dma_wait3A_1355 : memref<1x128x128xf32, #tpu.memory_space<vmem>> -> memref<128x128xf32, #tpu.memory_space<vmem>>
    tpu.wait_dma2 semaphore(%arg17 : memref<!tpu.dma_semaphore, #tpu.memory_space<semaphore_mem>>) src(%dma_wait3A_1356 : memref<128x128xf32, #tpu.memory_space<vmem>>) dst(%dma_wait3A_1352 : memref<128x128xf32, #tpu.memory_space<hbm>>)
    %dma_start3A_1357 = arith.constant 8 : i32
    %dma_start3A_1358 = arith.constant 1 : i32
    %dma_start3A_1359 = arith.constant 0 : i32
    %dma_start3A_1360 = arith.constant 0 : i32
    %dma_start3A_1361 = tpu.memref_slice %arg8[%dma_start3A_1358, %dma_start3A_1359, %dma_start3A_1360] : memref<7x128x128xf32, #tpu.memory_space<vmem>> -> memref<1x128x128xf32, #tpu.memory_space<vmem>>
    %dma_start3A_1362 = tpu.memref_squeeze %dma_start3A_1361 : memref<1x128x128xf32, #tpu.memory_space<vmem>> -> memref<128x128xf32, #tpu.memory_space<vmem>>
    %dma_start3A_1363 = arith.constant 0 : i32
    %dma_start3A_1364 = tpu.memref_slice %arg7[%dma_start3A_1357, %dma_start3A_1363] : memref<64x128xi32, #tpu.memory_space<vmem>> -> memref<1x128xi32, #tpu.memory_space<vmem>>
    %dma_start3A_1365 = tpu.memref_squeeze %dma_start3A_1364 : memref<1x128xi32, #tpu.memory_space<vmem>> -> memref<128xi32, #tpu.memory_space<vmem>>
    %dma_start3A_1366 = arith.constant 0 : i32
    %dma_start3A_1367 = arith.constant 0 : i32
    %dma_start3A_1368 = tpu.memref_slice %arg4[%dma_start3A_1366, %dma_start3A_1367] : memref<32768x128xf32, #tpu.memory_space<hbm>> -> memref<32768x128xf32, #tpu.memory_space<hbm>>
    tpu.enqueue_indirect_dma source(%dma_start3A_1368 : memref<32768x128xf32, #tpu.memory_space<hbm>>) target(%dma_start3A_1362 : memref<128x128xf32, #tpu.memory_space<vmem>>) offsets(%dma_start3A_1365 : memref<128xi32, #tpu.memory_space<vmem>>) semaphore(%arg10 : memref<!tpu.dma_semaphore, #tpu.memory_space<semaphore_mem>>)
    %dma_wait3A_1369 = arith.constant 0 : i32
    %dma_wait3A_1370 = arith.constant 3 : i32
    %dma_wait3A_1371 = arith.constant 0 : i32
    %dma_wait3A_1372 = arith.constant 0 : i32
    %dma_wait3A_1373 = tpu.memref_slice %arg8[%dma_wait3A_1370, %dma_wait3A_1371, %dma_wait3A_1372] : memref<7x128x128xf32, #tpu.memory_space<vmem>> -> memref<1x128x128xf32, #tpu.memory_space<vmem>>
    %dma_wait3A_1374 = tpu.memref_squeeze %dma_wait3A_1373 : memref<1x128x128xf32, #tpu.memory_space<vmem>> -> memref<128x128xf32, #tpu.memory_space<vmem>>
    %dma_wait3A_1375 = arith.constant 0 : i32
    %dma_wait3A_1376 = tpu.memref_slice %arg7[%dma_wait3A_1369, %dma_wait3A_1375] : memref<64x128xi32, #tpu.memory_space<vmem>> -> memref<1x128xi32, #tpu.memory_space<vmem>>
    %dma_wait3A_1377 = tpu.memref_squeeze %dma_wait3A_1376 : memref<1x128xi32, #tpu.memory_space<vmem>> -> memref<128xi32, #tpu.memory_space<vmem>>
    %dma_wait3A_1378 = arith.constant 0 : i32
    %dma_wait3A_1379 = arith.constant 0 : i32
    %dma_wait3A_1380 = tpu.memref_slice %arg4[%dma_wait3A_1378, %dma_wait3A_1379] : memref<32768x128xf32, #tpu.memory_space<hbm>> -> memref<32768x128xf32, #tpu.memory_space<hbm>>
    tpu.wait_indirect_dma semaphore(%arg12 : memref<!tpu.dma_semaphore, #tpu.memory_space<semaphore_mem>>) src(%dma_wait3A_1380 : memref<32768x128xf32, #tpu.memory_space<hbm>>) dst(%dma_wait3A_1374 : memref<128x128xf32, #tpu.memory_space<vmem>>)
    %add3A_1381 = arith.constant 384 : i32
    %add3A_1382 = arith.addi %mul3A_2, %add3A_1381 : i32
    %dma_start3A_1383 = arith.constant 3 : i32
    %dma_start3A_1384 = arith.constant 0 : i32
    %dma_start3A_1385 = arith.constant 0 : i32
    %dma_start3A_1386 = tpu.memref_slice %arg8[%dma_start3A_1383, %dma_start3A_1384, %dma_start3A_1385] : memref<7x128x128xf32, #tpu.memory_space<vmem>> -> memref<1x128x128xf32, #tpu.memory_space<vmem>>
    %dma_start3A_1387 = tpu.memref_squeeze %dma_start3A_1386 : memref<1x128x128xf32, #tpu.memory_space<vmem>> -> memref<128x128xf32, #tpu.memory_space<vmem>>
    %dma_start3A_1388 = arith.constant 0 : i32
    %dma_start3A_1389 = tpu.memref_slice %arg5[%add3A_1382, %dma_start3A_1388] : memref<262144x128xf32, #tpu.memory_space<hbm>> -> memref<128x128xf32, #tpu.memory_space<hbm>>
    %dma_start3A_1390 = arith.constant 0 : i32
    %dma_start3A_1391 = tpu.memref_slice %arg5[%add3A_1382, %dma_start3A_1390] : memref<262144x128xf32, #tpu.memory_space<hbm>> -> memref<128x128xf32, #tpu.memory_space<hbm>>
    %dma_start3A_1392 = arith.constant 0 : i32
    %dma_start3A_1393 = arith.constant 0 : i32
    %dma_start3A_1394 = tpu.memref_slice %arg8[%dma_start3A_1383, %dma_start3A_1392, %dma_start3A_1393] : memref<7x128x128xf32, #tpu.memory_space<vmem>> -> memref<1x128x128xf32, #tpu.memory_space<vmem>>
    %dma_start3A_1395 = tpu.memref_squeeze %dma_start3A_1394 : memref<1x128x128xf32, #tpu.memory_space<vmem>> -> memref<128x128xf32, #tpu.memory_space<vmem>>
    tpu.enqueue_dma source(%dma_start3A_1395 : memref<128x128xf32, #tpu.memory_space<vmem>>) target(%dma_start3A_1391 : memref<128x128xf32, #tpu.memory_space<hbm>>) target_semaphore(%arg19 : memref<!tpu.dma_semaphore, #tpu.memory_space<semaphore_mem>>)
    %add3A_1396 = arith.constant 1152 : i32
    %add3A_1397 = arith.addi %mul3A_2, %add3A_1396 : i32
    %jit3A_1398 = arith.constant 2048 : i32
    %div3A_1399 = arith.divsi %add3A_1397, %jit3A_1398 : i32
    %sign3A_1400 = arith.constant 0 : i32
    %sign3A_1401 = arith.cmpi sgt, %add3A_1397, %sign3A_1400 : i32
    %sign3A_1402 = arith.extui %sign3A_1401 : i1 to i32
    %sign3A_1403 = arith.constant 0 : i32
    %sign3A_1404 = arith.cmpi slt, %add3A_1397, %sign3A_1403 : i32
    %sign3A_1405 = arith.extui %sign3A_1404 : i1 to i32
    %sign3A_1406 = arith.subi %sign3A_1402, %sign3A_1405 : i32
    %sign3A_1407 = arith.constant 0 : i32
    %sign3A_1408 = arith.cmpi sgt, %jit3A_1398, %sign3A_1407 : i32
    %sign3A_1409 = arith.extui %sign3A_1408 : i1 to i32
    %sign3A_1410 = arith.constant 0 : i32
    %sign3A_1411 = arith.cmpi slt, %jit3A_1398, %sign3A_1410 : i32
    %sign3A_1412 = arith.extui %sign3A_1411 : i1 to i32
    %sign3A_1413 = arith.subi %sign3A_1409, %sign3A_1412 : i32
    %ne3A_1414 = arith.cmpi ne, %sign3A_1406, %sign3A_1413 : i32
    %rem3A_1415 = arith.remsi %add3A_1397, %jit3A_1398 : i32
    %ne3A_1416 = arith.constant 0 : i32
    %ne3A_1417 = arith.cmpi ne, %rem3A_1415, %ne3A_1416 : i32
    %and3A_1418 = arith.andi %ne3A_1414, %ne3A_1417 : i1
    %sub3A_1419 = arith.constant 1 : i32
    %sub3A_1420 = arith.subi %div3A_1399, %sub3A_1419 : i32
    %select_n3A_1421 = arith.select %and3A_1418, %sub3A_1420, %div3A_1399 : i32
    %rem3A_1422 = arith.constant 8 : i32
    %rem3A_1423 = arith.remsi %select_n3A_1421, %rem3A_1422 : i32
    %mul3A_1424 = arith.constant 16 : i32
    %mul3A_1425 = arith.muli %rem3A_1423, %mul3A_1424 : i32
    %get3A_1426 = arith.index_cast %mul3A_1425 : i32 to index
    %get3A_1427 = tpu.vector_load %arg6[%get3A_1426] {strides = array<i32>} : memref<128xi32, #tpu.memory_space<vmem>>, vector<16xi32>,
    %get3A_1428 = vector.shape_cast %get3A_1427 : vector<16xi32> to vector<16xi32>
    %get3A_1429 = arith.constant 9 : i32
    %get3A_1430 = arith.index_cast %get3A_1429 : i32 to index
    %get3A_1431 = arith.constant 0 : index
    %get3A_1432 = tpu.vector_load %arg7[%get3A_1430, %get3A_1431] {strides = array<i32>} : memref<64x128xi32, #tpu.memory_space<vmem>>, vector<1x16xi32>,
    %get3A_1433 = vector.shape_cast %get3A_1432 : vector<1x16xi32> to vector<16xi32>
    %add3A_1434 = arith.addi %get3A_1433, %get3A_1428 : vector<16xi32>
    %swap3A_1435 = arith.constant 9 : i32
    %swap3A_1436 = arith.index_cast %swap3A_1435 : i32 to index
    %swap3A_1437 = arith.constant 0 : index
    %swap3A_1438 = tpu.vector_load %arg7[%swap3A_1436, %swap3A_1437] {strides = array<i32>} : memref<64x128xi32, #tpu.memory_space<vmem>>, vector<1x16xi32>,
    %swap3A_1439 = vector.shape_cast %swap3A_1438 : vector<1x16xi32> to vector<16xi32>
    %swap3A_1440 = vector.shape_cast %add3A_1434 : vector<16xi32> to vector<1x16xi32>
    tpu.vector_store %arg7[%swap3A_1436, %swap3A_1437], %swap3A_1440 {strides = array<i32>} : memref<64x128xi32, #tpu.memory_space<vmem>>, vector<1x16xi32>,
    %get3A_1441 = arith.constant 9 : i32
    %get3A_1442 = arith.index_cast %get3A_1441 : i32 to index
    %get3A_1443 = arith.constant 16 : index
    %get3A_1444 = tpu.vector_load %arg7[%get3A_1442, %get3A_1443] {strides = array<i32>} : memref<64x128xi32, #tpu.memory_space<vmem>>, vector<1x16xi32>,
    %get3A_1445 = vector.shape_cast %get3A_1444 : vector<1x16xi32> to vector<16xi32>
    %add3A_1446 = arith.addi %get3A_1445, %get3A_1428 : vector<16xi32>
    %swap3A_1447 = arith.constant 9 : i32
    %swap3A_1448 = arith.index_cast %swap3A_1447 : i32 to index
    %swap3A_1449 = arith.constant 16 : index
    %swap3A_1450 = tpu.vector_load %arg7[%swap3A_1448, %swap3A_1449] {strides = array<i32>} : memref<64x128xi32, #tpu.memory_space<vmem>>, vector<1x16xi32>,
    %swap3A_1451 = vector.shape_cast %swap3A_1450 : vector<1x16xi32> to vector<16xi32>
    %swap3A_1452 = vector.shape_cast %add3A_1446 : vector<16xi32> to vector<1x16xi32>
    tpu.vector_store %arg7[%swap3A_1448, %swap3A_1449], %swap3A_1452 {strides = array<i32>} : memref<64x128xi32, #tpu.memory_space<vmem>>, vector<1x16xi32>,
    %get3A_1453 = arith.constant 9 : i32
    %get3A_1454 = arith.index_cast %get3A_1453 : i32 to index
    %get3A_1455 = arith.constant 32 : index
    %get3A_1456 = tpu.vector_load %arg7[%get3A_1454, %get3A_1455] {strides = array<i32>} : memref<64x128xi32, #tpu.memory_space<vmem>>, vector<1x16xi32>,
    %get3A_1457 = vector.shape_cast %get3A_1456 : vector<1x16xi32> to vector<16xi32>
    %add3A_1458 = arith.addi %get3A_1457, %get3A_1428 : vector<16xi32>
    %swap3A_1459 = arith.constant 9 : i32
    %swap3A_1460 = arith.index_cast %swap3A_1459 : i32 to index
    %swap3A_1461 = arith.constant 32 : index
    %swap3A_1462 = tpu.vector_load %arg7[%swap3A_1460, %swap3A_1461] {strides = array<i32>} : memref<64x128xi32, #tpu.memory_space<vmem>>, vector<1x16xi32>,
    %swap3A_1463 = vector.shape_cast %swap3A_1462 : vector<1x16xi32> to vector<16xi32>
    %swap3A_1464 = vector.shape_cast %add3A_1458 : vector<16xi32> to vector<1x16xi32>
    tpu.vector_store %arg7[%swap3A_1460, %swap3A_1461], %swap3A_1464 {strides = array<i32>} : memref<64x128xi32, #tpu.memory_space<vmem>>, vector<1x16xi32>,
    %get3A_1465 = arith.constant 9 : i32
    %get3A_1466 = arith.index_cast %get3A_1465 : i32 to index
    %get3A_1467 = arith.constant 48 : index
    %get3A_1468 = tpu.vector_load %arg7[%get3A_1466, %get3A_1467] {strides = array<i32>} : memref<64x128xi32, #tpu.memory_space<vmem>>, vector<1x16xi32>,
    %get3A_1469 = vector.shape_cast %get3A_1468 : vector<1x16xi32> to vector<16xi32>
    %add3A_1470 = arith.addi %get3A_1469, %get3A_1428 : vector<16xi32>
    %swap3A_1471 = arith.constant 9 : i32
    %swap3A_1472 = arith.index_cast %swap3A_1471 : i32 to index
    %swap3A_1473 = arith.constant 48 : index
    %swap3A_1474 = tpu.vector_load %arg7[%swap3A_1472, %swap3A_1473] {strides = array<i32>} : memref<64x128xi32, #tpu.memory_space<vmem>>, vector<1x16xi32>,
    %swap3A_1475 = vector.shape_cast %swap3A_1474 : vector<1x16xi32> to vector<16xi32>
    %swap3A_1476 = vector.shape_cast %add3A_1470 : vector<16xi32> to vector<1x16xi32>
    tpu.vector_store %arg7[%swap3A_1472, %swap3A_1473], %swap3A_1476 {strides = array<i32>} : memref<64x128xi32, #tpu.memory_space<vmem>>, vector<1x16xi32>,
    %get3A_1477 = arith.constant 9 : i32
    %get3A_1478 = arith.index_cast %get3A_1477 : i32 to index
    %get3A_1479 = arith.constant 64 : index
    %get3A_1480 = tpu.vector_load %arg7[%get3A_1478, %get3A_1479] {strides = array<i32>} : memref<64x128xi32, #tpu.memory_space<vmem>>, vector<1x16xi32>,
    %get3A_1481 = vector.shape_cast %get3A_1480 : vector<1x16xi32> to vector<16xi32>
    %add3A_1482 = arith.addi %get3A_1481, %get3A_1428 : vector<16xi32>
    %swap3A_1483 = arith.constant 9 : i32
    %swap3A_1484 = arith.index_cast %swap3A_1483 : i32 to index
    %swap3A_1485 = arith.constant 64 : index
    %swap3A_1486 = tpu.vector_load %arg7[%swap3A_1484, %swap3A_1485] {strides = array<i32>} : memref<64x128xi32, #tpu.memory_space<vmem>>, vector<1x16xi32>,
    %swap3A_1487 = vector.shape_cast %swap3A_1486 : vector<1x16xi32> to vector<16xi32>
    %swap3A_1488 = vector.shape_cast %add3A_1482 : vector<16xi32> to vector<1x16xi32>
    tpu.vector_store %arg7[%swap3A_1484, %swap3A_1485], %swap3A_1488 {strides = array<i32>} : memref<64x128xi32, #tpu.memory_space<vmem>>, vector<1x16xi32>,
    %get3A_1489 = arith.constant 9 : i32
    %get3A_1490 = arith.index_cast %get3A_1489 : i32 to index
    %get3A_1491 = arith.constant 80 : index
    %get3A_1492 = tpu.vector_load %arg7[%get3A_1490, %get3A_1491] {strides = array<i32>} : memref<64x128xi32, #tpu.memory_space<vmem>>, vector<1x16xi32>,
    %get3A_1493 = vector.shape_cast %get3A_1492 : vector<1x16xi32> to vector<16xi32>
    %add3A_1494 = arith.addi %get3A_1493, %get3A_1428 : vector<16xi32>
    %swap3A_1495 = arith.constant 9 : i32
    %swap3A_1496 = arith.index_cast %swap3A_1495 : i32 to index
    %swap3A_1497 = arith.constant 80 : index
    %swap3A_1498 = tpu.vector_load %arg7[%swap3A_1496, %swap3A_1497] {strides = array<i32>} : memref<64x128xi32, #tpu.memory_space<vmem>>, vector<1x16xi32>,
    %swap3A_1499 = vector.shape_cast %swap3A_1498 : vector<1x16xi32> to vector<16xi32>
    %swap3A_1500 = vector.shape_cast %add3A_1494 : vector<16xi32> to vector<1x16xi32>
    tpu.vector_store %arg7[%swap3A_1496, %swap3A_1497], %swap3A_1500 {strides = array<i32>} : memref<64x128xi32, #tpu.memory_space<vmem>>, vector<1x16xi32>,
    %get3A_1501 = arith.constant 9 : i32
    %get3A_1502 = arith.index_cast %get3A_1501 : i32 to index
    %get3A_1503 = arith.constant 96 : index
    %get3A_1504 = tpu.vector_load %arg7[%get3A_1502, %get3A_1503] {strides = array<i32>} : memref<64x128xi32, #tpu.memory_space<vmem>>, vector<1x16xi32>,
    %get3A_1505 = vector.shape_cast %get3A_1504 : vector<1x16xi32> to vector<16xi32>
    %add3A_1506 = arith.addi %get3A_1505, %get3A_1428 : vector<16xi32>
    %swap3A_1507 = arith.constant 9 : i32
    %swap3A_1508 = arith.index_cast %swap3A_1507 : i32 to index
    %swap3A_1509 = arith.constant 96 : index
    %swap3A_1510 = tpu.vector_load %arg7[%swap3A_1508, %swap3A_1509] {strides = array<i32>} : memref<64x128xi32, #tpu.memory_space<vmem>>, vector<1x16xi32>,
    %swap3A_1511 = vector.shape_cast %swap3A_1510 : vector<1x16xi32> to vector<16xi32>
    %swap3A_1512 = vector.shape_cast %add3A_1506 : vector<16xi32> to vector<1x16xi32>
    tpu.vector_store %arg7[%swap3A_1508, %swap3A_1509], %swap3A_1512 {strides = array<i32>} : memref<64x128xi32, #tpu.memory_space<vmem>>, vector<1x16xi32>,
    %get3A_1513 = arith.constant 9 : i32
    %get3A_1514 = arith.index_cast %get3A_1513 : i32 to index
    %get3A_1515 = arith.constant 112 : index
    %get3A_1516 = tpu.vector_load %arg7[%get3A_1514, %get3A_1515] {strides = array<i32>} : memref<64x128xi32, #tpu.memory_space<vmem>>, vector<1x16xi32>,
    %get3A_1517 = vector.shape_cast %get3A_1516 : vector<1x16xi32> to vector<16xi32>
    %add3A_1518 = arith.addi %get3A_1517, %get3A_1428 : vector<16xi32>
    %swap3A_1519 = arith.constant 9 : i32
    %swap3A_1520 = arith.index_cast %swap3A_1519 : i32 to index
    %swap3A_1521 = arith.constant 112 : index
    %swap3A_1522 = tpu.vector_load %arg7[%swap3A_1520, %swap3A_1521] {strides = array<i32>} : memref<64x128xi32, #tpu.memory_space<vmem>>, vector<1x16xi32>,
    %swap3A_1523 = vector.shape_cast %swap3A_1522 : vector<1x16xi32> to vector<16xi32>
    %swap3A_1524 = vector.shape_cast %add3A_1518 : vector<16xi32> to vector<1x16xi32>
    tpu.vector_store %arg7[%swap3A_1520, %swap3A_1521], %swap3A_1524 {strides = array<i32>} : memref<64x128xi32, #tpu.memory_space<vmem>>, vector<1x16xi32>,
    %dma_wait3A_1525 = arith.constant 2 : i32
    %dma_wait3A_1526 = arith.constant 0 : i32
    %dma_wait3A_1527 = arith.constant 0 : i32
    %dma_wait3A_1528 = tpu.memref_slice %arg8[%dma_wait3A_1525, %dma_wait3A_1526, %dma_wait3A_1527] : memref<7x128x128xf32, #tpu.memory_space<vmem>> -> memref<1x128x128xf32, #tpu.memory_space<vmem>>
    %dma_wait3A_1529 = tpu.memref_squeeze %dma_wait3A_1528 : memref<1x128x128xf32, #tpu.memory_space<vmem>> -> memref<128x128xf32, #tpu.memory_space<vmem>>
    %dma_wait3A_1530 = arith.constant 0 : i32
    %dma_wait3A_1531 = tpu.memref_slice %arg5[%mul3A_2, %dma_wait3A_1530] : memref<262144x128xf32, #tpu.memory_space<hbm>> -> memref<128x128xf32, #tpu.memory_space<hbm>>
    %dma_wait3A_1532 = arith.constant 0 : i32
    %dma_wait3A_1533 = tpu.memref_slice %arg5[%mul3A_2, %dma_wait3A_1532] : memref<262144x128xf32, #tpu.memory_space<hbm>> -> memref<128x128xf32, #tpu.memory_space<hbm>>
    %dma_wait3A_1534 = arith.constant 0 : i32
    %dma_wait3A_1535 = arith.constant 0 : i32
    %dma_wait3A_1536 = tpu.memref_slice %arg8[%dma_wait3A_1525, %dma_wait3A_1534, %dma_wait3A_1535] : memref<7x128x128xf32, #tpu.memory_space<vmem>> -> memref<1x128x128xf32, #tpu.memory_space<vmem>>
    %dma_wait3A_1537 = tpu.memref_squeeze %dma_wait3A_1536 : memref<1x128x128xf32, #tpu.memory_space<vmem>> -> memref<128x128xf32, #tpu.memory_space<vmem>>
    tpu.wait_dma2 semaphore(%arg18 : memref<!tpu.dma_semaphore, #tpu.memory_space<semaphore_mem>>) src(%dma_wait3A_1537 : memref<128x128xf32, #tpu.memory_space<vmem>>) dst(%dma_wait3A_1533 : memref<128x128xf32, #tpu.memory_space<hbm>>)
    %dma_start3A_1538 = arith.constant 9 : i32
    %dma_start3A_1539 = arith.constant 2 : i32
    %dma_start3A_1540 = arith.constant 0 : i32
    %dma_start3A_1541 = arith.constant 0 : i32
    %dma_start3A_1542 = tpu.memref_slice %arg8[%dma_start3A_1539, %dma_start3A_1540, %dma_start3A_1541] : memref<7x128x128xf32, #tpu.memory_space<vmem>> -> memref<1x128x128xf32, #tpu.memory_space<vmem>>
    %dma_start3A_1543 = tpu.memref_squeeze %dma_start3A_1542 : memref<1x128x128xf32, #tpu.memory_space<vmem>> -> memref<128x128xf32, #tpu.memory_space<vmem>>
    %dma_start3A_1544 = arith.constant 0 : i32
    %dma_start3A_1545 = tpu.memref_slice %arg7[%dma_start3A_1538, %dma_start3A_1544] : memref<64x128xi32, #tpu.memory_space<vmem>> -> memref<1x128xi32, #tpu.memory_space<vmem>>
    %dma_start3A_1546 = tpu.memref_squeeze %dma_start3A_1545 : memref<1x128xi32, #tpu.memory_space<vmem>> -> memref<128xi32, #tpu.memory_space<vmem>>
    %dma_start3A_1547 = arith.constant 0 : i32
    %dma_start3A_1548 = arith.constant 0 : i32
    %dma_start3A_1549 = tpu.memref_slice %arg4[%dma_start3A_1547, %dma_start3A_1548] : memref<32768x128xf32, #tpu.memory_space<hbm>> -> memref<32768x128xf32, #tpu.memory_space<hbm>>
    tpu.enqueue_indirect_dma source(%dma_start3A_1549 : memref<32768x128xf32, #tpu.memory_space<hbm>>) target(%dma_start3A_1543 : memref<128x128xf32, #tpu.memory_space<vmem>>) offsets(%dma_start3A_1546 : memref<128xi32, #tpu.memory_space<vmem>>) semaphore(%arg11 : memref<!tpu.dma_semaphore, #tpu.memory_space<semaphore_mem>>)
    %dma_wait3A_1550 = arith.constant 0 : i32
    %dma_wait3A_1551 = arith.constant 4 : i32
    %dma_wait3A_1552 = arith.constant 0 : i32
    %dma_wait3A_1553 = arith.constant 0 : i32
    %dma_wait3A_1554 = tpu.memref_slice %arg8[%dma_wait3A_1551, %dma_wait3A_1552, %dma_wait3A_1553] : memref<7x128x128xf32, #tpu.memory_space<vmem>> -> memref<1x128x128xf32, #tpu.memory_space<vmem>>
    %dma_wait3A_1555 = tpu.memref_squeeze %dma_wait3A_1554 : memref<1x128x128xf32, #tpu.memory_space<vmem>> -> memref<128x128xf32, #tpu.memory_space<vmem>>
    %dma_wait3A_1556 = arith.constant 0 : i32
    %dma_wait3A_1557 = tpu.memref_slice %arg7[%dma_wait3A_1550, %dma_wait3A_1556] : memref<64x128xi32, #tpu.memory_space<vmem>> -> memref<1x128xi32, #tpu.memory_space<vmem>>
    %dma_wait3A_1558 = tpu.memref_squeeze %dma_wait3A_1557 : memref<1x128xi32, #tpu.memory_space<vmem>> -> memref<128xi32, #tpu.memory_space<vmem>>
    %dma_wait3A_1559 = arith.constant 0 : i32
    %dma_wait3A_1560 = arith.constant 0 : i32
    %dma_wait3A_1561 = tpu.memref_slice %arg4[%dma_wait3A_1559, %dma_wait3A_1560] : memref<32768x128xf32, #tpu.memory_space<hbm>> -> memref<32768x128xf32, #tpu.memory_space<hbm>>
    tpu.wait_indirect_dma semaphore(%arg13 : memref<!tpu.dma_semaphore, #tpu.memory_space<semaphore_mem>>) src(%dma_wait3A_1561 : memref<32768x128xf32, #tpu.memory_space<hbm>>) dst(%dma_wait3A_1555 : memref<128x128xf32, #tpu.memory_space<vmem>>)
    %add3A_1562 = arith.constant 512 : i32
    %add3A_1563 = arith.addi %mul3A_2, %add3A_1562 : i32
    %dma_start3A_1564 = arith.constant 4 : i32
    %dma_start3A_1565 = arith.constant 0 : i32
    %dma_start3A_1566 = arith.constant 0 : i32
    %dma_start3A_1567 = tpu.memref_slice %arg8[%dma_start3A_1564, %dma_start3A_1565, %dma_start3A_1566] : memref<7x128x128xf32, #tpu.memory_space<vmem>> -> memref<1x128x128xf32, #tpu.memory_space<vmem>>
    %dma_start3A_1568 = tpu.memref_squeeze %dma_start3A_1567 : memref<1x128x128xf32, #tpu.memory_space<vmem>> -> memref<128x128xf32, #tpu.memory_space<vmem>>
    %dma_start3A_1569 = arith.constant 0 : i32
    %dma_start3A_1570 = tpu.memref_slice %arg5[%add3A_1563, %dma_start3A_1569] : memref<262144x128xf32, #tpu.memory_space<hbm>> -> memref<128x128xf32, #tpu.memory_space<hbm>>
    %dma_start3A_1571 = arith.constant 0 : i32
    %dma_start3A_1572 = tpu.memref_slice %arg5[%add3A_1563, %dma_start3A_1571] : memref<262144x128xf32, #tpu.memory_space<hbm>> -> memref<128x128xf32, #tpu.memory_space<hbm>>
    %dma_start3A_1573 = arith.constant 0 : i32
    %dma_start3A_1574 = arith.constant 0 : i32
    %dma_start3A_1575 = tpu.memref_slice %arg8[%dma_start3A_1564, %dma_start3A_1573, %dma_start3A_1574] : memref<7x128x128xf32, #tpu.memory_space<vmem>> -> memref<1x128x128xf32, #tpu.memory_space<vmem>>
    %dma_start3A_1576 = tpu.memref_squeeze %dma_start3A_1575 : memref<1x128x128xf32, #tpu.memory_space<vmem>> -> memref<128x128xf32, #tpu.memory_space<vmem>>
    tpu.enqueue_dma source(%dma_start3A_1576 : memref<128x128xf32, #tpu.memory_space<vmem>>) target(%dma_start3A_1572 : memref<128x128xf32, #tpu.memory_space<hbm>>) target_semaphore(%arg20 : memref<!tpu.dma_semaphore, #tpu.memory_space<semaphore_mem>>)
    %add3A_1577 = arith.constant 1280 : i32
    %add3A_1578 = arith.addi %mul3A_2, %add3A_1577 : i32
    %jit3A_1579 = arith.constant 2048 : i32
    %div3A_1580 = arith.divsi %add3A_1578, %jit3A_1579 : i32
    %sign3A_1581 = arith.constant 0 : i32
    %sign3A_1582 = arith.cmpi sgt, %add3A_1578, %sign3A_1581 : i32
    %sign3A_1583 = arith.extui %sign3A_1582 : i1 to i32
    %sign3A_1584 = arith.constant 0 : i32
    %sign3A_1585 = arith.cmpi slt, %add3A_1578, %sign3A_1584 : i32
    %sign3A_1586 = arith.extui %sign3A_1585 : i1 to i32
    %sign3A_1587 = arith.subi %sign3A_1583, %sign3A_1586 : i32
    %sign3A_1588 = arith.constant 0 : i32
    %sign3A_1589 = arith.cmpi sgt, %jit3A_1579, %sign3A_1588 : i32
    %sign3A_1590 = arith.extui %sign3A_1589 : i1 to i32
    %sign3A_1591 = arith.constant 0 : i32
    %sign3A_1592 = arith.cmpi slt, %jit3A_1579, %sign3A_1591 : i32
    %sign3A_1593 = arith.extui %sign3A_1592 : i1 to i32
    %sign3A_1594 = arith.subi %sign3A_1590, %sign3A_1593 : i32
    %ne3A_1595 = arith.cmpi ne, %sign3A_1587, %sign3A_1594 : i32
    %rem3A_1596 = arith.remsi %add3A_1578, %jit3A_1579 : i32
    %ne3A_1597 = arith.constant 0 : i32
    %ne3A_1598 = arith.cmpi ne, %rem3A_1596, %ne3A_1597 : i32
    %and3A_1599 = arith.andi %ne3A_1595, %ne3A_1598 : i1
    %sub3A_1600 = arith.constant 1 : i32
    %sub3A_1601 = arith.subi %div3A_1580, %sub3A_1600 : i32
    %select_n3A_1602 = arith.select %and3A_1599, %sub3A_1601, %div3A_1580 : i32
    %rem3A_1603 = arith.constant 8 : i32
    %rem3A_1604 = arith.remsi %select_n3A_1602, %rem3A_1603 : i32
    %mul3A_1605 = arith.constant 16 : i32
    %mul3A_1606 = arith.muli %rem3A_1604, %mul3A_1605 : i32
    %get3A_1607 = arith.index_cast %mul3A_1606 : i32 to index
    %get3A_1608 = tpu.vector_load %arg6[%get3A_1607] {strides = array<i32>} : memref<128xi32, #tpu.memory_space<vmem>>, vector<16xi32>,
    %get3A_1609 = vector.shape_cast %get3A_1608 : vector<16xi32> to vector<16xi32>
    %get3A_1610 = arith.constant 10 : i32
    %get3A_1611 = arith.index_cast %get3A_1610 : i32 to index
    %get3A_1612 = arith.constant 0 : index
    %get3A_1613 = tpu.vector_load %arg7[%get3A_1611, %get3A_1612] {strides = array<i32>} : memref<64x128xi32, #tpu.memory_space<vmem>>, vector<1x16xi32>,
    %get3A_1614 = vector.shape_cast %get3A_1613 : vector<1x16xi32> to vector<16xi32>
    %add3A_1615 = arith.addi %get3A_1614, %get3A_1609 : vector<16xi32>
    %swap3A_1616 = arith.constant 10 : i32
    %swap3A_1617 = arith.index_cast %swap3A_1616 : i32 to index
    %swap3A_1618 = arith.constant 0 : index
    %swap3A_1619 = tpu.vector_load %arg7[%swap3A_1617, %swap3A_1618] {strides = array<i32>} : memref<64x128xi32, #tpu.memory_space<vmem>>, vector<1x16xi32>,
    %swap3A_1620 = vector.shape_cast %swap3A_1619 : vector<1x16xi32> to vector<16xi32>
    %swap3A_1621 = vector.shape_cast %add3A_1615 : vector<16xi32> to vector<1x16xi32>
    tpu.vector_store %arg7[%swap3A_1617, %swap3A_1618], %swap3A_1621 {strides = array<i32>} : memref<64x128xi32, #tpu.memory_space<vmem>>, vector<1x16xi32>,
    %get3A_1622 = arith.constant 10 : i32
    %get3A_1623 = arith.index_cast %get3A_1622 : i32 to index
    %get3A_1624 = arith.constant 16 : index
    %get3A_1625 = tpu.vector_load %arg7[%get3A_1623, %get3A_1624] {strides = array<i32>} : memref<64x128xi32, #tpu.memory_space<vmem>>, vector<1x16xi32>,
    %get3A_1626 = vector.shape_cast %get3A_1625 : vector<1x16xi32> to vector<16xi32>
    %add3A_1627 = arith.addi %get3A_1626, %get3A_1609 : vector<16xi32>
    %swap3A_1628 = arith.constant 10 : i32
    %swap3A_1629 = arith.index_cast %swap3A_1628 : i32 to index
    %swap3A_1630 = arith.constant 16 : index
    %swap3A_1631 = tpu.vector_load %arg7[%swap3A_1629, %swap3A_1630] {strides = array<i32>} : memref<64x128xi32, #tpu.memory_space<vmem>>, vector<1x16xi32>,
    %swap3A_1632 = vector.shape_cast %swap3A_1631 : vector<1x16xi32> to vector<16xi32>
    %swap3A_1633 = vector.shape_cast %add3A_1627 : vector<16xi32> to vector<1x16xi32>
    tpu.vector_store %arg7[%swap3A_1629, %swap3A_1630], %swap3A_1633 {strides = array<i32>} : memref<64x128xi32, #tpu.memory_space<vmem>>, vector<1x16xi32>,
    %get3A_1634 = arith.constant 10 : i32
    %get3A_1635 = arith.index_cast %get3A_1634 : i32 to index
    %get3A_1636 = arith.constant 32 : index
    %get3A_1637 = tpu.vector_load %arg7[%get3A_1635, %get3A_1636] {strides = array<i32>} : memref<64x128xi32, #tpu.memory_space<vmem>>, vector<1x16xi32>,
    %get3A_1638 = vector.shape_cast %get3A_1637 : vector<1x16xi32> to vector<16xi32>
    %add3A_1639 = arith.addi %get3A_1638, %get3A_1609 : vector<16xi32>
    %swap3A_1640 = arith.constant 10 : i32
    %swap3A_1641 = arith.index_cast %swap3A_1640 : i32 to index
    %swap3A_1642 = arith.constant 32 : index
    %swap3A_1643 = tpu.vector_load %arg7[%swap3A_1641, %swap3A_1642] {strides = array<i32>} : memref<64x128xi32, #tpu.memory_space<vmem>>, vector<1x16xi32>,
    %swap3A_1644 = vector.shape_cast %swap3A_1643 : vector<1x16xi32> to vector<16xi32>
    %swap3A_1645 = vector.shape_cast %add3A_1639 : vector<16xi32> to vector<1x16xi32>
    tpu.vector_store %arg7[%swap3A_1641, %swap3A_1642], %swap3A_1645 {strides = array<i32>} : memref<64x128xi32, #tpu.memory_space<vmem>>, vector<1x16xi32>,
    %get3A_1646 = arith.constant 10 : i32
    %get3A_1647 = arith.index_cast %get3A_1646 : i32 to index
    %get3A_1648 = arith.constant 48 : index
    %get3A_1649 = tpu.vector_load %arg7[%get3A_1647, %get3A_1648] {strides = array<i32>} : memref<64x128xi32, #tpu.memory_space<vmem>>, vector<1x16xi32>,
    %get3A_1650 = vector.shape_cast %get3A_1649 : vector<1x16xi32> to vector<16xi32>
    %add3A_1651 = arith.addi %get3A_1650, %get3A_1609 : vector<16xi32>
    %swap3A_1652 = arith.constant 10 : i32
    %swap3A_1653 = arith.index_cast %swap3A_1652 : i32 to index
    %swap3A_1654 = arith.constant 48 : index
    %swap3A_1655 = tpu.vector_load %arg7[%swap3A_1653, %swap3A_1654] {strides = array<i32>} : memref<64x128xi32, #tpu.memory_space<vmem>>, vector<1x16xi32>,
    %swap3A_1656 = vector.shape_cast %swap3A_1655 : vector<1x16xi32> to vector<16xi32>
    %swap3A_1657 = vector.shape_cast %add3A_1651 : vector<16xi32> to vector<1x16xi32>
    tpu.vector_store %arg7[%swap3A_1653, %swap3A_1654], %swap3A_1657 {strides = array<i32>} : memref<64x128xi32, #tpu.memory_space<vmem>>, vector<1x16xi32>,
    %get3A_1658 = arith.constant 10 : i32
    %get3A_1659 = arith.index_cast %get3A_1658 : i32 to index
    %get3A_1660 = arith.constant 64 : index
    %get3A_1661 = tpu.vector_load %arg7[%get3A_1659, %get3A_1660] {strides = array<i32>} : memref<64x128xi32, #tpu.memory_space<vmem>>, vector<1x16xi32>,
    %get3A_1662 = vector.shape_cast %get3A_1661 : vector<1x16xi32> to vector<16xi32>
    %add3A_1663 = arith.addi %get3A_1662, %get3A_1609 : vector<16xi32>
    %swap3A_1664 = arith.constant 10 : i32
    %swap3A_1665 = arith.index_cast %swap3A_1664 : i32 to index
    %swap3A_1666 = arith.constant 64 : index
    %swap3A_1667 = tpu.vector_load %arg7[%swap3A_1665, %swap3A_1666] {strides = array<i32>} : memref<64x128xi32, #tpu.memory_space<vmem>>, vector<1x16xi32>,
    %swap3A_1668 = vector.shape_cast %swap3A_1667 : vector<1x16xi32> to vector<16xi32>
    %swap3A_1669 = vector.shape_cast %add3A_1663 : vector<16xi32> to vector<1x16xi32>
    tpu.vector_store %arg7[%swap3A_1665, %swap3A_1666], %swap3A_1669 {strides = array<i32>} : memref<64x128xi32, #tpu.memory_space<vmem>>, vector<1x16xi32>,
    %get3A_1670 = arith.constant 10 : i32
    %get3A_1671 = arith.index_cast %get3A_1670 : i32 to index
    %get3A_1672 = arith.constant 80 : index
    %get3A_1673 = tpu.vector_load %arg7[%get3A_1671, %get3A_1672] {strides = array<i32>} : memref<64x128xi32, #tpu.memory_space<vmem>>, vector<1x16xi32>,
    %get3A_1674 = vector.shape_cast %get3A_1673 : vector<1x16xi32> to vector<16xi32>
    %add3A_1675 = arith.addi %get3A_1674, %get3A_1609 : vector<16xi32>
    %swap3A_1676 = arith.constant 10 : i32
    %swap3A_1677 = arith.index_cast %swap3A_1676 : i32 to index
    %swap3A_1678 = arith.constant 80 : index
    %swap3A_1679 = tpu.vector_load %arg7[%swap3A_1677, %swap3A_1678] {strides = array<i32>} : memref<64x128xi32, #tpu.memory_space<vmem>>, vector<1x16xi32>,
    %swap3A_1680 = vector.shape_cast %swap3A_1679 : vector<1x16xi32> to vector<16xi32>
    %swap3A_1681 = vector.shape_cast %add3A_1675 : vector<16xi32> to vector<1x16xi32>
    tpu.vector_store %arg7[%swap3A_1677, %swap3A_1678], %swap3A_1681 {strides = array<i32>} : memref<64x128xi32, #tpu.memory_space<vmem>>, vector<1x16xi32>,
    %get3A_1682 = arith.constant 10 : i32
    %get3A_1683 = arith.index_cast %get3A_1682 : i32 to index
    %get3A_1684 = arith.constant 96 : index
    %get3A_1685 = tpu.vector_load %arg7[%get3A_1683, %get3A_1684] {strides = array<i32>} : memref<64x128xi32, #tpu.memory_space<vmem>>, vector<1x16xi32>,
    %get3A_1686 = vector.shape_cast %get3A_1685 : vector<1x16xi32> to vector<16xi32>
    %add3A_1687 = arith.addi %get3A_1686, %get3A_1609 : vector<16xi32>
    %swap3A_1688 = arith.constant 10 : i32
    %swap3A_1689 = arith.index_cast %swap3A_1688 : i32 to index
    %swap3A_1690 = arith.constant 96 : index
    %swap3A_1691 = tpu.vector_load %arg7[%swap3A_1689, %swap3A_1690] {strides = array<i32>} : memref<64x128xi32, #tpu.memory_space<vmem>>, vector<1x16xi32>,
    %swap3A_1692 = vector.shape_cast %swap3A_1691 : vector<1x16xi32> to vector<16xi32>
    %swap3A_1693 = vector.shape_cast %add3A_1687 : vector<16xi32> to vector<1x16xi32>
    tpu.vector_store %arg7[%swap3A_1689, %swap3A_1690], %swap3A_1693 {strides = array<i32>} : memref<64x128xi32, #tpu.memory_space<vmem>>, vector<1x16xi32>,
    %get3A_1694 = arith.constant 10 : i32
    %get3A_1695 = arith.index_cast %get3A_1694 : i32 to index
    %get3A_1696 = arith.constant 112 : index
    %get3A_1697 = tpu.vector_load %arg7[%get3A_1695, %get3A_1696] {strides = array<i32>} : memref<64x128xi32, #tpu.memory_space<vmem>>, vector<1x16xi32>,
    %get3A_1698 = vector.shape_cast %get3A_1697 : vector<1x16xi32> to vector<16xi32>
    %add3A_1699 = arith.addi %get3A_1698, %get3A_1609 : vector<16xi32>
    %swap3A_1700 = arith.constant 10 : i32
    %swap3A_1701 = arith.index_cast %swap3A_1700 : i32 to index
    %swap3A_1702 = arith.constant 112 : index
    %swap3A_1703 = tpu.vector_load %arg7[%swap3A_1701, %swap3A_1702] {strides = array<i32>} : memref<64x128xi32, #tpu.memory_space<vmem>>, vector<1x16xi32>,
    %swap3A_1704 = vector.shape_cast %swap3A_1703 : vector<1x16xi32> to vector<16xi32>
    %swap3A_1705 = vector.shape_cast %add3A_1699 : vector<16xi32> to vector<1x16xi32>
    tpu.vector_store %arg7[%swap3A_1701, %swap3A_1702], %swap3A_1705 {strides = array<i32>} : memref<64x128xi32, #tpu.memory_space<vmem>>, vector<1x16xi32>,
    %dma_wait3A_1706 = arith.constant 3 : i32
    %dma_wait3A_1707 = arith.constant 0 : i32
    %dma_wait3A_1708 = arith.constant 0 : i32
    %dma_wait3A_1709 = tpu.memref_slice %arg8[%dma_wait3A_1706, %dma_wait3A_1707, %dma_wait3A_1708] : memref<7x128x128xf32, #tpu.memory_space<vmem>> -> memref<1x128x128xf32, #tpu.memory_space<vmem>>
    %dma_wait3A_1710 = tpu.memref_squeeze %dma_wait3A_1709 : memref<1x128x128xf32, #tpu.memory_space<vmem>> -> memref<128x128xf32, #tpu.memory_space<vmem>>
    %dma_wait3A_1711 = arith.constant 0 : i32
    %dma_wait3A_1712 = tpu.memref_slice %arg5[%mul3A_2, %dma_wait3A_1711] : memref<262144x128xf32, #tpu.memory_space<hbm>> -> memref<128x128xf32, #tpu.memory_space<hbm>>
    %dma_wait3A_1713 = arith.constant 0 : i32
    %dma_wait3A_1714 = tpu.memref_slice %arg5[%mul3A_2, %dma_wait3A_1713] : memref<262144x128xf32, #tpu.memory_space<hbm>> -> memref<128x128xf32, #tpu.memory_space<hbm>>
    %dma_wait3A_1715 = arith.constant 0 : i32
    %dma_wait3A_1716 = arith.constant 0 : i32
    %dma_wait3A_1717 = tpu.memref_slice %arg8[%dma_wait3A_1706, %dma_wait3A_1715, %dma_wait3A_1716] : memref<7x128x128xf32, #tpu.memory_space<vmem>> -> memref<1x128x128xf32, #tpu.memory_space<vmem>>
    %dma_wait3A_1718 = tpu.memref_squeeze %dma_wait3A_1717 : memref<1x128x128xf32, #tpu.memory_space<vmem>> -> memref<128x128xf32, #tpu.memory_space<vmem>>
    tpu.wait_dma2 semaphore(%arg19 : memref<!tpu.dma_semaphore, #tpu.memory_space<semaphore_mem>>) src(%dma_wait3A_1718 : memref<128x128xf32, #tpu.memory_space<vmem>>) dst(%dma_wait3A_1714 : memref<128x128xf32, #tpu.memory_space<hbm>>)
    %dma_start3A_1719 = arith.constant 10 : i32
    %dma_start3A_1720 = arith.constant 3 : i32
    %dma_start3A_1721 = arith.constant 0 : i32
    %dma_start3A_1722 = arith.constant 0 : i32
    %dma_start3A_1723 = tpu.memref_slice %arg8[%dma_start3A_1720, %dma_start3A_1721, %dma_start3A_1722] : memref<7x128x128xf32, #tpu.memory_space<vmem>> -> memref<1x128x128xf32, #tpu.memory_space<vmem>>
    %dma_start3A_1724 = tpu.memref_squeeze %dma_start3A_1723 : memref<1x128x128xf32, #tpu.memory_space<vmem>> -> memref<128x128xf32, #tpu.memory_space<vmem>>
    %dma_start3A_1725 = arith.constant 0 : i32
    %dma_start3A_1726 = tpu.memref_slice %arg7[%dma_start3A_1719, %dma_start3A_1725] : memref<64x128xi32, #tpu.memory_space<vmem>> -> memref<1x128xi32, #tpu.memory_space<vmem>>
    %dma_start3A_1727 = tpu.memref_squeeze %dma_start3A_1726 : memref<1x128xi32, #tpu.memory_space<vmem>> -> memref<128xi32, #tpu.memory_space<vmem>>
    %dma_start3A_1728 = arith.constant 0 : i32
    %dma_start3A_1729 = arith.constant 0 : i32
    %dma_start3A_1730 = tpu.memref_slice %arg4[%dma_start3A_1728, %dma_start3A_1729] : memref<32768x128xf32, #tpu.memory_space<hbm>> -> memref<32768x128xf32, #tpu.memory_space<hbm>>
    tpu.enqueue_indirect_dma source(%dma_start3A_1730 : memref<32768x128xf32, #tpu.memory_space<hbm>>) target(%dma_start3A_1724 : memref<128x128xf32, #tpu.memory_space<vmem>>) offsets(%dma_start3A_1727 : memref<128xi32, #tpu.memory_space<vmem>>) semaphore(%arg12 : memref<!tpu.dma_semaphore, #tpu.memory_space<semaphore_mem>>)
    %dma_wait3A_1731 = arith.constant 0 : i32
    %dma_wait3A_1732 = arith.constant 5 : i32
    %dma_wait3A_1733 = arith.constant 0 : i32
    %dma_wait3A_1734 = arith.constant 0 : i32
    %dma_wait3A_1735 = tpu.memref_slice %arg8[%dma_wait3A_1732, %dma_wait3A_1733, %dma_wait3A_1734] : memref<7x128x128xf32, #tpu.memory_space<vmem>> -> memref<1x128x128xf32, #tpu.memory_space<vmem>>
    %dma_wait3A_1736 = tpu.memref_squeeze %dma_wait3A_1735 : memref<1x128x128xf32, #tpu.memory_space<vmem>> -> memref<128x128xf32, #tpu.memory_space<vmem>>
    %dma_wait3A_1737 = arith.constant 0 : i32
    %dma_wait3A_1738 = tpu.memref_slice %arg7[%dma_wait3A_1731, %dma_wait3A_1737] : memref<64x128xi32, #tpu.memory_space<vmem>> -> memref<1x128xi32, #tpu.memory_space<vmem>>
    %dma_wait3A_1739 = tpu.memref_squeeze %dma_wait3A_1738 : memref<1x128xi32, #tpu.memory_space<vmem>> -> memref<128xi32, #tpu.memory_space<vmem>>
    %dma_wait3A_1740 = arith.constant 0 : i32
    %dma_wait3A_1741 = arith.constant 0 : i32
    %dma_wait3A_1742 = tpu.memref_slice %arg4[%dma_wait3A_1740, %dma_wait3A_1741] : memref<32768x128xf32, #tpu.memory_space<hbm>> -> memref<32768x128xf32, #tpu.memory_space<hbm>>
    tpu.wait_indirect_dma semaphore(%arg14 : memref<!tpu.dma_semaphore, #tpu.memory_space<semaphore_mem>>) src(%dma_wait3A_1742 : memref<32768x128xf32, #tpu.memory_space<hbm>>) dst(%dma_wait3A_1736 : memref<128x128xf32, #tpu.memory_space<vmem>>)
    %add3A_1743 = arith.constant 640 : i32
    %add3A_1744 = arith.addi %mul3A_2, %add3A_1743 : i32
    %dma_start3A_1745 = arith.constant 5 : i32
    %dma_start3A_1746 = arith.constant 0 : i32
    %dma_start3A_1747 = arith.constant 0 : i32
    %dma_start3A_1748 = tpu.memref_slice %arg8[%dma_start3A_1745, %dma_start3A_1746, %dma_start3A_1747] : memref<7x128x128xf32, #tpu.memory_space<vmem>> -> memref<1x128x128xf32, #tpu.memory_space<vmem>>
    %dma_start3A_1749 = tpu.memref_squeeze %dma_start3A_1748 : memref<1x128x128xf32, #tpu.memory_space<vmem>> -> memref<128x128xf32, #tpu.memory_space<vmem>>
    %dma_start3A_1750 = arith.constant 0 : i32
    %dma_start3A_1751 = tpu.memref_slice %arg5[%add3A_1744, %dma_start3A_1750] : memref<262144x128xf32, #tpu.memory_space<hbm>> -> memref<128x128xf32, #tpu.memory_space<hbm>>
    %dma_start3A_1752 = arith.constant 0 : i32
    %dma_start3A_1753 = tpu.memref_slice %arg5[%add3A_1744, %dma_start3A_1752] : memref<262144x128xf32, #tpu.memory_space<hbm>> -> memref<128x128xf32, #tpu.memory_space<hbm>>
    %dma_start3A_1754 = arith.constant 0 : i32
    %dma_start3A_1755 = arith.constant 0 : i32
    %dma_start3A_1756 = tpu.memref_slice %arg8[%dma_start3A_1745, %dma_start3A_1754, %dma_start3A_1755] : memref<7x128x128xf32, #tpu.memory_space<vmem>> -> memref<1x128x128xf32, #tpu.memory_space<vmem>>
    %dma_start3A_1757 = tpu.memref_squeeze %dma_start3A_1756 : memref<1x128x128xf32, #tpu.memory_space<vmem>> -> memref<128x128xf32, #tpu.memory_space<vmem>>
    tpu.enqueue_dma source(%dma_start3A_1757 : memref<128x128xf32, #tpu.memory_space<vmem>>) target(%dma_start3A_1753 : memref<128x128xf32, #tpu.memory_space<hbm>>) target_semaphore(%arg21 : memref<!tpu.dma_semaphore, #tpu.memory_space<semaphore_mem>>)
    %add3A_1758 = arith.constant 1408 : i32
    %add3A_1759 = arith.addi %mul3A_2, %add3A_1758 : i32
    %jit3A_1760 = arith.constant 2048 : i32
    %div3A_1761 = arith.divsi %add3A_1759, %jit3A_1760 : i32
    %sign3A_1762 = arith.constant 0 : i32
    %sign3A_1763 = arith.cmpi sgt, %add3A_1759, %sign3A_1762 : i32
    %sign3A_1764 = arith.extui %sign3A_1763 : i1 to i32
    %sign3A_1765 = arith.constant 0 : i32
    %sign3A_1766 = arith.cmpi slt, %add3A_1759, %sign3A_1765 : i32
    %sign3A_1767 = arith.extui %sign3A_1766 : i1 to i32
    %sign3A_1768 = arith.subi %sign3A_1764, %sign3A_1767 : i32
    %sign3A_1769 = arith.constant 0 : i32
    %sign3A_1770 = arith.cmpi sgt, %jit3A_1760, %sign3A_1769 : i32
    %sign3A_1771 = arith.extui %sign3A_1770 : i1 to i32
    %sign3A_1772 = arith.constant 0 : i32
    %sign3A_1773 = arith.cmpi slt, %jit3A_1760, %sign3A_1772 : i32
    %sign3A_1774 = arith.extui %sign3A_1773 : i1 to i32
    %sign3A_1775 = arith.subi %sign3A_1771, %sign3A_1774 : i32
    %ne3A_1776 = arith.cmpi ne, %sign3A_1768, %sign3A_1775 : i32
    %rem3A_1777 = arith.remsi %add3A_1759, %jit3A_1760 : i32
    %ne3A_1778 = arith.constant 0 : i32
    %ne3A_1779 = arith.cmpi ne, %rem3A_1777, %ne3A_1778 : i32
    %and3A_1780 = arith.andi %ne3A_1776, %ne3A_1779 : i1
    %sub3A_1781 = arith.constant 1 : i32
    %sub3A_1782 = arith.subi %div3A_1761, %sub3A_1781 : i32
    %select_n3A_1783 = arith.select %and3A_1780, %sub3A_1782, %div3A_1761 : i32
    %rem3A_1784 = arith.constant 8 : i32
    %rem3A_1785 = arith.remsi %select_n3A_1783, %rem3A_1784 : i32
    %mul3A_1786 = arith.constant 16 : i32
    %mul3A_1787 = arith.muli %rem3A_1785, %mul3A_1786 : i32
    %get3A_1788 = arith.index_cast %mul3A_1787 : i32 to index
    %get3A_1789 = tpu.vector_load %arg6[%get3A_1788] {strides = array<i32>} : memref<128xi32, #tpu.memory_space<vmem>>, vector<16xi32>,
    %get3A_1790 = vector.shape_cast %get3A_1789 : vector<16xi32> to vector<16xi32>
    %get3A_1791 = arith.constant 11 : i32
    %get3A_1792 = arith.index_cast %get3A_1791 : i32 to index
    %get3A_1793 = arith.constant 0 : index
    %get3A_1794 = tpu.vector_load %arg7[%get3A_1792, %get3A_1793] {strides = array<i32>} : memref<64x128xi32, #tpu.memory_space<vmem>>, vector<1x16xi32>,
    %get3A_1795 = vector.shape_cast %get3A_1794 : vector<1x16xi32> to vector<16xi32>
    %add3A_1796 = arith.addi %get3A_1795, %get3A_1790 : vector<16xi32>
    %swap3A_1797 = arith.constant 11 : i32
    %swap3A_1798 = arith.index_cast %swap3A_1797 : i32 to index
    %swap3A_1799 = arith.constant 0 : index
    %swap3A_1800 = tpu.vector_load %arg7[%swap3A_1798, %swap3A_1799] {strides = array<i32>} : memref<64x128xi32, #tpu.memory_space<vmem>>, vector<1x16xi32>,
    %swap3A_1801 = vector.shape_cast %swap3A_1800 : vector<1x16xi32> to vector<16xi32>
    %swap3A_1802 = vector.shape_cast %add3A_1796 : vector<16xi32> to vector<1x16xi32>
    tpu.vector_store %arg7[%swap3A_1798, %swap3A_1799], %swap3A_1802 {strides = array<i32>} : memref<64x128xi32, #tpu.memory_space<vmem>>, vector<1x16xi32>,
    %get3A_1803 = arith.constant 11 : i32
    %get3A_1804 = arith.index_cast %get3A_1803 : i32 to index
    %get3A_1805 = arith.constant 16 : index
    %get3A_1806 = tpu.vector_load %arg7[%get3A_1804, %get3A_1805] {strides = array<i32>} : memref<64x128xi32, #tpu.memory_space<vmem>>, vector<1x16xi32>,
    %get3A_1807 = vector.shape_cast %get3A_1806 : vector<1x16xi32> to vector<16xi32>
    %add3A_1808 = arith.addi %get3A_1807, %get3A_1790 : vector<16xi32>
    %swap3A_1809 = arith.constant 11 : i32
    %swap3A_1810 = arith.index_cast %swap3A_1809 : i32 to index
    %swap3A_1811 = arith.constant 16 : index
    %swap3A_1812 = tpu.vector_load %arg7[%swap3A_1810, %swap3A_1811] {strides = array<i32>} : memref<64x128xi32, #tpu.memory_space<vmem>>, vector<1x16xi32>,
    %swap3A_1813 = vector.shape_cast %swap3A_1812 : vector<1x16xi32> to vector<16xi32>
    %swap3A_1814 = vector.shape_cast %add3A_1808 : vector<16xi32> to vector<1x16xi32>
    tpu.vector_store %arg7[%swap3A_1810, %swap3A_1811], %swap3A_1814 {strides = array<i32>} : memref<64x128xi32, #tpu.memory_space<vmem>>, vector<1x16xi32>,
    %get3A_1815 = arith.constant 11 : i32
    %get3A_1816 = arith.index_cast %get3A_1815 : i32 to index
    %get3A_1817 = arith.constant 32 : index
    %get3A_1818 = tpu.vector_load %arg7[%get3A_1816, %get3A_1817] {strides = array<i32>} : memref<64x128xi32, #tpu.memory_space<vmem>>, vector<1x16xi32>,
    %get3A_1819 = vector.shape_cast %get3A_1818 : vector<1x16xi32> to vector<16xi32>
    %add3A_1820 = arith.addi %get3A_1819, %get3A_1790 : vector<16xi32>
    %swap3A_1821 = arith.constant 11 : i32
    %swap3A_1822 = arith.index_cast %swap3A_1821 : i32 to index
    %swap3A_1823 = arith.constant 32 : index
    %swap3A_1824 = tpu.vector_load %arg7[%swap3A_1822, %swap3A_1823] {strides = array<i32>} : memref<64x128xi32, #tpu.memory_space<vmem>>, vector<1x16xi32>,
    %swap3A_1825 = vector.shape_cast %swap3A_1824 : vector<1x16xi32> to vector<16xi32>
    %swap3A_1826 = vector.shape_cast %add3A_1820 : vector<16xi32> to vector<1x16xi32>
    tpu.vector_store %arg7[%swap3A_1822, %swap3A_1823], %swap3A_1826 {strides = array<i32>} : memref<64x128xi32, #tpu.memory_space<vmem>>, vector<1x16xi32>,
    %get3A_1827 = arith.constant 11 : i32
    %get3A_1828 = arith.index_cast %get3A_1827 : i32 to index
    %get3A_1829 = arith.constant 48 : index
    %get3A_1830 = tpu.vector_load %arg7[%get3A_1828, %get3A_1829] {strides = array<i32>} : memref<64x128xi32, #tpu.memory_space<vmem>>, vector<1x16xi32>,
    %get3A_1831 = vector.shape_cast %get3A_1830 : vector<1x16xi32> to vector<16xi32>
    %add3A_1832 = arith.addi %get3A_1831, %get3A_1790 : vector<16xi32>
    %swap3A_1833 = arith.constant 11 : i32
    %swap3A_1834 = arith.index_cast %swap3A_1833 : i32 to index
    %swap3A_1835 = arith.constant 48 : index
    %swap3A_1836 = tpu.vector_load %arg7[%swap3A_1834, %swap3A_1835] {strides = array<i32>} : memref<64x128xi32, #tpu.memory_space<vmem>>, vector<1x16xi32>,
    %swap3A_1837 = vector.shape_cast %swap3A_1836 : vector<1x16xi32> to vector<16xi32>
    %swap3A_1838 = vector.shape_cast %add3A_1832 : vector<16xi32> to vector<1x16xi32>
    tpu.vector_store %arg7[%swap3A_1834, %swap3A_1835], %swap3A_1838 {strides = array<i32>} : memref<64x128xi32, #tpu.memory_space<vmem>>, vector<1x16xi32>,
    %get3A_1839 = arith.constant 11 : i32
    %get3A_1840 = arith.index_cast %get3A_1839 : i32 to index
    %get3A_1841 = arith.constant 64 : index
    %get3A_1842 = tpu.vector_load %arg7[%get3A_1840, %get3A_1841] {strides = array<i32>} : memref<64x128xi32, #tpu.memory_space<vmem>>, vector<1x16xi32>,
    %get3A_1843 = vector.shape_cast %get3A_1842 : vector<1x16xi32> to vector<16xi32>
    %add3A_1844 = arith.addi %get3A_1843, %get3A_1790 : vector<16xi32>
    %swap3A_1845 = arith.constant 11 : i32
    %swap3A_1846 = arith.index_cast %swap3A_1845 : i32 to index
    %swap3A_1847 = arith.constant 64 : index
    %swap3A_1848 = tpu.vector_load %arg7[%swap3A_1846, %swap3A_1847] {strides = array<i32>} : memref<64x128xi32, #tpu.memory_space<vmem>>, vector<1x16xi32>,
    %swap3A_1849 = vector.shape_cast %swap3A_1848 : vector<1x16xi32> to vector<16xi32>
    %swap3A_1850 = vector.shape_cast %add3A_1844 : vector<16xi32> to vector<1x16xi32>
    tpu.vector_store %arg7[%swap3A_1846, %swap3A_1847], %swap3A_1850 {strides = array<i32>} : memref<64x128xi32, #tpu.memory_space<vmem>>, vector<1x16xi32>,
    %get3A_1851 = arith.constant 11 : i32
    %get3A_1852 = arith.index_cast %get3A_1851 : i32 to index
    %get3A_1853 = arith.constant 80 : index
    %get3A_1854 = tpu.vector_load %arg7[%get3A_1852, %get3A_1853] {strides = array<i32>} : memref<64x128xi32, #tpu.memory_space<vmem>>, vector<1x16xi32>,
    %get3A_1855 = vector.shape_cast %get3A_1854 : vector<1x16xi32> to vector<16xi32>
    %add3A_1856 = arith.addi %get3A_1855, %get3A_1790 : vector<16xi32>
    %swap3A_1857 = arith.constant 11 : i32
    %swap3A_1858 = arith.index_cast %swap3A_1857 : i32 to index
    %swap3A_1859 = arith.constant 80 : index
    %swap3A_1860 = tpu.vector_load %arg7[%swap3A_1858, %swap3A_1859] {strides = array<i32>} : memref<64x128xi32, #tpu.memory_space<vmem>>, vector<1x16xi32>,
    %swap3A_1861 = vector.shape_cast %swap3A_1860 : vector<1x16xi32> to vector<16xi32>
    %swap3A_1862 = vector.shape_cast %add3A_1856 : vector<16xi32> to vector<1x16xi32>
    tpu.vector_store %arg7[%swap3A_1858, %swap3A_1859], %swap3A_1862 {strides = array<i32>} : memref<64x128xi32, #tpu.memory_space<vmem>>, vector<1x16xi32>,
    %get3A_1863 = arith.constant 11 : i32
    %get3A_1864 = arith.index_cast %get3A_1863 : i32 to index
    %get3A_1865 = arith.constant 96 : index
    %get3A_1866 = tpu.vector_load %arg7[%get3A_1864, %get3A_1865] {strides = array<i32>} : memref<64x128xi32, #tpu.memory_space<vmem>>, vector<1x16xi32>,
    %get3A_1867 = vector.shape_cast %get3A_1866 : vector<1x16xi32> to vector<16xi32>
    %add3A_1868 = arith.addi %get3A_1867, %get3A_1790 : vector<16xi32>
    %swap3A_1869 = arith.constant 11 : i32
    %swap3A_1870 = arith.index_cast %swap3A_1869 : i32 to index
    %swap3A_1871 = arith.constant 96 : index
    %swap3A_1872 = tpu.vector_load %arg7[%swap3A_1870, %swap3A_1871] {strides = array<i32>} : memref<64x128xi32, #tpu.memory_space<vmem>>, vector<1x16xi32>,
    %swap3A_1873 = vector.shape_cast %swap3A_1872 : vector<1x16xi32> to vector<16xi32>
    %swap3A_1874 = vector.shape_cast %add3A_1868 : vector<16xi32> to vector<1x16xi32>
    tpu.vector_store %arg7[%swap3A_1870, %swap3A_1871], %swap3A_1874 {strides = array<i32>} : memref<64x128xi32, #tpu.memory_space<vmem>>, vector<1x16xi32>,
    %get3A_1875 = arith.constant 11 : i32
    %get3A_1876 = arith.index_cast %get3A_1875 : i32 to index
    %get3A_1877 = arith.constant 112 : index
    %get3A_1878 = tpu.vector_load %arg7[%get3A_1876, %get3A_1877] {strides = array<i32>} : memref<64x128xi32, #tpu.memory_space<vmem>>, vector<1x16xi32>,
    %get3A_1879 = vector.shape_cast %get3A_1878 : vector<1x16xi32> to vector<16xi32>
    %add3A_1880 = arith.addi %get3A_1879, %get3A_1790 : vector<16xi32>
    %swap3A_1881 = arith.constant 11 : i32
    %swap3A_1882 = arith.index_cast %swap3A_1881 : i32 to index
    %swap3A_1883 = arith.constant 112 : index
    %swap3A_1884 = tpu.vector_load %arg7[%swap3A_1882, %swap3A_1883] {strides = array<i32>} : memref<64x128xi32, #tpu.memory_space<vmem>>, vector<1x16xi32>,
    %swap3A_1885 = vector.shape_cast %swap3A_1884 : vector<1x16xi32> to vector<16xi32>
    %swap3A_1886 = vector.shape_cast %add3A_1880 : vector<16xi32> to vector<1x16xi32>
    tpu.vector_store %arg7[%swap3A_1882, %swap3A_1883], %swap3A_1886 {strides = array<i32>} : memref<64x128xi32, #tpu.memory_space<vmem>>, vector<1x16xi32>,
    %dma_wait3A_1887 = arith.constant 4 : i32
    %dma_wait3A_1888 = arith.constant 0 : i32
    %dma_wait3A_1889 = arith.constant 0 : i32
    %dma_wait3A_1890 = tpu.memref_slice %arg8[%dma_wait3A_1887, %dma_wait3A_1888, %dma_wait3A_1889] : memref<7x128x128xf32, #tpu.memory_space<vmem>> -> memref<1x128x128xf32, #tpu.memory_space<vmem>>
    %dma_wait3A_1891 = tpu.memref_squeeze %dma_wait3A_1890 : memref<1x128x128xf32, #tpu.memory_space<vmem>> -> memref<128x128xf32, #tpu.memory_space<vmem>>
    %dma_wait3A_1892 = arith.constant 0 : i32
    %dma_wait3A_1893 = tpu.memref_slice %arg5[%mul3A_2, %dma_wait3A_1892] : memref<262144x128xf32, #tpu.memory_space<hbm>> -> memref<128x128xf32, #tpu.memory_space<hbm>>
    %dma_wait3A_1894 = arith.constant 0 : i32
    %dma_wait3A_1895 = tpu.memref_slice %arg5[%mul3A_2, %dma_wait3A_1894] : memref<262144x128xf32, #tpu.memory_space<hbm>> -> memref<128x128xf32, #tpu.memory_space<hbm>>
    %dma_wait3A_1896 = arith.constant 0 : i32
    %dma_wait3A_1897 = arith.constant 0 : i32
    %dma_wait3A_1898 = tpu.memref_slice %arg8[%dma_wait3A_1887, %dma_wait3A_1896, %dma_wait3A_1897] : memref<7x128x128xf32, #tpu.memory_space<vmem>> -> memref<1x128x128xf32, #tpu.memory_space<vmem>>
    %dma_wait3A_1899 = tpu.memref_squeeze %dma_wait3A_1898 : memref<1x128x128xf32, #tpu.memory_space<vmem>> -> memref<128x128xf32, #tpu.memory_space<vmem>>
    tpu.wait_dma2 semaphore(%arg20 : memref<!tpu.dma_semaphore, #tpu.memory_space<semaphore_mem>>) src(%dma_wait3A_1899 : memref<128x128xf32, #tpu.memory_space<vmem>>) dst(%dma_wait3A_1895 : memref<128x128xf32, #tpu.memory_space<hbm>>)
    %dma_start3A_1900 = arith.constant 11 : i32
    %dma_start3A_1901 = arith.constant 4 : i32
    %dma_start3A_1902 = arith.constant 0 : i32
    %dma_start3A_1903 = arith.constant 0 : i32
    %dma_start3A_1904 = tpu.memref_slice %arg8[%dma_start3A_1901, %dma_start3A_1902, %dma_start3A_1903] : memref<7x128x128xf32, #tpu.memory_space<vmem>> -> memref<1x128x128xf32, #tpu.memory_space<vmem>>
    %dma_start3A_1905 = tpu.memref_squeeze %dma_start3A_1904 : memref<1x128x128xf32, #tpu.memory_space<vmem>> -> memref<128x128xf32, #tpu.memory_space<vmem>>
    %dma_start3A_1906 = arith.constant 0 : i32
    %dma_start3A_1907 = tpu.memref_slice %arg7[%dma_start3A_1900, %dma_start3A_1906] : memref<64x128xi32, #tpu.memory_space<vmem>> -> memref<1x128xi32, #tpu.memory_space<vmem>>
    %dma_start3A_1908 = tpu.memref_squeeze %dma_start3A_1907 : memref<1x128xi32, #tpu.memory_space<vmem>> -> memref<128xi32, #tpu.memory_space<vmem>>
    %dma_start3A_1909 = arith.constant 0 : i32
    %dma_start3A_1910 = arith.constant 0 : i32
    %dma_start3A_1911 = tpu.memref_slice %arg4[%dma_start3A_1909, %dma_start3A_1910] : memref<32768x128xf32, #tpu.memory_space<hbm>> -> memref<32768x128xf32, #tpu.memory_space<hbm>>
    tpu.enqueue_indirect_dma source(%dma_start3A_1911 : memref<32768x128xf32, #tpu.memory_space<hbm>>) target(%dma_start3A_1905 : memref<128x128xf32, #tpu.memory_space<vmem>>) offsets(%dma_start3A_1908 : memref<128xi32, #tpu.memory_space<vmem>>) semaphore(%arg13 : memref<!tpu.dma_semaphore, #tpu.memory_space<semaphore_mem>>)
    %dma_wait3A_1912 = arith.constant 0 : i32
    %dma_wait3A_1913 = arith.constant 6 : i32
    %dma_wait3A_1914 = arith.constant 0 : i32
    %dma_wait3A_1915 = arith.constant 0 : i32
    %dma_wait3A_1916 = tpu.memref_slice %arg8[%dma_wait3A_1913, %dma_wait3A_1914, %dma_wait3A_1915] : memref<7x128x128xf32, #tpu.memory_space<vmem>> -> memref<1x128x128xf32, #tpu.memory_space<vmem>>
    %dma_wait3A_1917 = tpu.memref_squeeze %dma_wait3A_1916 : memref<1x128x128xf32, #tpu.memory_space<vmem>> -> memref<128x128xf32, #tpu.memory_space<vmem>>
    %dma_wait3A_1918 = arith.constant 0 : i32
    %dma_wait3A_1919 = tpu.memref_slice %arg7[%dma_wait3A_1912, %dma_wait3A_1918] : memref<64x128xi32, #tpu.memory_space<vmem>> -> memref<1x128xi32, #tpu.memory_space<vmem>>
    %dma_wait3A_1920 = tpu.memref_squeeze %dma_wait3A_1919 : memref<1x128xi32, #tpu.memory_space<vmem>> -> memref<128xi32, #tpu.memory_space<vmem>>
    %dma_wait3A_1921 = arith.constant 0 : i32
    %dma_wait3A_1922 = arith.constant 0 : i32
    %dma_wait3A_1923 = tpu.memref_slice %arg4[%dma_wait3A_1921, %dma_wait3A_1922] : memref<32768x128xf32, #tpu.memory_space<hbm>> -> memref<32768x128xf32, #tpu.memory_space<hbm>>
    tpu.wait_indirect_dma semaphore(%arg15 : memref<!tpu.dma_semaphore, #tpu.memory_space<semaphore_mem>>) src(%dma_wait3A_1923 : memref<32768x128xf32, #tpu.memory_space<hbm>>) dst(%dma_wait3A_1917 : memref<128x128xf32, #tpu.memory_space<vmem>>)
    %add3A_1924 = arith.constant 768 : i32
    %add3A_1925 = arith.addi %mul3A_2, %add3A_1924 : i32
    %dma_start3A_1926 = arith.constant 6 : i32
    %dma_start3A_1927 = arith.constant 0 : i32
    %dma_start3A_1928 = arith.constant 0 : i32
    %dma_start3A_1929 = tpu.memref_slice %arg8[%dma_start3A_1926, %dma_start3A_1927, %dma_start3A_1928] : memref<7x128x128xf32, #tpu.memory_space<vmem>> -> memref<1x128x128xf32, #tpu.memory_space<vmem>>
    %dma_start3A_1930 = tpu.memref_squeeze %dma_start3A_1929 : memref<1x128x128xf32, #tpu.memory_space<vmem>> -> memref<128x128xf32, #tpu.memory_space<vmem>>
    %dma_start3A_1931 = arith.constant 0 : i32
    %dma_start3A_1932 = tpu.memref_slice %arg5[%add3A_1925, %dma_start3A_1931] : memref<262144x128xf32, #tpu.memory_space<hbm>> -> memref<128x128xf32, #tpu.memory_space<hbm>>
    %dma_start3A_1933 = arith.constant 0 : i32
    %dma_start3A_1934 = tpu.memref_slice %arg5[%add3A_1925, %dma_start3A_1933] : memref<262144x128xf32, #tpu.memory_space<hbm>> -> memref<128x128xf32, #tpu.memory_space<hbm>>
    %dma_start3A_1935 = arith.constant 0 : i32
    %dma_start3A_1936 = arith.constant 0 : i32
    %dma_start3A_1937 = tpu.memref_slice %arg8[%dma_start3A_1926, %dma_start3A_1935, %dma_start3A_1936] : memref<7x128x128xf32, #tpu.memory_space<vmem>> -> memref<1x128x128xf32, #tpu.memory_space<vmem>>
    %dma_start3A_1938 = tpu.memref_squeeze %dma_start3A_1937 : memref<1x128x128xf32, #tpu.memory_space<vmem>> -> memref<128x128xf32, #tpu.memory_space<vmem>>
    tpu.enqueue_dma source(%dma_start3A_1938 : memref<128x128xf32, #tpu.memory_space<vmem>>) target(%dma_start3A_1934 : memref<128x128xf32, #tpu.memory_space<hbm>>) target_semaphore(%arg22 : memref<!tpu.dma_semaphore, #tpu.memory_space<semaphore_mem>>)
    %scan3A = arith.constant 0 : i32
    %scan3A_1939 = arith.constant 1 : i32
    %scan3A_1940 = arith.constant 7 : i32
    %scan3A_1941 = arith.addi %scan3A_1939, %scan3A_1940 : i32
    %scan3A_1942 = arith.constant 1 : i32
    scf.for %scan3A_2713 = %scan3A_1939 to %scan3A_1941 step %scan3A_1942  : i32 {
      %mul3A_2714 = arith.constant 7 : i32
      %mul3A_2715 = arith.muli %scan3A_2713, %mul3A_2714 : i32
      %add3A_2716 = arith.constant 0 : i32
      %add3A_2717 = arith.addi %mul3A_2715, %add3A_2716 : i32
      %add3A_2718 = arith.constant 5 : i32
      %add3A_2719 = arith.addi %add3A_2717, %add3A_2718 : i32
      %mul3A_2720 = arith.constant 128 : i32
      %mul3A_2721 = arith.muli %add3A_2719, %mul3A_2720 : i32
      %add3A_2722 = arith.addi %mul3A_2, %mul3A_2721 : i32
      %jit3A_2723 = arith.constant 2048 : i32
      %div3A_2724 = arith.divsi %add3A_2722, %jit3A_2723 : i32
      %sign3A_2725 = arith.constant 0 : i32
      %sign3A_2726 = arith.cmpi sgt, %add3A_2722, %sign3A_2725 : i32
      %sign3A_2727 = arith.extui %sign3A_2726 : i1 to i32
      %sign3A_2728 = arith.constant 0 : i32
      %sign3A_2729 = arith.cmpi slt, %add3A_2722, %sign3A_2728 : i32
      %sign3A_2730 = arith.extui %sign3A_2729 : i1 to i32
      %sign3A_2731 = arith.subi %sign3A_2727, %sign3A_2730 : i32
      %sign3A_2732 = arith.constant 0 : i32
      %sign3A_2733 = arith.cmpi sgt, %jit3A_2723, %sign3A_2732 : i32
      %sign3A_2734 = arith.extui %sign3A_2733 : i1 to i32
      %sign3A_2735 = arith.constant 0 : i32
      %sign3A_2736 = arith.cmpi slt, %jit3A_2723, %sign3A_2735 : i32
      %sign3A_2737 = arith.extui %sign3A_2736 : i1 to i32
      %sign3A_2738 = arith.subi %sign3A_2734, %sign3A_2737 : i32
      %ne3A_2739 = arith.cmpi ne, %sign3A_2731, %sign3A_2738 : i32
      %rem3A_2740 = arith.remsi %add3A_2722, %jit3A_2723 : i32
      %ne3A_2741 = arith.constant 0 : i32
      %ne3A_2742 = arith.cmpi ne, %rem3A_2740, %ne3A_2741 : i32
      %and3A_2743 = arith.andi %ne3A_2739, %ne3A_2742 : i1
      %sub3A_2744 = arith.constant 1 : i32
      %sub3A_2745 = arith.subi %div3A_2724, %sub3A_2744 : i32
      %select_n3A_2746 = arith.select %and3A_2743, %sub3A_2745, %div3A_2724 : i32
      %rem3A_2747 = arith.constant 8 : i32
      %rem3A_2748 = arith.remsi %select_n3A_2746, %rem3A_2747 : i32
      %mul3A_2749 = arith.constant 16 : i32
      %mul3A_2750 = arith.muli %rem3A_2748, %mul3A_2749 : i32
      %get3A_2751 = arith.index_cast %mul3A_2750 : i32 to index
      %get3A_2752 = tpu.vector_load %arg6[%get3A_2751] {strides = array<i32>} : memref<128xi32, #tpu.memory_space<vmem>>, vector<16xi32>,
      %get3A_2753 = vector.shape_cast %get3A_2752 : vector<16xi32> to vector<16xi32>
      %get3A_2754 = arith.index_cast %add3A_2719 : i32 to index
      %get3A_2755 = arith.constant 0 : index
      %get3A_2756 = tpu.vector_load %arg7[%get3A_2754, %get3A_2755] {strides = array<i32>} : memref<64x128xi32, #tpu.memory_space<vmem>>, vector<1x16xi32>,
      %get3A_2757 = vector.shape_cast %get3A_2756 : vector<1x16xi32> to vector<16xi32>
      %add3A_2758 = arith.addi %get3A_2757, %get3A_2753 : vector<16xi32>
      %swap3A_2759 = arith.index_cast %add3A_2719 : i32 to index
      %swap3A_2760 = arith.constant 0 : index
      %swap3A_2761 = tpu.vector_load %arg7[%swap3A_2759, %swap3A_2760] {strides = array<i32>} : memref<64x128xi32, #tpu.memory_space<vmem>>, vector<1x16xi32>,
      %swap3A_2762 = vector.shape_cast %swap3A_2761 : vector<1x16xi32> to vector<16xi32>
      %swap3A_2763 = vector.shape_cast %add3A_2758 : vector<16xi32> to vector<1x16xi32>
      tpu.vector_store %arg7[%swap3A_2759, %swap3A_2760], %swap3A_2763 {strides = array<i32>} : memref<64x128xi32, #tpu.memory_space<vmem>>, vector<1x16xi32>,
      %get3A_2764 = arith.index_cast %add3A_2719 : i32 to index
      %get3A_2765 = arith.constant 16 : index
      %get3A_2766 = tpu.vector_load %arg7[%get3A_2764, %get3A_2765] {strides = array<i32>} : memref<64x128xi32, #tpu.memory_space<vmem>>, vector<1x16xi32>,
      %get3A_2767 = vector.shape_cast %get3A_2766 : vector<1x16xi32> to vector<16xi32>
      %add3A_2768 = arith.addi %get3A_2767, %get3A_2753 : vector<16xi32>
      %swap3A_2769 = arith.index_cast %add3A_2719 : i32 to index
      %swap3A_2770 = arith.constant 16 : index
      %swap3A_2771 = tpu.vector_load %arg7[%swap3A_2769, %swap3A_2770] {strides = array<i32>} : memref<64x128xi32, #tpu.memory_space<vmem>>, vector<1x16xi32>,
      %swap3A_2772 = vector.shape_cast %swap3A_2771 : vector<1x16xi32> to vector<16xi32>
      %swap3A_2773 = vector.shape_cast %add3A_2768 : vector<16xi32> to vector<1x16xi32>
      tpu.vector_store %arg7[%swap3A_2769, %swap3A_2770], %swap3A_2773 {strides = array<i32>} : memref<64x128xi32, #tpu.memory_space<vmem>>, vector<1x16xi32>,
      %get3A_2774 = arith.index_cast %add3A_2719 : i32 to index
      %get3A_2775 = arith.constant 32 : index
      %get3A_2776 = tpu.vector_load %arg7[%get3A_2774, %get3A_2775] {strides = array<i32>} : memref<64x128xi32, #tpu.memory_space<vmem>>, vector<1x16xi32>,
      %get3A_2777 = vector.shape_cast %get3A_2776 : vector<1x16xi32> to vector<16xi32>
      %add3A_2778 = arith.addi %get3A_2777, %get3A_2753 : vector<16xi32>
      %swap3A_2779 = arith.index_cast %add3A_2719 : i32 to index
      %swap3A_2780 = arith.constant 32 : index
      %swap3A_2781 = tpu.vector_load %arg7[%swap3A_2779, %swap3A_2780] {strides = array<i32>} : memref<64x128xi32, #tpu.memory_space<vmem>>, vector<1x16xi32>,
      %swap3A_2782 = vector.shape_cast %swap3A_2781 : vector<1x16xi32> to vector<16xi32>
      %swap3A_2783 = vector.shape_cast %add3A_2778 : vector<16xi32> to vector<1x16xi32>
      tpu.vector_store %arg7[%swap3A_2779, %swap3A_2780], %swap3A_2783 {strides = array<i32>} : memref<64x128xi32, #tpu.memory_space<vmem>>, vector<1x16xi32>,
      %get3A_2784 = arith.index_cast %add3A_2719 : i32 to index
      %get3A_2785 = arith.constant 48 : index
      %get3A_2786 = tpu.vector_load %arg7[%get3A_2784, %get3A_2785] {strides = array<i32>} : memref<64x128xi32, #tpu.memory_space<vmem>>, vector<1x16xi32>,
      %get3A_2787 = vector.shape_cast %get3A_2786 : vector<1x16xi32> to vector<16xi32>
      %add3A_2788 = arith.addi %get3A_2787, %get3A_2753 : vector<16xi32>
      %swap3A_2789 = arith.index_cast %add3A_2719 : i32 to index
      %swap3A_2790 = arith.constant 48 : index
      %swap3A_2791 = tpu.vector_load %arg7[%swap3A_2789, %swap3A_2790] {strides = array<i32>} : memref<64x128xi32, #tpu.memory_space<vmem>>, vector<1x16xi32>,
      %swap3A_2792 = vector.shape_cast %swap3A_2791 : vector<1x16xi32> to vector<16xi32>
      %swap3A_2793 = vector.shape_cast %add3A_2788 : vector<16xi32> to vector<1x16xi32>
      tpu.vector_store %arg7[%swap3A_2789, %swap3A_2790], %swap3A_2793 {strides = array<i32>} : memref<64x128xi32, #tpu.memory_space<vmem>>, vector<1x16xi32>,
      %get3A_2794 = arith.index_cast %add3A_2719 : i32 to index
      %get3A_2795 = arith.constant 64 : index
      %get3A_2796 = tpu.vector_load %arg7[%get3A_2794, %get3A_2795] {strides = array<i32>} : memref<64x128xi32, #tpu.memory_space<vmem>>, vector<1x16xi32>,
      %get3A_2797 = vector.shape_cast %get3A_2796 : vector<1x16xi32> to vector<16xi32>
      %add3A_2798 = arith.addi %get3A_2797, %get3A_2753 : vector<16xi32>
      %swap3A_2799 = arith.index_cast %add3A_2719 : i32 to index
      %swap3A_2800 = arith.constant 64 : index
      %swap3A_2801 = tpu.vector_load %arg7[%swap3A_2799, %swap3A_2800] {strides = array<i32>} : memref<64x128xi32, #tpu.memory_space<vmem>>, vector<1x16xi32>,
      %swap3A_2802 = vector.shape_cast %swap3A_2801 : vector<1x16xi32> to vector<16xi32>
      %swap3A_2803 = vector.shape_cast %add3A_2798 : vector<16xi32> to vector<1x16xi32>
      tpu.vector_store %arg7[%swap3A_2799, %swap3A_2800], %swap3A_2803 {strides = array<i32>} : memref<64x128xi32, #tpu.memory_space<vmem>>, vector<1x16xi32>,
      %get3A_2804 = arith.index_cast %add3A_2719 : i32 to index
      %get3A_2805 = arith.constant 80 : index
      %get3A_2806 = tpu.vector_load %arg7[%get3A_2804, %get3A_2805] {strides = array<i32>} : memref<64x128xi32, #tpu.memory_space<vmem>>, vector<1x16xi32>,
      %get3A_2807 = vector.shape_cast %get3A_2806 : vector<1x16xi32> to vector<16xi32>
      %add3A_2808 = arith.addi %get3A_2807, %get3A_2753 : vector<16xi32>
      %swap3A_2809 = arith.index_cast %add3A_2719 : i32 to index
      %swap3A_2810 = arith.constant 80 : index
      %swap3A_2811 = tpu.vector_load %arg7[%swap3A_2809, %swap3A_2810] {strides = array<i32>} : memref<64x128xi32, #tpu.memory_space<vmem>>, vector<1x16xi32>,
      %swap3A_2812 = vector.shape_cast %swap3A_2811 : vector<1x16xi32> to vector<16xi32>
      %swap3A_2813 = vector.shape_cast %add3A_2808 : vector<16xi32> to vector<1x16xi32>
      tpu.vector_store %arg7[%swap3A_2809, %swap3A_2810], %swap3A_2813 {strides = array<i32>} : memref<64x128xi32, #tpu.memory_space<vmem>>, vector<1x16xi32>,
      %get3A_2814 = arith.index_cast %add3A_2719 : i32 to index
      %get3A_2815 = arith.constant 96 : index
      %get3A_2816 = tpu.vector_load %arg7[%get3A_2814, %get3A_2815] {strides = array<i32>} : memref<64x128xi32, #tpu.memory_space<vmem>>, vector<1x16xi32>,
      %get3A_2817 = vector.shape_cast %get3A_2816 : vector<1x16xi32> to vector<16xi32>
      %add3A_2818 = arith.addi %get3A_2817, %get3A_2753 : vector<16xi32>
      %swap3A_2819 = arith.index_cast %add3A_2719 : i32 to index
      %swap3A_2820 = arith.constant 96 : index
      %swap3A_2821 = tpu.vector_load %arg7[%swap3A_2819, %swap3A_2820] {strides = array<i32>} : memref<64x128xi32, #tpu.memory_space<vmem>>, vector<1x16xi32>,
      %swap3A_2822 = vector.shape_cast %swap3A_2821 : vector<1x16xi32> to vector<16xi32>
      %swap3A_2823 = vector.shape_cast %add3A_2818 : vector<16xi32> to vector<1x16xi32>
      tpu.vector_store %arg7[%swap3A_2819, %swap3A_2820], %swap3A_2823 {strides = array<i32>} : memref<64x128xi32, #tpu.memory_space<vmem>>, vector<1x16xi32>,
      %get3A_2824 = arith.index_cast %add3A_2719 : i32 to index
      %get3A_2825 = arith.constant 112 : index
      %get3A_2826 = tpu.vector_load %arg7[%get3A_2824, %get3A_2825] {strides = array<i32>} : memref<64x128xi32, #tpu.memory_space<vmem>>, vector<1x16xi32>,
      %get3A_2827 = vector.shape_cast %get3A_2826 : vector<1x16xi32> to vector<16xi32>
      %add3A_2828 = arith.addi %get3A_2827, %get3A_2753 : vector<16xi32>
      %swap3A_2829 = arith.index_cast %add3A_2719 : i32 to index
      %swap3A_2830 = arith.constant 112 : index
      %swap3A_2831 = tpu.vector_load %arg7[%swap3A_2829, %swap3A_2830] {strides = array<i32>} : memref<64x128xi32, #tpu.memory_space<vmem>>, vector<1x16xi32>,
      %swap3A_2832 = vector.shape_cast %swap3A_2831 : vector<1x16xi32> to vector<16xi32>
      %swap3A_2833 = vector.shape_cast %add3A_2828 : vector<16xi32> to vector<1x16xi32>
      tpu.vector_store %arg7[%swap3A_2829, %swap3A_2830], %swap3A_2833 {strides = array<i32>} : memref<64x128xi32, #tpu.memory_space<vmem>>, vector<1x16xi32>,
      %dma_wait3A_2834 = arith.constant 5 : i32
      %dma_wait3A_2835 = arith.constant 0 : i32
      %dma_wait3A_2836 = arith.constant 0 : i32
      %dma_wait3A_2837 = tpu.memref_slice %arg8[%dma_wait3A_2834, %dma_wait3A_2835, %dma_wait3A_2836] : memref<7x128x128xf32, #tpu.memory_space<vmem>> -> memref<1x128x128xf32, #tpu.memory_space<vmem>>
      %dma_wait3A_2838 = tpu.memref_squeeze %dma_wait3A_2837 : memref<1x128x128xf32, #tpu.memory_space<vmem>> -> memref<128x128xf32, #tpu.memory_space<vmem>>
      %dma_wait3A_2839 = arith.constant 0 : i32
      %dma_wait3A_2840 = tpu.memref_slice %arg5[%mul3A_2, %dma_wait3A_2839] : memref<262144x128xf32, #tpu.memory_space<hbm>> -> memref<128x128xf32, #tpu.memory_space<hbm>>
      %dma_wait3A_2841 = arith.constant 0 : i32
      %dma_wait3A_2842 = tpu.memref_slice %arg5[%mul3A_2, %dma_wait3A_2841] : memref<262144x128xf32, #tpu.memory_space<hbm>> -> memref<128x128xf32, #tpu.memory_space<hbm>>
      %dma_wait3A_2843 = arith.constant 0 : i32
      %dma_wait3A_2844 = arith.constant 0 : i32
      %dma_wait3A_2845 = tpu.memref_slice %arg8[%dma_wait3A_2834, %dma_wait3A_2843, %dma_wait3A_2844] : memref<7x128x128xf32, #tpu.memory_space<vmem>> -> memref<1x128x128xf32, #tpu.memory_space<vmem>>
      %dma_wait3A_2846 = tpu.memref_squeeze %dma_wait3A_2845 : memref<1x128x128xf32, #tpu.memory_space<vmem>> -> memref<128x128xf32, #tpu.memory_space<vmem>>
      tpu.wait_dma2 semaphore(%arg21 : memref<!tpu.dma_semaphore, #tpu.memory_space<semaphore_mem>>) src(%dma_wait3A_2846 : memref<128x128xf32, #tpu.memory_space<vmem>>) dst(%dma_wait3A_2842 : memref<128x128xf32, #tpu.memory_space<hbm>>)
      %dma_start3A_2847 = arith.constant 5 : i32
      %dma_start3A_2848 = arith.constant 0 : i32
      %dma_start3A_2849 = arith.constant 0 : i32
      %dma_start3A_2850 = tpu.memref_slice %arg8[%dma_start3A_2847, %dma_start3A_2848, %dma_start3A_2849] : memref<7x128x128xf32, #tpu.memory_space<vmem>> -> memref<1x128x128xf32, #tpu.memory_space<vmem>>
      %dma_start3A_2851 = tpu.memref_squeeze %dma_start3A_2850 : memref<1x128x128xf32, #tpu.memory_space<vmem>> -> memref<128x128xf32, #tpu.memory_space<vmem>>
      %dma_start3A_2852 = arith.constant 0 : i32
      %dma_start3A_2853 = tpu.memref_slice %arg7[%add3A_2719, %dma_start3A_2852] : memref<64x128xi32, #tpu.memory_space<vmem>> -> memref<1x128xi32, #tpu.memory_space<vmem>>
      %dma_start3A_2854 = tpu.memref_squeeze %dma_start3A_2853 : memref<1x128xi32, #tpu.memory_space<vmem>> -> memref<128xi32, #tpu.memory_space<vmem>>
      %dma_start3A_2855 = arith.constant 0 : i32
      %dma_start3A_2856 = arith.constant 0 : i32
      %dma_start3A_2857 = tpu.memref_slice %arg4[%dma_start3A_2855, %dma_start3A_2856] : memref<32768x128xf32, #tpu.memory_space<hbm>> -> memref<32768x128xf32, #tpu.memory_space<hbm>>
      tpu.enqueue_indirect_dma source(%dma_start3A_2857 : memref<32768x128xf32, #tpu.memory_space<hbm>>) target(%dma_start3A_2851 : memref<128x128xf32, #tpu.memory_space<vmem>>) offsets(%dma_start3A_2854 : memref<128xi32, #tpu.memory_space<vmem>>) semaphore(%arg14 : memref<!tpu.dma_semaphore, #tpu.memory_space<semaphore_mem>>)
      %dma_wait3A_2858 = arith.constant 0 : i32
      %dma_wait3A_2859 = arith.constant 0 : i32
      %dma_wait3A_2860 = arith.constant 0 : i32
      %dma_wait3A_2861 = arith.constant 0 : i32
      %dma_wait3A_2862 = tpu.memref_slice %arg8[%dma_wait3A_2859, %dma_wait3A_2860, %dma_wait3A_2861] : memref<7x128x128xf32, #tpu.memory_space<vmem>> -> memref<1x128x128xf32, #tpu.memory_space<vmem>>
      %dma_wait3A_2863 = tpu.memref_squeeze %dma_wait3A_2862 : memref<1x128x128xf32, #tpu.memory_space<vmem>> -> memref<128x128xf32, #tpu.memory_space<vmem>>
      %dma_wait3A_2864 = arith.constant 0 : i32
      %dma_wait3A_2865 = tpu.memref_slice %arg7[%dma_wait3A_2858, %dma_wait3A_2864] : memref<64x128xi32, #tpu.memory_space<vmem>> -> memref<1x128xi32, #tpu.memory_space<vmem>>
      %dma_wait3A_2866 = tpu.memref_squeeze %dma_wait3A_2865 : memref<1x128xi32, #tpu.memory_space<vmem>> -> memref<128xi32, #tpu.memory_space<vmem>>
      %dma_wait3A_2867 = arith.constant 0 : i32
      %dma_wait3A_2868 = arith.constant 0 : i32
      %dma_wait3A_2869 = tpu.memref_slice %arg4[%dma_wait3A_2867, %dma_wait3A_2868] : memref<32768x128xf32, #tpu.memory_space<hbm>> -> memref<32768x128xf32, #tpu.memory_space<hbm>>
      tpu.wait_indirect_dma semaphore(%arg9 : memref<!tpu.dma_semaphore, #tpu.memory_space<semaphore_mem>>) src(%dma_wait3A_2869 : memref<32768x128xf32, #tpu.memory_space<hbm>>) dst(%dma_wait3A_2863 : memref<128x128xf32, #tpu.memory_space<vmem>>)
      %mul3A_2870 = arith.constant 128 : i32
      %mul3A_2871 = arith.muli %add3A_2717, %mul3A_2870 : i32
      %add3A_2872 = arith.addi %mul3A_2, %mul3A_2871 : i32
      %dma_start3A_2873 = arith.constant 0 : i32
      %dma_start3A_2874 = arith.constant 0 : i32
      %dma_start3A_2875 = arith.constant 0 : i32
      %dma_start3A_2876 = tpu.memref_slice %arg8[%dma_start3A_2873, %dma_start3A_2874, %dma_start3A_2875] : memref<7x128x128xf32, #tpu.memory_space<vmem>> -> memref<1x128x128xf32, #tpu.memory_space<vmem>>
      %dma_start3A_2877 = tpu.memref_squeeze %dma_start3A_2876 : memref<1x128x128xf32, #tpu.memory_space<vmem>> -> memref<128x128xf32, #tpu.memory_space<vmem>>
      %dma_start3A_2878 = arith.constant 0 : i32
      %dma_start3A_2879 = tpu.memref_slice %arg5[%add3A_2872, %dma_start3A_2878] : memref<262144x128xf32, #tpu.memory_space<hbm>> -> memref<128x128xf32, #tpu.memory_space<hbm>>
      %dma_start3A_2880 = arith.constant 0 : i32
      %dma_start3A_2881 = tpu.memref_slice %arg5[%add3A_2872, %dma_start3A_2880] : memref<262144x128xf32, #tpu.memory_space<hbm>> -> memref<128x128xf32, #tpu.memory_space<hbm>>
      %dma_start3A_2882 = arith.constant 0 : i32
      %dma_start3A_2883 = arith.constant 0 : i32
      %dma_start3A_2884 = tpu.memref_slice %arg8[%dma_start3A_2873, %dma_start3A_2882, %dma_start3A_2883] : memref<7x128x128xf32, #tpu.memory_space<vmem>> -> memref<1x128x128xf32, #tpu.memory_space<vmem>>
      %dma_start3A_2885 = tpu.memref_squeeze %dma_start3A_2884 : memref<1x128x128xf32, #tpu.memory_space<vmem>> -> memref<128x128xf32, #tpu.memory_space<vmem>>
      tpu.enqueue_dma source(%dma_start3A_2885 : memref<128x128xf32, #tpu.memory_space<vmem>>) target(%dma_start3A_2881 : memref<128x128xf32, #tpu.memory_space<hbm>>) target_semaphore(%arg16 : memref<!tpu.dma_semaphore, #tpu.memory_space<semaphore_mem>>)
      %mul3A_2886 = arith.constant 7 : i32
      %mul3A_2887 = arith.muli %scan3A_2713, %mul3A_2886 : i32
      %add3A_2888 = arith.constant 1 : i32
      %add3A_2889 = arith.addi %mul3A_2887, %add3A_2888 : i32
      %add3A_2890 = arith.constant 5 : i32
      %add3A_2891 = arith.addi %add3A_2889, %add3A_2890 : i32
      %mul3A_2892 = arith.constant 128 : i32
      %mul3A_2893 = arith.muli %add3A_2891, %mul3A_2892 : i32
      %add3A_2894 = arith.addi %mul3A_2, %mul3A_2893 : i32
      %jit3A_2895 = arith.constant 2048 : i32
      %div3A_2896 = arith.divsi %add3A_2894, %jit3A_2895 : i32
      %sign3A_2897 = arith.constant 0 : i32
      %sign3A_2898 = arith.cmpi sgt, %add3A_2894, %sign3A_2897 : i32
      %sign3A_2899 = arith.extui %sign3A_2898 : i1 to i32
      %sign3A_2900 = arith.constant 0 : i32
      %sign3A_2901 = arith.cmpi slt, %add3A_2894, %sign3A_2900 : i32
      %sign3A_2902 = arith.extui %sign3A_2901 : i1 to i32
      %sign3A_2903 = arith.subi %sign3A_2899, %sign3A_2902 : i32
      %sign3A_2904 = arith.constant 0 : i32
      %sign3A_2905 = arith.cmpi sgt, %jit3A_2895, %sign3A_2904 : i32
      %sign3A_2906 = arith.extui %sign3A_2905 : i1 to i32
      %sign3A_2907 = arith.constant 0 : i32
      %sign3A_2908 = arith.cmpi slt, %jit3A_2895, %sign3A_2907 : i32
      %sign3A_2909 = arith.extui %sign3A_2908 : i1 to i32
      %sign3A_2910 = arith.subi %sign3A_2906, %sign3A_2909 : i32
      %ne3A_2911 = arith.cmpi ne, %sign3A_2903, %sign3A_2910 : i32
      %rem3A_2912 = arith.remsi %add3A_2894, %jit3A_2895 : i32
      %ne3A_2913 = arith.constant 0 : i32
      %ne3A_2914 = arith.cmpi ne, %rem3A_2912, %ne3A_2913 : i32
      %and3A_2915 = arith.andi %ne3A_2911, %ne3A_2914 : i1
      %sub3A_2916 = arith.constant 1 : i32
      %sub3A_2917 = arith.subi %div3A_2896, %sub3A_2916 : i32
      %select_n3A_2918 = arith.select %and3A_2915, %sub3A_2917, %div3A_2896 : i32
      %rem3A_2919 = arith.constant 8 : i32
      %rem3A_2920 = arith.remsi %select_n3A_2918, %rem3A_2919 : i32
      %mul3A_2921 = arith.constant 16 : i32
      %mul3A_2922 = arith.muli %rem3A_2920, %mul3A_2921 : i32
      %get3A_2923 = arith.index_cast %mul3A_2922 : i32 to index
      %get3A_2924 = tpu.vector_load %arg6[%get3A_2923] {strides = array<i32>} : memref<128xi32, #tpu.memory_space<vmem>>, vector<16xi32>,
      %get3A_2925 = vector.shape_cast %get3A_2924 : vector<16xi32> to vector<16xi32>
      %get3A_2926 = arith.index_cast %add3A_2891 : i32 to index
      %get3A_2927 = arith.constant 0 : index
      %get3A_2928 = tpu.vector_load %arg7[%get3A_2926, %get3A_2927] {strides = array<i32>} : memref<64x128xi32, #tpu.memory_space<vmem>>, vector<1x16xi32>,
      %get3A_2929 = vector.shape_cast %get3A_2928 : vector<1x16xi32> to vector<16xi32>
      %add3A_2930 = arith.addi %get3A_2929, %get3A_2925 : vector<16xi32>
      %swap3A_2931 = arith.index_cast %add3A_2891 : i32 to index
      %swap3A_2932 = arith.constant 0 : index
      %swap3A_2933 = tpu.vector_load %arg7[%swap3A_2931, %swap3A_2932] {strides = array<i32>} : memref<64x128xi32, #tpu.memory_space<vmem>>, vector<1x16xi32>,
      %swap3A_2934 = vector.shape_cast %swap3A_2933 : vector<1x16xi32> to vector<16xi32>
      %swap3A_2935 = vector.shape_cast %add3A_2930 : vector<16xi32> to vector<1x16xi32>
      tpu.vector_store %arg7[%swap3A_2931, %swap3A_2932], %swap3A_2935 {strides = array<i32>} : memref<64x128xi32, #tpu.memory_space<vmem>>, vector<1x16xi32>,
      %get3A_2936 = arith.index_cast %add3A_2891 : i32 to index
      %get3A_2937 = arith.constant 16 : index
      %get3A_2938 = tpu.vector_load %arg7[%get3A_2936, %get3A_2937] {strides = array<i32>} : memref<64x128xi32, #tpu.memory_space<vmem>>, vector<1x16xi32>,
      %get3A_2939 = vector.shape_cast %get3A_2938 : vector<1x16xi32> to vector<16xi32>
      %add3A_2940 = arith.addi %get3A_2939, %get3A_2925 : vector<16xi32>
      %swap3A_2941 = arith.index_cast %add3A_2891 : i32 to index
      %swap3A_2942 = arith.constant 16 : index
      %swap3A_2943 = tpu.vector_load %arg7[%swap3A_2941, %swap3A_2942] {strides = array<i32>} : memref<64x128xi32, #tpu.memory_space<vmem>>, vector<1x16xi32>,
      %swap3A_2944 = vector.shape_cast %swap3A_2943 : vector<1x16xi32> to vector<16xi32>
      %swap3A_2945 = vector.shape_cast %add3A_2940 : vector<16xi32> to vector<1x16xi32>
      tpu.vector_store %arg7[%swap3A_2941, %swap3A_2942], %swap3A_2945 {strides = array<i32>} : memref<64x128xi32, #tpu.memory_space<vmem>>, vector<1x16xi32>,
      %get3A_2946 = arith.index_cast %add3A_2891 : i32 to index
      %get3A_2947 = arith.constant 32 : index
      %get3A_2948 = tpu.vector_load %arg7[%get3A_2946, %get3A_2947] {strides = array<i32>} : memref<64x128xi32, #tpu.memory_space<vmem>>, vector<1x16xi32>,
      %get3A_2949 = vector.shape_cast %get3A_2948 : vector<1x16xi32> to vector<16xi32>
      %add3A_2950 = arith.addi %get3A_2949, %get3A_2925 : vector<16xi32>
      %swap3A_2951 = arith.index_cast %add3A_2891 : i32 to index
      %swap3A_2952 = arith.constant 32 : index
      %swap3A_2953 = tpu.vector_load %arg7[%swap3A_2951, %swap3A_2952] {strides = array<i32>} : memref<64x128xi32, #tpu.memory_space<vmem>>, vector<1x16xi32>,
      %swap3A_2954 = vector.shape_cast %swap3A_2953 : vector<1x16xi32> to vector<16xi32>
      %swap3A_2955 = vector.shape_cast %add3A_2950 : vector<16xi32> to vector<1x16xi32>
      tpu.vector_store %arg7[%swap3A_2951, %swap3A_2952], %swap3A_2955 {strides = array<i32>} : memref<64x128xi32, #tpu.memory_space<vmem>>, vector<1x16xi32>,
      %get3A_2956 = arith.index_cast %add3A_2891 : i32 to index
      %get3A_2957 = arith.constant 48 : index
      %get3A_2958 = tpu.vector_load %arg7[%get3A_2956, %get3A_2957] {strides = array<i32>} : memref<64x128xi32, #tpu.memory_space<vmem>>, vector<1x16xi32>,
      %get3A_2959 = vector.shape_cast %get3A_2958 : vector<1x16xi32> to vector<16xi32>
      %add3A_2960 = arith.addi %get3A_2959, %get3A_2925 : vector<16xi32>
      %swap3A_2961 = arith.index_cast %add3A_2891 : i32 to index
      %swap3A_2962 = arith.constant 48 : index
      %swap3A_2963 = tpu.vector_load %arg7[%swap3A_2961, %swap3A_2962] {strides = array<i32>} : memref<64x128xi32, #tpu.memory_space<vmem>>, vector<1x16xi32>,
      %swap3A_2964 = vector.shape_cast %swap3A_2963 : vector<1x16xi32> to vector<16xi32>
      %swap3A_2965 = vector.shape_cast %add3A_2960 : vector<16xi32> to vector<1x16xi32>
      tpu.vector_store %arg7[%swap3A_2961, %swap3A_2962], %swap3A_2965 {strides = array<i32>} : memref<64x128xi32, #tpu.memory_space<vmem>>, vector<1x16xi32>,
      %get3A_2966 = arith.index_cast %add3A_2891 : i32 to index
      %get3A_2967 = arith.constant 64 : index
      %get3A_2968 = tpu.vector_load %arg7[%get3A_2966, %get3A_2967] {strides = array<i32>} : memref<64x128xi32, #tpu.memory_space<vmem>>, vector<1x16xi32>,
      %get3A_2969 = vector.shape_cast %get3A_2968 : vector<1x16xi32> to vector<16xi32>
      %add3A_2970 = arith.addi %get3A_2969, %get3A_2925 : vector<16xi32>
      %swap3A_2971 = arith.index_cast %add3A_2891 : i32 to index
      %swap3A_2972 = arith.constant 64 : index
      %swap3A_2973 = tpu.vector_load %arg7[%swap3A_2971, %swap3A_2972] {strides = array<i32>} : memref<64x128xi32, #tpu.memory_space<vmem>>, vector<1x16xi32>,
      %swap3A_2974 = vector.shape_cast %swap3A_2973 : vector<1x16xi32> to vector<16xi32>
      %swap3A_2975 = vector.shape_cast %add3A_2970 : vector<16xi32> to vector<1x16xi32>
      tpu.vector_store %arg7[%swap3A_2971, %swap3A_2972], %swap3A_2975 {strides = array<i32>} : memref<64x128xi32, #tpu.memory_space<vmem>>, vector<1x16xi32>,
      %get3A_2976 = arith.index_cast %add3A_2891 : i32 to index
      %get3A_2977 = arith.constant 80 : index
      %get3A_2978 = tpu.vector_load %arg7[%get3A_2976, %get3A_2977] {strides = array<i32>} : memref<64x128xi32, #tpu.memory_space<vmem>>, vector<1x16xi32>,
      %get3A_2979 = vector.shape_cast %get3A_2978 : vector<1x16xi32> to vector<16xi32>
      %add3A_2980 = arith.addi %get3A_2979, %get3A_2925 : vector<16xi32>
      %swap3A_2981 = arith.index_cast %add3A_2891 : i32 to index
      %swap3A_2982 = arith.constant 80 : index
      %swap3A_2983 = tpu.vector_load %arg7[%swap3A_2981, %swap3A_2982] {strides = array<i32>} : memref<64x128xi32, #tpu.memory_space<vmem>>, vector<1x16xi32>,
      %swap3A_2984 = vector.shape_cast %swap3A_2983 : vector<1x16xi32> to vector<16xi32>
      %swap3A_2985 = vector.shape_cast %add3A_2980 : vector<16xi32> to vector<1x16xi32>
      tpu.vector_store %arg7[%swap3A_2981, %swap3A_2982], %swap3A_2985 {strides = array<i32>} : memref<64x128xi32, #tpu.memory_space<vmem>>, vector<1x16xi32>,
      %get3A_2986 = arith.index_cast %add3A_2891 : i32 to index
      %get3A_2987 = arith.constant 96 : index
      %get3A_2988 = tpu.vector_load %arg7[%get3A_2986, %get3A_2987] {strides = array<i32>} : memref<64x128xi32, #tpu.memory_space<vmem>>, vector<1x16xi32>,
      %get3A_2989 = vector.shape_cast %get3A_2988 : vector<1x16xi32> to vector<16xi32>
      %add3A_2990 = arith.addi %get3A_2989, %get3A_2925 : vector<16xi32>
      %swap3A_2991 = arith.index_cast %add3A_2891 : i32 to index
      %swap3A_2992 = arith.constant 96 : index
      %swap3A_2993 = tpu.vector_load %arg7[%swap3A_2991, %swap3A_2992] {strides = array<i32>} : memref<64x128xi32, #tpu.memory_space<vmem>>, vector<1x16xi32>,
      %swap3A_2994 = vector.shape_cast %swap3A_2993 : vector<1x16xi32> to vector<16xi32>
      %swap3A_2995 = vector.shape_cast %add3A_2990 : vector<16xi32> to vector<1x16xi32>
      tpu.vector_store %arg7[%swap3A_2991, %swap3A_2992], %swap3A_2995 {strides = array<i32>} : memref<64x128xi32, #tpu.memory_space<vmem>>, vector<1x16xi32>,
      %get3A_2996 = arith.index_cast %add3A_2891 : i32 to index
      %get3A_2997 = arith.constant 112 : index
      %get3A_2998 = tpu.vector_load %arg7[%get3A_2996, %get3A_2997] {strides = array<i32>} : memref<64x128xi32, #tpu.memory_space<vmem>>, vector<1x16xi32>,
      %get3A_2999 = vector.shape_cast %get3A_2998 : vector<1x16xi32> to vector<16xi32>
      %add3A_3000 = arith.addi %get3A_2999, %get3A_2925 : vector<16xi32>
      %swap3A_3001 = arith.index_cast %add3A_2891 : i32 to index
      %swap3A_3002 = arith.constant 112 : index
      %swap3A_3003 = tpu.vector_load %arg7[%swap3A_3001, %swap3A_3002] {strides = array<i32>} : memref<64x128xi32, #tpu.memory_space<vmem>>, vector<1x16xi32>,
      %swap3A_3004 = vector.shape_cast %swap3A_3003 : vector<1x16xi32> to vector<16xi32>
      %swap3A_3005 = vector.shape_cast %add3A_3000 : vector<16xi32> to vector<1x16xi32>
      tpu.vector_store %arg7[%swap3A_3001, %swap3A_3002], %swap3A_3005 {strides = array<i32>} : memref<64x128xi32, #tpu.memory_space<vmem>>, vector<1x16xi32>,
      %dma_wait3A_3006 = arith.constant 6 : i32
      %dma_wait3A_3007 = arith.constant 0 : i32
      %dma_wait3A_3008 = arith.constant 0 : i32
      %dma_wait3A_3009 = tpu.memref_slice %arg8[%dma_wait3A_3006, %dma_wait3A_3007, %dma_wait3A_3008] : memref<7x128x128xf32, #tpu.memory_space<vmem>> -> memref<1x128x128xf32, #tpu.memory_space<vmem>>
      %dma_wait3A_3010 = tpu.memref_squeeze %dma_wait3A_3009 : memref<1x128x128xf32, #tpu.memory_space<vmem>> -> memref<128x128xf32, #tpu.memory_space<vmem>>
      %dma_wait3A_3011 = arith.constant 0 : i32
      %dma_wait3A_3012 = tpu.memref_slice %arg5[%mul3A_2, %dma_wait3A_3011] : memref<262144x128xf32, #tpu.memory_space<hbm>> -> memref<128x128xf32, #tpu.memory_space<hbm>>
      %dma_wait3A_3013 = arith.constant 0 : i32
      %dma_wait3A_3014 = tpu.memref_slice %arg5[%mul3A_2, %dma_wait3A_3013] : memref<262144x128xf32, #tpu.memory_space<hbm>> -> memref<128x128xf32, #tpu.memory_space<hbm>>
      %dma_wait3A_3015 = arith.constant 0 : i32
      %dma_wait3A_3016 = arith.constant 0 : i32
      %dma_wait3A_3017 = tpu.memref_slice %arg8[%dma_wait3A_3006, %dma_wait3A_3015, %dma_wait3A_3016] : memref<7x128x128xf32, #tpu.memory_space<vmem>> -> memref<1x128x128xf32, #tpu.memory_space<vmem>>
      %dma_wait3A_3018 = tpu.memref_squeeze %dma_wait3A_3017 : memref<1x128x128xf32, #tpu.memory_space<vmem>> -> memref<128x128xf32, #tpu.memory_space<vmem>>
      tpu.wait_dma2 semaphore(%arg22 : memref<!tpu.dma_semaphore, #tpu.memory_space<semaphore_mem>>) src(%dma_wait3A_3018 : memref<128x128xf32, #tpu.memory_space<vmem>>) dst(%dma_wait3A_3014 : memref<128x128xf32, #tpu.memory_space<hbm>>)
      %dma_start3A_3019 = arith.constant 6 : i32
      %dma_start3A_3020 = arith.constant 0 : i32
      %dma_start3A_3021 = arith.constant 0 : i32
      %dma_start3A_3022 = tpu.memref_slice %arg8[%dma_start3A_3019, %dma_start3A_3020, %dma_start3A_3021] : memref<7x128x128xf32, #tpu.memory_space<vmem>> -> memref<1x128x128xf32, #tpu.memory_space<vmem>>
      %dma_start3A_3023 = tpu.memref_squeeze %dma_start3A_3022 : memref<1x128x128xf32, #tpu.memory_space<vmem>> -> memref<128x128xf32, #tpu.memory_space<vmem>>
      %dma_start3A_3024 = arith.constant 0 : i32
      %dma_start3A_3025 = tpu.memref_slice %arg7[%add3A_2891, %dma_start3A_3024] : memref<64x128xi32, #tpu.memory_space<vmem>> -> memref<1x128xi32, #tpu.memory_space<vmem>>
      %dma_start3A_3026 = tpu.memref_squeeze %dma_start3A_3025 : memref<1x128xi32, #tpu.memory_space<vmem>> -> memref<128xi32, #tpu.memory_space<vmem>>
      %dma_start3A_3027 = arith.constant 0 : i32
      %dma_start3A_3028 = arith.constant 0 : i32
      %dma_start3A_3029 = tpu.memref_slice %arg4[%dma_start3A_3027, %dma_start3A_3028] : memref<32768x128xf32, #tpu.memory_space<hbm>> -> memref<32768x128xf32, #tpu.memory_space<hbm>>
      tpu.enqueue_indirect_dma source(%dma_start3A_3029 : memref<32768x128xf32, #tpu.memory_space<hbm>>) target(%dma_start3A_3023 : memref<128x128xf32, #tpu.memory_space<vmem>>) offsets(%dma_start3A_3026 : memref<128xi32, #tpu.memory_space<vmem>>) semaphore(%arg15 : memref<!tpu.dma_semaphore, #tpu.memory_space<semaphore_mem>>)
      %dma_wait3A_3030 = arith.constant 0 : i32
      %dma_wait3A_3031 = arith.constant 1 : i32
      %dma_wait3A_3032 = arith.constant 0 : i32
      %dma_wait3A_3033 = arith.constant 0 : i32
      %dma_wait3A_3034 = tpu.memref_slice %arg8[%dma_wait3A_3031, %dma_wait3A_3032, %dma_wait3A_3033] : memref<7x128x128xf32, #tpu.memory_space<vmem>> -> memref<1x128x128xf32, #tpu.memory_space<vmem>>
      %dma_wait3A_3035 = tpu.memref_squeeze %dma_wait3A_3034 : memref<1x128x128xf32, #tpu.memory_space<vmem>> -> memref<128x128xf32, #tpu.memory_space<vmem>>
      %dma_wait3A_3036 = arith.constant 0 : i32
      %dma_wait3A_3037 = tpu.memref_slice %arg7[%dma_wait3A_3030, %dma_wait3A_3036] : memref<64x128xi32, #tpu.memory_space<vmem>> -> memref<1x128xi32, #tpu.memory_space<vmem>>
      %dma_wait3A_3038 = tpu.memref_squeeze %dma_wait3A_3037 : memref<1x128xi32, #tpu.memory_space<vmem>> -> memref<128xi32, #tpu.memory_space<vmem>>
      %dma_wait3A_3039 = arith.constant 0 : i32
      %dma_wait3A_3040 = arith.constant 0 : i32
      %dma_wait3A_3041 = tpu.memref_slice %arg4[%dma_wait3A_3039, %dma_wait3A_3040] : memref<32768x128xf32, #tpu.memory_space<hbm>> -> memref<32768x128xf32, #tpu.memory_space<hbm>>
      tpu.wait_indirect_dma semaphore(%arg10 : memref<!tpu.dma_semaphore, #tpu.memory_space<semaphore_mem>>) src(%dma_wait3A_3041 : memref<32768x128xf32, #tpu.memory_space<hbm>>) dst(%dma_wait3A_3035 : memref<128x128xf32, #tpu.memory_space<vmem>>)
      %mul3A_3042 = arith.constant 128 : i32
      %mul3A_3043 = arith.muli %add3A_2889, %mul3A_3042 : i32
      %add3A_3044 = arith.addi %mul3A_2, %mul3A_3043 : i32
      %dma_start3A_3045 = arith.constant 1 : i32
      %dma_start3A_3046 = arith.constant 0 : i32
      %dma_start3A_3047 = arith.constant 0 : i32
      %dma_start3A_3048 = tpu.memref_slice %arg8[%dma_start3A_3045, %dma_start3A_3046, %dma_start3A_3047] : memref<7x128x128xf32, #tpu.memory_space<vmem>> -> memref<1x128x128xf32, #tpu.memory_space<vmem>>
      %dma_start3A_3049 = tpu.memref_squeeze %dma_start3A_3048 : memref<1x128x128xf32, #tpu.memory_space<vmem>> -> memref<128x128xf32, #tpu.memory_space<vmem>>
      %dma_start3A_3050 = arith.constant 0 : i32
      %dma_start3A_3051 = tpu.memref_slice %arg5[%add3A_3044, %dma_start3A_3050] : memref<262144x128xf32, #tpu.memory_space<hbm>> -> memref<128x128xf32, #tpu.memory_space<hbm>>
      %dma_start3A_3052 = arith.constant 0 : i32
      %dma_start3A_3053 = tpu.memref_slice %arg5[%add3A_3044, %dma_start3A_3052] : memref<262144x128xf32, #tpu.memory_space<hbm>> -> memref<128x128xf32, #tpu.memory_space<hbm>>
      %dma_start3A_3054 = arith.constant 0 : i32
      %dma_start3A_3055 = arith.constant 0 : i32
      %dma_start3A_3056 = tpu.memref_slice %arg8[%dma_start3A_3045, %dma_start3A_3054, %dma_start3A_3055] : memref<7x128x128xf32, #tpu.memory_space<vmem>> -> memref<1x128x128xf32, #tpu.memory_space<vmem>>
      %dma_start3A_3057 = tpu.memref_squeeze %dma_start3A_3056 : memref<1x128x128xf32, #tpu.memory_space<vmem>> -> memref<128x128xf32, #tpu.memory_space<vmem>>
      tpu.enqueue_dma source(%dma_start3A_3057 : memref<128x128xf32, #tpu.memory_space<vmem>>) target(%dma_start3A_3053 : memref<128x128xf32, #tpu.memory_space<hbm>>) target_semaphore(%arg17 : memref<!tpu.dma_semaphore, #tpu.memory_space<semaphore_mem>>)
      %mul3A_3058 = arith.constant 7 : i32
      %mul3A_3059 = arith.muli %scan3A_2713, %mul3A_3058 : i32
      %add3A_3060 = arith.constant 2 : i32
      %add3A_3061 = arith.addi %mul3A_3059, %add3A_3060 : i32
      %add3A_3062 = arith.constant 5 : i32
      %add3A_3063 = arith.addi %add3A_3061, %add3A_3062 : i32
      %mul3A_3064 = arith.constant 128 : i32
      %mul3A_3065 = arith.muli %add3A_3063, %mul3A_3064 : i32
      %add3A_3066 = arith.addi %mul3A_2, %mul3A_3065 : i32
      %jit3A_3067 = arith.constant 2048 : i32
      %div3A_3068 = arith.divsi %add3A_3066, %jit3A_3067 : i32
      %sign3A_3069 = arith.constant 0 : i32
      %sign3A_3070 = arith.cmpi sgt, %add3A_3066, %sign3A_3069 : i32
      %sign3A_3071 = arith.extui %sign3A_3070 : i1 to i32
      %sign3A_3072 = arith.constant 0 : i32
      %sign3A_3073 = arith.cmpi slt, %add3A_3066, %sign3A_3072 : i32
      %sign3A_3074 = arith.extui %sign3A_3073 : i1 to i32
      %sign3A_3075 = arith.subi %sign3A_3071, %sign3A_3074 : i32
      %sign3A_3076 = arith.constant 0 : i32
      %sign3A_3077 = arith.cmpi sgt, %jit3A_3067, %sign3A_3076 : i32
      %sign3A_3078 = arith.extui %sign3A_3077 : i1 to i32
      %sign3A_3079 = arith.constant 0 : i32
      %sign3A_3080 = arith.cmpi slt, %jit3A_3067, %sign3A_3079 : i32
      %sign3A_3081 = arith.extui %sign3A_3080 : i1 to i32
      %sign3A_3082 = arith.subi %sign3A_3078, %sign3A_3081 : i32
      %ne3A_3083 = arith.cmpi ne, %sign3A_3075, %sign3A_3082 : i32
      %rem3A_3084 = arith.remsi %add3A_3066, %jit3A_3067 : i32
      %ne3A_3085 = arith.constant 0 : i32
      %ne3A_3086 = arith.cmpi ne, %rem3A_3084, %ne3A_3085 : i32
      %and3A_3087 = arith.andi %ne3A_3083, %ne3A_3086 : i1
      %sub3A_3088 = arith.constant 1 : i32
      %sub3A_3089 = arith.subi %div3A_3068, %sub3A_3088 : i32
      %select_n3A_3090 = arith.select %and3A_3087, %sub3A_3089, %div3A_3068 : i32
      %rem3A_3091 = arith.constant 8 : i32
      %rem3A_3092 = arith.remsi %select_n3A_3090, %rem3A_3091 : i32
      %mul3A_3093 = arith.constant 16 : i32
      %mul3A_3094 = arith.muli %rem3A_3092, %mul3A_3093 : i32
      %get3A_3095 = arith.index_cast %mul3A_3094 : i32 to index
      %get3A_3096 = tpu.vector_load %arg6[%get3A_3095] {strides = array<i32>} : memref<128xi32, #tpu.memory_space<vmem>>, vector<16xi32>,
      %get3A_3097 = vector.shape_cast %get3A_3096 : vector<16xi32> to vector<16xi32>
      %get3A_3098 = arith.index_cast %add3A_3063 : i32 to index
      %get3A_3099 = arith.constant 0 : index
      %get3A_3100 = tpu.vector_load %arg7[%get3A_3098, %get3A_3099] {strides = array<i32>} : memref<64x128xi32, #tpu.memory_space<vmem>>, vector<1x16xi32>,
      %get3A_3101 = vector.shape_cast %get3A_3100 : vector<1x16xi32> to vector<16xi32>
      %add3A_3102 = arith.addi %get3A_3101, %get3A_3097 : vector<16xi32>
      %swap3A_3103 = arith.index_cast %add3A_3063 : i32 to index
      %swap3A_3104 = arith.constant 0 : index
      %swap3A_3105 = tpu.vector_load %arg7[%swap3A_3103, %swap3A_3104] {strides = array<i32>} : memref<64x128xi32, #tpu.memory_space<vmem>>, vector<1x16xi32>,
      %swap3A_3106 = vector.shape_cast %swap3A_3105 : vector<1x16xi32> to vector<16xi32>
      %swap3A_3107 = vector.shape_cast %add3A_3102 : vector<16xi32> to vector<1x16xi32>
      tpu.vector_store %arg7[%swap3A_3103, %swap3A_3104], %swap3A_3107 {strides = array<i32>} : memref<64x128xi32, #tpu.memory_space<vmem>>, vector<1x16xi32>,
      %get3A_3108 = arith.index_cast %add3A_3063 : i32 to index
      %get3A_3109 = arith.constant 16 : index
      %get3A_3110 = tpu.vector_load %arg7[%get3A_3108, %get3A_3109] {strides = array<i32>} : memref<64x128xi32, #tpu.memory_space<vmem>>, vector<1x16xi32>,
      %get3A_3111 = vector.shape_cast %get3A_3110 : vector<1x16xi32> to vector<16xi32>
      %add3A_3112 = arith.addi %get3A_3111, %get3A_3097 : vector<16xi32>
      %swap3A_3113 = arith.index_cast %add3A_3063 : i32 to index
      %swap3A_3114 = arith.constant 16 : index
      %swap3A_3115 = tpu.vector_load %arg7[%swap3A_3113, %swap3A_3114] {strides = array<i32>} : memref<64x128xi32, #tpu.memory_space<vmem>>, vector<1x16xi32>,
      %swap3A_3116 = vector.shape_cast %swap3A_3115 : vector<1x16xi32> to vector<16xi32>
      %swap3A_3117 = vector.shape_cast %add3A_3112 : vector<16xi32> to vector<1x16xi32>
      tpu.vector_store %arg7[%swap3A_3113, %swap3A_3114], %swap3A_3117 {strides = array<i32>} : memref<64x128xi32, #tpu.memory_space<vmem>>, vector<1x16xi32>,
      %get3A_3118 = arith.index_cast %add3A_3063 : i32 to index
      %get3A_3119 = arith.constant 32 : index
      %get3A_3120 = tpu.vector_load %arg7[%get3A_3118, %get3A_3119] {strides = array<i32>} : memref<64x128xi32, #tpu.memory_space<vmem>>, vector<1x16xi32>,
      %get3A_3121 = vector.shape_cast %get3A_3120 : vector<1x16xi32> to vector<16xi32>
      %add3A_3122 = arith.addi %get3A_3121, %get3A_3097 : vector<16xi32>
      %swap3A_3123 = arith.index_cast %add3A_3063 : i32 to index
      %swap3A_3124 = arith.constant 32 : index
      %swap3A_3125 = tpu.vector_load %arg7[%swap3A_3123, %swap3A_3124] {strides = array<i32>} : memref<64x128xi32, #tpu.memory_space<vmem>>, vector<1x16xi32>,
      %swap3A_3126 = vector.shape_cast %swap3A_3125 : vector<1x16xi32> to vector<16xi32>
      %swap3A_3127 = vector.shape_cast %add3A_3122 : vector<16xi32> to vector<1x16xi32>
      tpu.vector_store %arg7[%swap3A_3123, %swap3A_3124], %swap3A_3127 {strides = array<i32>} : memref<64x128xi32, #tpu.memory_space<vmem>>, vector<1x16xi32>,
      %get3A_3128 = arith.index_cast %add3A_3063 : i32 to index
      %get3A_3129 = arith.constant 48 : index
      %get3A_3130 = tpu.vector_load %arg7[%get3A_3128, %get3A_3129] {strides = array<i32>} : memref<64x128xi32, #tpu.memory_space<vmem>>, vector<1x16xi32>,
      %get3A_3131 = vector.shape_cast %get3A_3130 : vector<1x16xi32> to vector<16xi32>
      %add3A_3132 = arith.addi %get3A_3131, %get3A_3097 : vector<16xi32>
      %swap3A_3133 = arith.index_cast %add3A_3063 : i32 to index
      %swap3A_3134 = arith.constant 48 : index
      %swap3A_3135 = tpu.vector_load %arg7[%swap3A_3133, %swap3A_3134] {strides = array<i32>} : memref<64x128xi32, #tpu.memory_space<vmem>>, vector<1x16xi32>,
      %swap3A_3136 = vector.shape_cast %swap3A_3135 : vector<1x16xi32> to vector<16xi32>
      %swap3A_3137 = vector.shape_cast %add3A_3132 : vector<16xi32> to vector<1x16xi32>
      tpu.vector_store %arg7[%swap3A_3133, %swap3A_3134], %swap3A_3137 {strides = array<i32>} : memref<64x128xi32, #tpu.memory_space<vmem>>, vector<1x16xi32>,
      %get3A_3138 = arith.index_cast %add3A_3063 : i32 to index
      %get3A_3139 = arith.constant 64 : index
      %get3A_3140 = tpu.vector_load %arg7[%get3A_3138, %get3A_3139] {strides = array<i32>} : memref<64x128xi32, #tpu.memory_space<vmem>>, vector<1x16xi32>,
      %get3A_3141 = vector.shape_cast %get3A_3140 : vector<1x16xi32> to vector<16xi32>
      %add3A_3142 = arith.addi %get3A_3141, %get3A_3097 : vector<16xi32>
      %swap3A_3143 = arith.index_cast %add3A_3063 : i32 to index
      %swap3A_3144 = arith.constant 64 : index
      %swap3A_3145 = tpu.vector_load %arg7[%swap3A_3143, %swap3A_3144] {strides = array<i32>} : memref<64x128xi32, #tpu.memory_space<vmem>>, vector<1x16xi32>,
      %swap3A_3146 = vector.shape_cast %swap3A_3145 : vector<1x16xi32> to vector<16xi32>
      %swap3A_3147 = vector.shape_cast %add3A_3142 : vector<16xi32> to vector<1x16xi32>
      tpu.vector_store %arg7[%swap3A_3143, %swap3A_3144], %swap3A_3147 {strides = array<i32>} : memref<64x128xi32, #tpu.memory_space<vmem>>, vector<1x16xi32>,
      %get3A_3148 = arith.index_cast %add3A_3063 : i32 to index
      %get3A_3149 = arith.constant 80 : index
      %get3A_3150 = tpu.vector_load %arg7[%get3A_3148, %get3A_3149] {strides = array<i32>} : memref<64x128xi32, #tpu.memory_space<vmem>>, vector<1x16xi32>,
      %get3A_3151 = vector.shape_cast %get3A_3150 : vector<1x16xi32> to vector<16xi32>
      %add3A_3152 = arith.addi %get3A_3151, %get3A_3097 : vector<16xi32>
      %swap3A_3153 = arith.index_cast %add3A_3063 : i32 to index
      %swap3A_3154 = arith.constant 80 : index
      %swap3A_3155 = tpu.vector_load %arg7[%swap3A_3153, %swap3A_3154] {strides = array<i32>} : memref<64x128xi32, #tpu.memory_space<vmem>>, vector<1x16xi32>,
      %swap3A_3156 = vector.shape_cast %swap3A_3155 : vector<1x16xi32> to vector<16xi32>
      %swap3A_3157 = vector.shape_cast %add3A_3152 : vector<16xi32> to vector<1x16xi32>
      tpu.vector_store %arg7[%swap3A_3153, %swap3A_3154], %swap3A_3157 {strides = array<i32>} : memref<64x128xi32, #tpu.memory_space<vmem>>, vector<1x16xi32>,
      %get3A_3158 = arith.index_cast %add3A_3063 : i32 to index
      %get3A_3159 = arith.constant 96 : index
      %get3A_3160 = tpu.vector_load %arg7[%get3A_3158, %get3A_3159] {strides = array<i32>} : memref<64x128xi32, #tpu.memory_space<vmem>>, vector<1x16xi32>,
      %get3A_3161 = vector.shape_cast %get3A_3160 : vector<1x16xi32> to vector<16xi32>
      %add3A_3162 = arith.addi %get3A_3161, %get3A_3097 : vector<16xi32>
      %swap3A_3163 = arith.index_cast %add3A_3063 : i32 to index
      %swap3A_3164 = arith.constant 96 : index
      %swap3A_3165 = tpu.vector_load %arg7[%swap3A_3163, %swap3A_3164] {strides = array<i32>} : memref<64x128xi32, #tpu.memory_space<vmem>>, vector<1x16xi32>,
      %swap3A_3166 = vector.shape_cast %swap3A_3165 : vector<1x16xi32> to vector<16xi32>
      %swap3A_3167 = vector.shape_cast %add3A_3162 : vector<16xi32> to vector<1x16xi32>
      tpu.vector_store %arg7[%swap3A_3163, %swap3A_3164], %swap3A_3167 {strides = array<i32>} : memref<64x128xi32, #tpu.memory_space<vmem>>, vector<1x16xi32>,
      %get3A_3168 = arith.index_cast %add3A_3063 : i32 to index
      %get3A_3169 = arith.constant 112 : index
      %get3A_3170 = tpu.vector_load %arg7[%get3A_3168, %get3A_3169] {strides = array<i32>} : memref<64x128xi32, #tpu.memory_space<vmem>>, vector<1x16xi32>,
      %get3A_3171 = vector.shape_cast %get3A_3170 : vector<1x16xi32> to vector<16xi32>
      %add3A_3172 = arith.addi %get3A_3171, %get3A_3097 : vector<16xi32>
      %swap3A_3173 = arith.index_cast %add3A_3063 : i32 to index
      %swap3A_3174 = arith.constant 112 : index
      %swap3A_3175 = tpu.vector_load %arg7[%swap3A_3173, %swap3A_3174] {strides = array<i32>} : memref<64x128xi32, #tpu.memory_space<vmem>>, vector<1x16xi32>,
      %swap3A_3176 = vector.shape_cast %swap3A_3175 : vector<1x16xi32> to vector<16xi32>
      %swap3A_3177 = vector.shape_cast %add3A_3172 : vector<16xi32> to vector<1x16xi32>
      tpu.vector_store %arg7[%swap3A_3173, %swap3A_3174], %swap3A_3177 {strides = array<i32>} : memref<64x128xi32, #tpu.memory_space<vmem>>, vector<1x16xi32>,
      %dma_wait3A_3178 = arith.constant 0 : i32
      %dma_wait3A_3179 = arith.constant 0 : i32
      %dma_wait3A_3180 = arith.constant 0 : i32
      %dma_wait3A_3181 = tpu.memref_slice %arg8[%dma_wait3A_3178, %dma_wait3A_3179, %dma_wait3A_3180] : memref<7x128x128xf32, #tpu.memory_space<vmem>> -> memref<1x128x128xf32, #tpu.memory_space<vmem>>
      %dma_wait3A_3182 = tpu.memref_squeeze %dma_wait3A_3181 : memref<1x128x128xf32, #tpu.memory_space<vmem>> -> memref<128x128xf32, #tpu.memory_space<vmem>>
      %dma_wait3A_3183 = arith.constant 0 : i32
      %dma_wait3A_3184 = tpu.memref_slice %arg5[%mul3A_2, %dma_wait3A_3183] : memref<262144x128xf32, #tpu.memory_space<hbm>> -> memref<128x128xf32, #tpu.memory_space<hbm>>
      %dma_wait3A_3185 = arith.constant 0 : i32
      %dma_wait3A_3186 = tpu.memref_slice %arg5[%mul3A_2, %dma_wait3A_3185] : memref<262144x128xf32, #tpu.memory_space<hbm>> -> memref<128x128xf32, #tpu.memory_space<hbm>>
      %dma_wait3A_3187 = arith.constant 0 : i32
      %dma_wait3A_3188 = arith.constant 0 : i32
      %dma_wait3A_3189 = tpu.memref_slice %arg8[%dma_wait3A_3178, %dma_wait3A_3187, %dma_wait3A_3188] : memref<7x128x128xf32, #tpu.memory_space<vmem>> -> memref<1x128x128xf32, #tpu.memory_space<vmem>>
      %dma_wait3A_3190 = tpu.memref_squeeze %dma_wait3A_3189 : memref<1x128x128xf32, #tpu.memory_space<vmem>> -> memref<128x128xf32, #tpu.memory_space<vmem>>
      tpu.wait_dma2 semaphore(%arg16 : memref<!tpu.dma_semaphore, #tpu.memory_space<semaphore_mem>>) src(%dma_wait3A_3190 : memref<128x128xf32, #tpu.memory_space<vmem>>) dst(%dma_wait3A_3186 : memref<128x128xf32, #tpu.memory_space<hbm>>)
      %dma_start3A_3191 = arith.constant 0 : i32
      %dma_start3A_3192 = arith.constant 0 : i32
      %dma_start3A_3193 = arith.constant 0 : i32
      %dma_start3A_3194 = tpu.memref_slice %arg8[%dma_start3A_3191, %dma_start3A_3192, %dma_start3A_3193] : memref<7x128x128xf32, #tpu.memory_space<vmem>> -> memref<1x128x128xf32, #tpu.memory_space<vmem>>
      %dma_start3A_3195 = tpu.memref_squeeze %dma_start3A_3194 : memref<1x128x128xf32, #tpu.memory_space<vmem>> -> memref<128x128xf32, #tpu.memory_space<vmem>>
      %dma_start3A_3196 = arith.constant 0 : i32
      %dma_start3A_3197 = tpu.memref_slice %arg7[%add3A_3063, %dma_start3A_3196] : memref<64x128xi32, #tpu.memory_space<vmem>> -> memref<1x128xi32, #tpu.memory_space<vmem>>
      %dma_start3A_3198 = tpu.memref_squeeze %dma_start3A_3197 : memref<1x128xi32, #tpu.memory_space<vmem>> -> memref<128xi32, #tpu.memory_space<vmem>>
      %dma_start3A_3199 = arith.constant 0 : i32
      %dma_start3A_3200 = arith.constant 0 : i32
      %dma_start3A_3201 = tpu.memref_slice %arg4[%dma_start3A_3199, %dma_start3A_3200] : memref<32768x128xf32, #tpu.memory_space<hbm>> -> memref<32768x128xf32, #tpu.memory_space<hbm>>
      tpu.enqueue_indirect_dma source(%dma_start3A_3201 : memref<32768x128xf32, #tpu.memory_space<hbm>>) target(%dma_start3A_3195 : memref<128x128xf32, #tpu.memory_space<vmem>>) offsets(%dma_start3A_3198 : memref<128xi32, #tpu.memory_space<vmem>>) semaphore(%arg9 : memref<!tpu.dma_semaphore, #tpu.memory_space<semaphore_mem>>)
      %dma_wait3A_3202 = arith.constant 0 : i32
      %dma_wait3A_3203 = arith.constant 2 : i32
      %dma_wait3A_3204 = arith.constant 0 : i32
      %dma_wait3A_3205 = arith.constant 0 : i32
      %dma_wait3A_3206 = tpu.memref_slice %arg8[%dma_wait3A_3203, %dma_wait3A_3204, %dma_wait3A_3205] : memref<7x128x128xf32, #tpu.memory_space<vmem>> -> memref<1x128x128xf32, #tpu.memory_space<vmem>>
      %dma_wait3A_3207 = tpu.memref_squeeze %dma_wait3A_3206 : memref<1x128x128xf32, #tpu.memory_space<vmem>> -> memref<128x128xf32, #tpu.memory_space<vmem>>
      %dma_wait3A_3208 = arith.constant 0 : i32
      %dma_wait3A_3209 = tpu.memref_slice %arg7[%dma_wait3A_3202, %dma_wait3A_3208] : memref<64x128xi32, #tpu.memory_space<vmem>> -> memref<1x128xi32, #tpu.memory_space<vmem>>
      %dma_wait3A_3210 = tpu.memref_squeeze %dma_wait3A_3209 : memref<1x128xi32, #tpu.memory_space<vmem>> -> memref<128xi32, #tpu.memory_space<vmem>>
      %dma_wait3A_3211 = arith.constant 0 : i32
      %dma_wait3A_3212 = arith.constant 0 : i32
      %dma_wait3A_3213 = tpu.memref_slice %arg4[%dma_wait3A_3211, %dma_wait3A_3212] : memref<32768x128xf32, #tpu.memory_space<hbm>> -> memref<32768x128xf32, #tpu.memory_space<hbm>>
      tpu.wait_indirect_dma semaphore(%arg11 : memref<!tpu.dma_semaphore, #tpu.memory_space<semaphore_mem>>) src(%dma_wait3A_3213 : memref<32768x128xf32, #tpu.memory_space<hbm>>) dst(%dma_wait3A_3207 : memref<128x128xf32, #tpu.memory_space<vmem>>)
      %mul3A_3214 = arith.constant 128 : i32
      %mul3A_3215 = arith.muli %add3A_3061, %mul3A_3214 : i32
      %add3A_3216 = arith.addi %mul3A_2, %mul3A_3215 : i32
      %dma_start3A_3217 = arith.constant 2 : i32
      %dma_start3A_3218 = arith.constant 0 : i32
      %dma_start3A_3219 = arith.constant 0 : i32
      %dma_start3A_3220 = tpu.memref_slice %arg8[%dma_start3A_3217, %dma_start3A_3218, %dma_start3A_3219] : memref<7x128x128xf32, #tpu.memory_space<vmem>> -> memref<1x128x128xf32, #tpu.memory_space<vmem>>
      %dma_start3A_3221 = tpu.memref_squeeze %dma_start3A_3220 : memref<1x128x128xf32, #tpu.memory_space<vmem>> -> memref<128x128xf32, #tpu.memory_space<vmem>>
      %dma_start3A_3222 = arith.constant 0 : i32
      %dma_start3A_3223 = tpu.memref_slice %arg5[%add3A_3216, %dma_start3A_3222] : memref<262144x128xf32, #tpu.memory_space<hbm>> -> memref<128x128xf32, #tpu.memory_space<hbm>>
      %dma_start3A_3224 = arith.constant 0 : i32
      %dma_start3A_3225 = tpu.memref_slice %arg5[%add3A_3216, %dma_start3A_3224] : memref<262144x128xf32, #tpu.memory_space<hbm>> -> memref<128x128xf32, #tpu.memory_space<hbm>>
      %dma_start3A_3226 = arith.constant 0 : i32
      %dma_start3A_3227 = arith.constant 0 : i32
      %dma_start3A_3228 = tpu.memref_slice %arg8[%dma_start3A_3217, %dma_start3A_3226, %dma_start3A_3227] : memref<7x128x128xf32, #tpu.memory_space<vmem>> -> memref<1x128x128xf32, #tpu.memory_space<vmem>>
      %dma_start3A_3229 = tpu.memref_squeeze %dma_start3A_3228 : memref<1x128x128xf32, #tpu.memory_space<vmem>> -> memref<128x128xf32, #tpu.memory_space<vmem>>
      tpu.enqueue_dma source(%dma_start3A_3229 : memref<128x128xf32, #tpu.memory_space<vmem>>) target(%dma_start3A_3225 : memref<128x128xf32, #tpu.memory_space<hbm>>) target_semaphore(%arg18 : memref<!tpu.dma_semaphore, #tpu.memory_space<semaphore_mem>>)
      %mul3A_3230 = arith.constant 7 : i32
      %mul3A_3231 = arith.muli %scan3A_2713, %mul3A_3230 : i32
      %add3A_3232 = arith.constant 3 : i32
      %add3A_3233 = arith.addi %mul3A_3231, %add3A_3232 : i32
      %add3A_3234 = arith.constant 5 : i32
      %add3A_3235 = arith.addi %add3A_3233, %add3A_3234 : i32
      %mul3A_3236 = arith.constant 128 : i32
      %mul3A_3237 = arith.muli %add3A_3235, %mul3A_3236 : i32
      %add3A_3238 = arith.addi %mul3A_2, %mul3A_3237 : i32
      %jit3A_3239 = arith.constant 2048 : i32
      %div3A_3240 = arith.divsi %add3A_3238, %jit3A_3239 : i32
      %sign3A_3241 = arith.constant 0 : i32
      %sign3A_3242 = arith.cmpi sgt, %add3A_3238, %sign3A_3241 : i32
      %sign3A_3243 = arith.extui %sign3A_3242 : i1 to i32
      %sign3A_3244 = arith.constant 0 : i32
      %sign3A_3245 = arith.cmpi slt, %add3A_3238, %sign3A_3244 : i32
      %sign3A_3246 = arith.extui %sign3A_3245 : i1 to i32
      %sign3A_3247 = arith.subi %sign3A_3243, %sign3A_3246 : i32
      %sign3A_3248 = arith.constant 0 : i32
      %sign3A_3249 = arith.cmpi sgt, %jit3A_3239, %sign3A_3248 : i32
      %sign3A_3250 = arith.extui %sign3A_3249 : i1 to i32
      %sign3A_3251 = arith.constant 0 : i32
      %sign3A_3252 = arith.cmpi slt, %jit3A_3239, %sign3A_3251 : i32
      %sign3A_3253 = arith.extui %sign3A_3252 : i1 to i32
      %sign3A_3254 = arith.subi %sign3A_3250, %sign3A_3253 : i32
      %ne3A_3255 = arith.cmpi ne, %sign3A_3247, %sign3A_3254 : i32
      %rem3A_3256 = arith.remsi %add3A_3238, %jit3A_3239 : i32
      %ne3A_3257 = arith.constant 0 : i32
      %ne3A_3258 = arith.cmpi ne, %rem3A_3256, %ne3A_3257 : i32
      %and3A_3259 = arith.andi %ne3A_3255, %ne3A_3258 : i1
      %sub3A_3260 = arith.constant 1 : i32
      %sub3A_3261 = arith.subi %div3A_3240, %sub3A_3260 : i32
      %select_n3A_3262 = arith.select %and3A_3259, %sub3A_3261, %div3A_3240 : i32
      %rem3A_3263 = arith.constant 8 : i32
      %rem3A_3264 = arith.remsi %select_n3A_3262, %rem3A_3263 : i32
      %mul3A_3265 = arith.constant 16 : i32
      %mul3A_3266 = arith.muli %rem3A_3264, %mul3A_3265 : i32
      %get3A_3267 = arith.index_cast %mul3A_3266 : i32 to index
      %get3A_3268 = tpu.vector_load %arg6[%get3A_3267] {strides = array<i32>} : memref<128xi32, #tpu.memory_space<vmem>>, vector<16xi32>,
      %get3A_3269 = vector.shape_cast %get3A_3268 : vector<16xi32> to vector<16xi32>
      %get3A_3270 = arith.index_cast %add3A_3235 : i32 to index
      %get3A_3271 = arith.constant 0 : index
      %get3A_3272 = tpu.vector_load %arg7[%get3A_3270, %get3A_3271] {strides = array<i32>} : memref<64x128xi32, #tpu.memory_space<vmem>>, vector<1x16xi32>,
      %get3A_3273 = vector.shape_cast %get3A_3272 : vector<1x16xi32> to vector<16xi32>
      %add3A_3274 = arith.addi %get3A_3273, %get3A_3269 : vector<16xi32>
      %swap3A_3275 = arith.index_cast %add3A_3235 : i32 to index
      %swap3A_3276 = arith.constant 0 : index
      %swap3A_3277 = tpu.vector_load %arg7[%swap3A_3275, %swap3A_3276] {strides = array<i32>} : memref<64x128xi32, #tpu.memory_space<vmem>>, vector<1x16xi32>,
      %swap3A_3278 = vector.shape_cast %swap3A_3277 : vector<1x16xi32> to vector<16xi32>
      %swap3A_3279 = vector.shape_cast %add3A_3274 : vector<16xi32> to vector<1x16xi32>
      tpu.vector_store %arg7[%swap3A_3275, %swap3A_3276], %swap3A_3279 {strides = array<i32>} : memref<64x128xi32, #tpu.memory_space<vmem>>, vector<1x16xi32>,
      %get3A_3280 = arith.index_cast %add3A_3235 : i32 to index
      %get3A_3281 = arith.constant 16 : index
      %get3A_3282 = tpu.vector_load %arg7[%get3A_3280, %get3A_3281] {strides = array<i32>} : memref<64x128xi32, #tpu.memory_space<vmem>>, vector<1x16xi32>,
      %get3A_3283 = vector.shape_cast %get3A_3282 : vector<1x16xi32> to vector<16xi32>
      %add3A_3284 = arith.addi %get3A_3283, %get3A_3269 : vector<16xi32>
      %swap3A_3285 = arith.index_cast %add3A_3235 : i32 to index
      %swap3A_3286 = arith.constant 16 : index
      %swap3A_3287 = tpu.vector_load %arg7[%swap3A_3285, %swap3A_3286] {strides = array<i32>} : memref<64x128xi32, #tpu.memory_space<vmem>>, vector<1x16xi32>,
      %swap3A_3288 = vector.shape_cast %swap3A_3287 : vector<1x16xi32> to vector<16xi32>
      %swap3A_3289 = vector.shape_cast %add3A_3284 : vector<16xi32> to vector<1x16xi32>
      tpu.vector_store %arg7[%swap3A_3285, %swap3A_3286], %swap3A_3289 {strides = array<i32>} : memref<64x128xi32, #tpu.memory_space<vmem>>, vector<1x16xi32>,
      %get3A_3290 = arith.index_cast %add3A_3235 : i32 to index
      %get3A_3291 = arith.constant 32 : index
      %get3A_3292 = tpu.vector_load %arg7[%get3A_3290, %get3A_3291] {strides = array<i32>} : memref<64x128xi32, #tpu.memory_space<vmem>>, vector<1x16xi32>,
      %get3A_3293 = vector.shape_cast %get3A_3292 : vector<1x16xi32> to vector<16xi32>
      %add3A_3294 = arith.addi %get3A_3293, %get3A_3269 : vector<16xi32>
      %swap3A_3295 = arith.index_cast %add3A_3235 : i32 to index
      %swap3A_3296 = arith.constant 32 : index
      %swap3A_3297 = tpu.vector_load %arg7[%swap3A_3295, %swap3A_3296] {strides = array<i32>} : memref<64x128xi32, #tpu.memory_space<vmem>>, vector<1x16xi32>,
      %swap3A_3298 = vector.shape_cast %swap3A_3297 : vector<1x16xi32> to vector<16xi32>
      %swap3A_3299 = vector.shape_cast %add3A_3294 : vector<16xi32> to vector<1x16xi32>
      tpu.vector_store %arg7[%swap3A_3295, %swap3A_3296], %swap3A_3299 {strides = array<i32>} : memref<64x128xi32, #tpu.memory_space<vmem>>, vector<1x16xi32>,
      %get3A_3300 = arith.index_cast %add3A_3235 : i32 to index
      %get3A_3301 = arith.constant 48 : index
      %get3A_3302 = tpu.vector_load %arg7[%get3A_3300, %get3A_3301] {strides = array<i32>} : memref<64x128xi32, #tpu.memory_space<vmem>>, vector<1x16xi32>,
      %get3A_3303 = vector.shape_cast %get3A_3302 : vector<1x16xi32> to vector<16xi32>
      %add3A_3304 = arith.addi %get3A_3303, %get3A_3269 : vector<16xi32>
      %swap3A_3305 = arith.index_cast %add3A_3235 : i32 to index
      %swap3A_3306 = arith.constant 48 : index
      %swap3A_3307 = tpu.vector_load %arg7[%swap3A_3305, %swap3A_3306] {strides = array<i32>} : memref<64x128xi32, #tpu.memory_space<vmem>>, vector<1x16xi32>,
      %swap3A_3308 = vector.shape_cast %swap3A_3307 : vector<1x16xi32> to vector<16xi32>
      %swap3A_3309 = vector.shape_cast %add3A_3304 : vector<16xi32> to vector<1x16xi32>
      tpu.vector_store %arg7[%swap3A_3305, %swap3A_3306], %swap3A_3309 {strides = array<i32>} : memref<64x128xi32, #tpu.memory_space<vmem>>, vector<1x16xi32>,
      %get3A_3310 = arith.index_cast %add3A_3235 : i32 to index
      %get3A_3311 = arith.constant 64 : index
      %get3A_3312 = tpu.vector_load %arg7[%get3A_3310, %get3A_3311] {strides = array<i32>} : memref<64x128xi32, #tpu.memory_space<vmem>>, vector<1x16xi32>,
      %get3A_3313 = vector.shape_cast %get3A_3312 : vector<1x16xi32> to vector<16xi32>
      %add3A_3314 = arith.addi %get3A_3313, %get3A_3269 : vector<16xi32>
      %swap3A_3315 = arith.index_cast %add3A_3235 : i32 to index
      %swap3A_3316 = arith.constant 64 : index
      %swap3A_3317 = tpu.vector_load %arg7[%swap3A_3315, %swap3A_3316] {strides = array<i32>} : memref<64x128xi32, #tpu.memory_space<vmem>>, vector<1x16xi32>,
      %swap3A_3318 = vector.shape_cast %swap3A_3317 : vector<1x16xi32> to vector<16xi32>
      %swap3A_3319 = vector.shape_cast %add3A_3314 : vector<16xi32> to vector<1x16xi32>
      tpu.vector_store %arg7[%swap3A_3315, %swap3A_3316], %swap3A_3319 {strides = array<i32>} : memref<64x128xi32, #tpu.memory_space<vmem>>, vector<1x16xi32>,
      %get3A_3320 = arith.index_cast %add3A_3235 : i32 to index
      %get3A_3321 = arith.constant 80 : index
      %get3A_3322 = tpu.vector_load %arg7[%get3A_3320, %get3A_3321] {strides = array<i32>} : memref<64x128xi32, #tpu.memory_space<vmem>>, vector<1x16xi32>,
      %get3A_3323 = vector.shape_cast %get3A_3322 : vector<1x16xi32> to vector<16xi32>
      %add3A_3324 = arith.addi %get3A_3323, %get3A_3269 : vector<16xi32>
      %swap3A_3325 = arith.index_cast %add3A_3235 : i32 to index
      %swap3A_3326 = arith.constant 80 : index
      %swap3A_3327 = tpu.vector_load %arg7[%swap3A_3325, %swap3A_3326] {strides = array<i32>} : memref<64x128xi32, #tpu.memory_space<vmem>>, vector<1x16xi32>,
      %swap3A_3328 = vector.shape_cast %swap3A_3327 : vector<1x16xi32> to vector<16xi32>
      %swap3A_3329 = vector.shape_cast %add3A_3324 : vector<16xi32> to vector<1x16xi32>
      tpu.vector_store %arg7[%swap3A_3325, %swap3A_3326], %swap3A_3329 {strides = array<i32>} : memref<64x128xi32, #tpu.memory_space<vmem>>, vector<1x16xi32>,
      %get3A_3330 = arith.index_cast %add3A_3235 : i32 to index
      %get3A_3331 = arith.constant 96 : index
      %get3A_3332 = tpu.vector_load %arg7[%get3A_3330, %get3A_3331] {strides = array<i32>} : memref<64x128xi32, #tpu.memory_space<vmem>>, vector<1x16xi32>,
      %get3A_3333 = vector.shape_cast %get3A_3332 : vector<1x16xi32> to vector<16xi32>
      %add3A_3334 = arith.addi %get3A_3333, %get3A_3269 : vector<16xi32>
      %swap3A_3335 = arith.index_cast %add3A_3235 : i32 to index
      %swap3A_3336 = arith.constant 96 : index
      %swap3A_3337 = tpu.vector_load %arg7[%swap3A_3335, %swap3A_3336] {strides = array<i32>} : memref<64x128xi32, #tpu.memory_space<vmem>>, vector<1x16xi32>,
      %swap3A_3338 = vector.shape_cast %swap3A_3337 : vector<1x16xi32> to vector<16xi32>
      %swap3A_3339 = vector.shape_cast %add3A_3334 : vector<16xi32> to vector<1x16xi32>
      tpu.vector_store %arg7[%swap3A_3335, %swap3A_3336], %swap3A_3339 {strides = array<i32>} : memref<64x128xi32, #tpu.memory_space<vmem>>, vector<1x16xi32>,
      %get3A_3340 = arith.index_cast %add3A_3235 : i32 to index
      %get3A_3341 = arith.constant 112 : index
      %get3A_3342 = tpu.vector_load %arg7[%get3A_3340, %get3A_3341] {strides = array<i32>} : memref<64x128xi32, #tpu.memory_space<vmem>>, vector<1x16xi32>,
      %get3A_3343 = vector.shape_cast %get3A_3342 : vector<1x16xi32> to vector<16xi32>
      %add3A_3344 = arith.addi %get3A_3343, %get3A_3269 : vector<16xi32>
      %swap3A_3345 = arith.index_cast %add3A_3235 : i32 to index
      %swap3A_3346 = arith.constant 112 : index
      %swap3A_3347 = tpu.vector_load %arg7[%swap3A_3345, %swap3A_3346] {strides = array<i32>} : memref<64x128xi32, #tpu.memory_space<vmem>>, vector<1x16xi32>,
      %swap3A_3348 = vector.shape_cast %swap3A_3347 : vector<1x16xi32> to vector<16xi32>
      %swap3A_3349 = vector.shape_cast %add3A_3344 : vector<16xi32> to vector<1x16xi32>
      tpu.vector_store %arg7[%swap3A_3345, %swap3A_3346], %swap3A_3349 {strides = array<i32>} : memref<64x128xi32, #tpu.memory_space<vmem>>, vector<1x16xi32>,
      %dma_wait3A_3350 = arith.constant 1 : i32
      %dma_wait3A_3351 = arith.constant 0 : i32
      %dma_wait3A_3352 = arith.constant 0 : i32
      %dma_wait3A_3353 = tpu.memref_slice %arg8[%dma_wait3A_3350, %dma_wait3A_3351, %dma_wait3A_3352] : memref<7x128x128xf32, #tpu.memory_space<vmem>> -> memref<1x128x128xf32, #tpu.memory_space<vmem>>
      %dma_wait3A_3354 = tpu.memref_squeeze %dma_wait3A_3353 : memref<1x128x128xf32, #tpu.memory_space<vmem>> -> memref<128x128xf32, #tpu.memory_space<vmem>>
      %dma_wait3A_3355 = arith.constant 0 : i32
      %dma_wait3A_3356 = tpu.memref_slice %arg5[%mul3A_2, %dma_wait3A_3355] : memref<262144x128xf32, #tpu.memory_space<hbm>> -> memref<128x128xf32, #tpu.memory_space<hbm>>
      %dma_wait3A_3357 = arith.constant 0 : i32
      %dma_wait3A_3358 = tpu.memref_slice %arg5[%mul3A_2, %dma_wait3A_3357] : memref<262144x128xf32, #tpu.memory_space<hbm>> -> memref<128x128xf32, #tpu.memory_space<hbm>>
      %dma_wait3A_3359 = arith.constant 0 : i32
      %dma_wait3A_3360 = arith.constant 0 : i32
      %dma_wait3A_3361 = tpu.memref_slice %arg8[%dma_wait3A_3350, %dma_wait3A_3359, %dma_wait3A_3360] : memref<7x128x128xf32, #tpu.memory_space<vmem>> -> memref<1x128x128xf32, #tpu.memory_space<vmem>>
      %dma_wait3A_3362 = tpu.memref_squeeze %dma_wait3A_3361 : memref<1x128x128xf32, #tpu.memory_space<vmem>> -> memref<128x128xf32, #tpu.memory_space<vmem>>
      tpu.wait_dma2 semaphore(%arg17 : memref<!tpu.dma_semaphore, #tpu.memory_space<semaphore_mem>>) src(%dma_wait3A_3362 : memref<128x128xf32, #tpu.memory_space<vmem>>) dst(%dma_wait3A_3358 : memref<128x128xf32, #tpu.memory_space<hbm>>)
      %dma_start3A_3363 = arith.constant 1 : i32
      %dma_start3A_3364 = arith.constant 0 : i32
      %dma_start3A_3365 = arith.constant 0 : i32
      %dma_start3A_3366 = tpu.memref_slice %arg8[%dma_start3A_3363, %dma_start3A_3364, %dma_start3A_3365] : memref<7x128x128xf32, #tpu.memory_space<vmem>> -> memref<1x128x128xf32, #tpu.memory_space<vmem>>
      %dma_start3A_3367 = tpu.memref_squeeze %dma_start3A_3366 : memref<1x128x128xf32, #tpu.memory_space<vmem>> -> memref<128x128xf32, #tpu.memory_space<vmem>>
      %dma_start3A_3368 = arith.constant 0 : i32
      %dma_start3A_3369 = tpu.memref_slice %arg7[%add3A_3235, %dma_start3A_3368] : memref<64x128xi32, #tpu.memory_space<vmem>> -> memref<1x128xi32, #tpu.memory_space<vmem>>
      %dma_start3A_3370 = tpu.memref_squeeze %dma_start3A_3369 : memref<1x128xi32, #tpu.memory_space<vmem>> -> memref<128xi32, #tpu.memory_space<vmem>>
      %dma_start3A_3371 = arith.constant 0 : i32
      %dma_start3A_3372 = arith.constant 0 : i32
      %dma_start3A_3373 = tpu.memref_slice %arg4[%dma_start3A_3371, %dma_start3A_3372] : memref<32768x128xf32, #tpu.memory_space<hbm>> -> memref<32768x128xf32, #tpu.memory_space<hbm>>
      tpu.enqueue_indirect_dma source(%dma_start3A_3373 : memref<32768x128xf32, #tpu.memory_space<hbm>>) target(%dma_start3A_3367 : memref<128x128xf32, #tpu.memory_space<vmem>>) offsets(%dma_start3A_3370 : memref<128xi32, #tpu.memory_space<vmem>>) semaphore(%arg10 : memref<!tpu.dma_semaphore, #tpu.memory_space<semaphore_mem>>)
      %dma_wait3A_3374 = arith.constant 0 : i32
      %dma_wait3A_3375 = arith.constant 3 : i32
      %dma_wait3A_3376 = arith.constant 0 : i32
      %dma_wait3A_3377 = arith.constant 0 : i32
      %dma_wait3A_3378 = tpu.memref_slice %arg8[%dma_wait3A_3375, %dma_wait3A_3376, %dma_wait3A_3377] : memref<7x128x128xf32, #tpu.memory_space<vmem>> -> memref<1x128x128xf32, #tpu.memory_space<vmem>>
      %dma_wait3A_3379 = tpu.memref_squeeze %dma_wait3A_3378 : memref<1x128x128xf32, #tpu.memory_space<vmem>> -> memref<128x128xf32, #tpu.memory_space<vmem>>
      %dma_wait3A_3380 = arith.constant 0 : i32
      %dma_wait3A_3381 = tpu.memref_slice %arg7[%dma_wait3A_3374, %dma_wait3A_3380] : memref<64x128xi32, #tpu.memory_space<vmem>> -> memref<1x128xi32, #tpu.memory_space<vmem>>
      %dma_wait3A_3382 = tpu.memref_squeeze %dma_wait3A_3381 : memref<1x128xi32, #tpu.memory_space<vmem>> -> memref<128xi32, #tpu.memory_space<vmem>>
      %dma_wait3A_3383 = arith.constant 0 : i32
      %dma_wait3A_3384 = arith.constant 0 : i32
      %dma_wait3A_3385 = tpu.memref_slice %arg4[%dma_wait3A_3383, %dma_wait3A_3384] : memref<32768x128xf32, #tpu.memory_space<hbm>> -> memref<32768x128xf32, #tpu.memory_space<hbm>>
      tpu.wait_indirect_dma semaphore(%arg12 : memref<!tpu.dma_semaphore, #tpu.memory_space<semaphore_mem>>) src(%dma_wait3A_3385 : memref<32768x128xf32, #tpu.memory_space<hbm>>) dst(%dma_wait3A_3379 : memref<128x128xf32, #tpu.memory_space<vmem>>)
      %mul3A_3386 = arith.constant 128 : i32
      %mul3A_3387 = arith.muli %add3A_3233, %mul3A_3386 : i32
      %add3A_3388 = arith.addi %mul3A_2, %mul3A_3387 : i32
      %dma_start3A_3389 = arith.constant 3 : i32
      %dma_start3A_3390 = arith.constant 0 : i32
      %dma_start3A_3391 = arith.constant 0 : i32
      %dma_start3A_3392 = tpu.memref_slice %arg8[%dma_start3A_3389, %dma_start3A_3390, %dma_start3A_3391] : memref<7x128x128xf32, #tpu.memory_space<vmem>> -> memref<1x128x128xf32, #tpu.memory_space<vmem>>
      %dma_start3A_3393 = tpu.memref_squeeze %dma_start3A_3392 : memref<1x128x128xf32, #tpu.memory_space<vmem>> -> memref<128x128xf32, #tpu.memory_space<vmem>>
      %dma_start3A_3394 = arith.constant 0 : i32
      %dma_start3A_3395 = tpu.memref_slice %arg5[%add3A_3388, %dma_start3A_3394] : memref<262144x128xf32, #tpu.memory_space<hbm>> -> memref<128x128xf32, #tpu.memory_space<hbm>>
      %dma_start3A_3396 = arith.constant 0 : i32
      %dma_start3A_3397 = tpu.memref_slice %arg5[%add3A_3388, %dma_start3A_3396] : memref<262144x128xf32, #tpu.memory_space<hbm>> -> memref<128x128xf32, #tpu.memory_space<hbm>>
      %dma_start3A_3398 = arith.constant 0 : i32
      %dma_start3A_3399 = arith.constant 0 : i32
      %dma_start3A_3400 = tpu.memref_slice %arg8[%dma_start3A_3389, %dma_start3A_3398, %dma_start3A_3399] : memref<7x128x128xf32, #tpu.memory_space<vmem>> -> memref<1x128x128xf32, #tpu.memory_space<vmem>>
      %dma_start3A_3401 = tpu.memref_squeeze %dma_start3A_3400 : memref<1x128x128xf32, #tpu.memory_space<vmem>> -> memref<128x128xf32, #tpu.memory_space<vmem>>
      tpu.enqueue_dma source(%dma_start3A_3401 : memref<128x128xf32, #tpu.memory_space<vmem>>) target(%dma_start3A_3397 : memref<128x128xf32, #tpu.memory_space<hbm>>) target_semaphore(%arg19 : memref<!tpu.dma_semaphore, #tpu.memory_space<semaphore_mem>>)
      %mul3A_3402 = arith.constant 7 : i32
      %mul3A_3403 = arith.muli %scan3A_2713, %mul3A_3402 : i32
      %add3A_3404 = arith.constant 4 : i32
      %add3A_3405 = arith.addi %mul3A_3403, %add3A_3404 : i32
      %add3A_3406 = arith.constant 5 : i32
      %add3A_3407 = arith.addi %add3A_3405, %add3A_3406 : i32
      %mul3A_3408 = arith.constant 128 : i32
      %mul3A_3409 = arith.muli %add3A_3407, %mul3A_3408 : i32
      %add3A_3410 = arith.addi %mul3A_2, %mul3A_3409 : i32
      %jit3A_3411 = arith.constant 2048 : i32
      %div3A_3412 = arith.divsi %add3A_3410, %jit3A_3411 : i32
      %sign3A_3413 = arith.constant 0 : i32
      %sign3A_3414 = arith.cmpi sgt, %add3A_3410, %sign3A_3413 : i32
      %sign3A_3415 = arith.extui %sign3A_3414 : i1 to i32
      %sign3A_3416 = arith.constant 0 : i32
      %sign3A_3417 = arith.cmpi slt, %add3A_3410, %sign3A_3416 : i32
      %sign3A_3418 = arith.extui %sign3A_3417 : i1 to i32
      %sign3A_3419 = arith.subi %sign3A_3415, %sign3A_3418 : i32
      %sign3A_3420 = arith.constant 0 : i32
      %sign3A_3421 = arith.cmpi sgt, %jit3A_3411, %sign3A_3420 : i32
      %sign3A_3422 = arith.extui %sign3A_3421 : i1 to i32
      %sign3A_3423 = arith.constant 0 : i32
      %sign3A_3424 = arith.cmpi slt, %jit3A_3411, %sign3A_3423 : i32
      %sign3A_3425 = arith.extui %sign3A_3424 : i1 to i32
      %sign3A_3426 = arith.subi %sign3A_3422, %sign3A_3425 : i32
      %ne3A_3427 = arith.cmpi ne, %sign3A_3419, %sign3A_3426 : i32
      %rem3A_3428 = arith.remsi %add3A_3410, %jit3A_3411 : i32
      %ne3A_3429 = arith.constant 0 : i32
      %ne3A_3430 = arith.cmpi ne, %rem3A_3428, %ne3A_3429 : i32
      %and3A_3431 = arith.andi %ne3A_3427, %ne3A_3430 : i1
      %sub3A_3432 = arith.constant 1 : i32
      %sub3A_3433 = arith.subi %div3A_3412, %sub3A_3432 : i32
      %select_n3A_3434 = arith.select %and3A_3431, %sub3A_3433, %div3A_3412 : i32
      %rem3A_3435 = arith.constant 8 : i32
      %rem3A_3436 = arith.remsi %select_n3A_3434, %rem3A_3435 : i32
      %mul3A_3437 = arith.constant 16 : i32
      %mul3A_3438 = arith.muli %rem3A_3436, %mul3A_3437 : i32
      %get3A_3439 = arith.index_cast %mul3A_3438 : i32 to index
      %get3A_3440 = tpu.vector_load %arg6[%get3A_3439] {strides = array<i32>} : memref<128xi32, #tpu.memory_space<vmem>>, vector<16xi32>,
      %get3A_3441 = vector.shape_cast %get3A_3440 : vector<16xi32> to vector<16xi32>
      %get3A_3442 = arith.index_cast %add3A_3407 : i32 to index
      %get3A_3443 = arith.constant 0 : index
      %get3A_3444 = tpu.vector_load %arg7[%get3A_3442, %get3A_3443] {strides = array<i32>} : memref<64x128xi32, #tpu.memory_space<vmem>>, vector<1x16xi32>,
      %get3A_3445 = vector.shape_cast %get3A_3444 : vector<1x16xi32> to vector<16xi32>
      %add3A_3446 = arith.addi %get3A_3445, %get3A_3441 : vector<16xi32>
      %swap3A_3447 = arith.index_cast %add3A_3407 : i32 to index
      %swap3A_3448 = arith.constant 0 : index
      %swap3A_3449 = tpu.vector_load %arg7[%swap3A_3447, %swap3A_3448] {strides = array<i32>} : memref<64x128xi32, #tpu.memory_space<vmem>>, vector<1x16xi32>,
      %swap3A_3450 = vector.shape_cast %swap3A_3449 : vector<1x16xi32> to vector<16xi32>
      %swap3A_3451 = vector.shape_cast %add3A_3446 : vector<16xi32> to vector<1x16xi32>
      tpu.vector_store %arg7[%swap3A_3447, %swap3A_3448], %swap3A_3451 {strides = array<i32>} : memref<64x128xi32, #tpu.memory_space<vmem>>, vector<1x16xi32>,
      %get3A_3452 = arith.index_cast %add3A_3407 : i32 to index
      %get3A_3453 = arith.constant 16 : index
      %get3A_3454 = tpu.vector_load %arg7[%get3A_3452, %get3A_3453] {strides = array<i32>} : memref<64x128xi32, #tpu.memory_space<vmem>>, vector<1x16xi32>,
      %get3A_3455 = vector.shape_cast %get3A_3454 : vector<1x16xi32> to vector<16xi32>
      %add3A_3456 = arith.addi %get3A_3455, %get3A_3441 : vector<16xi32>
      %swap3A_3457 = arith.index_cast %add3A_3407 : i32 to index
      %swap3A_3458 = arith.constant 16 : index
      %swap3A_3459 = tpu.vector_load %arg7[%swap3A_3457, %swap3A_3458] {strides = array<i32>} : memref<64x128xi32, #tpu.memory_space<vmem>>, vector<1x16xi32>,
      %swap3A_3460 = vector.shape_cast %swap3A_3459 : vector<1x16xi32> to vector<16xi32>
      %swap3A_3461 = vector.shape_cast %add3A_3456 : vector<16xi32> to vector<1x16xi32>
      tpu.vector_store %arg7[%swap3A_3457, %swap3A_3458], %swap3A_3461 {strides = array<i32>} : memref<64x128xi32, #tpu.memory_space<vmem>>, vector<1x16xi32>,
      %get3A_3462 = arith.index_cast %add3A_3407 : i32 to index
      %get3A_3463 = arith.constant 32 : index
      %get3A_3464 = tpu.vector_load %arg7[%get3A_3462, %get3A_3463] {strides = array<i32>} : memref<64x128xi32, #tpu.memory_space<vmem>>, vector<1x16xi32>,
      %get3A_3465 = vector.shape_cast %get3A_3464 : vector<1x16xi32> to vector<16xi32>
      %add3A_3466 = arith.addi %get3A_3465, %get3A_3441 : vector<16xi32>
      %swap3A_3467 = arith.index_cast %add3A_3407 : i32 to index
      %swap3A_3468 = arith.constant 32 : index
      %swap3A_3469 = tpu.vector_load %arg7[%swap3A_3467, %swap3A_3468] {strides = array<i32>} : memref<64x128xi32, #tpu.memory_space<vmem>>, vector<1x16xi32>,
      %swap3A_3470 = vector.shape_cast %swap3A_3469 : vector<1x16xi32> to vector<16xi32>
      %swap3A_3471 = vector.shape_cast %add3A_3466 : vector<16xi32> to vector<1x16xi32>
      tpu.vector_store %arg7[%swap3A_3467, %swap3A_3468], %swap3A_3471 {strides = array<i32>} : memref<64x128xi32, #tpu.memory_space<vmem>>, vector<1x16xi32>,
      %get3A_3472 = arith.index_cast %add3A_3407 : i32 to index
      %get3A_3473 = arith.constant 48 : index
      %get3A_3474 = tpu.vector_load %arg7[%get3A_3472, %get3A_3473] {strides = array<i32>} : memref<64x128xi32, #tpu.memory_space<vmem>>, vector<1x16xi32>,
      %get3A_3475 = vector.shape_cast %get3A_3474 : vector<1x16xi32> to vector<16xi32>
      %add3A_3476 = arith.addi %get3A_3475, %get3A_3441 : vector<16xi32>
      %swap3A_3477 = arith.index_cast %add3A_3407 : i32 to index
      %swap3A_3478 = arith.constant 48 : index
      %swap3A_3479 = tpu.vector_load %arg7[%swap3A_3477, %swap3A_3478] {strides = array<i32>} : memref<64x128xi32, #tpu.memory_space<vmem>>, vector<1x16xi32>,
      %swap3A_3480 = vector.shape_cast %swap3A_3479 : vector<1x16xi32> to vector<16xi32>
      %swap3A_3481 = vector.shape_cast %add3A_3476 : vector<16xi32> to vector<1x16xi32>
      tpu.vector_store %arg7[%swap3A_3477, %swap3A_3478], %swap3A_3481 {strides = array<i32>} : memref<64x128xi32, #tpu.memory_space<vmem>>, vector<1x16xi32>,
      %get3A_3482 = arith.index_cast %add3A_3407 : i32 to index
      %get3A_3483 = arith.constant 64 : index
      %get3A_3484 = tpu.vector_load %arg7[%get3A_3482, %get3A_3483] {strides = array<i32>} : memref<64x128xi32, #tpu.memory_space<vmem>>, vector<1x16xi32>,
      %get3A_3485 = vector.shape_cast %get3A_3484 : vector<1x16xi32> to vector<16xi32>
      %add3A_3486 = arith.addi %get3A_3485, %get3A_3441 : vector<16xi32>
      %swap3A_3487 = arith.index_cast %add3A_3407 : i32 to index
      %swap3A_3488 = arith.constant 64 : index
      %swap3A_3489 = tpu.vector_load %arg7[%swap3A_3487, %swap3A_3488] {strides = array<i32>} : memref<64x128xi32, #tpu.memory_space<vmem>>, vector<1x16xi32>,
      %swap3A_3490 = vector.shape_cast %swap3A_3489 : vector<1x16xi32> to vector<16xi32>
      %swap3A_3491 = vector.shape_cast %add3A_3486 : vector<16xi32> to vector<1x16xi32>
      tpu.vector_store %arg7[%swap3A_3487, %swap3A_3488], %swap3A_3491 {strides = array<i32>} : memref<64x128xi32, #tpu.memory_space<vmem>>, vector<1x16xi32>,
      %get3A_3492 = arith.index_cast %add3A_3407 : i32 to index
      %get3A_3493 = arith.constant 80 : index
      %get3A_3494 = tpu.vector_load %arg7[%get3A_3492, %get3A_3493] {strides = array<i32>} : memref<64x128xi32, #tpu.memory_space<vmem>>, vector<1x16xi32>,
      %get3A_3495 = vector.shape_cast %get3A_3494 : vector<1x16xi32> to vector<16xi32>
      %add3A_3496 = arith.addi %get3A_3495, %get3A_3441 : vector<16xi32>
      %swap3A_3497 = arith.index_cast %add3A_3407 : i32 to index
      %swap3A_3498 = arith.constant 80 : index
      %swap3A_3499 = tpu.vector_load %arg7[%swap3A_3497, %swap3A_3498] {strides = array<i32>} : memref<64x128xi32, #tpu.memory_space<vmem>>, vector<1x16xi32>,
      %swap3A_3500 = vector.shape_cast %swap3A_3499 : vector<1x16xi32> to vector<16xi32>
      %swap3A_3501 = vector.shape_cast %add3A_3496 : vector<16xi32> to vector<1x16xi32>
      tpu.vector_store %arg7[%swap3A_3497, %swap3A_3498], %swap3A_3501 {strides = array<i32>} : memref<64x128xi32, #tpu.memory_space<vmem>>, vector<1x16xi32>,
      %get3A_3502 = arith.index_cast %add3A_3407 : i32 to index
      %get3A_3503 = arith.constant 96 : index
      %get3A_3504 = tpu.vector_load %arg7[%get3A_3502, %get3A_3503] {strides = array<i32>} : memref<64x128xi32, #tpu.memory_space<vmem>>, vector<1x16xi32>,
      %get3A_3505 = vector.shape_cast %get3A_3504 : vector<1x16xi32> to vector<16xi32>
      %add3A_3506 = arith.addi %get3A_3505, %get3A_3441 : vector<16xi32>
      %swap3A_3507 = arith.index_cast %add3A_3407 : i32 to index
      %swap3A_3508 = arith.constant 96 : index
      %swap3A_3509 = tpu.vector_load %arg7[%swap3A_3507, %swap3A_3508] {strides = array<i32>} : memref<64x128xi32, #tpu.memory_space<vmem>>, vector<1x16xi32>,
      %swap3A_3510 = vector.shape_cast %swap3A_3509 : vector<1x16xi32> to vector<16xi32>
      %swap3A_3511 = vector.shape_cast %add3A_3506 : vector<16xi32> to vector<1x16xi32>
      tpu.vector_store %arg7[%swap3A_3507, %swap3A_3508], %swap3A_3511 {strides = array<i32>} : memref<64x128xi32, #tpu.memory_space<vmem>>, vector<1x16xi32>,
      %get3A_3512 = arith.index_cast %add3A_3407 : i32 to index
      %get3A_3513 = arith.constant 112 : index
      %get3A_3514 = tpu.vector_load %arg7[%get3A_3512, %get3A_3513] {strides = array<i32>} : memref<64x128xi32, #tpu.memory_space<vmem>>, vector<1x16xi32>,
      %get3A_3515 = vector.shape_cast %get3A_3514 : vector<1x16xi32> to vector<16xi32>
      %add3A_3516 = arith.addi %get3A_3515, %get3A_3441 : vector<16xi32>
      %swap3A_3517 = arith.index_cast %add3A_3407 : i32 to index
      %swap3A_3518 = arith.constant 112 : index
      %swap3A_3519 = tpu.vector_load %arg7[%swap3A_3517, %swap3A_3518] {strides = array<i32>} : memref<64x128xi32, #tpu.memory_space<vmem>>, vector<1x16xi32>,
      %swap3A_3520 = vector.shape_cast %swap3A_3519 : vector<1x16xi32> to vector<16xi32>
      %swap3A_3521 = vector.shape_cast %add3A_3516 : vector<16xi32> to vector<1x16xi32>
      tpu.vector_store %arg7[%swap3A_3517, %swap3A_3518], %swap3A_3521 {strides = array<i32>} : memref<64x128xi32, #tpu.memory_space<vmem>>, vector<1x16xi32>,
      %dma_wait3A_3522 = arith.constant 2 : i32
      %dma_wait3A_3523 = arith.constant 0 : i32
      %dma_wait3A_3524 = arith.constant 0 : i32
      %dma_wait3A_3525 = tpu.memref_slice %arg8[%dma_wait3A_3522, %dma_wait3A_3523, %dma_wait3A_3524] : memref<7x128x128xf32, #tpu.memory_space<vmem>> -> memref<1x128x128xf32, #tpu.memory_space<vmem>>
      %dma_wait3A_3526 = tpu.memref_squeeze %dma_wait3A_3525 : memref<1x128x128xf32, #tpu.memory_space<vmem>> -> memref<128x128xf32, #tpu.memory_space<vmem>>
      %dma_wait3A_3527 = arith.constant 0 : i32
      %dma_wait3A_3528 = tpu.memref_slice %arg5[%mul3A_2, %dma_wait3A_3527] : memref<262144x128xf32, #tpu.memory_space<hbm>> -> memref<128x128xf32, #tpu.memory_space<hbm>>
      %dma_wait3A_3529 = arith.constant 0 : i32
      %dma_wait3A_3530 = tpu.memref_slice %arg5[%mul3A_2, %dma_wait3A_3529] : memref<262144x128xf32, #tpu.memory_space<hbm>> -> memref<128x128xf32, #tpu.memory_space<hbm>>
      %dma_wait3A_3531 = arith.constant 0 : i32
      %dma_wait3A_3532 = arith.constant 0 : i32
      %dma_wait3A_3533 = tpu.memref_slice %arg8[%dma_wait3A_3522, %dma_wait3A_3531, %dma_wait3A_3532] : memref<7x128x128xf32, #tpu.memory_space<vmem>> -> memref<1x128x128xf32, #tpu.memory_space<vmem>>
      %dma_wait3A_3534 = tpu.memref_squeeze %dma_wait3A_3533 : memref<1x128x128xf32, #tpu.memory_space<vmem>> -> memref<128x128xf32, #tpu.memory_space<vmem>>
      tpu.wait_dma2 semaphore(%arg18 : memref<!tpu.dma_semaphore, #tpu.memory_space<semaphore_mem>>) src(%dma_wait3A_3534 : memref<128x128xf32, #tpu.memory_space<vmem>>) dst(%dma_wait3A_3530 : memref<128x128xf32, #tpu.memory_space<hbm>>)
      %dma_start3A_3535 = arith.constant 2 : i32
      %dma_start3A_3536 = arith.constant 0 : i32
      %dma_start3A_3537 = arith.constant 0 : i32
      %dma_start3A_3538 = tpu.memref_slice %arg8[%dma_start3A_3535, %dma_start3A_3536, %dma_start3A_3537] : memref<7x128x128xf32, #tpu.memory_space<vmem>> -> memref<1x128x128xf32, #tpu.memory_space<vmem>>
      %dma_start3A_3539 = tpu.memref_squeeze %dma_start3A_3538 : memref<1x128x128xf32, #tpu.memory_space<vmem>> -> memref<128x128xf32, #tpu.memory_space<vmem>>
      %dma_start3A_3540 = arith.constant 0 : i32
      %dma_start3A_3541 = tpu.memref_slice %arg7[%add3A_3407, %dma_start3A_3540] : memref<64x128xi32, #tpu.memory_space<vmem>> -> memref<1x128xi32, #tpu.memory_space<vmem>>
      %dma_start3A_3542 = tpu.memref_squeeze %dma_start3A_3541 : memref<1x128xi32, #tpu.memory_space<vmem>> -> memref<128xi32, #tpu.memory_space<vmem>>
      %dma_start3A_3543 = arith.constant 0 : i32
      %dma_start3A_3544 = arith.constant 0 : i32
      %dma_start3A_3545 = tpu.memref_slice %arg4[%dma_start3A_3543, %dma_start3A_3544] : memref<32768x128xf32, #tpu.memory_space<hbm>> -> memref<32768x128xf32, #tpu.memory_space<hbm>>
      tpu.enqueue_indirect_dma source(%dma_start3A_3545 : memref<32768x128xf32, #tpu.memory_space<hbm>>) target(%dma_start3A_3539 : memref<128x128xf32, #tpu.memory_space<vmem>>) offsets(%dma_start3A_3542 : memref<128xi32, #tpu.memory_space<vmem>>) semaphore(%arg11 : memref<!tpu.dma_semaphore, #tpu.memory_space<semaphore_mem>>)
      %dma_wait3A_3546 = arith.constant 0 : i32
      %dma_wait3A_3547 = arith.constant 4 : i32
      %dma_wait3A_3548 = arith.constant 0 : i32
      %dma_wait3A_3549 = arith.constant 0 : i32
      %dma_wait3A_3550 = tpu.memref_slice %arg8[%dma_wait3A_3547, %dma_wait3A_3548, %dma_wait3A_3549] : memref<7x128x128xf32, #tpu.memory_space<vmem>> -> memref<1x128x128xf32, #tpu.memory_space<vmem>>
      %dma_wait3A_3551 = tpu.memref_squeeze %dma_wait3A_3550 : memref<1x128x128xf32, #tpu.memory_space<vmem>> -> memref<128x128xf32, #tpu.memory_space<vmem>>
      %dma_wait3A_3552 = arith.constant 0 : i32
      %dma_wait3A_3553 = tpu.memref_slice %arg7[%dma_wait3A_3546, %dma_wait3A_3552] : memref<64x128xi32, #tpu.memory_space<vmem>> -> memref<1x128xi32, #tpu.memory_space<vmem>>
      %dma_wait3A_3554 = tpu.memref_squeeze %dma_wait3A_3553 : memref<1x128xi32, #tpu.memory_space<vmem>> -> memref<128xi32, #tpu.memory_space<vmem>>
      %dma_wait3A_3555 = arith.constant 0 : i32
      %dma_wait3A_3556 = arith.constant 0 : i32
      %dma_wait3A_3557 = tpu.memref_slice %arg4[%dma_wait3A_3555, %dma_wait3A_3556] : memref<32768x128xf32, #tpu.memory_space<hbm>> -> memref<32768x128xf32, #tpu.memory_space<hbm>>
      tpu.wait_indirect_dma semaphore(%arg13 : memref<!tpu.dma_semaphore, #tpu.memory_space<semaphore_mem>>) src(%dma_wait3A_3557 : memref<32768x128xf32, #tpu.memory_space<hbm>>) dst(%dma_wait3A_3551 : memref<128x128xf32, #tpu.memory_space<vmem>>)
      %mul3A_3558 = arith.constant 128 : i32
      %mul3A_3559 = arith.muli %add3A_3405, %mul3A_3558 : i32
      %add3A_3560 = arith.addi %mul3A_2, %mul3A_3559 : i32
      %dma_start3A_3561 = arith.constant 4 : i32
      %dma_start3A_3562 = arith.constant 0 : i32
      %dma_start3A_3563 = arith.constant 0 : i32
      %dma_start3A_3564 = tpu.memref_slice %arg8[%dma_start3A_3561, %dma_start3A_3562, %dma_start3A_3563] : memref<7x128x128xf32, #tpu.memory_space<vmem>> -> memref<1x128x128xf32, #tpu.memory_space<vmem>>
      %dma_start3A_3565 = tpu.memref_squeeze %dma_start3A_3564 : memref<1x128x128xf32, #tpu.memory_space<vmem>> -> memref<128x128xf32, #tpu.memory_space<vmem>>
      %dma_start3A_3566 = arith.constant 0 : i32
      %dma_start3A_3567 = tpu.memref_slice %arg5[%add3A_3560, %dma_start3A_3566] : memref<262144x128xf32, #tpu.memory_space<hbm>> -> memref<128x128xf32, #tpu.memory_space<hbm>>
      %dma_start3A_3568 = arith.constant 0 : i32
      %dma_start3A_3569 = tpu.memref_slice %arg5[%add3A_3560, %dma_start3A_3568] : memref<262144x128xf32, #tpu.memory_space<hbm>> -> memref<128x128xf32, #tpu.memory_space<hbm>>
      %dma_start3A_3570 = arith.constant 0 : i32
      %dma_start3A_3571 = arith.constant 0 : i32
      %dma_start3A_3572 = tpu.memref_slice %arg8[%dma_start3A_3561, %dma_start3A_3570, %dma_start3A_3571] : memref<7x128x128xf32, #tpu.memory_space<vmem>> -> memref<1x128x128xf32, #tpu.memory_space<vmem>>
      %dma_start3A_3573 = tpu.memref_squeeze %dma_start3A_3572 : memref<1x128x128xf32, #tpu.memory_space<vmem>> -> memref<128x128xf32, #tpu.memory_space<vmem>>
      tpu.enqueue_dma source(%dma_start3A_3573 : memref<128x128xf32, #tpu.memory_space<vmem>>) target(%dma_start3A_3569 : memref<128x128xf32, #tpu.memory_space<hbm>>) target_semaphore(%arg20 : memref<!tpu.dma_semaphore, #tpu.memory_space<semaphore_mem>>)
      %mul3A_3574 = arith.constant 7 : i32
      %mul3A_3575 = arith.muli %scan3A_2713, %mul3A_3574 : i32
      %add3A_3576 = arith.constant 5 : i32
      %add3A_3577 = arith.addi %mul3A_3575, %add3A_3576 : i32
      %add3A_3578 = arith.constant 5 : i32
      %add3A_3579 = arith.addi %add3A_3577, %add3A_3578 : i32
      %mul3A_3580 = arith.constant 128 : i32
      %mul3A_3581 = arith.muli %add3A_3579, %mul3A_3580 : i32
      %add3A_3582 = arith.addi %mul3A_2, %mul3A_3581 : i32
      %jit3A_3583 = arith.constant 2048 : i32
      %div3A_3584 = arith.divsi %add3A_3582, %jit3A_3583 : i32
      %sign3A_3585 = arith.constant 0 : i32
      %sign3A_3586 = arith.cmpi sgt, %add3A_3582, %sign3A_3585 : i32
      %sign3A_3587 = arith.extui %sign3A_3586 : i1 to i32
      %sign3A_3588 = arith.constant 0 : i32
      %sign3A_3589 = arith.cmpi slt, %add3A_3582, %sign3A_3588 : i32
      %sign3A_3590 = arith.extui %sign3A_3589 : i1 to i32
      %sign3A_3591 = arith.subi %sign3A_3587, %sign3A_3590 : i32
      %sign3A_3592 = arith.constant 0 : i32
      %sign3A_3593 = arith.cmpi sgt, %jit3A_3583, %sign3A_3592 : i32
      %sign3A_3594 = arith.extui %sign3A_3593 : i1 to i32
      %sign3A_3595 = arith.constant 0 : i32
      %sign3A_3596 = arith.cmpi slt, %jit3A_3583, %sign3A_3595 : i32
      %sign3A_3597 = arith.extui %sign3A_3596 : i1 to i32
      %sign3A_3598 = arith.subi %sign3A_3594, %sign3A_3597 : i32
      %ne3A_3599 = arith.cmpi ne, %sign3A_3591, %sign3A_3598 : i32
      %rem3A_3600 = arith.remsi %add3A_3582, %jit3A_3583 : i32
      %ne3A_3601 = arith.constant 0 : i32
      %ne3A_3602 = arith.cmpi ne, %rem3A_3600, %ne3A_3601 : i32
      %and3A_3603 = arith.andi %ne3A_3599, %ne3A_3602 : i1
      %sub3A_3604 = arith.constant 1 : i32
      %sub3A_3605 = arith.subi %div3A_3584, %sub3A_3604 : i32
      %select_n3A_3606 = arith.select %and3A_3603, %sub3A_3605, %div3A_3584 : i32
      %rem3A_3607 = arith.constant 8 : i32
      %rem3A_3608 = arith.remsi %select_n3A_3606, %rem3A_3607 : i32
      %mul3A_3609 = arith.constant 16 : i32
      %mul3A_3610 = arith.muli %rem3A_3608, %mul3A_3609 : i32
      %get3A_3611 = arith.index_cast %mul3A_3610 : i32 to index
      %get3A_3612 = tpu.vector_load %arg6[%get3A_3611] {strides = array<i32>} : memref<128xi32, #tpu.memory_space<vmem>>, vector<16xi32>,
      %get3A_3613 = vector.shape_cast %get3A_3612 : vector<16xi32> to vector<16xi32>
      %get3A_3614 = arith.index_cast %add3A_3579 : i32 to index
      %get3A_3615 = arith.constant 0 : index
      %get3A_3616 = tpu.vector_load %arg7[%get3A_3614, %get3A_3615] {strides = array<i32>} : memref<64x128xi32, #tpu.memory_space<vmem>>, vector<1x16xi32>,
      %get3A_3617 = vector.shape_cast %get3A_3616 : vector<1x16xi32> to vector<16xi32>
      %add3A_3618 = arith.addi %get3A_3617, %get3A_3613 : vector<16xi32>
      %swap3A_3619 = arith.index_cast %add3A_3579 : i32 to index
      %swap3A_3620 = arith.constant 0 : index
      %swap3A_3621 = tpu.vector_load %arg7[%swap3A_3619, %swap3A_3620] {strides = array<i32>} : memref<64x128xi32, #tpu.memory_space<vmem>>, vector<1x16xi32>,
      %swap3A_3622 = vector.shape_cast %swap3A_3621 : vector<1x16xi32> to vector<16xi32>
      %swap3A_3623 = vector.shape_cast %add3A_3618 : vector<16xi32> to vector<1x16xi32>
      tpu.vector_store %arg7[%swap3A_3619, %swap3A_3620], %swap3A_3623 {strides = array<i32>} : memref<64x128xi32, #tpu.memory_space<vmem>>, vector<1x16xi32>,
      %get3A_3624 = arith.index_cast %add3A_3579 : i32 to index
      %get3A_3625 = arith.constant 16 : index
      %get3A_3626 = tpu.vector_load %arg7[%get3A_3624, %get3A_3625] {strides = array<i32>} : memref<64x128xi32, #tpu.memory_space<vmem>>, vector<1x16xi32>,
      %get3A_3627 = vector.shape_cast %get3A_3626 : vector<1x16xi32> to vector<16xi32>
      %add3A_3628 = arith.addi %get3A_3627, %get3A_3613 : vector<16xi32>
      %swap3A_3629 = arith.index_cast %add3A_3579 : i32 to index
      %swap3A_3630 = arith.constant 16 : index
      %swap3A_3631 = tpu.vector_load %arg7[%swap3A_3629, %swap3A_3630] {strides = array<i32>} : memref<64x128xi32, #tpu.memory_space<vmem>>, vector<1x16xi32>,
      %swap3A_3632 = vector.shape_cast %swap3A_3631 : vector<1x16xi32> to vector<16xi32>
      %swap3A_3633 = vector.shape_cast %add3A_3628 : vector<16xi32> to vector<1x16xi32>
      tpu.vector_store %arg7[%swap3A_3629, %swap3A_3630], %swap3A_3633 {strides = array<i32>} : memref<64x128xi32, #tpu.memory_space<vmem>>, vector<1x16xi32>,
      %get3A_3634 = arith.index_cast %add3A_3579 : i32 to index
      %get3A_3635 = arith.constant 32 : index
      %get3A_3636 = tpu.vector_load %arg7[%get3A_3634, %get3A_3635] {strides = array<i32>} : memref<64x128xi32, #tpu.memory_space<vmem>>, vector<1x16xi32>,
      %get3A_3637 = vector.shape_cast %get3A_3636 : vector<1x16xi32> to vector<16xi32>
      %add3A_3638 = arith.addi %get3A_3637, %get3A_3613 : vector<16xi32>
      %swap3A_3639 = arith.index_cast %add3A_3579 : i32 to index
      %swap3A_3640 = arith.constant 32 : index
      %swap3A_3641 = tpu.vector_load %arg7[%swap3A_3639, %swap3A_3640] {strides = array<i32>} : memref<64x128xi32, #tpu.memory_space<vmem>>, vector<1x16xi32>,
      %swap3A_3642 = vector.shape_cast %swap3A_3641 : vector<1x16xi32> to vector<16xi32>
      %swap3A_3643 = vector.shape_cast %add3A_3638 : vector<16xi32> to vector<1x16xi32>
      tpu.vector_store %arg7[%swap3A_3639, %swap3A_3640], %swap3A_3643 {strides = array<i32>} : memref<64x128xi32, #tpu.memory_space<vmem>>, vector<1x16xi32>,
      %get3A_3644 = arith.index_cast %add3A_3579 : i32 to index
      %get3A_3645 = arith.constant 48 : index
      %get3A_3646 = tpu.vector_load %arg7[%get3A_3644, %get3A_3645] {strides = array<i32>} : memref<64x128xi32, #tpu.memory_space<vmem>>, vector<1x16xi32>,
      %get3A_3647 = vector.shape_cast %get3A_3646 : vector<1x16xi32> to vector<16xi32>
      %add3A_3648 = arith.addi %get3A_3647, %get3A_3613 : vector<16xi32>
      %swap3A_3649 = arith.index_cast %add3A_3579 : i32 to index
      %swap3A_3650 = arith.constant 48 : index
      %swap3A_3651 = tpu.vector_load %arg7[%swap3A_3649, %swap3A_3650] {strides = array<i32>} : memref<64x128xi32, #tpu.memory_space<vmem>>, vector<1x16xi32>,
      %swap3A_3652 = vector.shape_cast %swap3A_3651 : vector<1x16xi32> to vector<16xi32>
      %swap3A_3653 = vector.shape_cast %add3A_3648 : vector<16xi32> to vector<1x16xi32>
      tpu.vector_store %arg7[%swap3A_3649, %swap3A_3650], %swap3A_3653 {strides = array<i32>} : memref<64x128xi32, #tpu.memory_space<vmem>>, vector<1x16xi32>,
      %get3A_3654 = arith.index_cast %add3A_3579 : i32 to index
      %get3A_3655 = arith.constant 64 : index
      %get3A_3656 = tpu.vector_load %arg7[%get3A_3654, %get3A_3655] {strides = array<i32>} : memref<64x128xi32, #tpu.memory_space<vmem>>, vector<1x16xi32>,
      %get3A_3657 = vector.shape_cast %get3A_3656 : vector<1x16xi32> to vector<16xi32>
      %add3A_3658 = arith.addi %get3A_3657, %get3A_3613 : vector<16xi32>
      %swap3A_3659 = arith.index_cast %add3A_3579 : i32 to index
      %swap3A_3660 = arith.constant 64 : index
      %swap3A_3661 = tpu.vector_load %arg7[%swap3A_3659, %swap3A_3660] {strides = array<i32>} : memref<64x128xi32, #tpu.memory_space<vmem>>, vector<1x16xi32>,
      %swap3A_3662 = vector.shape_cast %swap3A_3661 : vector<1x16xi32> to vector<16xi32>
      %swap3A_3663 = vector.shape_cast %add3A_3658 : vector<16xi32> to vector<1x16xi32>
      tpu.vector_store %arg7[%swap3A_3659, %swap3A_3660], %swap3A_3663 {strides = array<i32>} : memref<64x128xi32, #tpu.memory_space<vmem>>, vector<1x16xi32>,
      %get3A_3664 = arith.index_cast %add3A_3579 : i32 to index
      %get3A_3665 = arith.constant 80 : index
      %get3A_3666 = tpu.vector_load %arg7[%get3A_3664, %get3A_3665] {strides = array<i32>} : memref<64x128xi32, #tpu.memory_space<vmem>>, vector<1x16xi32>,
      %get3A_3667 = vector.shape_cast %get3A_3666 : vector<1x16xi32> to vector<16xi32>
      %add3A_3668 = arith.addi %get3A_3667, %get3A_3613 : vector<16xi32>
      %swap3A_3669 = arith.index_cast %add3A_3579 : i32 to index
      %swap3A_3670 = arith.constant 80 : index
      %swap3A_3671 = tpu.vector_load %arg7[%swap3A_3669, %swap3A_3670] {strides = array<i32>} : memref<64x128xi32, #tpu.memory_space<vmem>>, vector<1x16xi32>,
      %swap3A_3672 = vector.shape_cast %swap3A_3671 : vector<1x16xi32> to vector<16xi32>
      %swap3A_3673 = vector.shape_cast %add3A_3668 : vector<16xi32> to vector<1x16xi32>
      tpu.vector_store %arg7[%swap3A_3669, %swap3A_3670], %swap3A_3673 {strides = array<i32>} : memref<64x128xi32, #tpu.memory_space<vmem>>, vector<1x16xi32>,
      %get3A_3674 = arith.index_cast %add3A_3579 : i32 to index
      %get3A_3675 = arith.constant 96 : index
      %get3A_3676 = tpu.vector_load %arg7[%get3A_3674, %get3A_3675] {strides = array<i32>} : memref<64x128xi32, #tpu.memory_space<vmem>>, vector<1x16xi32>,
      %get3A_3677 = vector.shape_cast %get3A_3676 : vector<1x16xi32> to vector<16xi32>
      %add3A_3678 = arith.addi %get3A_3677, %get3A_3613 : vector<16xi32>
      %swap3A_3679 = arith.index_cast %add3A_3579 : i32 to index
      %swap3A_3680 = arith.constant 96 : index
      %swap3A_3681 = tpu.vector_load %arg7[%swap3A_3679, %swap3A_3680] {strides = array<i32>} : memref<64x128xi32, #tpu.memory_space<vmem>>, vector<1x16xi32>,
      %swap3A_3682 = vector.shape_cast %swap3A_3681 : vector<1x16xi32> to vector<16xi32>
      %swap3A_3683 = vector.shape_cast %add3A_3678 : vector<16xi32> to vector<1x16xi32>
      tpu.vector_store %arg7[%swap3A_3679, %swap3A_3680], %swap3A_3683 {strides = array<i32>} : memref<64x128xi32, #tpu.memory_space<vmem>>, vector<1x16xi32>,
      %get3A_3684 = arith.index_cast %add3A_3579 : i32 to index
      %get3A_3685 = arith.constant 112 : index
      %get3A_3686 = tpu.vector_load %arg7[%get3A_3684, %get3A_3685] {strides = array<i32>} : memref<64x128xi32, #tpu.memory_space<vmem>>, vector<1x16xi32>,
      %get3A_3687 = vector.shape_cast %get3A_3686 : vector<1x16xi32> to vector<16xi32>
      %add3A_3688 = arith.addi %get3A_3687, %get3A_3613 : vector<16xi32>
      %swap3A_3689 = arith.index_cast %add3A_3579 : i32 to index
      %swap3A_3690 = arith.constant 112 : index
      %swap3A_3691 = tpu.vector_load %arg7[%swap3A_3689, %swap3A_3690] {strides = array<i32>} : memref<64x128xi32, #tpu.memory_space<vmem>>, vector<1x16xi32>,
      %swap3A_3692 = vector.shape_cast %swap3A_3691 : vector<1x16xi32> to vector<16xi32>
      %swap3A_3693 = vector.shape_cast %add3A_3688 : vector<16xi32> to vector<1x16xi32>
      tpu.vector_store %arg7[%swap3A_3689, %swap3A_3690], %swap3A_3693 {strides = array<i32>} : memref<64x128xi32, #tpu.memory_space<vmem>>, vector<1x16xi32>,
      %dma_wait3A_3694 = arith.constant 3 : i32
      %dma_wait3A_3695 = arith.constant 0 : i32
      %dma_wait3A_3696 = arith.constant 0 : i32
      %dma_wait3A_3697 = tpu.memref_slice %arg8[%dma_wait3A_3694, %dma_wait3A_3695, %dma_wait3A_3696] : memref<7x128x128xf32, #tpu.memory_space<vmem>> -> memref<1x128x128xf32, #tpu.memory_space<vmem>>
      %dma_wait3A_3698 = tpu.memref_squeeze %dma_wait3A_3697 : memref<1x128x128xf32, #tpu.memory_space<vmem>> -> memref<128x128xf32, #tpu.memory_space<vmem>>
      %dma_wait3A_3699 = arith.constant 0 : i32
      %dma_wait3A_3700 = tpu.memref_slice %arg5[%mul3A_2, %dma_wait3A_3699] : memref<262144x128xf32, #tpu.memory_space<hbm>> -> memref<128x128xf32, #tpu.memory_space<hbm>>
      %dma_wait3A_3701 = arith.constant 0 : i32
      %dma_wait3A_3702 = tpu.memref_slice %arg5[%mul3A_2, %dma_wait3A_3701] : memref<262144x128xf32, #tpu.memory_space<hbm>> -> memref<128x128xf32, #tpu.memory_space<hbm>>
      %dma_wait3A_3703 = arith.constant 0 : i32
      %dma_wait3A_3704 = arith.constant 0 : i32
      %dma_wait3A_3705 = tpu.memref_slice %arg8[%dma_wait3A_3694, %dma_wait3A_3703, %dma_wait3A_3704] : memref<7x128x128xf32, #tpu.memory_space<vmem>> -> memref<1x128x128xf32, #tpu.memory_space<vmem>>
      %dma_wait3A_3706 = tpu.memref_squeeze %dma_wait3A_3705 : memref<1x128x128xf32, #tpu.memory_space<vmem>> -> memref<128x128xf32, #tpu.memory_space<vmem>>
      tpu.wait_dma2 semaphore(%arg19 : memref<!tpu.dma_semaphore, #tpu.memory_space<semaphore_mem>>) src(%dma_wait3A_3706 : memref<128x128xf32, #tpu.memory_space<vmem>>) dst(%dma_wait3A_3702 : memref<128x128xf32, #tpu.memory_space<hbm>>)
      %dma_start3A_3707 = arith.constant 3 : i32
      %dma_start3A_3708 = arith.constant 0 : i32
      %dma_start3A_3709 = arith.constant 0 : i32
      %dma_start3A_3710 = tpu.memref_slice %arg8[%dma_start3A_3707, %dma_start3A_3708, %dma_start3A_3709] : memref<7x128x128xf32, #tpu.memory_space<vmem>> -> memref<1x128x128xf32, #tpu.memory_space<vmem>>
      %dma_start3A_3711 = tpu.memref_squeeze %dma_start3A_3710 : memref<1x128x128xf32, #tpu.memory_space<vmem>> -> memref<128x128xf32, #tpu.memory_space<vmem>>
      %dma_start3A_3712 = arith.constant 0 : i32
      %dma_start3A_3713 = tpu.memref_slice %arg7[%add3A_3579, %dma_start3A_3712] : memref<64x128xi32, #tpu.memory_space<vmem>> -> memref<1x128xi32, #tpu.memory_space<vmem>>
      %dma_start3A_3714 = tpu.memref_squeeze %dma_start3A_3713 : memref<1x128xi32, #tpu.memory_space<vmem>> -> memref<128xi32, #tpu.memory_space<vmem>>
      %dma_start3A_3715 = arith.constant 0 : i32
      %dma_start3A_3716 = arith.constant 0 : i32
      %dma_start3A_3717 = tpu.memref_slice %arg4[%dma_start3A_3715, %dma_start3A_3716] : memref<32768x128xf32, #tpu.memory_space<hbm>> -> memref<32768x128xf32, #tpu.memory_space<hbm>>
      tpu.enqueue_indirect_dma source(%dma_start3A_3717 : memref<32768x128xf32, #tpu.memory_space<hbm>>) target(%dma_start3A_3711 : memref<128x128xf32, #tpu.memory_space<vmem>>) offsets(%dma_start3A_3714 : memref<128xi32, #tpu.memory_space<vmem>>) semaphore(%arg12 : memref<!tpu.dma_semaphore, #tpu.memory_space<semaphore_mem>>)
      %dma_wait3A_3718 = arith.constant 0 : i32
      %dma_wait3A_3719 = arith.constant 5 : i32
      %dma_wait3A_3720 = arith.constant 0 : i32
      %dma_wait3A_3721 = arith.constant 0 : i32
      %dma_wait3A_3722 = tpu.memref_slice %arg8[%dma_wait3A_3719, %dma_wait3A_3720, %dma_wait3A_3721] : memref<7x128x128xf32, #tpu.memory_space<vmem>> -> memref<1x128x128xf32, #tpu.memory_space<vmem>>
      %dma_wait3A_3723 = tpu.memref_squeeze %dma_wait3A_3722 : memref<1x128x128xf32, #tpu.memory_space<vmem>> -> memref<128x128xf32, #tpu.memory_space<vmem>>
      %dma_wait3A_3724 = arith.constant 0 : i32
      %dma_wait3A_3725 = tpu.memref_slice %arg7[%dma_wait3A_3718, %dma_wait3A_3724] : memref<64x128xi32, #tpu.memory_space<vmem>> -> memref<1x128xi32, #tpu.memory_space<vmem>>
      %dma_wait3A_3726 = tpu.memref_squeeze %dma_wait3A_3725 : memref<1x128xi32, #tpu.memory_space<vmem>> -> memref<128xi32, #tpu.memory_space<vmem>>
      %dma_wait3A_3727 = arith.constant 0 : i32
      %dma_wait3A_3728 = arith.constant 0 : i32
      %dma_wait3A_3729 = tpu.memref_slice %arg4[%dma_wait3A_3727, %dma_wait3A_3728] : memref<32768x128xf32, #tpu.memory_space<hbm>> -> memref<32768x128xf32, #tpu.memory_space<hbm>>
      tpu.wait_indirect_dma semaphore(%arg14 : memref<!tpu.dma_semaphore, #tpu.memory_space<semaphore_mem>>) src(%dma_wait3A_3729 : memref<32768x128xf32, #tpu.memory_space<hbm>>) dst(%dma_wait3A_3723 : memref<128x128xf32, #tpu.memory_space<vmem>>)
      %mul3A_3730 = arith.constant 128 : i32
      %mul3A_3731 = arith.muli %add3A_3577, %mul3A_3730 : i32
      %add3A_3732 = arith.addi %mul3A_2, %mul3A_3731 : i32
      %dma_start3A_3733 = arith.constant 5 : i32
      %dma_start3A_3734 = arith.constant 0 : i32
      %dma_start3A_3735 = arith.constant 0 : i32
      %dma_start3A_3736 = tpu.memref_slice %arg8[%dma_start3A_3733, %dma_start3A_3734, %dma_start3A_3735] : memref<7x128x128xf32, #tpu.memory_space<vmem>> -> memref<1x128x128xf32, #tpu.memory_space<vmem>>
      %dma_start3A_3737 = tpu.memref_squeeze %dma_start3A_3736 : memref<1x128x128xf32, #tpu.memory_space<vmem>> -> memref<128x128xf32, #tpu.memory_space<vmem>>
      %dma_start3A_3738 = arith.constant 0 : i32
      %dma_start3A_3739 = tpu.memref_slice %arg5[%add3A_3732, %dma_start3A_3738] : memref<262144x128xf32, #tpu.memory_space<hbm>> -> memref<128x128xf32, #tpu.memory_space<hbm>>
      %dma_start3A_3740 = arith.constant 0 : i32
      %dma_start3A_3741 = tpu.memref_slice %arg5[%add3A_3732, %dma_start3A_3740] : memref<262144x128xf32, #tpu.memory_space<hbm>> -> memref<128x128xf32, #tpu.memory_space<hbm>>
      %dma_start3A_3742 = arith.constant 0 : i32
      %dma_start3A_3743 = arith.constant 0 : i32
      %dma_start3A_3744 = tpu.memref_slice %arg8[%dma_start3A_3733, %dma_start3A_3742, %dma_start3A_3743] : memref<7x128x128xf32, #tpu.memory_space<vmem>> -> memref<1x128x128xf32, #tpu.memory_space<vmem>>
      %dma_start3A_3745 = tpu.memref_squeeze %dma_start3A_3744 : memref<1x128x128xf32, #tpu.memory_space<vmem>> -> memref<128x128xf32, #tpu.memory_space<vmem>>
      tpu.enqueue_dma source(%dma_start3A_3745 : memref<128x128xf32, #tpu.memory_space<vmem>>) target(%dma_start3A_3741 : memref<128x128xf32, #tpu.memory_space<hbm>>) target_semaphore(%arg21 : memref<!tpu.dma_semaphore, #tpu.memory_space<semaphore_mem>>)
      %mul3A_3746 = arith.constant 7 : i32
      %mul3A_3747 = arith.muli %scan3A_2713, %mul3A_3746 : i32
      %add3A_3748 = arith.constant 6 : i32
      %add3A_3749 = arith.addi %mul3A_3747, %add3A_3748 : i32
      %add3A_3750 = arith.constant 5 : i32
      %add3A_3751 = arith.addi %add3A_3749, %add3A_3750 : i32
      %mul3A_3752 = arith.constant 128 : i32
      %mul3A_3753 = arith.muli %add3A_3751, %mul3A_3752 : i32
      %add3A_3754 = arith.addi %mul3A_2, %mul3A_3753 : i32
      %jit3A_3755 = arith.constant 2048 : i32
      %div3A_3756 = arith.divsi %add3A_3754, %jit3A_3755 : i32
      %sign3A_3757 = arith.constant 0 : i32
      %sign3A_3758 = arith.cmpi sgt, %add3A_3754, %sign3A_3757 : i32
      %sign3A_3759 = arith.extui %sign3A_3758 : i1 to i32
      %sign3A_3760 = arith.constant 0 : i32
      %sign3A_3761 = arith.cmpi slt, %add3A_3754, %sign3A_3760 : i32
      %sign3A_3762 = arith.extui %sign3A_3761 : i1 to i32
      %sign3A_3763 = arith.subi %sign3A_3759, %sign3A_3762 : i32
      %sign3A_3764 = arith.constant 0 : i32
      %sign3A_3765 = arith.cmpi sgt, %jit3A_3755, %sign3A_3764 : i32
      %sign3A_3766 = arith.extui %sign3A_3765 : i1 to i32
      %sign3A_3767 = arith.constant 0 : i32
      %sign3A_3768 = arith.cmpi slt, %jit3A_3755, %sign3A_3767 : i32
      %sign3A_3769 = arith.extui %sign3A_3768 : i1 to i32
      %sign3A_3770 = arith.subi %sign3A_3766, %sign3A_3769 : i32
      %ne3A_3771 = arith.cmpi ne, %sign3A_3763, %sign3A_3770 : i32
      %rem3A_3772 = arith.remsi %add3A_3754, %jit3A_3755 : i32
      %ne3A_3773 = arith.constant 0 : i32
      %ne3A_3774 = arith.cmpi ne, %rem3A_3772, %ne3A_3773 : i32
      %and3A_3775 = arith.andi %ne3A_3771, %ne3A_3774 : i1
      %sub3A_3776 = arith.constant 1 : i32
      %sub3A_3777 = arith.subi %div3A_3756, %sub3A_3776 : i32
      %select_n3A_3778 = arith.select %and3A_3775, %sub3A_3777, %div3A_3756 : i32
      %rem3A_3779 = arith.constant 8 : i32
      %rem3A_3780 = arith.remsi %select_n3A_3778, %rem3A_3779 : i32
      %mul3A_3781 = arith.constant 16 : i32
      %mul3A_3782 = arith.muli %rem3A_3780, %mul3A_3781 : i32
      %get3A_3783 = arith.index_cast %mul3A_3782 : i32 to index
      %get3A_3784 = tpu.vector_load %arg6[%get3A_3783] {strides = array<i32>} : memref<128xi32, #tpu.memory_space<vmem>>, vector<16xi32>,
      %get3A_3785 = vector.shape_cast %get3A_3784 : vector<16xi32> to vector<16xi32>
      %get3A_3786 = arith.index_cast %add3A_3751 : i32 to index
      %get3A_3787 = arith.constant 0 : index
      %get3A_3788 = tpu.vector_load %arg7[%get3A_3786, %get3A_3787] {strides = array<i32>} : memref<64x128xi32, #tpu.memory_space<vmem>>, vector<1x16xi32>,
      %get3A_3789 = vector.shape_cast %get3A_3788 : vector<1x16xi32> to vector<16xi32>
      %add3A_3790 = arith.addi %get3A_3789, %get3A_3785 : vector<16xi32>
      %swap3A_3791 = arith.index_cast %add3A_3751 : i32 to index
      %swap3A_3792 = arith.constant 0 : index
      %swap3A_3793 = tpu.vector_load %arg7[%swap3A_3791, %swap3A_3792] {strides = array<i32>} : memref<64x128xi32, #tpu.memory_space<vmem>>, vector<1x16xi32>,
      %swap3A_3794 = vector.shape_cast %swap3A_3793 : vector<1x16xi32> to vector<16xi32>
      %swap3A_3795 = vector.shape_cast %add3A_3790 : vector<16xi32> to vector<1x16xi32>
      tpu.vector_store %arg7[%swap3A_3791, %swap3A_3792], %swap3A_3795 {strides = array<i32>} : memref<64x128xi32, #tpu.memory_space<vmem>>, vector<1x16xi32>,
      %get3A_3796 = arith.index_cast %add3A_3751 : i32 to index
      %get3A_3797 = arith.constant 16 : index
      %get3A_3798 = tpu.vector_load %arg7[%get3A_3796, %get3A_3797] {strides = array<i32>} : memref<64x128xi32, #tpu.memory_space<vmem>>, vector<1x16xi32>,
      %get3A_3799 = vector.shape_cast %get3A_3798 : vector<1x16xi32> to vector<16xi32>
      %add3A_3800 = arith.addi %get3A_3799, %get3A_3785 : vector<16xi32>
      %swap3A_3801 = arith.index_cast %add3A_3751 : i32 to index
      %swap3A_3802 = arith.constant 16 : index
      %swap3A_3803 = tpu.vector_load %arg7[%swap3A_3801, %swap3A_3802] {strides = array<i32>} : memref<64x128xi32, #tpu.memory_space<vmem>>, vector<1x16xi32>,
      %swap3A_3804 = vector.shape_cast %swap3A_3803 : vector<1x16xi32> to vector<16xi32>
      %swap3A_3805 = vector.shape_cast %add3A_3800 : vector<16xi32> to vector<1x16xi32>
      tpu.vector_store %arg7[%swap3A_3801, %swap3A_3802], %swap3A_3805 {strides = array<i32>} : memref<64x128xi32, #tpu.memory_space<vmem>>, vector<1x16xi32>,
      %get3A_3806 = arith.index_cast %add3A_3751 : i32 to index
      %get3A_3807 = arith.constant 32 : index
      %get3A_3808 = tpu.vector_load %arg7[%get3A_3806, %get3A_3807] {strides = array<i32>} : memref<64x128xi32, #tpu.memory_space<vmem>>, vector<1x16xi32>,
      %get3A_3809 = vector.shape_cast %get3A_3808 : vector<1x16xi32> to vector<16xi32>
      %add3A_3810 = arith.addi %get3A_3809, %get3A_3785 : vector<16xi32>
      %swap3A_3811 = arith.index_cast %add3A_3751 : i32 to index
      %swap3A_3812 = arith.constant 32 : index
      %swap3A_3813 = tpu.vector_load %arg7[%swap3A_3811, %swap3A_3812] {strides = array<i32>} : memref<64x128xi32, #tpu.memory_space<vmem>>, vector<1x16xi32>,
      %swap3A_3814 = vector.shape_cast %swap3A_3813 : vector<1x16xi32> to vector<16xi32>
      %swap3A_3815 = vector.shape_cast %add3A_3810 : vector<16xi32> to vector<1x16xi32>
      tpu.vector_store %arg7[%swap3A_3811, %swap3A_3812], %swap3A_3815 {strides = array<i32>} : memref<64x128xi32, #tpu.memory_space<vmem>>, vector<1x16xi32>,
      %get3A_3816 = arith.index_cast %add3A_3751 : i32 to index
      %get3A_3817 = arith.constant 48 : index
      %get3A_3818 = tpu.vector_load %arg7[%get3A_3816, %get3A_3817] {strides = array<i32>} : memref<64x128xi32, #tpu.memory_space<vmem>>, vector<1x16xi32>,
      %get3A_3819 = vector.shape_cast %get3A_3818 : vector<1x16xi32> to vector<16xi32>
      %add3A_3820 = arith.addi %get3A_3819, %get3A_3785 : vector<16xi32>
      %swap3A_3821 = arith.index_cast %add3A_3751 : i32 to index
      %swap3A_3822 = arith.constant 48 : index
      %swap3A_3823 = tpu.vector_load %arg7[%swap3A_3821, %swap3A_3822] {strides = array<i32>} : memref<64x128xi32, #tpu.memory_space<vmem>>, vector<1x16xi32>,
      %swap3A_3824 = vector.shape_cast %swap3A_3823 : vector<1x16xi32> to vector<16xi32>
      %swap3A_3825 = vector.shape_cast %add3A_3820 : vector<16xi32> to vector<1x16xi32>
      tpu.vector_store %arg7[%swap3A_3821, %swap3A_3822], %swap3A_3825 {strides = array<i32>} : memref<64x128xi32, #tpu.memory_space<vmem>>, vector<1x16xi32>,
      %get3A_3826 = arith.index_cast %add3A_3751 : i32 to index
      %get3A_3827 = arith.constant 64 : index
      %get3A_3828 = tpu.vector_load %arg7[%get3A_3826, %get3A_3827] {strides = array<i32>} : memref<64x128xi32, #tpu.memory_space<vmem>>, vector<1x16xi32>,
      %get3A_3829 = vector.shape_cast %get3A_3828 : vector<1x16xi32> to vector<16xi32>
      %add3A_3830 = arith.addi %get3A_3829, %get3A_3785 : vector<16xi32>
      %swap3A_3831 = arith.index_cast %add3A_3751 : i32 to index
      %swap3A_3832 = arith.constant 64 : index
      %swap3A_3833 = tpu.vector_load %arg7[%swap3A_3831, %swap3A_3832] {strides = array<i32>} : memref<64x128xi32, #tpu.memory_space<vmem>>, vector<1x16xi32>,
      %swap3A_3834 = vector.shape_cast %swap3A_3833 : vector<1x16xi32> to vector<16xi32>
      %swap3A_3835 = vector.shape_cast %add3A_3830 : vector<16xi32> to vector<1x16xi32>
      tpu.vector_store %arg7[%swap3A_3831, %swap3A_3832], %swap3A_3835 {strides = array<i32>} : memref<64x128xi32, #tpu.memory_space<vmem>>, vector<1x16xi32>,
      %get3A_3836 = arith.index_cast %add3A_3751 : i32 to index
      %get3A_3837 = arith.constant 80 : index
      %get3A_3838 = tpu.vector_load %arg7[%get3A_3836, %get3A_3837] {strides = array<i32>} : memref<64x128xi32, #tpu.memory_space<vmem>>, vector<1x16xi32>,
      %get3A_3839 = vector.shape_cast %get3A_3838 : vector<1x16xi32> to vector<16xi32>
      %add3A_3840 = arith.addi %get3A_3839, %get3A_3785 : vector<16xi32>
      %swap3A_3841 = arith.index_cast %add3A_3751 : i32 to index
      %swap3A_3842 = arith.constant 80 : index
      %swap3A_3843 = tpu.vector_load %arg7[%swap3A_3841, %swap3A_3842] {strides = array<i32>} : memref<64x128xi32, #tpu.memory_space<vmem>>, vector<1x16xi32>,
      %swap3A_3844 = vector.shape_cast %swap3A_3843 : vector<1x16xi32> to vector<16xi32>
      %swap3A_3845 = vector.shape_cast %add3A_3840 : vector<16xi32> to vector<1x16xi32>
      tpu.vector_store %arg7[%swap3A_3841, %swap3A_3842], %swap3A_3845 {strides = array<i32>} : memref<64x128xi32, #tpu.memory_space<vmem>>, vector<1x16xi32>,
      %get3A_3846 = arith.index_cast %add3A_3751 : i32 to index
      %get3A_3847 = arith.constant 96 : index
      %get3A_3848 = tpu.vector_load %arg7[%get3A_3846, %get3A_3847] {strides = array<i32>} : memref<64x128xi32, #tpu.memory_space<vmem>>, vector<1x16xi32>,
      %get3A_3849 = vector.shape_cast %get3A_3848 : vector<1x16xi32> to vector<16xi32>
      %add3A_3850 = arith.addi %get3A_3849, %get3A_3785 : vector<16xi32>
      %swap3A_3851 = arith.index_cast %add3A_3751 : i32 to index
      %swap3A_3852 = arith.constant 96 : index
      %swap3A_3853 = tpu.vector_load %arg7[%swap3A_3851, %swap3A_3852] {strides = array<i32>} : memref<64x128xi32, #tpu.memory_space<vmem>>, vector<1x16xi32>,
      %swap3A_3854 = vector.shape_cast %swap3A_3853 : vector<1x16xi32> to vector<16xi32>
      %swap3A_3855 = vector.shape_cast %add3A_3850 : vector<16xi32> to vector<1x16xi32>
      tpu.vector_store %arg7[%swap3A_3851, %swap3A_3852], %swap3A_3855 {strides = array<i32>} : memref<64x128xi32, #tpu.memory_space<vmem>>, vector<1x16xi32>,
      %get3A_3856 = arith.index_cast %add3A_3751 : i32 to index
      %get3A_3857 = arith.constant 112 : index
      %get3A_3858 = tpu.vector_load %arg7[%get3A_3856, %get3A_3857] {strides = array<i32>} : memref<64x128xi32, #tpu.memory_space<vmem>>, vector<1x16xi32>,
      %get3A_3859 = vector.shape_cast %get3A_3858 : vector<1x16xi32> to vector<16xi32>
      %add3A_3860 = arith.addi %get3A_3859, %get3A_3785 : vector<16xi32>
      %swap3A_3861 = arith.index_cast %add3A_3751 : i32 to index
      %swap3A_3862 = arith.constant 112 : index
      %swap3A_3863 = tpu.vector_load %arg7[%swap3A_3861, %swap3A_3862] {strides = array<i32>} : memref<64x128xi32, #tpu.memory_space<vmem>>, vector<1x16xi32>,
      %swap3A_3864 = vector.shape_cast %swap3A_3863 : vector<1x16xi32> to vector<16xi32>
      %swap3A_3865 = vector.shape_cast %add3A_3860 : vector<16xi32> to vector<1x16xi32>
      tpu.vector_store %arg7[%swap3A_3861, %swap3A_3862], %swap3A_3865 {strides = array<i32>} : memref<64x128xi32, #tpu.memory_space<vmem>>, vector<1x16xi32>,
      %dma_wait3A_3866 = arith.constant 4 : i32
      %dma_wait3A_3867 = arith.constant 0 : i32
      %dma_wait3A_3868 = arith.constant 0 : i32
      %dma_wait3A_3869 = tpu.memref_slice %arg8[%dma_wait3A_3866, %dma_wait3A_3867, %dma_wait3A_3868] : memref<7x128x128xf32, #tpu.memory_space<vmem>> -> memref<1x128x128xf32, #tpu.memory_space<vmem>>
      %dma_wait3A_3870 = tpu.memref_squeeze %dma_wait3A_3869 : memref<1x128x128xf32, #tpu.memory_space<vmem>> -> memref<128x128xf32, #tpu.memory_space<vmem>>
      %dma_wait3A_3871 = arith.constant 0 : i32
      %dma_wait3A_3872 = tpu.memref_slice %arg5[%mul3A_2, %dma_wait3A_3871] : memref<262144x128xf32, #tpu.memory_space<hbm>> -> memref<128x128xf32, #tpu.memory_space<hbm>>
      %dma_wait3A_3873 = arith.constant 0 : i32
      %dma_wait3A_3874 = tpu.memref_slice %arg5[%mul3A_2, %dma_wait3A_3873] : memref<262144x128xf32, #tpu.memory_space<hbm>> -> memref<128x128xf32, #tpu.memory_space<hbm>>
      %dma_wait3A_3875 = arith.constant 0 : i32
      %dma_wait3A_3876 = arith.constant 0 : i32
      %dma_wait3A_3877 = tpu.memref_slice %arg8[%dma_wait3A_3866, %dma_wait3A_3875, %dma_wait3A_3876] : memref<7x128x128xf32, #tpu.memory_space<vmem>> -> memref<1x128x128xf32, #tpu.memory_space<vmem>>
      %dma_wait3A_3878 = tpu.memref_squeeze %dma_wait3A_3877 : memref<1x128x128xf32, #tpu.memory_space<vmem>> -> memref<128x128xf32, #tpu.memory_space<vmem>>
      tpu.wait_dma2 semaphore(%arg20 : memref<!tpu.dma_semaphore, #tpu.memory_space<semaphore_mem>>) src(%dma_wait3A_3878 : memref<128x128xf32, #tpu.memory_space<vmem>>) dst(%dma_wait3A_3874 : memref<128x128xf32, #tpu.memory_space<hbm>>)
      %dma_start3A_3879 = arith.constant 4 : i32
      %dma_start3A_3880 = arith.constant 0 : i32
      %dma_start3A_3881 = arith.constant 0 : i32
      %dma_start3A_3882 = tpu.memref_slice %arg8[%dma_start3A_3879, %dma_start3A_3880, %dma_start3A_3881] : memref<7x128x128xf32, #tpu.memory_space<vmem>> -> memref<1x128x128xf32, #tpu.memory_space<vmem>>
      %dma_start3A_3883 = tpu.memref_squeeze %dma_start3A_3882 : memref<1x128x128xf32, #tpu.memory_space<vmem>> -> memref<128x128xf32, #tpu.memory_space<vmem>>
      %dma_start3A_3884 = arith.constant 0 : i32
      %dma_start3A_3885 = tpu.memref_slice %arg7[%add3A_3751, %dma_start3A_3884] : memref<64x128xi32, #tpu.memory_space<vmem>> -> memref<1x128xi32, #tpu.memory_space<vmem>>
      %dma_start3A_3886 = tpu.memref_squeeze %dma_start3A_3885 : memref<1x128xi32, #tpu.memory_space<vmem>> -> memref<128xi32, #tpu.memory_space<vmem>>
      %dma_start3A_3887 = arith.constant 0 : i32
      %dma_start3A_3888 = arith.constant 0 : i32
      %dma_start3A_3889 = tpu.memref_slice %arg4[%dma_start3A_3887, %dma_start3A_3888] : memref<32768x128xf32, #tpu.memory_space<hbm>> -> memref<32768x128xf32, #tpu.memory_space<hbm>>
      tpu.enqueue_indirect_dma source(%dma_start3A_3889 : memref<32768x128xf32, #tpu.memory_space<hbm>>) target(%dma_start3A_3883 : memref<128x128xf32, #tpu.memory_space<vmem>>) offsets(%dma_start3A_3886 : memref<128xi32, #tpu.memory_space<vmem>>) semaphore(%arg13 : memref<!tpu.dma_semaphore, #tpu.memory_space<semaphore_mem>>)
      %dma_wait3A_3890 = arith.constant 0 : i32
      %dma_wait3A_3891 = arith.constant 6 : i32
      %dma_wait3A_3892 = arith.constant 0 : i32
      %dma_wait3A_3893 = arith.constant 0 : i32
      %dma_wait3A_3894 = tpu.memref_slice %arg8[%dma_wait3A_3891, %dma_wait3A_3892, %dma_wait3A_3893] : memref<7x128x128xf32, #tpu.memory_space<vmem>> -> memref<1x128x128xf32, #tpu.memory_space<vmem>>
      %dma_wait3A_3895 = tpu.memref_squeeze %dma_wait3A_3894 : memref<1x128x128xf32, #tpu.memory_space<vmem>> -> memref<128x128xf32, #tpu.memory_space<vmem>>
      %dma_wait3A_3896 = arith.constant 0 : i32
      %dma_wait3A_3897 = tpu.memref_slice %arg7[%dma_wait3A_3890, %dma_wait3A_3896] : memref<64x128xi32, #tpu.memory_space<vmem>> -> memref<1x128xi32, #tpu.memory_space<vmem>>
      %dma_wait3A_3898 = tpu.memref_squeeze %dma_wait3A_3897 : memref<1x128xi32, #tpu.memory_space<vmem>> -> memref<128xi32, #tpu.memory_space<vmem>>
      %dma_wait3A_3899 = arith.constant 0 : i32
      %dma_wait3A_3900 = arith.constant 0 : i32
      %dma_wait3A_3901 = tpu.memref_slice %arg4[%dma_wait3A_3899, %dma_wait3A_3900] : memref<32768x128xf32, #tpu.memory_space<hbm>> -> memref<32768x128xf32, #tpu.memory_space<hbm>>
      tpu.wait_indirect_dma semaphore(%arg15 : memref<!tpu.dma_semaphore, #tpu.memory_space<semaphore_mem>>) src(%dma_wait3A_3901 : memref<32768x128xf32, #tpu.memory_space<hbm>>) dst(%dma_wait3A_3895 : memref<128x128xf32, #tpu.memory_space<vmem>>)
      %mul3A_3902 = arith.constant 128 : i32
      %mul3A_3903 = arith.muli %add3A_3749, %mul3A_3902 : i32
      %add3A_3904 = arith.addi %mul3A_2, %mul3A_3903 : i32
      %dma_start3A_3905 = arith.constant 6 : i32
      %dma_start3A_3906 = arith.constant 0 : i32
      %dma_start3A_3907 = arith.constant 0 : i32
      %dma_start3A_3908 = tpu.memref_slice %arg8[%dma_start3A_3905, %dma_start3A_3906, %dma_start3A_3907] : memref<7x128x128xf32, #tpu.memory_space<vmem>> -> memref<1x128x128xf32, #tpu.memory_space<vmem>>
      %dma_start3A_3909 = tpu.memref_squeeze %dma_start3A_3908 : memref<1x128x128xf32, #tpu.memory_space<vmem>> -> memref<128x128xf32, #tpu.memory_space<vmem>>
      %dma_start3A_3910 = arith.constant 0 : i32
      %dma_start3A_3911 = tpu.memref_slice %arg5[%add3A_3904, %dma_start3A_3910] : memref<262144x128xf32, #tpu.memory_space<hbm>> -> memref<128x128xf32, #tpu.memory_space<hbm>>
      %dma_start3A_3912 = arith.constant 0 : i32
      %dma_start3A_3913 = tpu.memref_slice %arg5[%add3A_3904, %dma_start3A_3912] : memref<262144x128xf32, #tpu.memory_space<hbm>> -> memref<128x128xf32, #tpu.memory_space<hbm>>
      %dma_start3A_3914 = arith.constant 0 : i32
      %dma_start3A_3915 = arith.constant 0 : i32
      %dma_start3A_3916 = tpu.memref_slice %arg8[%dma_start3A_3905, %dma_start3A_3914, %dma_start3A_3915] : memref<7x128x128xf32, #tpu.memory_space<vmem>> -> memref<1x128x128xf32, #tpu.memory_space<vmem>>
      %dma_start3A_3917 = tpu.memref_squeeze %dma_start3A_3916 : memref<1x128x128xf32, #tpu.memory_space<vmem>> -> memref<128x128xf32, #tpu.memory_space<vmem>>
      tpu.enqueue_dma source(%dma_start3A_3917 : memref<128x128xf32, #tpu.memory_space<vmem>>) target(%dma_start3A_3913 : memref<128x128xf32, #tpu.memory_space<hbm>>) target_semaphore(%arg22 : memref<!tpu.dma_semaphore, #tpu.memory_space<semaphore_mem>>)
    }
    %scan3A_1943 = arith.constant 7 : i32
    %add3A_1944 = arith.constant 7808 : i32
    %add3A_1945 = arith.addi %mul3A_2, %add3A_1944 : i32
    %jit3A_1946 = arith.constant 2048 : i32
    %div3A_1947 = arith.divsi %add3A_1945, %jit3A_1946 : i32
    %sign3A_1948 = arith.constant 0 : i32
    %sign3A_1949 = arith.cmpi sgt, %add3A_1945, %sign3A_1948 : i32
    %sign3A_1950 = arith.extui %sign3A_1949 : i1 to i32
    %sign3A_1951 = arith.constant 0 : i32
    %sign3A_1952 = arith.cmpi slt, %add3A_1945, %sign3A_1951 : i32
    %sign3A_1953 = arith.extui %sign3A_1952 : i1 to i32
    %sign3A_1954 = arith.subi %sign3A_1950, %sign3A_1953 : i32
    %sign3A_1955 = arith.constant 0 : i32
    %sign3A_1956 = arith.cmpi sgt, %jit3A_1946, %sign3A_1955 : i32
    %sign3A_1957 = arith.extui %sign3A_1956 : i1 to i32
    %sign3A_1958 = arith.constant 0 : i32
    %sign3A_1959 = arith.cmpi slt, %jit3A_1946, %sign3A_1958 : i32
    %sign3A_1960 = arith.extui %sign3A_1959 : i1 to i32
    %sign3A_1961 = arith.subi %sign3A_1957, %sign3A_1960 : i32
    %ne3A_1962 = arith.cmpi ne, %sign3A_1954, %sign3A_1961 : i32
    %rem3A_1963 = arith.remsi %add3A_1945, %jit3A_1946 : i32
    %ne3A_1964 = arith.constant 0 : i32
    %ne3A_1965 = arith.cmpi ne, %rem3A_1963, %ne3A_1964 : i32
    %and3A_1966 = arith.andi %ne3A_1962, %ne3A_1965 : i1
    %sub3A_1967 = arith.constant 1 : i32
    %sub3A_1968 = arith.subi %div3A_1947, %sub3A_1967 : i32
    %select_n3A_1969 = arith.select %and3A_1966, %sub3A_1968, %div3A_1947 : i32
    %rem3A_1970 = arith.constant 8 : i32
    %rem3A_1971 = arith.remsi %select_n3A_1969, %rem3A_1970 : i32
    %mul3A_1972 = arith.constant 16 : i32
    %mul3A_1973 = arith.muli %rem3A_1971, %mul3A_1972 : i32
    %get3A_1974 = arith.index_cast %mul3A_1973 : i32 to index
    %get3A_1975 = tpu.vector_load %arg6[%get3A_1974] {strides = array<i32>} : memref<128xi32, #tpu.memory_space<vmem>>, vector<16xi32>,
    %get3A_1976 = vector.shape_cast %get3A_1975 : vector<16xi32> to vector<16xi32>
    %get3A_1977 = arith.constant 61 : i32
    %get3A_1978 = arith.index_cast %get3A_1977 : i32 to index
    %get3A_1979 = arith.constant 0 : index
    %get3A_1980 = tpu.vector_load %arg7[%get3A_1978, %get3A_1979] {strides = array<i32>} : memref<64x128xi32, #tpu.memory_space<vmem>>, vector<1x16xi32>,
    %get3A_1981 = vector.shape_cast %get3A_1980 : vector<1x16xi32> to vector<16xi32>
    %add3A_1982 = arith.addi %get3A_1981, %get3A_1976 : vector<16xi32>
    %swap3A_1983 = arith.constant 61 : i32
    %swap3A_1984 = arith.index_cast %swap3A_1983 : i32 to index
    %swap3A_1985 = arith.constant 0 : index
    %swap3A_1986 = tpu.vector_load %arg7[%swap3A_1984, %swap3A_1985] {strides = array<i32>} : memref<64x128xi32, #tpu.memory_space<vmem>>, vector<1x16xi32>,
    %swap3A_1987 = vector.shape_cast %swap3A_1986 : vector<1x16xi32> to vector<16xi32>
    %swap3A_1988 = vector.shape_cast %add3A_1982 : vector<16xi32> to vector<1x16xi32>
    tpu.vector_store %arg7[%swap3A_1984, %swap3A_1985], %swap3A_1988 {strides = array<i32>} : memref<64x128xi32, #tpu.memory_space<vmem>>, vector<1x16xi32>,
    %get3A_1989 = arith.constant 61 : i32
    %get3A_1990 = arith.index_cast %get3A_1989 : i32 to index
    %get3A_1991 = arith.constant 16 : index
    %get3A_1992 = tpu.vector_load %arg7[%get3A_1990, %get3A_1991] {strides = array<i32>} : memref<64x128xi32, #tpu.memory_space<vmem>>, vector<1x16xi32>,
    %get3A_1993 = vector.shape_cast %get3A_1992 : vector<1x16xi32> to vector<16xi32>
    %add3A_1994 = arith.addi %get3A_1993, %get3A_1976 : vector<16xi32>
    %swap3A_1995 = arith.constant 61 : i32
    %swap3A_1996 = arith.index_cast %swap3A_1995 : i32 to index
    %swap3A_1997 = arith.constant 16 : index
    %swap3A_1998 = tpu.vector_load %arg7[%swap3A_1996, %swap3A_1997] {strides = array<i32>} : memref<64x128xi32, #tpu.memory_space<vmem>>, vector<1x16xi32>,
    %swap3A_1999 = vector.shape_cast %swap3A_1998 : vector<1x16xi32> to vector<16xi32>
    %swap3A_2000 = vector.shape_cast %add3A_1994 : vector<16xi32> to vector<1x16xi32>
    tpu.vector_store %arg7[%swap3A_1996, %swap3A_1997], %swap3A_2000 {strides = array<i32>} : memref<64x128xi32, #tpu.memory_space<vmem>>, vector<1x16xi32>,
    %get3A_2001 = arith.constant 61 : i32
    %get3A_2002 = arith.index_cast %get3A_2001 : i32 to index
    %get3A_2003 = arith.constant 32 : index
    %get3A_2004 = tpu.vector_load %arg7[%get3A_2002, %get3A_2003] {strides = array<i32>} : memref<64x128xi32, #tpu.memory_space<vmem>>, vector<1x16xi32>,
    %get3A_2005 = vector.shape_cast %get3A_2004 : vector<1x16xi32> to vector<16xi32>
    %add3A_2006 = arith.addi %get3A_2005, %get3A_1976 : vector<16xi32>
    %swap3A_2007 = arith.constant 61 : i32
    %swap3A_2008 = arith.index_cast %swap3A_2007 : i32 to index
    %swap3A_2009 = arith.constant 32 : index
    %swap3A_2010 = tpu.vector_load %arg7[%swap3A_2008, %swap3A_2009] {strides = array<i32>} : memref<64x128xi32, #tpu.memory_space<vmem>>, vector<1x16xi32>,
    %swap3A_2011 = vector.shape_cast %swap3A_2010 : vector<1x16xi32> to vector<16xi32>
    %swap3A_2012 = vector.shape_cast %add3A_2006 : vector<16xi32> to vector<1x16xi32>
    tpu.vector_store %arg7[%swap3A_2008, %swap3A_2009], %swap3A_2012 {strides = array<i32>} : memref<64x128xi32, #tpu.memory_space<vmem>>, vector<1x16xi32>,
    %get3A_2013 = arith.constant 61 : i32
    %get3A_2014 = arith.index_cast %get3A_2013 : i32 to index
    %get3A_2015 = arith.constant 48 : index
    %get3A_2016 = tpu.vector_load %arg7[%get3A_2014, %get3A_2015] {strides = array<i32>} : memref<64x128xi32, #tpu.memory_space<vmem>>, vector<1x16xi32>,
    %get3A_2017 = vector.shape_cast %get3A_2016 : vector<1x16xi32> to vector<16xi32>
    %add3A_2018 = arith.addi %get3A_2017, %get3A_1976 : vector<16xi32>
    %swap3A_2019 = arith.constant 61 : i32
    %swap3A_2020 = arith.index_cast %swap3A_2019 : i32 to index
    %swap3A_2021 = arith.constant 48 : index
    %swap3A_2022 = tpu.vector_load %arg7[%swap3A_2020, %swap3A_2021] {strides = array<i32>} : memref<64x128xi32, #tpu.memory_space<vmem>>, vector<1x16xi32>,
    %swap3A_2023 = vector.shape_cast %swap3A_2022 : vector<1x16xi32> to vector<16xi32>
    %swap3A_2024 = vector.shape_cast %add3A_2018 : vector<16xi32> to vector<1x16xi32>
    tpu.vector_store %arg7[%swap3A_2020, %swap3A_2021], %swap3A_2024 {strides = array<i32>} : memref<64x128xi32, #tpu.memory_space<vmem>>, vector<1x16xi32>,
    %get3A_2025 = arith.constant 61 : i32
    %get3A_2026 = arith.index_cast %get3A_2025 : i32 to index
    %get3A_2027 = arith.constant 64 : index
    %get3A_2028 = tpu.vector_load %arg7[%get3A_2026, %get3A_2027] {strides = array<i32>} : memref<64x128xi32, #tpu.memory_space<vmem>>, vector<1x16xi32>,
    %get3A_2029 = vector.shape_cast %get3A_2028 : vector<1x16xi32> to vector<16xi32>
    %add3A_2030 = arith.addi %get3A_2029, %get3A_1976 : vector<16xi32>
    %swap3A_2031 = arith.constant 61 : i32
    %swap3A_2032 = arith.index_cast %swap3A_2031 : i32 to index
    %swap3A_2033 = arith.constant 64 : index
    %swap3A_2034 = tpu.vector_load %arg7[%swap3A_2032, %swap3A_2033] {strides = array<i32>} : memref<64x128xi32, #tpu.memory_space<vmem>>, vector<1x16xi32>,
    %swap3A_2035 = vector.shape_cast %swap3A_2034 : vector<1x16xi32> to vector<16xi32>
    %swap3A_2036 = vector.shape_cast %add3A_2030 : vector<16xi32> to vector<1x16xi32>
    tpu.vector_store %arg7[%swap3A_2032, %swap3A_2033], %swap3A_2036 {strides = array<i32>} : memref<64x128xi32, #tpu.memory_space<vmem>>, vector<1x16xi32>,
    %get3A_2037 = arith.constant 61 : i32
    %get3A_2038 = arith.index_cast %get3A_2037 : i32 to index
    %get3A_2039 = arith.constant 80 : index
    %get3A_2040 = tpu.vector_load %arg7[%get3A_2038, %get3A_2039] {strides = array<i32>} : memref<64x128xi32, #tpu.memory_space<vmem>>, vector<1x16xi32>,
    %get3A_2041 = vector.shape_cast %get3A_2040 : vector<1x16xi32> to vector<16xi32>
    %add3A_2042 = arith.addi %get3A_2041, %get3A_1976 : vector<16xi32>
    %swap3A_2043 = arith.constant 61 : i32
    %swap3A_2044 = arith.index_cast %swap3A_2043 : i32 to index
    %swap3A_2045 = arith.constant 80 : index
    %swap3A_2046 = tpu.vector_load %arg7[%swap3A_2044, %swap3A_2045] {strides = array<i32>} : memref<64x128xi32, #tpu.memory_space<vmem>>, vector<1x16xi32>,
    %swap3A_2047 = vector.shape_cast %swap3A_2046 : vector<1x16xi32> to vector<16xi32>
    %swap3A_2048 = vector.shape_cast %add3A_2042 : vector<16xi32> to vector<1x16xi32>
    tpu.vector_store %arg7[%swap3A_2044, %swap3A_2045], %swap3A_2048 {strides = array<i32>} : memref<64x128xi32, #tpu.memory_space<vmem>>, vector<1x16xi32>,
    %get3A_2049 = arith.constant 61 : i32
    %get3A_2050 = arith.index_cast %get3A_2049 : i32 to index
    %get3A_2051 = arith.constant 96 : index
    %get3A_2052 = tpu.vector_load %arg7[%get3A_2050, %get3A_2051] {strides = array<i32>} : memref<64x128xi32, #tpu.memory_space<vmem>>, vector<1x16xi32>,
    %get3A_2053 = vector.shape_cast %get3A_2052 : vector<1x16xi32> to vector<16xi32>
    %add3A_2054 = arith.addi %get3A_2053, %get3A_1976 : vector<16xi32>
    %swap3A_2055 = arith.constant 61 : i32
    %swap3A_2056 = arith.index_cast %swap3A_2055 : i32 to index
    %swap3A_2057 = arith.constant 96 : index
    %swap3A_2058 = tpu.vector_load %arg7[%swap3A_2056, %swap3A_2057] {strides = array<i32>} : memref<64x128xi32, #tpu.memory_space<vmem>>, vector<1x16xi32>,
    %swap3A_2059 = vector.shape_cast %swap3A_2058 : vector<1x16xi32> to vector<16xi32>
    %swap3A_2060 = vector.shape_cast %add3A_2054 : vector<16xi32> to vector<1x16xi32>
    tpu.vector_store %arg7[%swap3A_2056, %swap3A_2057], %swap3A_2060 {strides = array<i32>} : memref<64x128xi32, #tpu.memory_space<vmem>>, vector<1x16xi32>,
    %get3A_2061 = arith.constant 61 : i32
    %get3A_2062 = arith.index_cast %get3A_2061 : i32 to index
    %get3A_2063 = arith.constant 112 : index
    %get3A_2064 = tpu.vector_load %arg7[%get3A_2062, %get3A_2063] {strides = array<i32>} : memref<64x128xi32, #tpu.memory_space<vmem>>, vector<1x16xi32>,
    %get3A_2065 = vector.shape_cast %get3A_2064 : vector<1x16xi32> to vector<16xi32>
    %add3A_2066 = arith.addi %get3A_2065, %get3A_1976 : vector<16xi32>
    %swap3A_2067 = arith.constant 61 : i32
    %swap3A_2068 = arith.index_cast %swap3A_2067 : i32 to index
    %swap3A_2069 = arith.constant 112 : index
    %swap3A_2070 = tpu.vector_load %arg7[%swap3A_2068, %swap3A_2069] {strides = array<i32>} : memref<64x128xi32, #tpu.memory_space<vmem>>, vector<1x16xi32>,
    %swap3A_2071 = vector.shape_cast %swap3A_2070 : vector<1x16xi32> to vector<16xi32>
    %swap3A_2072 = vector.shape_cast %add3A_2066 : vector<16xi32> to vector<1x16xi32>
    tpu.vector_store %arg7[%swap3A_2068, %swap3A_2069], %swap3A_2072 {strides = array<i32>} : memref<64x128xi32, #tpu.memory_space<vmem>>, vector<1x16xi32>,
    %dma_wait3A_2073 = arith.constant 5 : i32
    %dma_wait3A_2074 = arith.constant 0 : i32
    %dma_wait3A_2075 = arith.constant 0 : i32
    %dma_wait3A_2076 = tpu.memref_slice %arg8[%dma_wait3A_2073, %dma_wait3A_2074, %dma_wait3A_2075] : memref<7x128x128xf32, #tpu.memory_space<vmem>> -> memref<1x128x128xf32, #tpu.memory_space<vmem>>
    %dma_wait3A_2077 = tpu.memref_squeeze %dma_wait3A_2076 : memref<1x128x128xf32, #tpu.memory_space<vmem>> -> memref<128x128xf32, #tpu.memory_space<vmem>>
    %dma_wait3A_2078 = arith.constant 0 : i32
    %dma_wait3A_2079 = tpu.memref_slice %arg5[%mul3A_2, %dma_wait3A_2078] : memref<262144x128xf32, #tpu.memory_space<hbm>> -> memref<128x128xf32, #tpu.memory_space<hbm>>
    %dma_wait3A_2080 = arith.constant 0 : i32
    %dma_wait3A_2081 = tpu.memref_slice %arg5[%mul3A_2, %dma_wait3A_2080] : memref<262144x128xf32, #tpu.memory_space<hbm>> -> memref<128x128xf32, #tpu.memory_space<hbm>>
    %dma_wait3A_2082 = arith.constant 0 : i32
    %dma_wait3A_2083 = arith.constant 0 : i32
    %dma_wait3A_2084 = tpu.memref_slice %arg8[%dma_wait3A_2073, %dma_wait3A_2082, %dma_wait3A_2083] : memref<7x128x128xf32, #tpu.memory_space<vmem>> -> memref<1x128x128xf32, #tpu.memory_space<vmem>>
    %dma_wait3A_2085 = tpu.memref_squeeze %dma_wait3A_2084 : memref<1x128x128xf32, #tpu.memory_space<vmem>> -> memref<128x128xf32, #tpu.memory_space<vmem>>
    tpu.wait_dma2 semaphore(%arg21 : memref<!tpu.dma_semaphore, #tpu.memory_space<semaphore_mem>>) src(%dma_wait3A_2085 : memref<128x128xf32, #tpu.memory_space<vmem>>) dst(%dma_wait3A_2081 : memref<128x128xf32, #tpu.memory_space<hbm>>)
    %dma_start3A_2086 = arith.constant 61 : i32
    %dma_start3A_2087 = arith.constant 5 : i32
    %dma_start3A_2088 = arith.constant 0 : i32
    %dma_start3A_2089 = arith.constant 0 : i32
    %dma_start3A_2090 = tpu.memref_slice %arg8[%dma_start3A_2087, %dma_start3A_2088, %dma_start3A_2089] : memref<7x128x128xf32, #tpu.memory_space<vmem>> -> memref<1x128x128xf32, #tpu.memory_space<vmem>>
    %dma_start3A_2091 = tpu.memref_squeeze %dma_start3A_2090 : memref<1x128x128xf32, #tpu.memory_space<vmem>> -> memref<128x128xf32, #tpu.memory_space<vmem>>
    %dma_start3A_2092 = arith.constant 0 : i32
    %dma_start3A_2093 = tpu.memref_slice %arg7[%dma_start3A_2086, %dma_start3A_2092] : memref<64x128xi32, #tpu.memory_space<vmem>> -> memref<1x128xi32, #tpu.memory_space<vmem>>
    %dma_start3A_2094 = tpu.memref_squeeze %dma_start3A_2093 : memref<1x128xi32, #tpu.memory_space<vmem>> -> memref<128xi32, #tpu.memory_space<vmem>>
    %dma_start3A_2095 = arith.constant 0 : i32
    %dma_start3A_2096 = arith.constant 0 : i32
    %dma_start3A_2097 = tpu.memref_slice %arg4[%dma_start3A_2095, %dma_start3A_2096] : memref<32768x128xf32, #tpu.memory_space<hbm>> -> memref<32768x128xf32, #tpu.memory_space<hbm>>
    tpu.enqueue_indirect_dma source(%dma_start3A_2097 : memref<32768x128xf32, #tpu.memory_space<hbm>>) target(%dma_start3A_2091 : memref<128x128xf32, #tpu.memory_space<vmem>>) offsets(%dma_start3A_2094 : memref<128xi32, #tpu.memory_space<vmem>>) semaphore(%arg14 : memref<!tpu.dma_semaphore, #tpu.memory_space<semaphore_mem>>)
    %dma_wait3A_2098 = arith.constant 0 : i32
    %dma_wait3A_2099 = arith.constant 0 : i32
    %dma_wait3A_2100 = arith.constant 0 : i32
    %dma_wait3A_2101 = arith.constant 0 : i32
    %dma_wait3A_2102 = tpu.memref_slice %arg8[%dma_wait3A_2099, %dma_wait3A_2100, %dma_wait3A_2101] : memref<7x128x128xf32, #tpu.memory_space<vmem>> -> memref<1x128x128xf32, #tpu.memory_space<vmem>>
    %dma_wait3A_2103 = tpu.memref_squeeze %dma_wait3A_2102 : memref<1x128x128xf32, #tpu.memory_space<vmem>> -> memref<128x128xf32, #tpu.memory_space<vmem>>
    %dma_wait3A_2104 = arith.constant 0 : i32
    %dma_wait3A_2105 = tpu.memref_slice %arg7[%dma_wait3A_2098, %dma_wait3A_2104] : memref<64x128xi32, #tpu.memory_space<vmem>> -> memref<1x128xi32, #tpu.memory_space<vmem>>
    %dma_wait3A_2106 = tpu.memref_squeeze %dma_wait3A_2105 : memref<1x128xi32, #tpu.memory_space<vmem>> -> memref<128xi32, #tpu.memory_space<vmem>>
    %dma_wait3A_2107 = arith.constant 0 : i32
    %dma_wait3A_2108 = arith.constant 0 : i32
    %dma_wait3A_2109 = tpu.memref_slice %arg4[%dma_wait3A_2107, %dma_wait3A_2108] : memref<32768x128xf32, #tpu.memory_space<hbm>> -> memref<32768x128xf32, #tpu.memory_space<hbm>>
    tpu.wait_indirect_dma semaphore(%arg9 : memref<!tpu.dma_semaphore, #tpu.memory_space<semaphore_mem>>) src(%dma_wait3A_2109 : memref<32768x128xf32, #tpu.memory_space<hbm>>) dst(%dma_wait3A_2103 : memref<128x128xf32, #tpu.memory_space<vmem>>)
    %add3A_2110 = arith.constant 7168 : i32
    %add3A_2111 = arith.addi %mul3A_2, %add3A_2110 : i32
    %dma_start3A_2112 = arith.constant 0 : i32
    %dma_start3A_2113 = arith.constant 0 : i32
    %dma_start3A_2114 = arith.constant 0 : i32
    %dma_start3A_2115 = tpu.memref_slice %arg8[%dma_start3A_2112, %dma_start3A_2113, %dma_start3A_2114] : memref<7x128x128xf32, #tpu.memory_space<vmem>> -> memref<1x128x128xf32, #tpu.memory_space<vmem>>
    %dma_start3A_2116 = tpu.memref_squeeze %dma_start3A_2115 : memref<1x128x128xf32, #tpu.memory_space<vmem>> -> memref<128x128xf32, #tpu.memory_space<vmem>>
    %dma_start3A_2117 = arith.constant 0 : i32
    %dma_start3A_2118 = tpu.memref_slice %arg5[%add3A_2111, %dma_start3A_2117] : memref<262144x128xf32, #tpu.memory_space<hbm>> -> memref<128x128xf32, #tpu.memory_space<hbm>>
    %dma_start3A_2119 = arith.constant 0 : i32
    %dma_start3A_2120 = tpu.memref_slice %arg5[%add3A_2111, %dma_start3A_2119] : memref<262144x128xf32, #tpu.memory_space<hbm>> -> memref<128x128xf32, #tpu.memory_space<hbm>>
    %dma_start3A_2121 = arith.constant 0 : i32
    %dma_start3A_2122 = arith.constant 0 : i32
    %dma_start3A_2123 = tpu.memref_slice %arg8[%dma_start3A_2112, %dma_start3A_2121, %dma_start3A_2122] : memref<7x128x128xf32, #tpu.memory_space<vmem>> -> memref<1x128x128xf32, #tpu.memory_space<vmem>>
    %dma_start3A_2124 = tpu.memref_squeeze %dma_start3A_2123 : memref<1x128x128xf32, #tpu.memory_space<vmem>> -> memref<128x128xf32, #tpu.memory_space<vmem>>
    tpu.enqueue_dma source(%dma_start3A_2124 : memref<128x128xf32, #tpu.memory_space<vmem>>) target(%dma_start3A_2120 : memref<128x128xf32, #tpu.memory_space<hbm>>) target_semaphore(%arg16 : memref<!tpu.dma_semaphore, #tpu.memory_space<semaphore_mem>>)
    %add3A_2125 = arith.constant 7936 : i32
    %add3A_2126 = arith.addi %mul3A_2, %add3A_2125 : i32
    %jit3A_2127 = arith.constant 2048 : i32
    %div3A_2128 = arith.divsi %add3A_2126, %jit3A_2127 : i32
    %sign3A_2129 = arith.constant 0 : i32
    %sign3A_2130 = arith.cmpi sgt, %add3A_2126, %sign3A_2129 : i32
    %sign3A_2131 = arith.extui %sign3A_2130 : i1 to i32
    %sign3A_2132 = arith.constant 0 : i32
    %sign3A_2133 = arith.cmpi slt, %add3A_2126, %sign3A_2132 : i32
    %sign3A_2134 = arith.extui %sign3A_2133 : i1 to i32
    %sign3A_2135 = arith.subi %sign3A_2131, %sign3A_2134 : i32
    %sign3A_2136 = arith.constant 0 : i32
    %sign3A_2137 = arith.cmpi sgt, %jit3A_2127, %sign3A_2136 : i32
    %sign3A_2138 = arith.extui %sign3A_2137 : i1 to i32
    %sign3A_2139 = arith.constant 0 : i32
    %sign3A_2140 = arith.cmpi slt, %jit3A_2127, %sign3A_2139 : i32
    %sign3A_2141 = arith.extui %sign3A_2140 : i1 to i32
    %sign3A_2142 = arith.subi %sign3A_2138, %sign3A_2141 : i32
    %ne3A_2143 = arith.cmpi ne, %sign3A_2135, %sign3A_2142 : i32
    %rem3A_2144 = arith.remsi %add3A_2126, %jit3A_2127 : i32
    %ne3A_2145 = arith.constant 0 : i32
    %ne3A_2146 = arith.cmpi ne, %rem3A_2144, %ne3A_2145 : i32
    %and3A_2147 = arith.andi %ne3A_2143, %ne3A_2146 : i1
    %sub3A_2148 = arith.constant 1 : i32
    %sub3A_2149 = arith.subi %div3A_2128, %sub3A_2148 : i32
    %select_n3A_2150 = arith.select %and3A_2147, %sub3A_2149, %div3A_2128 : i32
    %rem3A_2151 = arith.constant 8 : i32
    %rem3A_2152 = arith.remsi %select_n3A_2150, %rem3A_2151 : i32
    %mul3A_2153 = arith.constant 16 : i32
    %mul3A_2154 = arith.muli %rem3A_2152, %mul3A_2153 : i32
    %get3A_2155 = arith.index_cast %mul3A_2154 : i32 to index
    %get3A_2156 = tpu.vector_load %arg6[%get3A_2155] {strides = array<i32>} : memref<128xi32, #tpu.memory_space<vmem>>, vector<16xi32>,
    %get3A_2157 = vector.shape_cast %get3A_2156 : vector<16xi32> to vector<16xi32>
    %get3A_2158 = arith.constant 62 : i32
    %get3A_2159 = arith.index_cast %get3A_2158 : i32 to index
    %get3A_2160 = arith.constant 0 : index
    %get3A_2161 = tpu.vector_load %arg7[%get3A_2159, %get3A_2160] {strides = array<i32>} : memref<64x128xi32, #tpu.memory_space<vmem>>, vector<1x16xi32>,
    %get3A_2162 = vector.shape_cast %get3A_2161 : vector<1x16xi32> to vector<16xi32>
    %add3A_2163 = arith.addi %get3A_2162, %get3A_2157 : vector<16xi32>
    %swap3A_2164 = arith.constant 62 : i32
    %swap3A_2165 = arith.index_cast %swap3A_2164 : i32 to index
    %swap3A_2166 = arith.constant 0 : index
    %swap3A_2167 = tpu.vector_load %arg7[%swap3A_2165, %swap3A_2166] {strides = array<i32>} : memref<64x128xi32, #tpu.memory_space<vmem>>, vector<1x16xi32>,
    %swap3A_2168 = vector.shape_cast %swap3A_2167 : vector<1x16xi32> to vector<16xi32>
    %swap3A_2169 = vector.shape_cast %add3A_2163 : vector<16xi32> to vector<1x16xi32>
    tpu.vector_store %arg7[%swap3A_2165, %swap3A_2166], %swap3A_2169 {strides = array<i32>} : memref<64x128xi32, #tpu.memory_space<vmem>>, vector<1x16xi32>,
    %get3A_2170 = arith.constant 62 : i32
    %get3A_2171 = arith.index_cast %get3A_2170 : i32 to index
    %get3A_2172 = arith.constant 16 : index
    %get3A_2173 = tpu.vector_load %arg7[%get3A_2171, %get3A_2172] {strides = array<i32>} : memref<64x128xi32, #tpu.memory_space<vmem>>, vector<1x16xi32>,
    %get3A_2174 = vector.shape_cast %get3A_2173 : vector<1x16xi32> to vector<16xi32>
    %add3A_2175 = arith.addi %get3A_2174, %get3A_2157 : vector<16xi32>
    %swap3A_2176 = arith.constant 62 : i32
    %swap3A_2177 = arith.index_cast %swap3A_2176 : i32 to index
    %swap3A_2178 = arith.constant 16 : index
    %swap3A_2179 = tpu.vector_load %arg7[%swap3A_2177, %swap3A_2178] {strides = array<i32>} : memref<64x128xi32, #tpu.memory_space<vmem>>, vector<1x16xi32>,
    %swap3A_2180 = vector.shape_cast %swap3A_2179 : vector<1x16xi32> to vector<16xi32>
    %swap3A_2181 = vector.shape_cast %add3A_2175 : vector<16xi32> to vector<1x16xi32>
    tpu.vector_store %arg7[%swap3A_2177, %swap3A_2178], %swap3A_2181 {strides = array<i32>} : memref<64x128xi32, #tpu.memory_space<vmem>>, vector<1x16xi32>,
    %get3A_2182 = arith.constant 62 : i32
    %get3A_2183 = arith.index_cast %get3A_2182 : i32 to index
    %get3A_2184 = arith.constant 32 : index
    %get3A_2185 = tpu.vector_load %arg7[%get3A_2183, %get3A_2184] {strides = array<i32>} : memref<64x128xi32, #tpu.memory_space<vmem>>, vector<1x16xi32>,
    %get3A_2186 = vector.shape_cast %get3A_2185 : vector<1x16xi32> to vector<16xi32>
    %add3A_2187 = arith.addi %get3A_2186, %get3A_2157 : vector<16xi32>
    %swap3A_2188 = arith.constant 62 : i32
    %swap3A_2189 = arith.index_cast %swap3A_2188 : i32 to index
    %swap3A_2190 = arith.constant 32 : index
    %swap3A_2191 = tpu.vector_load %arg7[%swap3A_2189, %swap3A_2190] {strides = array<i32>} : memref<64x128xi32, #tpu.memory_space<vmem>>, vector<1x16xi32>,
    %swap3A_2192 = vector.shape_cast %swap3A_2191 : vector<1x16xi32> to vector<16xi32>
    %swap3A_2193 = vector.shape_cast %add3A_2187 : vector<16xi32> to vector<1x16xi32>
    tpu.vector_store %arg7[%swap3A_2189, %swap3A_2190], %swap3A_2193 {strides = array<i32>} : memref<64x128xi32, #tpu.memory_space<vmem>>, vector<1x16xi32>,
    %get3A_2194 = arith.constant 62 : i32
    %get3A_2195 = arith.index_cast %get3A_2194 : i32 to index
    %get3A_2196 = arith.constant 48 : index
    %get3A_2197 = tpu.vector_load %arg7[%get3A_2195, %get3A_2196] {strides = array<i32>} : memref<64x128xi32, #tpu.memory_space<vmem>>, vector<1x16xi32>,
    %get3A_2198 = vector.shape_cast %get3A_2197 : vector<1x16xi32> to vector<16xi32>
    %add3A_2199 = arith.addi %get3A_2198, %get3A_2157 : vector<16xi32>
    %swap3A_2200 = arith.constant 62 : i32
    %swap3A_2201 = arith.index_cast %swap3A_2200 : i32 to index
    %swap3A_2202 = arith.constant 48 : index
    %swap3A_2203 = tpu.vector_load %arg7[%swap3A_2201, %swap3A_2202] {strides = array<i32>} : memref<64x128xi32, #tpu.memory_space<vmem>>, vector<1x16xi32>,
    %swap3A_2204 = vector.shape_cast %swap3A_2203 : vector<1x16xi32> to vector<16xi32>
    %swap3A_2205 = vector.shape_cast %add3A_2199 : vector<16xi32> to vector<1x16xi32>
    tpu.vector_store %arg7[%swap3A_2201, %swap3A_2202], %swap3A_2205 {strides = array<i32>} : memref<64x128xi32, #tpu.memory_space<vmem>>, vector<1x16xi32>,
    %get3A_2206 = arith.constant 62 : i32
    %get3A_2207 = arith.index_cast %get3A_2206 : i32 to index
    %get3A_2208 = arith.constant 64 : index
    %get3A_2209 = tpu.vector_load %arg7[%get3A_2207, %get3A_2208] {strides = array<i32>} : memref<64x128xi32, #tpu.memory_space<vmem>>, vector<1x16xi32>,
    %get3A_2210 = vector.shape_cast %get3A_2209 : vector<1x16xi32> to vector<16xi32>
    %add3A_2211 = arith.addi %get3A_2210, %get3A_2157 : vector<16xi32>
    %swap3A_2212 = arith.constant 62 : i32
    %swap3A_2213 = arith.index_cast %swap3A_2212 : i32 to index
    %swap3A_2214 = arith.constant 64 : index
    %swap3A_2215 = tpu.vector_load %arg7[%swap3A_2213, %swap3A_2214] {strides = array<i32>} : memref<64x128xi32, #tpu.memory_space<vmem>>, vector<1x16xi32>,
    %swap3A_2216 = vector.shape_cast %swap3A_2215 : vector<1x16xi32> to vector<16xi32>
    %swap3A_2217 = vector.shape_cast %add3A_2211 : vector<16xi32> to vector<1x16xi32>
    tpu.vector_store %arg7[%swap3A_2213, %swap3A_2214], %swap3A_2217 {strides = array<i32>} : memref<64x128xi32, #tpu.memory_space<vmem>>, vector<1x16xi32>,
    %get3A_2218 = arith.constant 62 : i32
    %get3A_2219 = arith.index_cast %get3A_2218 : i32 to index
    %get3A_2220 = arith.constant 80 : index
    %get3A_2221 = tpu.vector_load %arg7[%get3A_2219, %get3A_2220] {strides = array<i32>} : memref<64x128xi32, #tpu.memory_space<vmem>>, vector<1x16xi32>,
    %get3A_2222 = vector.shape_cast %get3A_2221 : vector<1x16xi32> to vector<16xi32>
    %add3A_2223 = arith.addi %get3A_2222, %get3A_2157 : vector<16xi32>
    %swap3A_2224 = arith.constant 62 : i32
    %swap3A_2225 = arith.index_cast %swap3A_2224 : i32 to index
    %swap3A_2226 = arith.constant 80 : index
    %swap3A_2227 = tpu.vector_load %arg7[%swap3A_2225, %swap3A_2226] {strides = array<i32>} : memref<64x128xi32, #tpu.memory_space<vmem>>, vector<1x16xi32>,
    %swap3A_2228 = vector.shape_cast %swap3A_2227 : vector<1x16xi32> to vector<16xi32>
    %swap3A_2229 = vector.shape_cast %add3A_2223 : vector<16xi32> to vector<1x16xi32>
    tpu.vector_store %arg7[%swap3A_2225, %swap3A_2226], %swap3A_2229 {strides = array<i32>} : memref<64x128xi32, #tpu.memory_space<vmem>>, vector<1x16xi32>,
    %get3A_2230 = arith.constant 62 : i32
    %get3A_2231 = arith.index_cast %get3A_2230 : i32 to index
    %get3A_2232 = arith.constant 96 : index
    %get3A_2233 = tpu.vector_load %arg7[%get3A_2231, %get3A_2232] {strides = array<i32>} : memref<64x128xi32, #tpu.memory_space<vmem>>, vector<1x16xi32>,
    %get3A_2234 = vector.shape_cast %get3A_2233 : vector<1x16xi32> to vector<16xi32>
    %add3A_2235 = arith.addi %get3A_2234, %get3A_2157 : vector<16xi32>
    %swap3A_2236 = arith.constant 62 : i32
    %swap3A_2237 = arith.index_cast %swap3A_2236 : i32 to index
    %swap3A_2238 = arith.constant 96 : index
    %swap3A_2239 = tpu.vector_load %arg7[%swap3A_2237, %swap3A_2238] {strides = array<i32>} : memref<64x128xi32, #tpu.memory_space<vmem>>, vector<1x16xi32>,
    %swap3A_2240 = vector.shape_cast %swap3A_2239 : vector<1x16xi32> to vector<16xi32>
    %swap3A_2241 = vector.shape_cast %add3A_2235 : vector<16xi32> to vector<1x16xi32>
    tpu.vector_store %arg7[%swap3A_2237, %swap3A_2238], %swap3A_2241 {strides = array<i32>} : memref<64x128xi32, #tpu.memory_space<vmem>>, vector<1x16xi32>,
    %get3A_2242 = arith.constant 62 : i32
    %get3A_2243 = arith.index_cast %get3A_2242 : i32 to index
    %get3A_2244 = arith.constant 112 : index
    %get3A_2245 = tpu.vector_load %arg7[%get3A_2243, %get3A_2244] {strides = array<i32>} : memref<64x128xi32, #tpu.memory_space<vmem>>, vector<1x16xi32>,
    %get3A_2246 = vector.shape_cast %get3A_2245 : vector<1x16xi32> to vector<16xi32>
    %add3A_2247 = arith.addi %get3A_2246, %get3A_2157 : vector<16xi32>
    %swap3A_2248 = arith.constant 62 : i32
    %swap3A_2249 = arith.index_cast %swap3A_2248 : i32 to index
    %swap3A_2250 = arith.constant 112 : index
    %swap3A_2251 = tpu.vector_load %arg7[%swap3A_2249, %swap3A_2250] {strides = array<i32>} : memref<64x128xi32, #tpu.memory_space<vmem>>, vector<1x16xi32>,
    %swap3A_2252 = vector.shape_cast %swap3A_2251 : vector<1x16xi32> to vector<16xi32>
    %swap3A_2253 = vector.shape_cast %add3A_2247 : vector<16xi32> to vector<1x16xi32>
    tpu.vector_store %arg7[%swap3A_2249, %swap3A_2250], %swap3A_2253 {strides = array<i32>} : memref<64x128xi32, #tpu.memory_space<vmem>>, vector<1x16xi32>,
    %dma_wait3A_2254 = arith.constant 6 : i32
    %dma_wait3A_2255 = arith.constant 0 : i32
    %dma_wait3A_2256 = arith.constant 0 : i32
    %dma_wait3A_2257 = tpu.memref_slice %arg8[%dma_wait3A_2254, %dma_wait3A_2255, %dma_wait3A_2256] : memref<7x128x128xf32, #tpu.memory_space<vmem>> -> memref<1x128x128xf32, #tpu.memory_space<vmem>>
    %dma_wait3A_2258 = tpu.memref_squeeze %dma_wait3A_2257 : memref<1x128x128xf32, #tpu.memory_space<vmem>> -> memref<128x128xf32, #tpu.memory_space<vmem>>
    %dma_wait3A_2259 = arith.constant 0 : i32
    %dma_wait3A_2260 = tpu.memref_slice %arg5[%mul3A_2, %dma_wait3A_2259] : memref<262144x128xf32, #tpu.memory_space<hbm>> -> memref<128x128xf32, #tpu.memory_space<hbm>>
    %dma_wait3A_2261 = arith.constant 0 : i32
    %dma_wait3A_2262 = tpu.memref_slice %arg5[%mul3A_2, %dma_wait3A_2261] : memref<262144x128xf32, #tpu.memory_space<hbm>> -> memref<128x128xf32, #tpu.memory_space<hbm>>
    %dma_wait3A_2263 = arith.constant 0 : i32
    %dma_wait3A_2264 = arith.constant 0 : i32
    %dma_wait3A_2265 = tpu.memref_slice %arg8[%dma_wait3A_2254, %dma_wait3A_2263, %dma_wait3A_2264] : memref<7x128x128xf32, #tpu.memory_space<vmem>> -> memref<1x128x128xf32, #tpu.memory_space<vmem>>
    %dma_wait3A_2266 = tpu.memref_squeeze %dma_wait3A_2265 : memref<1x128x128xf32, #tpu.memory_space<vmem>> -> memref<128x128xf32, #tpu.memory_space<vmem>>
    tpu.wait_dma2 semaphore(%arg22 : memref<!tpu.dma_semaphore, #tpu.memory_space<semaphore_mem>>) src(%dma_wait3A_2266 : memref<128x128xf32, #tpu.memory_space<vmem>>) dst(%dma_wait3A_2262 : memref<128x128xf32, #tpu.memory_space<hbm>>)
    %dma_start3A_2267 = arith.constant 62 : i32
    %dma_start3A_2268 = arith.constant 6 : i32
    %dma_start3A_2269 = arith.constant 0 : i32
    %dma_start3A_2270 = arith.constant 0 : i32
    %dma_start3A_2271 = tpu.memref_slice %arg8[%dma_start3A_2268, %dma_start3A_2269, %dma_start3A_2270] : memref<7x128x128xf32, #tpu.memory_space<vmem>> -> memref<1x128x128xf32, #tpu.memory_space<vmem>>
    %dma_start3A_2272 = tpu.memref_squeeze %dma_start3A_2271 : memref<1x128x128xf32, #tpu.memory_space<vmem>> -> memref<128x128xf32, #tpu.memory_space<vmem>>
    %dma_start3A_2273 = arith.constant 0 : i32
    %dma_start3A_2274 = tpu.memref_slice %arg7[%dma_start3A_2267, %dma_start3A_2273] : memref<64x128xi32, #tpu.memory_space<vmem>> -> memref<1x128xi32, #tpu.memory_space<vmem>>
    %dma_start3A_2275 = tpu.memref_squeeze %dma_start3A_2274 : memref<1x128xi32, #tpu.memory_space<vmem>> -> memref<128xi32, #tpu.memory_space<vmem>>
    %dma_start3A_2276 = arith.constant 0 : i32
    %dma_start3A_2277 = arith.constant 0 : i32
    %dma_start3A_2278 = tpu.memref_slice %arg4[%dma_start3A_2276, %dma_start3A_2277] : memref<32768x128xf32, #tpu.memory_space<hbm>> -> memref<32768x128xf32, #tpu.memory_space<hbm>>
    tpu.enqueue_indirect_dma source(%dma_start3A_2278 : memref<32768x128xf32, #tpu.memory_space<hbm>>) target(%dma_start3A_2272 : memref<128x128xf32, #tpu.memory_space<vmem>>) offsets(%dma_start3A_2275 : memref<128xi32, #tpu.memory_space<vmem>>) semaphore(%arg15 : memref<!tpu.dma_semaphore, #tpu.memory_space<semaphore_mem>>)
    %dma_wait3A_2279 = arith.constant 0 : i32
    %dma_wait3A_2280 = arith.constant 1 : i32
    %dma_wait3A_2281 = arith.constant 0 : i32
    %dma_wait3A_2282 = arith.constant 0 : i32
    %dma_wait3A_2283 = tpu.memref_slice %arg8[%dma_wait3A_2280, %dma_wait3A_2281, %dma_wait3A_2282] : memref<7x128x128xf32, #tpu.memory_space<vmem>> -> memref<1x128x128xf32, #tpu.memory_space<vmem>>
    %dma_wait3A_2284 = tpu.memref_squeeze %dma_wait3A_2283 : memref<1x128x128xf32, #tpu.memory_space<vmem>> -> memref<128x128xf32, #tpu.memory_space<vmem>>
    %dma_wait3A_2285 = arith.constant 0 : i32
    %dma_wait3A_2286 = tpu.memref_slice %arg7[%dma_wait3A_2279, %dma_wait3A_2285] : memref<64x128xi32, #tpu.memory_space<vmem>> -> memref<1x128xi32, #tpu.memory_space<vmem>>
    %dma_wait3A_2287 = tpu.memref_squeeze %dma_wait3A_2286 : memref<1x128xi32, #tpu.memory_space<vmem>> -> memref<128xi32, #tpu.memory_space<vmem>>
    %dma_wait3A_2288 = arith.constant 0 : i32
    %dma_wait3A_2289 = arith.constant 0 : i32
    %dma_wait3A_2290 = tpu.memref_slice %arg4[%dma_wait3A_2288, %dma_wait3A_2289] : memref<32768x128xf32, #tpu.memory_space<hbm>> -> memref<32768x128xf32, #tpu.memory_space<hbm>>
    tpu.wait_indirect_dma semaphore(%arg10 : memref<!tpu.dma_semaphore, #tpu.memory_space<semaphore_mem>>) src(%dma_wait3A_2290 : memref<32768x128xf32, #tpu.memory_space<hbm>>) dst(%dma_wait3A_2284 : memref<128x128xf32, #tpu.memory_space<vmem>>)
    %add3A_2291 = arith.constant 7296 : i32
    %add3A_2292 = arith.addi %mul3A_2, %add3A_2291 : i32
    %dma_start3A_2293 = arith.constant 1 : i32
    %dma_start3A_2294 = arith.constant 0 : i32
    %dma_start3A_2295 = arith.constant 0 : i32
    %dma_start3A_2296 = tpu.memref_slice %arg8[%dma_start3A_2293, %dma_start3A_2294, %dma_start3A_2295] : memref<7x128x128xf32, #tpu.memory_space<vmem>> -> memref<1x128x128xf32, #tpu.memory_space<vmem>>
    %dma_start3A_2297 = tpu.memref_squeeze %dma_start3A_2296 : memref<1x128x128xf32, #tpu.memory_space<vmem>> -> memref<128x128xf32, #tpu.memory_space<vmem>>
    %dma_start3A_2298 = arith.constant 0 : i32
    %dma_start3A_2299 = tpu.memref_slice %arg5[%add3A_2292, %dma_start3A_2298] : memref<262144x128xf32, #tpu.memory_space<hbm>> -> memref<128x128xf32, #tpu.memory_space<hbm>>
    %dma_start3A_2300 = arith.constant 0 : i32
    %dma_start3A_2301 = tpu.memref_slice %arg5[%add3A_2292, %dma_start3A_2300] : memref<262144x128xf32, #tpu.memory_space<hbm>> -> memref<128x128xf32, #tpu.memory_space<hbm>>
    %dma_start3A_2302 = arith.constant 0 : i32
    %dma_start3A_2303 = arith.constant 0 : i32
    %dma_start3A_2304 = tpu.memref_slice %arg8[%dma_start3A_2293, %dma_start3A_2302, %dma_start3A_2303] : memref<7x128x128xf32, #tpu.memory_space<vmem>> -> memref<1x128x128xf32, #tpu.memory_space<vmem>>
    %dma_start3A_2305 = tpu.memref_squeeze %dma_start3A_2304 : memref<1x128x128xf32, #tpu.memory_space<vmem>> -> memref<128x128xf32, #tpu.memory_space<vmem>>
    tpu.enqueue_dma source(%dma_start3A_2305 : memref<128x128xf32, #tpu.memory_space<vmem>>) target(%dma_start3A_2301 : memref<128x128xf32, #tpu.memory_space<hbm>>) target_semaphore(%arg17 : memref<!tpu.dma_semaphore, #tpu.memory_space<semaphore_mem>>)
    %add3A_2306 = arith.constant 8064 : i32
    %add3A_2307 = arith.addi %mul3A_2, %add3A_2306 : i32
    %jit3A_2308 = arith.constant 2048 : i32
    %div3A_2309 = arith.divsi %add3A_2307, %jit3A_2308 : i32
    %sign3A_2310 = arith.constant 0 : i32
    %sign3A_2311 = arith.cmpi sgt, %add3A_2307, %sign3A_2310 : i32
    %sign3A_2312 = arith.extui %sign3A_2311 : i1 to i32
    %sign3A_2313 = arith.constant 0 : i32
    %sign3A_2314 = arith.cmpi slt, %add3A_2307, %sign3A_2313 : i32
    %sign3A_2315 = arith.extui %sign3A_2314 : i1 to i32
    %sign3A_2316 = arith.subi %sign3A_2312, %sign3A_2315 : i32
    %sign3A_2317 = arith.constant 0 : i32
    %sign3A_2318 = arith.cmpi sgt, %jit3A_2308, %sign3A_2317 : i32
    %sign3A_2319 = arith.extui %sign3A_2318 : i1 to i32
    %sign3A_2320 = arith.constant 0 : i32
    %sign3A_2321 = arith.cmpi slt, %jit3A_2308, %sign3A_2320 : i32
    %sign3A_2322 = arith.extui %sign3A_2321 : i1 to i32
    %sign3A_2323 = arith.subi %sign3A_2319, %sign3A_2322 : i32
    %ne3A_2324 = arith.cmpi ne, %sign3A_2316, %sign3A_2323 : i32
    %rem3A_2325 = arith.remsi %add3A_2307, %jit3A_2308 : i32
    %ne3A_2326 = arith.constant 0 : i32
    %ne3A_2327 = arith.cmpi ne, %rem3A_2325, %ne3A_2326 : i32
    %and3A_2328 = arith.andi %ne3A_2324, %ne3A_2327 : i1
    %sub3A_2329 = arith.constant 1 : i32
    %sub3A_2330 = arith.subi %div3A_2309, %sub3A_2329 : i32
    %select_n3A_2331 = arith.select %and3A_2328, %sub3A_2330, %div3A_2309 : i32
    %rem3A_2332 = arith.constant 8 : i32
    %rem3A_2333 = arith.remsi %select_n3A_2331, %rem3A_2332 : i32
    %mul3A_2334 = arith.constant 16 : i32
    %mul3A_2335 = arith.muli %rem3A_2333, %mul3A_2334 : i32
    %get3A_2336 = arith.index_cast %mul3A_2335 : i32 to index
    %get3A_2337 = tpu.vector_load %arg6[%get3A_2336] {strides = array<i32>} : memref<128xi32, #tpu.memory_space<vmem>>, vector<16xi32>,
    %get3A_2338 = vector.shape_cast %get3A_2337 : vector<16xi32> to vector<16xi32>
    %get3A_2339 = arith.constant 63 : i32
    %get3A_2340 = arith.index_cast %get3A_2339 : i32 to index
    %get3A_2341 = arith.constant 0 : index
    %get3A_2342 = tpu.vector_load %arg7[%get3A_2340, %get3A_2341] {strides = array<i32>} : memref<64x128xi32, #tpu.memory_space<vmem>>, vector<1x16xi32>,
    %get3A_2343 = vector.shape_cast %get3A_2342 : vector<1x16xi32> to vector<16xi32>
    %add3A_2344 = arith.addi %get3A_2343, %get3A_2338 : vector<16xi32>
    %swap3A_2345 = arith.constant 63 : i32
    %swap3A_2346 = arith.index_cast %swap3A_2345 : i32 to index
    %swap3A_2347 = arith.constant 0 : index
    %swap3A_2348 = tpu.vector_load %arg7[%swap3A_2346, %swap3A_2347] {strides = array<i32>} : memref<64x128xi32, #tpu.memory_space<vmem>>, vector<1x16xi32>,
    %swap3A_2349 = vector.shape_cast %swap3A_2348 : vector<1x16xi32> to vector<16xi32>
    %swap3A_2350 = vector.shape_cast %add3A_2344 : vector<16xi32> to vector<1x16xi32>
    tpu.vector_store %arg7[%swap3A_2346, %swap3A_2347], %swap3A_2350 {strides = array<i32>} : memref<64x128xi32, #tpu.memory_space<vmem>>, vector<1x16xi32>,
    %get3A_2351 = arith.constant 63 : i32
    %get3A_2352 = arith.index_cast %get3A_2351 : i32 to index
    %get3A_2353 = arith.constant 16 : index
    %get3A_2354 = tpu.vector_load %arg7[%get3A_2352, %get3A_2353] {strides = array<i32>} : memref<64x128xi32, #tpu.memory_space<vmem>>, vector<1x16xi32>,
    %get3A_2355 = vector.shape_cast %get3A_2354 : vector<1x16xi32> to vector<16xi32>
    %add3A_2356 = arith.addi %get3A_2355, %get3A_2338 : vector<16xi32>
    %swap3A_2357 = arith.constant 63 : i32
    %swap3A_2358 = arith.index_cast %swap3A_2357 : i32 to index
    %swap3A_2359 = arith.constant 16 : index
    %swap3A_2360 = tpu.vector_load %arg7[%swap3A_2358, %swap3A_2359] {strides = array<i32>} : memref<64x128xi32, #tpu.memory_space<vmem>>, vector<1x16xi32>,
    %swap3A_2361 = vector.shape_cast %swap3A_2360 : vector<1x16xi32> to vector<16xi32>
    %swap3A_2362 = vector.shape_cast %add3A_2356 : vector<16xi32> to vector<1x16xi32>
    tpu.vector_store %arg7[%swap3A_2358, %swap3A_2359], %swap3A_2362 {strides = array<i32>} : memref<64x128xi32, #tpu.memory_space<vmem>>, vector<1x16xi32>,
    %get3A_2363 = arith.constant 63 : i32
    %get3A_2364 = arith.index_cast %get3A_2363 : i32 to index
    %get3A_2365 = arith.constant 32 : index
    %get3A_2366 = tpu.vector_load %arg7[%get3A_2364, %get3A_2365] {strides = array<i32>} : memref<64x128xi32, #tpu.memory_space<vmem>>, vector<1x16xi32>,
    %get3A_2367 = vector.shape_cast %get3A_2366 : vector<1x16xi32> to vector<16xi32>
    %add3A_2368 = arith.addi %get3A_2367, %get3A_2338 : vector<16xi32>
    %swap3A_2369 = arith.constant 63 : i32
    %swap3A_2370 = arith.index_cast %swap3A_2369 : i32 to index
    %swap3A_2371 = arith.constant 32 : index
    %swap3A_2372 = tpu.vector_load %arg7[%swap3A_2370, %swap3A_2371] {strides = array<i32>} : memref<64x128xi32, #tpu.memory_space<vmem>>, vector<1x16xi32>,
    %swap3A_2373 = vector.shape_cast %swap3A_2372 : vector<1x16xi32> to vector<16xi32>
    %swap3A_2374 = vector.shape_cast %add3A_2368 : vector<16xi32> to vector<1x16xi32>
    tpu.vector_store %arg7[%swap3A_2370, %swap3A_2371], %swap3A_2374 {strides = array<i32>} : memref<64x128xi32, #tpu.memory_space<vmem>>, vector<1x16xi32>,
    %get3A_2375 = arith.constant 63 : i32
    %get3A_2376 = arith.index_cast %get3A_2375 : i32 to index
    %get3A_2377 = arith.constant 48 : index
    %get3A_2378 = tpu.vector_load %arg7[%get3A_2376, %get3A_2377] {strides = array<i32>} : memref<64x128xi32, #tpu.memory_space<vmem>>, vector<1x16xi32>,
    %get3A_2379 = vector.shape_cast %get3A_2378 : vector<1x16xi32> to vector<16xi32>
    %add3A_2380 = arith.addi %get3A_2379, %get3A_2338 : vector<16xi32>
    %swap3A_2381 = arith.constant 63 : i32
    %swap3A_2382 = arith.index_cast %swap3A_2381 : i32 to index
    %swap3A_2383 = arith.constant 48 : index
    %swap3A_2384 = tpu.vector_load %arg7[%swap3A_2382, %swap3A_2383] {strides = array<i32>} : memref<64x128xi32, #tpu.memory_space<vmem>>, vector<1x16xi32>,
    %swap3A_2385 = vector.shape_cast %swap3A_2384 : vector<1x16xi32> to vector<16xi32>
    %swap3A_2386 = vector.shape_cast %add3A_2380 : vector<16xi32> to vector<1x16xi32>
    tpu.vector_store %arg7[%swap3A_2382, %swap3A_2383], %swap3A_2386 {strides = array<i32>} : memref<64x128xi32, #tpu.memory_space<vmem>>, vector<1x16xi32>,
    %get3A_2387 = arith.constant 63 : i32
    %get3A_2388 = arith.index_cast %get3A_2387 : i32 to index
    %get3A_2389 = arith.constant 64 : index
    %get3A_2390 = tpu.vector_load %arg7[%get3A_2388, %get3A_2389] {strides = array<i32>} : memref<64x128xi32, #tpu.memory_space<vmem>>, vector<1x16xi32>,
    %get3A_2391 = vector.shape_cast %get3A_2390 : vector<1x16xi32> to vector<16xi32>
    %add3A_2392 = arith.addi %get3A_2391, %get3A_2338 : vector<16xi32>
    %swap3A_2393 = arith.constant 63 : i32
    %swap3A_2394 = arith.index_cast %swap3A_2393 : i32 to index
    %swap3A_2395 = arith.constant 64 : index
    %swap3A_2396 = tpu.vector_load %arg7[%swap3A_2394, %swap3A_2395] {strides = array<i32>} : memref<64x128xi32, #tpu.memory_space<vmem>>, vector<1x16xi32>,
    %swap3A_2397 = vector.shape_cast %swap3A_2396 : vector<1x16xi32> to vector<16xi32>
    %swap3A_2398 = vector.shape_cast %add3A_2392 : vector<16xi32> to vector<1x16xi32>
    tpu.vector_store %arg7[%swap3A_2394, %swap3A_2395], %swap3A_2398 {strides = array<i32>} : memref<64x128xi32, #tpu.memory_space<vmem>>, vector<1x16xi32>,
    %get3A_2399 = arith.constant 63 : i32
    %get3A_2400 = arith.index_cast %get3A_2399 : i32 to index
    %get3A_2401 = arith.constant 80 : index
    %get3A_2402 = tpu.vector_load %arg7[%get3A_2400, %get3A_2401] {strides = array<i32>} : memref<64x128xi32, #tpu.memory_space<vmem>>, vector<1x16xi32>,
    %get3A_2403 = vector.shape_cast %get3A_2402 : vector<1x16xi32> to vector<16xi32>
    %add3A_2404 = arith.addi %get3A_2403, %get3A_2338 : vector<16xi32>
    %swap3A_2405 = arith.constant 63 : i32
    %swap3A_2406 = arith.index_cast %swap3A_2405 : i32 to index
    %swap3A_2407 = arith.constant 80 : index
    %swap3A_2408 = tpu.vector_load %arg7[%swap3A_2406, %swap3A_2407] {strides = array<i32>} : memref<64x128xi32, #tpu.memory_space<vmem>>, vector<1x16xi32>,
    %swap3A_2409 = vector.shape_cast %swap3A_2408 : vector<1x16xi32> to vector<16xi32>
    %swap3A_2410 = vector.shape_cast %add3A_2404 : vector<16xi32> to vector<1x16xi32>
    tpu.vector_store %arg7[%swap3A_2406, %swap3A_2407], %swap3A_2410 {strides = array<i32>} : memref<64x128xi32, #tpu.memory_space<vmem>>, vector<1x16xi32>,
    %get3A_2411 = arith.constant 63 : i32
    %get3A_2412 = arith.index_cast %get3A_2411 : i32 to index
    %get3A_2413 = arith.constant 96 : index
    %get3A_2414 = tpu.vector_load %arg7[%get3A_2412, %get3A_2413] {strides = array<i32>} : memref<64x128xi32, #tpu.memory_space<vmem>>, vector<1x16xi32>,
    %get3A_2415 = vector.shape_cast %get3A_2414 : vector<1x16xi32> to vector<16xi32>
    %add3A_2416 = arith.addi %get3A_2415, %get3A_2338 : vector<16xi32>
    %swap3A_2417 = arith.constant 63 : i32
    %swap3A_2418 = arith.index_cast %swap3A_2417 : i32 to index
    %swap3A_2419 = arith.constant 96 : index
    %swap3A_2420 = tpu.vector_load %arg7[%swap3A_2418, %swap3A_2419] {strides = array<i32>} : memref<64x128xi32, #tpu.memory_space<vmem>>, vector<1x16xi32>,
    %swap3A_2421 = vector.shape_cast %swap3A_2420 : vector<1x16xi32> to vector<16xi32>
    %swap3A_2422 = vector.shape_cast %add3A_2416 : vector<16xi32> to vector<1x16xi32>
    tpu.vector_store %arg7[%swap3A_2418, %swap3A_2419], %swap3A_2422 {strides = array<i32>} : memref<64x128xi32, #tpu.memory_space<vmem>>, vector<1x16xi32>,
    %get3A_2423 = arith.constant 63 : i32
    %get3A_2424 = arith.index_cast %get3A_2423 : i32 to index
    %get3A_2425 = arith.constant 112 : index
    %get3A_2426 = tpu.vector_load %arg7[%get3A_2424, %get3A_2425] {strides = array<i32>} : memref<64x128xi32, #tpu.memory_space<vmem>>, vector<1x16xi32>,
    %get3A_2427 = vector.shape_cast %get3A_2426 : vector<1x16xi32> to vector<16xi32>
    %add3A_2428 = arith.addi %get3A_2427, %get3A_2338 : vector<16xi32>
    %swap3A_2429 = arith.constant 63 : i32
    %swap3A_2430 = arith.index_cast %swap3A_2429 : i32 to index
    %swap3A_2431 = arith.constant 112 : index
    %swap3A_2432 = tpu.vector_load %arg7[%swap3A_2430, %swap3A_2431] {strides = array<i32>} : memref<64x128xi32, #tpu.memory_space<vmem>>, vector<1x16xi32>,
    %swap3A_2433 = vector.shape_cast %swap3A_2432 : vector<1x16xi32> to vector<16xi32>
    %swap3A_2434 = vector.shape_cast %add3A_2428 : vector<16xi32> to vector<1x16xi32>
    tpu.vector_store %arg7[%swap3A_2430, %swap3A_2431], %swap3A_2434 {strides = array<i32>} : memref<64x128xi32, #tpu.memory_space<vmem>>, vector<1x16xi32>,
    %dma_wait3A_2435 = arith.constant 0 : i32
    %dma_wait3A_2436 = arith.constant 0 : i32
    %dma_wait3A_2437 = arith.constant 0 : i32
    %dma_wait3A_2438 = tpu.memref_slice %arg8[%dma_wait3A_2435, %dma_wait3A_2436, %dma_wait3A_2437] : memref<7x128x128xf32, #tpu.memory_space<vmem>> -> memref<1x128x128xf32, #tpu.memory_space<vmem>>
    %dma_wait3A_2439 = tpu.memref_squeeze %dma_wait3A_2438 : memref<1x128x128xf32, #tpu.memory_space<vmem>> -> memref<128x128xf32, #tpu.memory_space<vmem>>
    %dma_wait3A_2440 = arith.constant 0 : i32
    %dma_wait3A_2441 = tpu.memref_slice %arg5[%mul3A_2, %dma_wait3A_2440] : memref<262144x128xf32, #tpu.memory_space<hbm>> -> memref<128x128xf32, #tpu.memory_space<hbm>>
    %dma_wait3A_2442 = arith.constant 0 : i32
    %dma_wait3A_2443 = tpu.memref_slice %arg5[%mul3A_2, %dma_wait3A_2442] : memref<262144x128xf32, #tpu.memory_space<hbm>> -> memref<128x128xf32, #tpu.memory_space<hbm>>
    %dma_wait3A_2444 = arith.constant 0 : i32
    %dma_wait3A_2445 = arith.constant 0 : i32
    %dma_wait3A_2446 = tpu.memref_slice %arg8[%dma_wait3A_2435, %dma_wait3A_2444, %dma_wait3A_2445] : memref<7x128x128xf32, #tpu.memory_space<vmem>> -> memref<1x128x128xf32, #tpu.memory_space<vmem>>
    %dma_wait3A_2447 = tpu.memref_squeeze %dma_wait3A_2446 : memref<1x128x128xf32, #tpu.memory_space<vmem>> -> memref<128x128xf32, #tpu.memory_space<vmem>>
    tpu.wait_dma2 semaphore(%arg16 : memref<!tpu.dma_semaphore, #tpu.memory_space<semaphore_mem>>) src(%dma_wait3A_2447 : memref<128x128xf32, #tpu.memory_space<vmem>>) dst(%dma_wait3A_2443 : memref<128x128xf32, #tpu.memory_space<hbm>>)
    %dma_start3A_2448 = arith.constant 63 : i32
    %dma_start3A_2449 = arith.constant 0 : i32
    %dma_start3A_2450 = arith.constant 0 : i32
    %dma_start3A_2451 = arith.constant 0 : i32
    %dma_start3A_2452 = tpu.memref_slice %arg8[%dma_start3A_2449, %dma_start3A_2450, %dma_start3A_2451] : memref<7x128x128xf32, #tpu.memory_space<vmem>> -> memref<1x128x128xf32, #tpu.memory_space<vmem>>
    %dma_start3A_2453 = tpu.memref_squeeze %dma_start3A_2452 : memref<1x128x128xf32, #tpu.memory_space<vmem>> -> memref<128x128xf32, #tpu.memory_space<vmem>>
    %dma_start3A_2454 = arith.constant 0 : i32
    %dma_start3A_2455 = tpu.memref_slice %arg7[%dma_start3A_2448, %dma_start3A_2454] : memref<64x128xi32, #tpu.memory_space<vmem>> -> memref<1x128xi32, #tpu.memory_space<vmem>>
    %dma_start3A_2456 = tpu.memref_squeeze %dma_start3A_2455 : memref<1x128xi32, #tpu.memory_space<vmem>> -> memref<128xi32, #tpu.memory_space<vmem>>
    %dma_start3A_2457 = arith.constant 0 : i32
    %dma_start3A_2458 = arith.constant 0 : i32
    %dma_start3A_2459 = tpu.memref_slice %arg4[%dma_start3A_2457, %dma_start3A_2458] : memref<32768x128xf32, #tpu.memory_space<hbm>> -> memref<32768x128xf32, #tpu.memory_space<hbm>>
    tpu.enqueue_indirect_dma source(%dma_start3A_2459 : memref<32768x128xf32, #tpu.memory_space<hbm>>) target(%dma_start3A_2453 : memref<128x128xf32, #tpu.memory_space<vmem>>) offsets(%dma_start3A_2456 : memref<128xi32, #tpu.memory_space<vmem>>) semaphore(%arg9 : memref<!tpu.dma_semaphore, #tpu.memory_space<semaphore_mem>>)
    %dma_wait3A_2460 = arith.constant 0 : i32
    %dma_wait3A_2461 = arith.constant 2 : i32
    %dma_wait3A_2462 = arith.constant 0 : i32
    %dma_wait3A_2463 = arith.constant 0 : i32
    %dma_wait3A_2464 = tpu.memref_slice %arg8[%dma_wait3A_2461, %dma_wait3A_2462, %dma_wait3A_2463] : memref<7x128x128xf32, #tpu.memory_space<vmem>> -> memref<1x128x128xf32, #tpu.memory_space<vmem>>
    %dma_wait3A_2465 = tpu.memref_squeeze %dma_wait3A_2464 : memref<1x128x128xf32, #tpu.memory_space<vmem>> -> memref<128x128xf32, #tpu.memory_space<vmem>>
    %dma_wait3A_2466 = arith.constant 0 : i32
    %dma_wait3A_2467 = tpu.memref_slice %arg7[%dma_wait3A_2460, %dma_wait3A_2466] : memref<64x128xi32, #tpu.memory_space<vmem>> -> memref<1x128xi32, #tpu.memory_space<vmem>>
    %dma_wait3A_2468 = tpu.memref_squeeze %dma_wait3A_2467 : memref<1x128xi32, #tpu.memory_space<vmem>> -> memref<128xi32, #tpu.memory_space<vmem>>
    %dma_wait3A_2469 = arith.constant 0 : i32
    %dma_wait3A_2470 = arith.constant 0 : i32
    %dma_wait3A_2471 = tpu.memref_slice %arg4[%dma_wait3A_2469, %dma_wait3A_2470] : memref<32768x128xf32, #tpu.memory_space<hbm>> -> memref<32768x128xf32, #tpu.memory_space<hbm>>
    tpu.wait_indirect_dma semaphore(%arg11 : memref<!tpu.dma_semaphore, #tpu.memory_space<semaphore_mem>>) src(%dma_wait3A_2471 : memref<32768x128xf32, #tpu.memory_space<hbm>>) dst(%dma_wait3A_2465 : memref<128x128xf32, #tpu.memory_space<vmem>>)
    %add3A_2472 = arith.constant 7424 : i32
    %add3A_2473 = arith.addi %mul3A_2, %add3A_2472 : i32
    %dma_start3A_2474 = arith.constant 2 : i32
    %dma_start3A_2475 = arith.constant 0 : i32
    %dma_start3A_2476 = arith.constant 0 : i32
    %dma_start3A_2477 = tpu.memref_slice %arg8[%dma_start3A_2474, %dma_start3A_2475, %dma_start3A_2476] : memref<7x128x128xf32, #tpu.memory_space<vmem>> -> memref<1x128x128xf32, #tpu.memory_space<vmem>>
    %dma_start3A_2478 = tpu.memref_squeeze %dma_start3A_2477 : memref<1x128x128xf32, #tpu.memory_space<vmem>> -> memref<128x128xf32, #tpu.memory_space<vmem>>
    %dma_start3A_2479 = arith.constant 0 : i32
    %dma_start3A_2480 = tpu.memref_slice %arg5[%add3A_2473, %dma_start3A_2479] : memref<262144x128xf32, #tpu.memory_space<hbm>> -> memref<128x128xf32, #tpu.memory_space<hbm>>
    %dma_start3A_2481 = arith.constant 0 : i32
    %dma_start3A_2482 = tpu.memref_slice %arg5[%add3A_2473, %dma_start3A_2481] : memref<262144x128xf32, #tpu.memory_space<hbm>> -> memref<128x128xf32, #tpu.memory_space<hbm>>
    %dma_start3A_2483 = arith.constant 0 : i32
    %dma_start3A_2484 = arith.constant 0 : i32
    %dma_start3A_2485 = tpu.memref_slice %arg8[%dma_start3A_2474, %dma_start3A_2483, %dma_start3A_2484] : memref<7x128x128xf32, #tpu.memory_space<vmem>> -> memref<1x128x128xf32, #tpu.memory_space<vmem>>
    %dma_start3A_2486 = tpu.memref_squeeze %dma_start3A_2485 : memref<1x128x128xf32, #tpu.memory_space<vmem>> -> memref<128x128xf32, #tpu.memory_space<vmem>>
    tpu.enqueue_dma source(%dma_start3A_2486 : memref<128x128xf32, #tpu.memory_space<vmem>>) target(%dma_start3A_2482 : memref<128x128xf32, #tpu.memory_space<hbm>>) target_semaphore(%arg18 : memref<!tpu.dma_semaphore, #tpu.memory_space<semaphore_mem>>)
    %dma_wait3A_2487 = arith.constant 0 : i32
    %dma_wait3A_2488 = arith.constant 3 : i32
    %dma_wait3A_2489 = arith.constant 0 : i32
    %dma_wait3A_2490 = arith.constant 0 : i32
    %dma_wait3A_2491 = tpu.memref_slice %arg8[%dma_wait3A_2488, %dma_wait3A_2489, %dma_wait3A_2490] : memref<7x128x128xf32, #tpu.memory_space<vmem>> -> memref<1x128x128xf32, #tpu.memory_space<vmem>>
    %dma_wait3A_2492 = tpu.memref_squeeze %dma_wait3A_2491 : memref<1x128x128xf32, #tpu.memory_space<vmem>> -> memref<128x128xf32, #tpu.memory_space<vmem>>
    %dma_wait3A_2493 = arith.constant 0 : i32
    %dma_wait3A_2494 = tpu.memref_slice %arg7[%dma_wait3A_2487, %dma_wait3A_2493] : memref<64x128xi32, #tpu.memory_space<vmem>> -> memref<1x128xi32, #tpu.memory_space<vmem>>
    %dma_wait3A_2495 = tpu.memref_squeeze %dma_wait3A_2494 : memref<1x128xi32, #tpu.memory_space<vmem>> -> memref<128xi32, #tpu.memory_space<vmem>>
    %dma_wait3A_2496 = arith.constant 0 : i32
    %dma_wait3A_2497 = arith.constant 0 : i32
    %dma_wait3A_2498 = tpu.memref_slice %arg4[%dma_wait3A_2496, %dma_wait3A_2497] : memref<32768x128xf32, #tpu.memory_space<hbm>> -> memref<32768x128xf32, #tpu.memory_space<hbm>>
    tpu.wait_indirect_dma semaphore(%arg12 : memref<!tpu.dma_semaphore, #tpu.memory_space<semaphore_mem>>) src(%dma_wait3A_2498 : memref<32768x128xf32, #tpu.memory_space<hbm>>) dst(%dma_wait3A_2492 : memref<128x128xf32, #tpu.memory_space<vmem>>)
    %add3A_2499 = arith.constant 7552 : i32
    %add3A_2500 = arith.addi %mul3A_2, %add3A_2499 : i32
    %dma_start3A_2501 = arith.constant 3 : i32
    %dma_start3A_2502 = arith.constant 0 : i32
    %dma_start3A_2503 = arith.constant 0 : i32
    %dma_start3A_2504 = tpu.memref_slice %arg8[%dma_start3A_2501, %dma_start3A_2502, %dma_start3A_2503] : memref<7x128x128xf32, #tpu.memory_space<vmem>> -> memref<1x128x128xf32, #tpu.memory_space<vmem>>
    %dma_start3A_2505 = tpu.memref_squeeze %dma_start3A_2504 : memref<1x128x128xf32, #tpu.memory_space<vmem>> -> memref<128x128xf32, #tpu.memory_space<vmem>>
    %dma_start3A_2506 = arith.constant 0 : i32
    %dma_start3A_2507 = tpu.memref_slice %arg5[%add3A_2500, %dma_start3A_2506] : memref<262144x128xf32, #tpu.memory_space<hbm>> -> memref<128x128xf32, #tpu.memory_space<hbm>>
    %dma_start3A_2508 = arith.constant 0 : i32
    %dma_start3A_2509 = tpu.memref_slice %arg5[%add3A_2500, %dma_start3A_2508] : memref<262144x128xf32, #tpu.memory_space<hbm>> -> memref<128x128xf32, #tpu.memory_space<hbm>>
    %dma_start3A_2510 = arith.constant 0 : i32
    %dma_start3A_2511 = arith.constant 0 : i32
    %dma_start3A_2512 = tpu.memref_slice %arg8[%dma_start3A_2501, %dma_start3A_2510, %dma_start3A_2511] : memref<7x128x128xf32, #tpu.memory_space<vmem>> -> memref<1x128x128xf32, #tpu.memory_space<vmem>>
    %dma_start3A_2513 = tpu.memref_squeeze %dma_start3A_2512 : memref<1x128x128xf32, #tpu.memory_space<vmem>> -> memref<128x128xf32, #tpu.memory_space<vmem>>
    tpu.enqueue_dma source(%dma_start3A_2513 : memref<128x128xf32, #tpu.memory_space<vmem>>) target(%dma_start3A_2509 : memref<128x128xf32, #tpu.memory_space<hbm>>) target_semaphore(%arg19 : memref<!tpu.dma_semaphore, #tpu.memory_space<semaphore_mem>>)
    %dma_wait3A_2514 = arith.constant 0 : i32
    %dma_wait3A_2515 = arith.constant 4 : i32
    %dma_wait3A_2516 = arith.constant 0 : i32
    %dma_wait3A_2517 = arith.constant 0 : i32
    %dma_wait3A_2518 = tpu.memref_slice %arg8[%dma_wait3A_2515, %dma_wait3A_2516, %dma_wait3A_2517] : memref<7x128x128xf32, #tpu.memory_space<vmem>> -> memref<1x128x128xf32, #tpu.memory_space<vmem>>
    %dma_wait3A_2519 = tpu.memref_squeeze %dma_wait3A_2518 : memref<1x128x128xf32, #tpu.memory_space<vmem>> -> memref<128x128xf32, #tpu.memory_space<vmem>>
    %dma_wait3A_2520 = arith.constant 0 : i32
    %dma_wait3A_2521 = tpu.memref_slice %arg7[%dma_wait3A_2514, %dma_wait3A_2520] : memref<64x128xi32, #tpu.memory_space<vmem>> -> memref<1x128xi32, #tpu.memory_space<vmem>>
    %dma_wait3A_2522 = tpu.memref_squeeze %dma_wait3A_2521 : memref<1x128xi32, #tpu.memory_space<vmem>> -> memref<128xi32, #tpu.memory_space<vmem>>
    %dma_wait3A_2523 = arith.constant 0 : i32
    %dma_wait3A_2524 = arith.constant 0 : i32
    %dma_wait3A_2525 = tpu.memref_slice %arg4[%dma_wait3A_2523, %dma_wait3A_2524] : memref<32768x128xf32, #tpu.memory_space<hbm>> -> memref<32768x128xf32, #tpu.memory_space<hbm>>
    tpu.wait_indirect_dma semaphore(%arg13 : memref<!tpu.dma_semaphore, #tpu.memory_space<semaphore_mem>>) src(%dma_wait3A_2525 : memref<32768x128xf32, #tpu.memory_space<hbm>>) dst(%dma_wait3A_2519 : memref<128x128xf32, #tpu.memory_space<vmem>>)
    %add3A_2526 = arith.constant 7680 : i32
    %add3A_2527 = arith.addi %mul3A_2, %add3A_2526 : i32
    %dma_start3A_2528 = arith.constant 4 : i32
    %dma_start3A_2529 = arith.constant 0 : i32
    %dma_start3A_2530 = arith.constant 0 : i32
    %dma_start3A_2531 = tpu.memref_slice %arg8[%dma_start3A_2528, %dma_start3A_2529, %dma_start3A_2530] : memref<7x128x128xf32, #tpu.memory_space<vmem>> -> memref<1x128x128xf32, #tpu.memory_space<vmem>>
    %dma_start3A_2532 = tpu.memref_squeeze %dma_start3A_2531 : memref<1x128x128xf32, #tpu.memory_space<vmem>> -> memref<128x128xf32, #tpu.memory_space<vmem>>
    %dma_start3A_2533 = arith.constant 0 : i32
    %dma_start3A_2534 = tpu.memref_slice %arg5[%add3A_2527, %dma_start3A_2533] : memref<262144x128xf32, #tpu.memory_space<hbm>> -> memref<128x128xf32, #tpu.memory_space<hbm>>
    %dma_start3A_2535 = arith.constant 0 : i32
    %dma_start3A_2536 = tpu.memref_slice %arg5[%add3A_2527, %dma_start3A_2535] : memref<262144x128xf32, #tpu.memory_space<hbm>> -> memref<128x128xf32, #tpu.memory_space<hbm>>
    %dma_start3A_2537 = arith.constant 0 : i32
    %dma_start3A_2538 = arith.constant 0 : i32
    %dma_start3A_2539 = tpu.memref_slice %arg8[%dma_start3A_2528, %dma_start3A_2537, %dma_start3A_2538] : memref<7x128x128xf32, #tpu.memory_space<vmem>> -> memref<1x128x128xf32, #tpu.memory_space<vmem>>
    %dma_start3A_2540 = tpu.memref_squeeze %dma_start3A_2539 : memref<1x128x128xf32, #tpu.memory_space<vmem>> -> memref<128x128xf32, #tpu.memory_space<vmem>>
    tpu.enqueue_dma source(%dma_start3A_2540 : memref<128x128xf32, #tpu.memory_space<vmem>>) target(%dma_start3A_2536 : memref<128x128xf32, #tpu.memory_space<hbm>>) target_semaphore(%arg20 : memref<!tpu.dma_semaphore, #tpu.memory_space<semaphore_mem>>)
    %dma_wait3A_2541 = arith.constant 0 : i32
    %dma_wait3A_2542 = arith.constant 5 : i32
    %dma_wait3A_2543 = arith.constant 0 : i32
    %dma_wait3A_2544 = arith.constant 0 : i32
    %dma_wait3A_2545 = tpu.memref_slice %arg8[%dma_wait3A_2542, %dma_wait3A_2543, %dma_wait3A_2544] : memref<7x128x128xf32, #tpu.memory_space<vmem>> -> memref<1x128x128xf32, #tpu.memory_space<vmem>>
    %dma_wait3A_2546 = tpu.memref_squeeze %dma_wait3A_2545 : memref<1x128x128xf32, #tpu.memory_space<vmem>> -> memref<128x128xf32, #tpu.memory_space<vmem>>
    %dma_wait3A_2547 = arith.constant 0 : i32
    %dma_wait3A_2548 = tpu.memref_slice %arg7[%dma_wait3A_2541, %dma_wait3A_2547] : memref<64x128xi32, #tpu.memory_space<vmem>> -> memref<1x128xi32, #tpu.memory_space<vmem>>
    %dma_wait3A_2549 = tpu.memref_squeeze %dma_wait3A_2548 : memref<1x128xi32, #tpu.memory_space<vmem>> -> memref<128xi32, #tpu.memory_space<vmem>>
    %dma_wait3A_2550 = arith.constant 0 : i32
    %dma_wait3A_2551 = arith.constant 0 : i32
    %dma_wait3A_2552 = tpu.memref_slice %arg4[%dma_wait3A_2550, %dma_wait3A_2551] : memref<32768x128xf32, #tpu.memory_space<hbm>> -> memref<32768x128xf32, #tpu.memory_space<hbm>>
    tpu.wait_indirect_dma semaphore(%arg14 : memref<!tpu.dma_semaphore, #tpu.memory_space<semaphore_mem>>) src(%dma_wait3A_2552 : memref<32768x128xf32, #tpu.memory_space<hbm>>) dst(%dma_wait3A_2546 : memref<128x128xf32, #tpu.memory_space<vmem>>)
    %add3A_2553 = arith.constant 7808 : i32
    %add3A_2554 = arith.addi %mul3A_2, %add3A_2553 : i32
    %dma_start3A_2555 = arith.constant 5 : i32
    %dma_start3A_2556 = arith.constant 0 : i32
    %dma_start3A_2557 = arith.constant 0 : i32
    %dma_start3A_2558 = tpu.memref_slice %arg8[%dma_start3A_2555, %dma_start3A_2556, %dma_start3A_2557] : memref<7x128x128xf32, #tpu.memory_space<vmem>> -> memref<1x128x128xf32, #tpu.memory_space<vmem>>
    %dma_start3A_2559 = tpu.memref_squeeze %dma_start3A_2558 : memref<1x128x128xf32, #tpu.memory_space<vmem>> -> memref<128x128xf32, #tpu.memory_space<vmem>>
    %dma_start3A_2560 = arith.constant 0 : i32
    %dma_start3A_2561 = tpu.memref_slice %arg5[%add3A_2554, %dma_start3A_2560] : memref<262144x128xf32, #tpu.memory_space<hbm>> -> memref<128x128xf32, #tpu.memory_space<hbm>>
    %dma_start3A_2562 = arith.constant 0 : i32
    %dma_start3A_2563 = tpu.memref_slice %arg5[%add3A_2554, %dma_start3A_2562] : memref<262144x128xf32, #tpu.memory_space<hbm>> -> memref<128x128xf32, #tpu.memory_space<hbm>>
    %dma_start3A_2564 = arith.constant 0 : i32
    %dma_start3A_2565 = arith.constant 0 : i32
    %dma_start3A_2566 = tpu.memref_slice %arg8[%dma_start3A_2555, %dma_start3A_2564, %dma_start3A_2565] : memref<7x128x128xf32, #tpu.memory_space<vmem>> -> memref<1x128x128xf32, #tpu.memory_space<vmem>>
    %dma_start3A_2567 = tpu.memref_squeeze %dma_start3A_2566 : memref<1x128x128xf32, #tpu.memory_space<vmem>> -> memref<128x128xf32, #tpu.memory_space<vmem>>
    tpu.enqueue_dma source(%dma_start3A_2567 : memref<128x128xf32, #tpu.memory_space<vmem>>) target(%dma_start3A_2563 : memref<128x128xf32, #tpu.memory_space<hbm>>) target_semaphore(%arg21 : memref<!tpu.dma_semaphore, #tpu.memory_space<semaphore_mem>>)
    %dma_wait3A_2568 = arith.constant 0 : i32
    %dma_wait3A_2569 = arith.constant 6 : i32
    %dma_wait3A_2570 = arith.constant 0 : i32
    %dma_wait3A_2571 = arith.constant 0 : i32
    %dma_wait3A_2572 = tpu.memref_slice %arg8[%dma_wait3A_2569, %dma_wait3A_2570, %dma_wait3A_2571] : memref<7x128x128xf32, #tpu.memory_space<vmem>> -> memref<1x128x128xf32, #tpu.memory_space<vmem>>
    %dma_wait3A_2573 = tpu.memref_squeeze %dma_wait3A_2572 : memref<1x128x128xf32, #tpu.memory_space<vmem>> -> memref<128x128xf32, #tpu.memory_space<vmem>>
    %dma_wait3A_2574 = arith.constant 0 : i32
    %dma_wait3A_2575 = tpu.memref_slice %arg7[%dma_wait3A_2568, %dma_wait3A_2574] : memref<64x128xi32, #tpu.memory_space<vmem>> -> memref<1x128xi32, #tpu.memory_space<vmem>>
    %dma_wait3A_2576 = tpu.memref_squeeze %dma_wait3A_2575 : memref<1x128xi32, #tpu.memory_space<vmem>> -> memref<128xi32, #tpu.memory_space<vmem>>
    %dma_wait3A_2577 = arith.constant 0 : i32
    %dma_wait3A_2578 = arith.constant 0 : i32
    %dma_wait3A_2579 = tpu.memref_slice %arg4[%dma_wait3A_2577, %dma_wait3A_2578] : memref<32768x128xf32, #tpu.memory_space<hbm>> -> memref<32768x128xf32, #tpu.memory_space<hbm>>
    tpu.wait_indirect_dma semaphore(%arg15 : memref<!tpu.dma_semaphore, #tpu.memory_space<semaphore_mem>>) src(%dma_wait3A_2579 : memref<32768x128xf32, #tpu.memory_space<hbm>>) dst(%dma_wait3A_2573 : memref<128x128xf32, #tpu.memory_space<vmem>>)
    %add3A_2580 = arith.constant 7936 : i32
    %add3A_2581 = arith.addi %mul3A_2, %add3A_2580 : i32
    %dma_start3A_2582 = arith.constant 6 : i32
    %dma_start3A_2583 = arith.constant 0 : i32
    %dma_start3A_2584 = arith.constant 0 : i32
    %dma_start3A_2585 = tpu.memref_slice %arg8[%dma_start3A_2582, %dma_start3A_2583, %dma_start3A_2584] : memref<7x128x128xf32, #tpu.memory_space<vmem>> -> memref<1x128x128xf32, #tpu.memory_space<vmem>>
    %dma_start3A_2586 = tpu.memref_squeeze %dma_start3A_2585 : memref<1x128x128xf32, #tpu.memory_space<vmem>> -> memref<128x128xf32, #tpu.memory_space<vmem>>
    %dma_start3A_2587 = arith.constant 0 : i32
    %dma_start3A_2588 = tpu.memref_slice %arg5[%add3A_2581, %dma_start3A_2587] : memref<262144x128xf32, #tpu.memory_space<hbm>> -> memref<128x128xf32, #tpu.memory_space<hbm>>
    %dma_start3A_2589 = arith.constant 0 : i32
    %dma_start3A_2590 = tpu.memref_slice %arg5[%add3A_2581, %dma_start3A_2589] : memref<262144x128xf32, #tpu.memory_space<hbm>> -> memref<128x128xf32, #tpu.memory_space<hbm>>
    %dma_start3A_2591 = arith.constant 0 : i32
    %dma_start3A_2592 = arith.constant 0 : i32
    %dma_start3A_2593 = tpu.memref_slice %arg8[%dma_start3A_2582, %dma_start3A_2591, %dma_start3A_2592] : memref<7x128x128xf32, #tpu.memory_space<vmem>> -> memref<1x128x128xf32, #tpu.memory_space<vmem>>
    %dma_start3A_2594 = tpu.memref_squeeze %dma_start3A_2593 : memref<1x128x128xf32, #tpu.memory_space<vmem>> -> memref<128x128xf32, #tpu.memory_space<vmem>>
    tpu.enqueue_dma source(%dma_start3A_2594 : memref<128x128xf32, #tpu.memory_space<vmem>>) target(%dma_start3A_2590 : memref<128x128xf32, #tpu.memory_space<hbm>>) target_semaphore(%arg22 : memref<!tpu.dma_semaphore, #tpu.memory_space<semaphore_mem>>)
    %dma_wait3A_2595 = arith.constant 0 : i32
    %dma_wait3A_2596 = arith.constant 0 : i32
    %dma_wait3A_2597 = arith.constant 0 : i32
    %dma_wait3A_2598 = arith.constant 0 : i32
    %dma_wait3A_2599 = tpu.memref_slice %arg8[%dma_wait3A_2596, %dma_wait3A_2597, %dma_wait3A_2598] : memref<7x128x128xf32, #tpu.memory_space<vmem>> -> memref<1x128x128xf32, #tpu.memory_space<vmem>>
    %dma_wait3A_2600 = tpu.memref_squeeze %dma_wait3A_2599 : memref<1x128x128xf32, #tpu.memory_space<vmem>> -> memref<128x128xf32, #tpu.memory_space<vmem>>
    %dma_wait3A_2601 = arith.constant 0 : i32
    %dma_wait3A_2602 = tpu.memref_slice %arg7[%dma_wait3A_2595, %dma_wait3A_2601] : memref<64x128xi32, #tpu.memory_space<vmem>> -> memref<1x128xi32, #tpu.memory_space<vmem>>
    %dma_wait3A_2603 = tpu.memref_squeeze %dma_wait3A_2602 : memref<1x128xi32, #tpu.memory_space<vmem>> -> memref<128xi32, #tpu.memory_space<vmem>>
    %dma_wait3A_2604 = arith.constant 0 : i32
    %dma_wait3A_2605 = arith.constant 0 : i32
    %dma_wait3A_2606 = tpu.memref_slice %arg4[%dma_wait3A_2604, %dma_wait3A_2605] : memref<32768x128xf32, #tpu.memory_space<hbm>> -> memref<32768x128xf32, #tpu.memory_space<hbm>>
    tpu.wait_indirect_dma semaphore(%arg9 : memref<!tpu.dma_semaphore, #tpu.memory_space<semaphore_mem>>) src(%dma_wait3A_2606 : memref<32768x128xf32, #tpu.memory_space<hbm>>) dst(%dma_wait3A_2600 : memref<128x128xf32, #tpu.memory_space<vmem>>)
    %add3A_2607 = arith.constant 8064 : i32
    %add3A_2608 = arith.addi %mul3A_2, %add3A_2607 : i32
    %dma_start3A_2609 = arith.constant 0 : i32
    %dma_start3A_2610 = arith.constant 0 : i32
    %dma_start3A_2611 = arith.constant 0 : i32
    %dma_start3A_2612 = tpu.memref_slice %arg8[%dma_start3A_2609, %dma_start3A_2610, %dma_start3A_2611] : memref<7x128x128xf32, #tpu.memory_space<vmem>> -> memref<1x128x128xf32, #tpu.memory_space<vmem>>
    %dma_start3A_2613 = tpu.memref_squeeze %dma_start3A_2612 : memref<1x128x128xf32, #tpu.memory_space<vmem>> -> memref<128x128xf32, #tpu.memory_space<vmem>>
    %dma_start3A_2614 = arith.constant 0 : i32
    %dma_start3A_2615 = tpu.memref_slice %arg5[%add3A_2608, %dma_start3A_2614] : memref<262144x128xf32, #tpu.memory_space<hbm>> -> memref<128x128xf32, #tpu.memory_space<hbm>>
    %dma_start3A_2616 = arith.constant 0 : i32
    %dma_start3A_2617 = tpu.memref_slice %arg5[%add3A_2608, %dma_start3A_2616] : memref<262144x128xf32, #tpu.memory_space<hbm>> -> memref<128x128xf32, #tpu.memory_space<hbm>>
    %dma_start3A_2618 = arith.constant 0 : i32
    %dma_start3A_2619 = arith.constant 0 : i32
    %dma_start3A_2620 = tpu.memref_slice %arg8[%dma_start3A_2609, %dma_start3A_2618, %dma_start3A_2619] : memref<7x128x128xf32, #tpu.memory_space<vmem>> -> memref<1x128x128xf32, #tpu.memory_space<vmem>>
    %dma_start3A_2621 = tpu.memref_squeeze %dma_start3A_2620 : memref<1x128x128xf32, #tpu.memory_space<vmem>> -> memref<128x128xf32, #tpu.memory_space<vmem>>
    tpu.enqueue_dma source(%dma_start3A_2621 : memref<128x128xf32, #tpu.memory_space<vmem>>) target(%dma_start3A_2617 : memref<128x128xf32, #tpu.memory_space<hbm>>) target_semaphore(%arg16 : memref<!tpu.dma_semaphore, #tpu.memory_space<semaphore_mem>>)
    %dma_wait3A_2622 = arith.constant 0 : i32
    %dma_wait3A_2623 = arith.constant 0 : i32
    %dma_wait3A_2624 = arith.constant 0 : i32
    %dma_wait3A_2625 = tpu.memref_slice %arg8[%dma_wait3A_2622, %dma_wait3A_2623, %dma_wait3A_2624] : memref<7x128x128xf32, #tpu.memory_space<vmem>> -> memref<1x128x128xf32, #tpu.memory_space<vmem>>
    %dma_wait3A_2626 = tpu.memref_squeeze %dma_wait3A_2625 : memref<1x128x128xf32, #tpu.memory_space<vmem>> -> memref<128x128xf32, #tpu.memory_space<vmem>>
    %dma_wait3A_2627 = arith.constant 0 : i32
    %dma_wait3A_2628 = tpu.memref_slice %arg5[%mul3A_2, %dma_wait3A_2627] : memref<262144x128xf32, #tpu.memory_space<hbm>> -> memref<128x128xf32, #tpu.memory_space<hbm>>
    %dma_wait3A_2629 = arith.constant 0 : i32
    %dma_wait3A_2630 = tpu.memref_slice %arg5[%mul3A_2, %dma_wait3A_2629] : memref<262144x128xf32, #tpu.memory_space<hbm>> -> memref<128x128xf32, #tpu.memory_space<hbm>>
    %dma_wait3A_2631 = arith.constant 0 : i32
    %dma_wait3A_2632 = arith.constant 0 : i32
    %dma_wait3A_2633 = tpu.memref_slice %arg8[%dma_wait3A_2622, %dma_wait3A_2631, %dma_wait3A_2632] : memref<7x128x128xf32, #tpu.memory_space<vmem>> -> memref<1x128x128xf32, #tpu.memory_space<vmem>>
    %dma_wait3A_2634 = tpu.memref_squeeze %dma_wait3A_2633 : memref<1x128x128xf32, #tpu.memory_space<vmem>> -> memref<128x128xf32, #tpu.memory_space<vmem>>
    tpu.wait_dma2 semaphore(%arg16 : memref<!tpu.dma_semaphore, #tpu.memory_space<semaphore_mem>>) src(%dma_wait3A_2634 : memref<128x128xf32, #tpu.memory_space<vmem>>) dst(%dma_wait3A_2630 : memref<128x128xf32, #tpu.memory_space<hbm>>)
    %dma_wait3A_2635 = arith.constant 1 : i32
    %dma_wait3A_2636 = arith.constant 0 : i32
    %dma_wait3A_2637 = arith.constant 0 : i32
    %dma_wait3A_2638 = tpu.memref_slice %arg8[%dma_wait3A_2635, %dma_wait3A_2636, %dma_wait3A_2637] : memref<7x128x128xf32, #tpu.memory_space<vmem>> -> memref<1x128x128xf32, #tpu.memory_space<vmem>>
    %dma_wait3A_2639 = tpu.memref_squeeze %dma_wait3A_2638 : memref<1x128x128xf32, #tpu.memory_space<vmem>> -> memref<128x128xf32, #tpu.memory_space<vmem>>
    %dma_wait3A_2640 = arith.constant 0 : i32
    %dma_wait3A_2641 = tpu.memref_slice %arg5[%mul3A_2, %dma_wait3A_2640] : memref<262144x128xf32, #tpu.memory_space<hbm>> -> memref<128x128xf32, #tpu.memory_space<hbm>>
    %dma_wait3A_2642 = arith.constant 0 : i32
    %dma_wait3A_2643 = tpu.memref_slice %arg5[%mul3A_2, %dma_wait3A_2642] : memref<262144x128xf32, #tpu.memory_space<hbm>> -> memref<128x128xf32, #tpu.memory_space<hbm>>
    %dma_wait3A_2644 = arith.constant 0 : i32
    %dma_wait3A_2645 = arith.constant 0 : i32
    %dma_wait3A_2646 = tpu.memref_slice %arg8[%dma_wait3A_2635, %dma_wait3A_2644, %dma_wait3A_2645] : memref<7x128x128xf32, #tpu.memory_space<vmem>> -> memref<1x128x128xf32, #tpu.memory_space<vmem>>
    %dma_wait3A_2647 = tpu.memref_squeeze %dma_wait3A_2646 : memref<1x128x128xf32, #tpu.memory_space<vmem>> -> memref<128x128xf32, #tpu.memory_space<vmem>>
    tpu.wait_dma2 semaphore(%arg17 : memref<!tpu.dma_semaphore, #tpu.memory_space<semaphore_mem>>) src(%dma_wait3A_2647 : memref<128x128xf32, #tpu.memory_space<vmem>>) dst(%dma_wait3A_2643 : memref<128x128xf32, #tpu.memory_space<hbm>>)
    %dma_wait3A_2648 = arith.constant 2 : i32
    %dma_wait3A_2649 = arith.constant 0 : i32
    %dma_wait3A_2650 = arith.constant 0 : i32
    %dma_wait3A_2651 = tpu.memref_slice %arg8[%dma_wait3A_2648, %dma_wait3A_2649, %dma_wait3A_2650] : memref<7x128x128xf32, #tpu.memory_space<vmem>> -> memref<1x128x128xf32, #tpu.memory_space<vmem>>
    %dma_wait3A_2652 = tpu.memref_squeeze %dma_wait3A_2651 : memref<1x128x128xf32, #tpu.memory_space<vmem>> -> memref<128x128xf32, #tpu.memory_space<vmem>>
    %dma_wait3A_2653 = arith.constant 0 : i32
    %dma_wait3A_2654 = tpu.memref_slice %arg5[%mul3A_2, %dma_wait3A_2653] : memref<262144x128xf32, #tpu.memory_space<hbm>> -> memref<128x128xf32, #tpu.memory_space<hbm>>
    %dma_wait3A_2655 = arith.constant 0 : i32
    %dma_wait3A_2656 = tpu.memref_slice %arg5[%mul3A_2, %dma_wait3A_2655] : memref<262144x128xf32, #tpu.memory_space<hbm>> -> memref<128x128xf32, #tpu.memory_space<hbm>>
    %dma_wait3A_2657 = arith.constant 0 : i32
    %dma_wait3A_2658 = arith.constant 0 : i32
    %dma_wait3A_2659 = tpu.memref_slice %arg8[%dma_wait3A_2648, %dma_wait3A_2657, %dma_wait3A_2658] : memref<7x128x128xf32, #tpu.memory_space<vmem>> -> memref<1x128x128xf32, #tpu.memory_space<vmem>>
    %dma_wait3A_2660 = tpu.memref_squeeze %dma_wait3A_2659 : memref<1x128x128xf32, #tpu.memory_space<vmem>> -> memref<128x128xf32, #tpu.memory_space<vmem>>
    tpu.wait_dma2 semaphore(%arg18 : memref<!tpu.dma_semaphore, #tpu.memory_space<semaphore_mem>>) src(%dma_wait3A_2660 : memref<128x128xf32, #tpu.memory_space<vmem>>) dst(%dma_wait3A_2656 : memref<128x128xf32, #tpu.memory_space<hbm>>)
    %dma_wait3A_2661 = arith.constant 3 : i32
    %dma_wait3A_2662 = arith.constant 0 : i32
    %dma_wait3A_2663 = arith.constant 0 : i32
    %dma_wait3A_2664 = tpu.memref_slice %arg8[%dma_wait3A_2661, %dma_wait3A_2662, %dma_wait3A_2663] : memref<7x128x128xf32, #tpu.memory_space<vmem>> -> memref<1x128x128xf32, #tpu.memory_space<vmem>>
    %dma_wait3A_2665 = tpu.memref_squeeze %dma_wait3A_2664 : memref<1x128x128xf32, #tpu.memory_space<vmem>> -> memref<128x128xf32, #tpu.memory_space<vmem>>
    %dma_wait3A_2666 = arith.constant 0 : i32
    %dma_wait3A_2667 = tpu.memref_slice %arg5[%mul3A_2, %dma_wait3A_2666] : memref<262144x128xf32, #tpu.memory_space<hbm>> -> memref<128x128xf32, #tpu.memory_space<hbm>>
    %dma_wait3A_2668 = arith.constant 0 : i32
    %dma_wait3A_2669 = tpu.memref_slice %arg5[%mul3A_2, %dma_wait3A_2668] : memref<262144x128xf32, #tpu.memory_space<hbm>> -> memref<128x128xf32, #tpu.memory_space<hbm>>
    %dma_wait3A_2670 = arith.constant 0 : i32
    %dma_wait3A_2671 = arith.constant 0 : i32
    %dma_wait3A_2672 = tpu.memref_slice %arg8[%dma_wait3A_2661, %dma_wait3A_2670, %dma_wait3A_2671] : memref<7x128x128xf32, #tpu.memory_space<vmem>> -> memref<1x128x128xf32, #tpu.memory_space<vmem>>
    %dma_wait3A_2673 = tpu.memref_squeeze %dma_wait3A_2672 : memref<1x128x128xf32, #tpu.memory_space<vmem>> -> memref<128x128xf32, #tpu.memory_space<vmem>>
    tpu.wait_dma2 semaphore(%arg19 : memref<!tpu.dma_semaphore, #tpu.memory_space<semaphore_mem>>) src(%dma_wait3A_2673 : memref<128x128xf32, #tpu.memory_space<vmem>>) dst(%dma_wait3A_2669 : memref<128x128xf32, #tpu.memory_space<hbm>>)
    %dma_wait3A_2674 = arith.constant 4 : i32
    %dma_wait3A_2675 = arith.constant 0 : i32
    %dma_wait3A_2676 = arith.constant 0 : i32
    %dma_wait3A_2677 = tpu.memref_slice %arg8[%dma_wait3A_2674, %dma_wait3A_2675, %dma_wait3A_2676] : memref<7x128x128xf32, #tpu.memory_space<vmem>> -> memref<1x128x128xf32, #tpu.memory_space<vmem>>
    %dma_wait3A_2678 = tpu.memref_squeeze %dma_wait3A_2677 : memref<1x128x128xf32, #tpu.memory_space<vmem>> -> memref<128x128xf32, #tpu.memory_space<vmem>>
    %dma_wait3A_2679 = arith.constant 0 : i32
    %dma_wait3A_2680 = tpu.memref_slice %arg5[%mul3A_2, %dma_wait3A_2679] : memref<262144x128xf32, #tpu.memory_space<hbm>> -> memref<128x128xf32, #tpu.memory_space<hbm>>
    %dma_wait3A_2681 = arith.constant 0 : i32
    %dma_wait3A_2682 = tpu.memref_slice %arg5[%mul3A_2, %dma_wait3A_2681] : memref<262144x128xf32, #tpu.memory_space<hbm>> -> memref<128x128xf32, #tpu.memory_space<hbm>>
    %dma_wait3A_2683 = arith.constant 0 : i32
    %dma_wait3A_2684 = arith.constant 0 : i32
    %dma_wait3A_2685 = tpu.memref_slice %arg8[%dma_wait3A_2674, %dma_wait3A_2683, %dma_wait3A_2684] : memref<7x128x128xf32, #tpu.memory_space<vmem>> -> memref<1x128x128xf32, #tpu.memory_space<vmem>>
    %dma_wait3A_2686 = tpu.memref_squeeze %dma_wait3A_2685 : memref<1x128x128xf32, #tpu.memory_space<vmem>> -> memref<128x128xf32, #tpu.memory_space<vmem>>
    tpu.wait_dma2 semaphore(%arg20 : memref<!tpu.dma_semaphore, #tpu.memory_space<semaphore_mem>>) src(%dma_wait3A_2686 : memref<128x128xf32, #tpu.memory_space<vmem>>) dst(%dma_wait3A_2682 : memref<128x128xf32, #tpu.memory_space<hbm>>)
    %dma_wait3A_2687 = arith.constant 5 : i32
    %dma_wait3A_2688 = arith.constant 0 : i32
    %dma_wait3A_2689 = arith.constant 0 : i32
    %dma_wait3A_2690 = tpu.memref_slice %arg8[%dma_wait3A_2687, %dma_wait3A_2688, %dma_wait3A_2689] : memref<7x128x128xf32, #tpu.memory_space<vmem>> -> memref<1x128x128xf32, #tpu.memory_space<vmem>>
    %dma_wait3A_2691 = tpu.memref_squeeze %dma_wait3A_2690 : memref<1x128x128xf32, #tpu.memory_space<vmem>> -> memref<128x128xf32, #tpu.memory_space<vmem>>
    %dma_wait3A_2692 = arith.constant 0 : i32
    %dma_wait3A_2693 = tpu.memref_slice %arg5[%mul3A_2, %dma_wait3A_2692] : memref<262144x128xf32, #tpu.memory_space<hbm>> -> memref<128x128xf32, #tpu.memory_space<hbm>>
    %dma_wait3A_2694 = arith.constant 0 : i32
    %dma_wait3A_2695 = tpu.memref_slice %arg5[%mul3A_2, %dma_wait3A_2694] : memref<262144x128xf32, #tpu.memory_space<hbm>> -> memref<128x128xf32, #tpu.memory_space<hbm>>
    %dma_wait3A_2696 = arith.constant 0 : i32
    %dma_wait3A_2697 = arith.constant 0 : i32
    %dma_wait3A_2698 = tpu.memref_slice %arg8[%dma_wait3A_2687, %dma_wait3A_2696, %dma_wait3A_2697] : memref<7x128x128xf32, #tpu.memory_space<vmem>> -> memref<1x128x128xf32, #tpu.memory_space<vmem>>
    %dma_wait3A_2699 = tpu.memref_squeeze %dma_wait3A_2698 : memref<1x128x128xf32, #tpu.memory_space<vmem>> -> memref<128x128xf32, #tpu.memory_space<vmem>>
    tpu.wait_dma2 semaphore(%arg21 : memref<!tpu.dma_semaphore, #tpu.memory_space<semaphore_mem>>) src(%dma_wait3A_2699 : memref<128x128xf32, #tpu.memory_space<vmem>>) dst(%dma_wait3A_2695 : memref<128x128xf32, #tpu.memory_space<hbm>>)
    %dma_wait3A_2700 = arith.constant 6 : i32
    %dma_wait3A_2701 = arith.constant 0 : i32
    %dma_wait3A_2702 = arith.constant 0 : i32
    %dma_wait3A_2703 = tpu.memref_slice %arg8[%dma_wait3A_2700, %dma_wait3A_2701, %dma_wait3A_2702] : memref<7x128x128xf32, #tpu.memory_space<vmem>> -> memref<1x128x128xf32, #tpu.memory_space<vmem>>
    %dma_wait3A_2704 = tpu.memref_squeeze %dma_wait3A_2703 : memref<1x128x128xf32, #tpu.memory_space<vmem>> -> memref<128x128xf32, #tpu.memory_space<vmem>>
    %dma_wait3A_2705 = arith.constant 0 : i32
    %dma_wait3A_2706 = tpu.memref_slice %arg5[%mul3A_2, %dma_wait3A_2705] : memref<262144x128xf32, #tpu.memory_space<hbm>> -> memref<128x128xf32, #tpu.memory_space<hbm>>
    %dma_wait3A_2707 = arith.constant 0 : i32
    %dma_wait3A_2708 = tpu.memref_slice %arg5[%mul3A_2, %dma_wait3A_2707] : memref<262144x128xf32, #tpu.memory_space<hbm>> -> memref<128x128xf32, #tpu.memory_space<hbm>>
    %dma_wait3A_2709 = arith.constant 0 : i32
    %dma_wait3A_2710 = arith.constant 0 : i32
    %dma_wait3A_2711 = tpu.memref_slice %arg8[%dma_wait3A_2700, %dma_wait3A_2709, %dma_wait3A_2710] : memref<7x128x128xf32, #tpu.memory_space<vmem>> -> memref<1x128x128xf32, #tpu.memory_space<vmem>>
    %dma_wait3A_2712 = tpu.memref_squeeze %dma_wait3A_2711 : memref<1x128x128xf32, #tpu.memory_space<vmem>> -> memref<128x128xf32, #tpu.memory_space<vmem>>
    tpu.wait_dma2 semaphore(%arg22 : memref<!tpu.dma_semaphore, #tpu.memory_space<semaphore_mem>>) src(%dma_wait3A_2712 : memref<128x128xf32, #tpu.memory_space<vmem>>) dst(%dma_wait3A_2708 : memref<128x128xf32, #tpu.memory_space<hbm>>)
    return
  }
}

</mosaic_0001>

<sc_bundles>
// kernel: _gather.3.cloned.1.call-start
scs
__scs_entry_jumppad:
0x0: {  	(pc) =	sbr.rel $0x88, $3  }
0x1: {  	(tag) =	ssettag $0x0;
	lr =	simm.s32 $0x1  }
0x2: {  	[smem:$0x3F9E] =	sst lr;
	_ =	strace $0xD0000000  }
0x3: {  	_ = 	snop  }
0x4: {  	_ = 	snop  }
0x5: {  	_ = 	snop  }
0x6: {  	_ = 	snop  }
0x7: {  	_ = 	snop  }
__scs_overlays_trampoline_lowered:
0x8: {  	[smem:$0x3FAD] =	sst s0  }
0x9: {  	[smem:$0x3FAE] =	sst s1  }
0xa: {  	[smem:$0x3FAF] =	sst s2  }
0xb: {  	[smem:$0x3FB0] =	sst s3  }
0xc: {  	[smem:$0x3FB1] =	sst s4  }
0xd: {  	[smem:$0x3FB2] =	sst s5  }
0xe: {  	[smem:$0x3FB3] =	sst s6  }
0xf: {  	[smem:$0x3FB4] =	sst s7  }
0x10: {  	[smem:$0x3FB5] =	sst s8  }
0x11: {  	[smem:$0x3FB6] =	sst s9;
	s0 =	simm.s32 @!p0 $0x0  }
0x12: {  	s1 =	sld [smem:$0x3F9C];
	s0 =	simm.s32 @p0 $0x1  }
0x13: {  	[smem:$0x3FB7] =	sst s0;
	s0 =	simm.s32 @!p1 $0x0  }
0x14: {  	s2 =	sld [smem:$0x3F9B];
	s0 =	simm.s32 @p1 $0x1  }
0x15: {  	[smem:$0x3FB8] =	sst s0;
	s0 =	simm.s32 @!p2 $0x0  }
0x16: {  	s3 =	sld [smem:$0x3FDB];
	s0 =	simm.s32 @p2 $0x1  }
0x17: {  	s4 =	simm.s32 $0x1BF5;
	[smem:$0x3FBA] =	sst s0  }
0x18: {  	s0 =	sld [smem:$0x3F9D];
	_ =	swait.ge [sflag:s4], $0x0  }
0x19: {  	s7 =	sld [smem:$0x3F9E]  }
0x1a: {  	s8 =	sadd.s32 $0xFFFFE003, lr  }
0x1b: {  	s9 =	sadd.s32 $0xFFFFFEF7, lr;
	s5 =	simm.s32 $0xFFFFFFFF;
	p2 =	slt.u32 s8, $0xFFFFF086  }
0x1c: {  	p1 =	slt.u32 s9, $0xF7A;
	s5 =	simm.s32 @!p2 $0x0  }
0x1d: {  	s5 =	simm.s32 @p1 $0x1;
	p0 =	seq.s32 s7, s2  }
0x1e: {  	s7 =	smul.u32 @!p0 $0xF7A, s2;
	p2 =	seq.s32 @!p0 s5, $0x0  }
0x1f: {  	s9 =	smul.u32 $0xF7A, s1;
	s8 =	simm.s32 @!p0 $0x1BF5;
	p2 =	por !p2, p0  }
0x20: {  	[sflag:s8] =	ssyncset.s32 @!p0 $0xFFFFF086;
	s6 =	sadd.s32 @!p0 s3, s7;
	s7 =	simm.s32 @!p0 $0x108  }
0x21: {  	s3 =	sadd.s32 s3, s9;
	s6 =	sadd.s32 @!p0 $0x88, s6;
	s7 =	simm.s32 @p2 $0x1082  }
0x22: {  	[simem:s7], [sflag:s8] =	dma.local @!p0 [hbm:s6], $0xF7A  }
0x23: {  	s9 =	sor.u32 $0xD0000000, s2;
	s6 =	simm.s32 $0x108;
	_ =	swait.ge @!p0 [sflag:s8], $0x0  }
0x24: {  	s3 =	sadd.s32 $0x88, s3;
	s6 =	simm.s32 @!p1 $0x1082;
	[sflag:s4] =	ssyncset.s32 $0xFFFFF086  }
0x25: {  	[simem:s6], [sflag:s4] =	dma.local [hbm:s3], $0xF7A  }
0x26: {  	[smem:$0x3F9E] =	sst s1;
	(tag) =	ssettag s2;
	_ =	strace s9  }
0x27: {  	s1 =	sld [smem:$0x3FAE]  }
0x28: {  	s2 =	sld [smem:$0x3FAF]  }
0x29: {  	s4 =	sld [smem:$0x3FB1]  }
0x2a: {  	p0 =	seq.s32 s5, $0x0;
	s5 =	sld [smem:$0x3FB2]  }
0x2b: {  	s6 =	sld [smem:$0x3FB3]  }
0x2c: {  	s7 =	sld [smem:$0x3FB4]  }
0x2d: {  	s3 =	simm.s32 $0x108;
	s8 =	sld [smem:$0x3FB5]  }
0x2e: {  	s3 =	simm.s32 @!p0 $0x1082;
	s9 =	sld [smem:$0x3FB6]  }
0x2f: {  	lr =	sadd.s32 s0, s3;
	s0 =	sld [smem:$0x3FAD]  }
0x30: {  	s3 =	sld [smem:$0x3FB0]  }
0x31: {  	[smem:$0x3FB9] =	sst s10  }
0x32: {  	s10 =	sld [smem:$0x3FB7];
	_ =	sdelay $0x3  }
0x33: {  	p0 =	seq.s32 s10, $0x1;
	s10 =	sld [smem:$0x3FB9];
	_ =	sdelay $0x3  }
0x34: {  	[smem:$0x3FB9] =	sst s10  }
0x35: {  	s10 =	sld [smem:$0x3FB8];
	_ =	sdelay $0x3  }
0x36: {  	p1 =	seq.s32 s10, $0x1;
	s10 =	sld [smem:$0x3FB9];
	_ =	sdelay $0x3  }
0x37: {  	[smem:$0x3FB9] =	sst s10  }
0x38: {  	s10 =	sld [smem:$0x3FBA]  }
0x39: {  	_ = 	snop;
	(pc) =	sbr.ind lr, $3  }
0x3a: {  	_ = 	snop  }
0x3b: {  	_ = 	snop  }
0x3c: {  	p2 =	seq.s32 s10, $0x1;
	s10 =	sld [smem:$0x3FB9]  }
0x3d: {  	_ =	shalt  }
0x3e: {  	_ =	shalt  }
0x3f: {  	_ =	shalt  }
0x40: {  	_ =	shalt  }
0x41: {  	_ =	shalt  }
0x42: {  	_ =	shalt  }
0x43: {  	_ =	shalt  }
0x44: {  	_ =	shalt  }
0x45: {  	_ =	shalt  }
0x46: {  	_ =	shalt  }
0x47: {  	_ =	shalt  }
0x48: {  	_ =	shalt  }
0x49: {  	_ =	shalt  }
0x4a: {  	_ =	shalt  }
0x4b: {  	_ =	shalt  }
0x4c: {  	_ =	shalt  }
0x4d: {  	_ =	shalt  }
0x4e: {  	_ =	shalt  }
0x4f: {  	_ =	shalt  }
0x50: {  	_ =	shalt  }
0x51: {  	_ =	shalt  }
0x52: {  	_ =	shalt  }
0x53: {  	_ =	shalt  }
0x54: {  	_ =	shalt  }
0x55: {  	_ =	shalt  }
0x56: {  	_ =	shalt  }
0x57: {  	_ =	shalt  }
0x58: {  	_ =	shalt  }
0x59: {  	_ =	shalt  }
0x5a: {  	_ =	shalt  }
0x5b: {  	_ =	shalt  }
0x5c: {  	_ =	shalt  }
0x5d: {  	_ =	shalt  }
0x5e: {  	_ =	shalt  }
0x5f: {  	_ =	shalt  }
0x60: {  	_ =	shalt  }
0x61: {  	_ =	shalt  }
0x62: {  	_ =	shalt  }
0x63: {  	_ =	shalt  }
0x64: {  	_ =	shalt  }
0x65: {  	_ =	shalt  }
0x66: {  	_ =	shalt  }
0x67: {  	_ =	shalt  }
0x68: {  	_ =	shalt  }
0x69: {  	_ =	shalt  }
0x6a: {  	_ =	shalt  }
0x6b: {  	_ =	shalt  }
0x6c: {  	_ =	shalt  }
0x6d: {  	_ =	shalt  }
0x6e: {  	_ =	shalt  }
0x6f: {  	_ =	shalt  }
0x70: {  	_ =	shalt  }
0x71: {  	_ =	shalt  }
0x72: {  	_ =	shalt  }
0x73: {  	_ =	shalt  }
0x74: {  	_ =	shalt  }
0x75: {  	_ =	shalt  }
0x76: {  	_ =	shalt  }
0x77: {  	_ =	shalt  }
0x78: {  	_ =	shalt  }
0x79: {  	_ =	shalt  }
0x7a: {  	_ =	shalt  }
0x7b: {  	_ =	shalt  }
0x7c: {  	_ =	shalt  }
0x7d: {  	_ =	shalt  }
0x7e: {  	_ =	shalt  }
0x7f: {  	_ =	shalt  }
0x80: {  	_ =	shalt  }
0x81: {  	_ =	shalt  }
0x82: {  	_ =	shalt  }
0x83: {  	_ =	shalt  }
0x84: {  	_ =	shalt  }
0x85: {  	_ =	shalt  }
0x86: {  	_ =	shalt  }
0x87: {  	_ =	shalt  }
.Lfunc_end0:
.L_simem_size_0:
called_computation_lowered:
.L_overlay_start_0:
0x88: {  	s2 =	sld [smem:$0x3FD9]  }
0x89: {  	s3 =	sld [smem:$0x3FFE];
	_ =	sdelay $0x1  }
0x8a: {  	s1 =	srdreg.scid  }
0x8b: {  	s0 =	sand.u32 $0x1, s1  }
0x8c: {  	s18 =	sshll.u32 s0, $0xA;
	s2 =	sadd.s32 s3, s2  }
0x8d: {  	s2 =	sadd.s32 s2, s18  }
0x8e: {  	[smem:$0x3FC5] =	sst s2  }
0x8f: {  	_ = 	snop  }
0x90: {  	s2 =	sld [smem:$0x3FC9]  }
0x91: {  	s19 =	sld [smem:$0x3FC8]  }
0x92: {  	s4 =	sld [smem:$0x3FC7]  }
0x93: {  	s5 =	sld [smem:$0x3FD0];
	(tm) =	ssettm $0x1  }
0x94: {  	s6 =	sld [smem:$0x3FFB];
	_ =	sdelay $0x3  }
0x95: {  	_ =	strace s6  }
0x96: {  	s6 =	sld [smem:$0x3FFC];
	_ =	sdelay $0x3  }
0x97: {  	_ =	strace s6  }
0x98: {  	s6 =	sld [smem:$0x3FFD];
	_ =	sdelay $0x3  }
0x99: {  	_ =	strace s6  }
0x9a: {  	_ =	strace $0x8FFFFFFF  }
0x9b: {  	s20 =	sld [smem:$0x3FDB];
	_ =	sdelay $0x1  }
0x9c: {  	s7 =	simm.s32 $_scs_section_size  }
0x9d: {  	s8 =	simm.s32 $_size__tile_overlayer_lowered;
	s9 =	simm.s32 $_tile_overlayer_lowered  }
0x9e: {  	s23 =	simm.s32 $0x1BFF;
	s22 =	sshll.u32 s9, $0x1;
	s6 =	sadd.s32 s7, s20  }
0x9f: {  	s10 =	simm.s32 $0x0;
	s21 =	sshll.u32 s8, $0x1;
	s8 =	sadd.s32 s22, s6  }
0xa0: {  	[timem:s10], [sflag:s23] =	dma.local [hbm:s8], s21  }
0xa1: {  	_ =	swait.ge [sflag:s23], s21  }
0xa2: {  	s7 =	ssub.s32 $0x0, s21;
	[sflag:s23] =	ssyncset.done $0x0  }
0xa3: {  	[sflag:s23] =	ssyncadd.s32 s7;
	_ =	sdelay $0x1  }
0xa4: {  	s24 =	simm.s32 $0x1B8B  }
0xa5: {  	_ =	swait.ge [sflag:s24], $0x1  }
0xa6: {  	[sflag:s24] =	ssyncset.done $0x0  }
0xa7: {  	s25 =	simm.s32 $0x1B8E;
	[sflag:s24] =	ssyncadd.s32 $0xFFFFFFFF  }
0xa8: {  	s26 =	simm.s32 $execute0_lowered;
	[smem:$0x3FD2] =	sst s25  }
0xa9: {  	s7 =	sshll.u32 s26, $0x1;
	_ =	strace $0x80000046;
	[dreg:$0x1] =	wrdreg $0xFFFFFFFF  }
0xaa: {  	s28 =	simm.s32 $_size_execute0_lowered;
	s6 =	sadd.s32 s6, s7;
	[dreg:$0x0] =	wrdreg $0x0  }
0xab: {  	s7 =	sshll.u32 s28, $0x1;
	[dreg:$0x2] =	wrdreg s6  }
0xac: {  	[dreg:$0x3] =	wrdreg s7  }
0xad: {  	[dreg:$0x4] =	wrdreg $0xC0  }
0xae: {  	_ =	task [dreg:s10], $0x5FFFF  }
0xaf: {  	[dreg:$0x1] =	wrdreg $0xFFFFFFFF  }
0xb0: {  	[dreg:$0x0] =	wrdreg $0x60  }
0xb1: {  	[dreg:$0x2] =	wrdreg s2  }
0xb2: {  	[dreg:$0x3] =	wrdreg s19  }
0xb3: {  	[dreg:$0x4] =	wrdreg s4  }
0xb4: {  	[dreg:$0x5] =	wrdreg s5  }
0xb5: {  	[dreg:$0x6] =	wrdreg $0x9  }
0xb6: {  	_ =	task.clear_ibuf [dreg:s10], $0x7FFFF;
	_ =	strace $0x90000046  }
0xb7: {  	s29 =	simm.s32 $0x9;
	_ =	strace $0x80000048  }
0xb8: {  	_ =	swait.ge [sflag:s29], $0x1  }
0xb9: {  	[sflag:s29] =	ssyncadd.s32 $0xFFFFFFFF  }
0xba: {  	_ =	strace $0x90000048  }
0xbb: {  	_ =	sfence  }
0xbc: {  	s30 =	sld [smem:$0x0];
	_ =	sdelay $0x2  }
0xbd: {  	s31 =	sshll.u32 s1, $0xD;
	s1 =	sshrl.u32 s1, $0x2  }
0xbe: {  	s3 =	sand.u32 $0x4000, s31;
	s1 =	sadd.s32 s1, s30  }
0xbf: {  	s0 =	sor.u32 s3, s0;
	s1 =	sshll.u32 s1, $0x11  }
0xc0: {  	s0 =	sor.u32 s1, s0  }
0xc1: {  	s0 =	sadd.s32 $0x8F2B, s0  }
0xc2: {  	[sflag:s0] =	ssyncadd.remote.s32 $0x1  }
0xc3: {  	_ =	sfence.sel $0xFFFF  }
0xc4: {  	[dreg:$0x0] =	wrdreg $0xFFFFFFFF;
	(pc) =	sbr.abs _section_cstart, $3  }
0xc5: {  	[dreg:$0x1] =	wrdreg $0xFFFFFFFF  }
0xc6: {  	_ =	task.clear_ibuf [dreg:s10], $0x2FFFF;
	_ =	strace $0x9FFFFFFF  }
0xc7: {  	(tm) =	ssettm $0x7FFFFFFF  }
tec
execute0_lowered:
.L_overlay_start_1:
0x0: {  	(tag) =	ssettag $0x1  }
0x1: {  	s0 =	rddreg [dreg:$0x0]  }
0x2: {  	s3 =	rddreg [dreg:$0x2]  }
0x3: {  	s1 =	rddreg [dreg:$0x3];
	s2 =	srdreg.scid  }
0x4: {  	s12 =	stileid.u32;
	s4 =	simm.s32 $0x0;
	s28 =	simm.s32 $0x6  }
0x5: {  	s29 =	simm.s32 $0x7;
	s30 =	simm.s32 $0xD;
	s2 =	sand.u32 $0x1, s2  }
0x6: {  	s6 =	sshll.u32 s12, $0x1;
	[smem:$0x7FF] =	sst s4;
	s22 =	sshll.u32 s12, $0x12  }
0x7: {  	s12 =	sshll.u32 s12, $0xE;
	s5 =	ssub.s32 $0x2, s2;
	s6 =	sor.u32 s2, s6  }
0x8: {  	_ =	strace $0x80000047;
	s24 =	sadd.s32 s22, s1;
	s25 =	sshll.u32 s2, $0x11  }
0x9: {  	s7 =	sshrl.u32 s5, $0x1;
	s15 =	sshll.u32 s6, $0x11;
	s8 =	sshll.u32 s6, $0xD  }
0xa: {  	s6 =	sshll.u32 s6, $0xA;
	s26 =	sadd.s32 s25, s24;
	s5 =	ssub.s32 s5, s7  }
0xb: {  	s13 =	sadd.s32 s1, s15;
	s0 =	sadd.s32 s0, s6;
	s19 =	sor.u32 $0x1E80, s8  }
0xc: {  	s9 =	sor.u32 $0x1F00, s8;
	s8 =	sor.u32 $0x1F80, s8;
	[dreg:$0x6] =	wrdreg s0  }
0xd: {  	s0 =	sshll.u32 s2, $0x8;
	s16 =	sadd.s32 $0x800, s13;
	s17 =	sadd.s32 $0x1000, s13  }
0xe: {  	s18 =	sadd.s32 $0x1800, s13;
	s20 =	sshrl.u32 s19, $0x5;
	[dreg:$0x5] =	wrdreg s13  }
0xf: {  	s10 =	sshrl.u32 s9, $0x5;
	s11 =	sshrl.u32 s8, $0x5;
	[dreg:$0x7] =	wrdreg s16  }
0x10: {  	s6 =	sshll.u32 s19, $0x4;
	s21 =	sshll.u32 s9, $0x4;
	[dreg:$0x8] =	wrdreg s17  }
0x11: {  	s23 =	sshll.u32 s8, $0x4;
	s5 =	smax.u32 s5, $0x1;
	[dreg:$0x9] =	wrdreg s18  }
0x12: {  	s2 =	sshll.u32 s2, $0xD;
	s22 =	sadd.s32 $0x3000, s13;
	[dreg:$0xd] =	wrdreg s5  }
0x13: {  	s24 =	sadd.s32 $0x1C800, s13;
	s25 =	sadd.s32 $0x1D000, s13;
	[dreg:$0x1c] =	wrdreg s22  }
0x14: {  	s7 =	sand.u32 $0x1C0, s20;
	s10 =	sand.u32 $0x1C0, s10;
	[dreg:$0x1e] =	wrdreg s24  }
0x15: {  	s11 =	sand.u32 $0x1C0, s11;
	s6 =	sadd.s32 s1, s6;
	[dreg:$0x1f] =	wrdreg s25  }
0x16: {  	s2 =	sor.u32 s2, s12;
	s0 =	sshrl.u32 s0, $0x2;
	[dreg:$0xa] =	wrdreg s6  }
0x17: {  	s20 =	sadd.s32 $0x2000, s13;
	s25 =	simm.s32 $0xA;
	[dreg:$0x16] =	wrdreg s0  }
0x18: {  	s24 =	simm.s32 $0x1A080;
	s6 =	sadd.s32 s1, s21;
	[dreg:$0x1a] =	wrdreg s20  }
0x19: {  	s1 =	sadd.s32 s1, s23;
	s31 =	sor.u32 $0x600, s2;
	[dreg:$0xb] =	wrdreg s6  }
0x1a: {  	s5 =	sor.u32 $0x900, s2;
	s17 =	sshrl.u32 s7, $0x2;
	[dreg:$0xc] =	wrdreg s1  }
0x1b: {  	s9 =	sor.u32 $0x800, s2;
	s18 =	sshrl.u32 s10, $0x2;
	[dreg:$0x17] =	wrdreg s17  }
0x1c: {  	s12 =	sor.u32 $0x780, s2;
	s19 =	sshrl.u32 s11, $0x2;
	[dreg:$0x18] =	wrdreg s18  }
0x1d: {  	s14 =	sor.u32 $0x680, s2;
	s21 =	sadd.s32 $0x2800, s13;
	[dreg:$0x19] =	wrdreg s19  }
0x1e: {  	s16 =	sor.u32 $0x700, s2;
	s23 =	sadd.s32 $0x1C000, s13;
	[dreg:$0x1b] =	wrdreg s21  }
0x1f: {  	s7 =	simm.s32 $0x80;
	s1 =	sadd.s32 $0x3800, s26;
	[dreg:$0x1d] =	wrdreg s23  }
0x20: {  	s20 =	simm.s32 $0xC;
	s15 =	sshrl.u32 s14, $0x5;
	[dreg:$0xe] =	wrdreg s1  }
0x21: {  	s6 =	sor.u32 $0x880, s2;
	s26 =	sadd.s32 $0x1D800, s13;
	[dreg:$0x14] =	wrdreg s15  }
0x22: {  	s14 =	simm.s32 $0x1;
	s1 =	sshrl.u32 s31, $0x5;
	[smem:$0x7FC] =	sst s26  }
0x23: {  	s17 =	simm.s32 $0x8;
	s8 =	sshrl.u32 s6, $0x5;
	[dreg:$0xf] =	wrdreg s1  }
0x24: {  	s19 =	simm.s32 $0xB;
	s31 =	sadd.s32 $0x1E000, s13;
	[dreg:$0x11] =	wrdreg s8  }
0x25: {  	s21 =	simm.s32 $0xE;
	s1 =	sshrl.u32 s5, $0x5;
	[smem:$0x7FD] =	sst s31  }
0x26: {  	s18 =	simm.s32 $0x16080;
	[dreg:$0x10] =	wrdreg s1;
	s1 =	sshrl.u32 s9, $0x5  }
0x27: {  	s23 =	simm.s32 $0x12080;
	[dreg:$0x12] =	wrdreg s1;
	s1 =	sshrl.u32 s12, $0x5  }
0x28: {  	s26 =	simm.s32 $0x5;
	[dreg:$0x13] =	wrdreg s1;
	s1 =	sshrl.u32 s16, $0x5  }
0x29: {  	s16 =	simm.s32 $0xE080;
	[dreg:$0x15] =	wrdreg s1;
	s1 =	simm.s32 $0x0  }
.LBB2_1:
0x2a: {  	[smem:$0x7FB] =	sst s1  }
0x2b: {  	s0 =	rddreg [dreg:$0x1];
	s6 =	simm.s32 $0xF  }
0x2c: {  	[tilespmem:s4], [sflag:$0xF] =	stream.linear.gather [hbm4b:s0+s4], $0x80, $0x38;
	[tilespmem:$0x1E080] =	vst v63  }
0x2d: {  	_ =	swait.ge [sflag:s6], $0x80  }
0x2e: {  	[sflag:s6] =	ssyncset.done $0x0  }
0x2f: {  	s8 =	rddreg [dreg:$0x6];
	[sflag:s6] =	ssyncadd.s32 $0xFFFFFF80  }
0x30: {  	[tilespmem:s7], [sflag:$0xF] =	stream.linear.gather [hbm4b:s8+s4], $0x2000, $0x38;
	[tilespmem:$0x1E080] =	vst v63  }
0x31: {  	_ =	swait.ge [sflag:s6], $0x2000  }
0x32: {  	[sflag:s6] =	ssyncset.done $0x0  }
0x33: {  	s1 =	rddreg [dreg:$0x16];
	[sflag:s6] =	ssyncadd.s32 $0xFFFFE000  }
0x34: {  	v0 =	vld [tilespmem:s1+$0x0]  }
0x35: {  	v1 =	vld [tilespmem:$0x80]  }
0x36: {  	v2 =	vld [tilespmem:$0x90]  }
0x37: {  	v3 =	vld [tilespmem:$0xA0]  }
0x38: {  	v4 =	vld [tilespmem:$0xB0]  }
0x39: {  	v5 =	vld [tilespmem:$0xC0]  }
0x3a: {  	v6 =	vld [tilespmem:$0xD0];
	v1 =	vadd.s32 v0, v1  }
0x3b: {  	v9 =	vld [tilespmem:$0xE0];
	v8 =	vadd.s32 v0, v2;
	[tilespmem:$0x80] =	vst v1  }
0x3c: {  	v11 =	vld [tilespmem:$0xF0];
	v10 =	vadd.s32 v0, v3;
	[tilespmem:$0x90] =	vst v8  }
0x3d: {  	v12 =	vadd.s32 v0, v4;
	[tilespmem:$0xA0] =	vst v10  }
0x3e: {  	v13 =	vadd.s32 v0, v5;
	[tilespmem:$0xB0] =	vst v12  }
0x3f: {  	v14 =	vadd.s32 v0, v6;
	[tilespmem:$0xC0] =	vst v13  }
0x40: {  	v15 =	vadd.s32 v0, v9;
	[tilespmem:$0xD0] =	vst v14  }
0x41: {  	v0 =	vadd.s32 v0, v11;
	[tilespmem:$0xE0] =	vst v15  }
0x42: {  	s6 =	simm.s32 $0x2080;
	[tilespmem:$0xF0] =	vst v0  }
0x43: {  	[tilespmem:s6], [sflag:$0x1] =	stream.indirect.gather [hbm4b:s3+s7], $0x80, s7, s7, $0xb8;
	[tilespmem:$0x1E080] =	vst v63  }
0x44: {  	v0 =	vld [tilespmem:s1+$0x0]  }
0x45: {  	v16 =	vld [tilespmem:$0x100]  }
0x46: {  	v17 =	vld [tilespmem:$0x110]  }
0x47: {  	v18 =	vld [tilespmem:$0x120]  }
0x48: {  	v19 =	vld [tilespmem:$0x130]  }
0x49: {  	v20 =	vld [tilespmem:$0x140]  }
0x4a: {  	v21 =	vld [tilespmem:$0x150];
	v1 =	vadd.s32 v0, v16  }
0x4b: {  	v23 =	vld [tilespmem:$0x160];
	v22 =	vadd.s32 v0, v17;
	[tilespmem:$0x100] =	vst v1  }
0x4c: {  	v25 =	vld [tilespmem:$0x170];
	v24 =	vadd.s32 v0, v18;
	[tilespmem:$0x110] =	vst v22  }
0x4d: {  	v26 =	vadd.s32 v0, v19;
	[tilespmem:$0x120] =	vst v24  }
0x4e: {  	v27 =	vadd.s32 v0, v20;
	[tilespmem:$0x130] =	vst v26  }
0x4f: {  	v28 =	vadd.s32 v0, v21;
	[tilespmem:$0x140] =	vst v27  }
0x50: {  	v29 =	vadd.s32 v0, v23;
	[tilespmem:$0x150] =	vst v28  }
0x51: {  	v0 =	vadd.s32 v0, v25;
	[tilespmem:$0x160] =	vst v29  }
0x52: {  	s9 =	simm.s32 $0x100;
	s2 =	simm.s32 $0x6080;
	[tilespmem:$0x170] =	vst v0  }
0x53: {  	[tilespmem:s2], [sflag:$0x2] =	stream.indirect.gather [hbm4b:s3+s7], $0x80, s9, s7, $0xb8;
	[tilespmem:$0x1E080] =	vst v63  }
0x54: {  	v0 =	vld [tilespmem:s1+$0x0]  }
0x55: {  	v30 =	vld [tilespmem:$0x180]  }
0x56: {  	v31 =	vld [tilespmem:$0x190]  }
0x57: {  	v32 =	vld [tilespmem:$0x1A0]  }
0x58: {  	v33 =	vld [tilespmem:$0x1B0]  }
0x59: {  	v34 =	vld [tilespmem:$0x1C0]  }
0x5a: {  	v35 =	vld [tilespmem:$0x1D0];
	v1 =	vadd.s32 v0, v30  }
0x5b: {  	v37 =	vld [tilespmem:$0x1E0];
	v36 =	vadd.s32 v0, v31;
	[tilespmem:$0x180] =	vst v1  }
0x5c: {  	v39 =	vld [tilespmem:$0x1F0];
	v38 =	vadd.s32 v0, v32;
	[tilespmem:$0x190] =	vst v36  }
0x5d: {  	v40 =	vadd.s32 v0, v33;
	[tilespmem:$0x1A0] =	vst v38  }
0x5e: {  	v41 =	vadd.s32 v0, v34;
	[tilespmem:$0x1B0] =	vst v40  }
0x5f: {  	v42 =	vadd.s32 v0, v35;
	[tilespmem:$0x1C0] =	vst v41  }
0x60: {  	v43 =	vadd.s32 v0, v37;
	[tilespmem:$0x1D0] =	vst v42  }
0x61: {  	v0 =	vadd.s32 v0, v39;
	[tilespmem:$0x1E0] =	vst v43  }
0x62: {  	s10 =	simm.s32 $0x180;
	s5 =	simm.s32 $0xA080;
	[tilespmem:$0x1F0] =	vst v0  }
0x63: {  	[tilespmem:s5], [sflag:$0x3] =	stream.indirect.gather [hbm4b:s3+s7], $0x80, s10, s7, $0xb8;
	[tilespmem:$0x1E080] =	vst v63  }
0x64: {  	v0 =	vld [tilespmem:s1+$0x0]  }
0x65: {  	v44 =	vld [tilespmem:$0x200]  }
0x66: {  	v45 =	vld [tilespmem:$0x210]  }
0x67: {  	v46 =	vld [tilespmem:$0x220]  }
0x68: {  	v47 =	vld [tilespmem:$0x230]  }
0x69: {  	v48 =	vld [tilespmem:$0x240]  }
0x6a: {  	v49 =	vld [tilespmem:$0x250];
	v1 =	vadd.s32 v0, v44  }
0x6b: {  	v51 =	vld [tilespmem:$0x260];
	v50 =	vadd.s32 v0, v45;
	[tilespmem:$0x200] =	vst v1  }
0x6c: {  	v53 =	vld [tilespmem:$0x270];
	v52 =	vadd.s32 v0, v46;
	[tilespmem:$0x210] =	vst v50  }
0x6d: {  	v54 =	vadd.s32 v0, v47;
	[tilespmem:$0x220] =	vst v52  }
0x6e: {  	v55 =	vadd.s32 v0, v48;
	[tilespmem:$0x230] =	vst v54  }
0x6f: {  	v56 =	vadd.s32 v0, v49;
	[tilespmem:$0x240] =	vst v55  }
0x70: {  	v57 =	vadd.s32 v0, v51;
	[tilespmem:$0x250] =	vst v56  }
0x71: {  	v0 =	vadd.s32 v0, v53;
	[tilespmem:$0x260] =	vst v57  }
0x72: {  	s11 =	simm.s32 $0x200;
	s8 =	simm.s32 $0xE080;
	[tilespmem:$0x270] =	vst v0  }
0x73: {  	[tilespmem:s8], [sflag:$0x4] =	stream.indirect.gather [hbm4b:s3+s7], $0x80, s11, s7, $0xb8;
	[tilespmem:$0x1E080] =	vst v63  }
0x74: {  	v0 =	vld [tilespmem:s1+$0x0]  }
0x75: {  	v58 =	vld [tilespmem:$0x280]  }
0x76: {  	v59 =	vld [tilespmem:$0x290]  }
0x77: {  	v60 =	vld [tilespmem:$0x2A0]  }
0x78: {  	v61 =	vld [tilespmem:$0x2B0]  }
0x79: {  	v62 =	vld [tilespmem:$0x2C0]  }
0x7a: {  	v63 =	vld [tilespmem:$0x2D0];
	v1 =	vadd.s32 v0, v58  }
0x7b: {  	v8 =	vld [tilespmem:$0x2E0];
	v7 =	vadd.s32 v0, v59;
	[tilespmem:$0x280] =	vst v1  }
0x7c: {  	v10 =	vld [tilespmem:$0x2F0];
	v9 =	vadd.s32 v0, v60;
	[tilespmem:$0x290] =	vst v7  }
0x7d: {  	v11 =	vadd.s32 v0, v61;
	[tilespmem:$0x2A0] =	vst v9  }
0x7e: {  	v12 =	vadd.s32 v0, v62;
	[tilespmem:$0x2B0] =	vst v11  }
0x7f: {  	v13 =	vadd.s32 v0, v63;
	[tilespmem:$0x2C0] =	vst v12  }
0x80: {  	v14 =	vadd.s32 v0, v8;
	[tilespmem:$0x2D0] =	vst v13  }
0x81: {  	v0 =	vadd.s32 v0, v10;
	[tilespmem:$0x2E0] =	vst v14  }
0x82: {  	s12 =	simm.s32 $0x280;
	s9 =	simm.s32 $0x12080;
	[tilespmem:$0x2F0] =	vst v0  }
0x83: {  	[tilespmem:s9], [sflag:$0x5] =	stream.indirect.gather [hbm4b:s3+s7], $0x80, s12, s7, $0xb8;
	[tilespmem:$0x1E080] =	vst v63  }
0x84: {  	v0 =	vld [tilespmem:s1+$0x0]  }
0x85: {  	v15 =	vld [tilespmem:$0x300]  }
0x86: {  	v16 =	vld [tilespmem:$0x310]  }
0x87: {  	v17 =	vld [tilespmem:$0x320]  }
0x88: {  	v18 =	vld [tilespmem:$0x330]  }
0x89: {  	v19 =	vld [tilespmem:$0x340]  }
0x8a: {  	v20 =	vld [tilespmem:$0x350];
	v1 =	vadd.s32 v0, v15  }
0x8b: {  	v22 =	vld [tilespmem:$0x360];
	v21 =	vadd.s32 v0, v16;
	[tilespmem:$0x300] =	vst v1  }
0x8c: {  	v24 =	vld [tilespmem:$0x370];
	v23 =	vadd.s32 v0, v17;
	[tilespmem:$0x310] =	vst v21  }
0x8d: {  	v25 =	vadd.s32 v0, v18;
	[tilespmem:$0x320] =	vst v23  }
0x8e: {  	v26 =	vadd.s32 v0, v19;
	[tilespmem:$0x330] =	vst v25  }
0x8f: {  	v27 =	vadd.s32 v0, v20;
	[tilespmem:$0x340] =	vst v26  }
0x90: {  	v28 =	vadd.s32 v0, v22;
	[tilespmem:$0x350] =	vst v27  }
0x91: {  	v0 =	vadd.s32 v0, v24;
	[tilespmem:$0x360] =	vst v28  }
0x92: {  	s13 =	simm.s32 $0x300;
	s10 =	simm.s32 $0x16080;
	[tilespmem:$0x370] =	vst v0  }
0x93: {  	[tilespmem:s10], [sflag:$0x6] =	stream.indirect.gather [hbm4b:s3+s7], $0x80, s13, s7, $0xb8;
	[tilespmem:$0x1E080] =	vst v63  }
0x94: {  	_ =	swait.ge [sflag:s14], $0x4000  }
0x95: {  	[sflag:s14] =	ssyncset.done $0x0  }
0x96: {  	s15 =	rddreg [dreg:$0x5];
	[sflag:s14] =	ssyncadd.s32 $0xFFFFC000  }
0x97: {  	[hbm4b:s15+s4] =	stream.linear.scatter [tilespmem:s6], [sflag:$0x8], $0x4000, $0x38;
	[tilespmem:$0x1E080] =	vst v63  }
0x98: {  	v29 =	vld [tilespmem:s1+$0x0]  }
0x99: {  	v30 =	vld [tilespmem:$0x380]  }
0x9a: {  	v31 =	vld [tilespmem:$0x390]  }
0x9b: {  	v32 =	vld [tilespmem:$0x3A0]  }
0x9c: {  	v33 =	vld [tilespmem:$0x3B0]  }
0x9d: {  	v34 =	vld [tilespmem:$0x3C0]  }
0x9e: {  	v35 =	vld [tilespmem:$0x3D0];
	v1 =	vadd.s32 v29, v30  }
0x9f: {  	v37 =	vld [tilespmem:$0x3E0];
	v36 =	vadd.s32 v29, v31;
	[tilespmem:$0x380] =	vst v1  }
0xa0: {  	v39 =	vld [tilespmem:$0x3F0];
	v38 =	vadd.s32 v29, v32;
	[tilespmem:$0x390] =	vst v36  }
0xa1: {  	v40 =	vadd.s32 v29, v33;
	[tilespmem:$0x3A0] =	vst v38  }
0xa2: {  	v41 =	vadd.s32 v29, v34;
	[tilespmem:$0x3B0] =	vst v40  }
0xa3: {  	v42 =	vadd.s32 v29, v35;
	[tilespmem:$0x3C0] =	vst v41  }
0xa4: {  	v43 =	vadd.s32 v29, v37;
	[tilespmem:$0x3D0] =	vst v42  }
0xa5: {  	v0 =	vadd.s32 v29, v39;
	[tilespmem:$0x3E0] =	vst v43  }
0xa6: {  	s22 =	simm.s32 $0x380;
	s11 =	simm.s32 $0x1A080;
	s12 =	simm.s32 $0x2;
	[tilespmem:$0x3F0] =	vst v0  }
0xa7: {  	[tilespmem:s11], [sflag:$0x7] =	stream.indirect.gather [hbm4b:s3+s7], $0x80, s22, s7, $0xb8;
	[tilespmem:$0x1E080] =	vst v63  }
0xa8: {  	_ =	swait.ge [sflag:s12], $0x4000  }
0xa9: {  	[sflag:s12] =	ssyncset.done $0x0  }
0xaa: {  	s13 =	rddreg [dreg:$0x7];
	[sflag:s12] =	ssyncadd.s32 $0xFFFFC000  }
0xab: {  	[hbm4b:s13+s4] =	stream.linear.scatter [tilespmem:s2], [sflag:$0x9], $0x4000, $0x38;
	[tilespmem:$0x1E080] =	vst v63  }
0xac: {  	v44 =	vld [tilespmem:s1+$0x0]  }
0xad: {  	v45 =	vld [tilespmem:$0x400]  }
0xae: {  	v46 =	vld [tilespmem:$0x410]  }
0xaf: {  	v47 =	vld [tilespmem:$0x420]  }
0xb0: {  	v48 =	vld [tilespmem:$0x430]  }
0xb1: {  	v49 =	vld [tilespmem:$0x440]  }
0xb2: {  	v50 =	vld [tilespmem:$0x450];
	v1 =	vadd.s32 v44, v45  }
0xb3: {  	v52 =	vld [tilespmem:$0x460];
	v51 =	vadd.s32 v44, v46;
	[tilespmem:$0x400] =	vst v1  }
0xb4: {  	v54 =	vld [tilespmem:$0x470];
	v53 =	vadd.s32 v44, v47;
	[tilespmem:$0x410] =	vst v51  }
0xb5: {  	v55 =	vadd.s32 v44, v48;
	[tilespmem:$0x420] =	vst v53  }
0xb6: {  	v56 =	vadd.s32 v44, v49;
	[tilespmem:$0x430] =	vst v55  }
0xb7: {  	v57 =	vadd.s32 v44, v50;
	[tilespmem:$0x440] =	vst v56  }
0xb8: {  	v58 =	vadd.s32 v44, v52;
	[tilespmem:$0x450] =	vst v57  }
0xb9: {  	v0 =	vadd.s32 v44, v54;
	[tilespmem:$0x460] =	vst v58  }
0xba: {  	[tilespmem:$0x470] =	vst v0  }
0xbb: {  	_ =	swait.ge [sflag:s17], $0x4000  }
0xbc: {  	[sflag:s17] =	ssyncset.done $0x0  }
0xbd: {  	s15 =	simm.s32 $0x400;
	s22 =	simm.s32 $0x3;
	[sflag:s17] =	ssyncadd.s32 $0xFFFFC000  }
0xbe: {  	[tilespmem:s6], [sflag:$0x1] =	stream.indirect.gather [hbm4b:s3+s7], $0x80, s15, s7, $0xb8;
	[tilespmem:$0x1E080] =	vst v63  }
0xbf: {  	_ =	swait.ge [sflag:s22], $0x4000  }
0xc0: {  	[sflag:s22] =	ssyncset.done $0x0  }
0xc1: {  	s6 =	rddreg [dreg:$0x8];
	[sflag:s22] =	ssyncadd.s32 $0xFFFFC000  }
0xc2: {  	[hbm4b:s6+s4] =	stream.linear.scatter [tilespmem:s5], [sflag:$0xA], $0x4000, $0x38;
	[tilespmem:$0x1E080] =	vst v63  }
0xc3: {  	v59 =	vld [tilespmem:s1+$0x0]  }
0xc4: {  	v60 =	vld [tilespmem:$0x480]  }
0xc5: {  	v61 =	vld [tilespmem:$0x490]  }
0xc6: {  	v62 =	vld [tilespmem:$0x4A0]  }
0xc7: {  	v63 =	vld [tilespmem:$0x4B0]  }
0xc8: {  	v9 =	vld [tilespmem:$0x4C0]  }
0xc9: {  	v10 =	vld [tilespmem:$0x4D0];
	v1 =	vadd.s32 v59, v60  }
0xca: {  	v12 =	vld [tilespmem:$0x4E0];
	v11 =	vadd.s32 v59, v61;
	[tilespmem:$0x480] =	vst v1  }
0xcb: {  	v14 =	vld [tilespmem:$0x4F0];
	v13 =	vadd.s32 v59, v62;
	[tilespmem:$0x490] =	vst v11  }
0xcc: {  	v15 =	vadd.s32 v59, v63;
	[tilespmem:$0x4A0] =	vst v13  }
0xcd: {  	v16 =	vadd.s32 v59, v9;
	[tilespmem:$0x4B0] =	vst v15  }
0xce: {  	v17 =	vadd.s32 v59, v10;
	[tilespmem:$0x4C0] =	vst v16  }
0xcf: {  	v18 =	vadd.s32 v59, v12;
	[tilespmem:$0x4D0] =	vst v17  }
0xd0: {  	v0 =	vadd.s32 v59, v14;
	[tilespmem:$0x4E0] =	vst v18  }
0xd1: {  	s12 =	simm.s32 $0x9;
	[tilespmem:$0x4F0] =	vst v0  }
0xd2: {  	_ =	swait.ge [sflag:s12], $0x4000  }
0xd3: {  	[sflag:s12] =	ssyncset.done $0x0  }
0xd4: {  	s13 =	simm.s32 $0x480;
	s15 =	simm.s32 $0x4;
	[sflag:s12] =	ssyncadd.s32 $0xFFFFC000  }
0xd5: {  	[tilespmem:s2], [sflag:$0x2] =	stream.indirect.gather [hbm4b:s3+s7], $0x80, s13, s7, $0xb8;
	[tilespmem:$0x1E080] =	vst v63  }
0xd6: {  	_ =	swait.ge [sflag:s15], $0x4000  }
0xd7: {  	[sflag:s15] =	ssyncset.done $0x0  }
0xd8: {  	s22 =	rddreg [dreg:$0x9];
	[sflag:s15] =	ssyncadd.s32 $0xFFFFC000  }
0xd9: {  	[hbm4b:s22+s4] =	stream.linear.scatter [tilespmem:s8], [sflag:$0xB], $0x4000, $0x38;
	[tilespmem:$0x1E080] =	vst v63  }
0xda: {  	v19 =	vld [tilespmem:s1+$0x0]  }
0xdb: {  	v20 =	vld [tilespmem:$0x500]  }
0xdc: {  	v21 =	vld [tilespmem:$0x510]  }
0xdd: {  	v22 =	vld [tilespmem:$0x520]  }
0xde: {  	v23 =	vld [tilespmem:$0x530]  }
0xdf: {  	v24 =	vld [tilespmem:$0x540]  }
0xe0: {  	v25 =	vld [tilespmem:$0x550];
	v1 =	vadd.s32 v19, v20  }
0xe1: {  	v27 =	vld [tilespmem:$0x560];
	v26 =	vadd.s32 v19, v21;
	[tilespmem:$0x500] =	vst v1  }
0xe2: {  	v29 =	vld [tilespmem:$0x570];
	v28 =	vadd.s32 v19, v22;
	[tilespmem:$0x510] =	vst v26  }
0xe3: {  	v30 =	vadd.s32 v19, v23;
	[tilespmem:$0x520] =	vst v28  }
0xe4: {  	v31 =	vadd.s32 v19, v24;
	[tilespmem:$0x530] =	vst v30  }
0xe5: {  	v32 =	vadd.s32 v19, v25;
	[tilespmem:$0x540] =	vst v31  }
0xe6: {  	v33 =	vadd.s32 v19, v27;
	[tilespmem:$0x550] =	vst v32  }
0xe7: {  	v0 =	vadd.s32 v19, v29;
	[tilespmem:$0x560] =	vst v33  }
0xe8: {  	[tilespmem:$0x570] =	vst v0  }
0xe9: {  	_ =	swait.ge [sflag:s25], $0x4000  }
0xea: {  	[sflag:s25] =	ssyncset.done $0x0  }
0xeb: {  	s2 =	simm.s32 $0x500;
	[sflag:s25] =	ssyncadd.s32 $0xFFFFC000  }
0xec: {  	[tilespmem:s5], [sflag:$0x3] =	stream.indirect.gather [hbm4b:s3+s7], $0x80, s2, s7, $0xb8;
	[tilespmem:$0x1E080] =	vst v63  }
0xed: {  	_ =	swait.ge [sflag:s26], $0x4000  }
0xee: {  	[sflag:s26] =	ssyncset.done $0x0  }
0xef: {  	s6 =	rddreg [dreg:$0x1a];
	[sflag:s26] =	ssyncadd.s32 $0xFFFFC000  }
0xf0: {  	[hbm4b:s6+s4] =	stream.linear.scatter [tilespmem:s9], [sflag:$0xC], $0x4000, $0x38;
	[tilespmem:$0x1E080] =	vst v63  }
0xf1: {  	v34 =	vld [tilespmem:s1+$0x0]  }
0xf2: {  	v35 =	vld [tilespmem:$0x580]  }
0xf3: {  	v36 =	vld [tilespmem:$0x590]  }
0xf4: {  	v37 =	vld [tilespmem:$0x5A0]  }
0xf5: {  	v38 =	vld [tilespmem:$0x5B0]  }
0xf6: {  	v39 =	vld [tilespmem:$0x5C0]  }
0xf7: {  	v40 =	vld [tilespmem:$0x5D0];
	v1 =	vadd.s32 v34, v35  }
0xf8: {  	v42 =	vld [tilespmem:$0x5E0];
	v41 =	vadd.s32 v34, v36;
	[tilespmem:$0x580] =	vst v1  }
0xf9: {  	v44 =	vld [tilespmem:$0x5F0];
	v43 =	vadd.s32 v34, v37;
	[tilespmem:$0x590] =	vst v41  }
0xfa: {  	v45 =	vadd.s32 v34, v38;
	[tilespmem:$0x5A0] =	vst v43  }
0xfb: {  	v46 =	vadd.s32 v34, v39;
	[tilespmem:$0x5B0] =	vst v45  }
0xfc: {  	v47 =	vadd.s32 v34, v40;
	[tilespmem:$0x5C0] =	vst v46  }
0xfd: {  	v48 =	vadd.s32 v34, v42;
	[tilespmem:$0x5D0] =	vst v47  }
0xfe: {  	v0 =	vadd.s32 v34, v44;
	[tilespmem:$0x5E0] =	vst v48  }
0xff: {  	[tilespmem:$0x5F0] =	vst v0  }
0x100: {  	_ =	swait.ge [sflag:s19], $0x4000  }
0x101: {  	[sflag:s19] =	ssyncset.done $0x0  }
0x102: {  	s12 =	simm.s32 $0x580;
	[sflag:s19] =	ssyncadd.s32 $0xFFFFC000  }
0x103: {  	[tilespmem:s8], [sflag:$0x4] =	stream.indirect.gather [hbm4b:s3+s7], $0x80, s12, s7, $0xb8;
	[tilespmem:$0x1E080] =	vst v63  }
0x104: {  	_ =	swait.ge [sflag:s28], $0x4000  }
0x105: {  	[sflag:s28] =	ssyncset.done $0x0  }
0x106: {  	s13 =	rddreg [dreg:$0x1b];
	[sflag:s28] =	ssyncadd.s32 $0xFFFFC000  }
0x107: {  	[hbm4b:s13+s4] =	stream.linear.scatter [tilespmem:s10], [sflag:$0xD], $0x4000, $0x38;
	[tilespmem:$0x1E080] =	vst v63  }
0x108: {  	v49 =	vld [tilespmem:s1+$0x0]  }
0x109: {  	v50 =	vld [tilespmem:$0x600]  }
0x10a: {  	v51 =	vld [tilespmem:$0x610]  }
0x10b: {  	v52 =	vld [tilespmem:$0x620]  }
0x10c: {  	v53 =	vld [tilespmem:$0x630]  }
0x10d: {  	v54 =	vld [tilespmem:$0x640]  }
0x10e: {  	v55 =	vld [tilespmem:$0x650];
	v1 =	vadd.s32 v49, v50  }
0x10f: {  	v57 =	vld [tilespmem:$0x660];
	v56 =	vadd.s32 v49, v51;
	[tilespmem:$0x600] =	vst v1  }
0x110: {  	v59 =	vld [tilespmem:$0x670];
	v58 =	vadd.s32 v49, v52;
	[tilespmem:$0x610] =	vst v56  }
0x111: {  	v60 =	vadd.s32 v49, v53;
	[tilespmem:$0x620] =	vst v58  }
0x112: {  	v61 =	vadd.s32 v49, v54;
	[tilespmem:$0x630] =	vst v60  }
0x113: {  	v62 =	vadd.s32 v49, v55;
	[tilespmem:$0x640] =	vst v61  }
0x114: {  	v63 =	vadd.s32 v49, v57;
	[tilespmem:$0x650] =	vst v62  }
0x115: {  	v0 =	vadd.s32 v49, v59;
	[tilespmem:$0x660] =	vst v63  }
0x116: {  	[tilespmem:$0x670] =	vst v0  }
0x117: {  	_ =	swait.ge [sflag:s20], $0x4000  }
0x118: {  	[sflag:s20] =	ssyncset.done $0x0  }
0x119: {  	s15 =	simm.s32 $0x600;
	[sflag:s20] =	ssyncadd.s32 $0xFFFFC000  }
0x11a: {  	[tilespmem:s9], [sflag:$0x5] =	stream.indirect.gather [hbm4b:s3+s7], $0x80, s15, s7, $0xb8;
	[tilespmem:$0x1E080] =	vst v63  }
0x11b: {  	_ =	swait.ge [sflag:s29], $0x4000  }
0x11c: {  	s22 =	rddreg [dreg:$0x1c]  }
0x11d: {  	s0 =	rddreg [dreg:$0x15]  }
0x11e: {  	s2 =	rddreg [dreg:$0x14]  }
0x11f: {  	s1 =	rddreg [dreg:$0x13]  }
0x120: {  	s5 =	rddreg [dreg:$0x12]  }
0x121: {  	s6 =	rddreg [dreg:$0x11]  }
0x122: {  	[sflag:s29] =	ssyncset.done $0x0;
	s31 =	rddreg [dreg:$0x10]  }
0x123: {  	s9 =	rddreg [dreg:$0xe];
	[sflag:s29] =	ssyncadd.s32 $0xFFFFC000  }
0x124: {  	[hbm4b:s22+s4] =	stream.linear.scatter [tilespmem:s11], [sflag:$0xE], $0x4000, $0x38;
	[tilespmem:$0x1E080] =	vst v63  }
0x125: {  	s10 =	simm.s32 $0x0;
	s22 =	rddreg [dreg:$0xf]  }
.LBB2_2:
0x126: {  	s11 =	sand.u32 $0x1C0, s22  }
0x127: {  	s11 =	sshrl.u32 s11, $0x2  }
0x128: {  	v0 =	vld [tilespmem:s11+$0x0];
	s11 =	sshra.s32 s10, $0x2  }
0x129: {  	v1 =	vld [tilespmem:s11+$0x680]  }
0x12a: {  	v2 =	vld [tilespmem:s11+$0x690]  }
0x12b: {  	v3 =	vld [tilespmem:s11+$0x6A0]  }
0x12c: {  	v4 =	vld [tilespmem:s11+$0x6B0]  }
0x12d: {  	v5 =	vld [tilespmem:s11+$0x6C0]  }
0x12e: {  	v6 =	vld [tilespmem:s11+$0x6D0];
	v1 =	vadd.s32 v0, v1  }
0x12f: {  	v22 =	vld [tilespmem:s11+$0x6E0];
	v21 =	vadd.s32 v0, v2;
	[tilespmem:s11+$0x680] =	vst v1  }
0x130: {  	v24 =	vld [tilespmem:s11+$0x6F0];
	v23 =	vadd.s32 v0, v3;
	[tilespmem:s11+$0x690] =	vst v21  }
0x131: {  	v25 =	vadd.s32 v0, v4;
	[tilespmem:s11+$0x6A0] =	vst v23  }
0x132: {  	v26 =	vadd.s32 v0, v5;
	[tilespmem:s11+$0x6B0] =	vst v25  }
0x133: {  	v27 =	vadd.s32 v0, v6;
	[tilespmem:s11+$0x6C0] =	vst v26  }
0x134: {  	v28 =	vadd.s32 v0, v22;
	[tilespmem:s11+$0x6D0] =	vst v27  }
0x135: {  	v0 =	vadd.s32 v0, v24;
	[tilespmem:s11+$0x6E0] =	vst v28  }
0x136: {  	[tilespmem:s11+$0x6F0] =	vst v0  }
0x137: {  	_ =	swait.ge [sflag:s30], $0x4000  }
0x138: {  	[sflag:s30] =	ssyncset.done $0x0  }
0x139: {  	s12 =	sadd.s32 $0x680, s11;
	[sflag:s30] =	ssyncadd.s32 $0xFFFFC000  }
0x13a: {  	[tilespmem:s18], [sflag:$0x6] =	stream.indirect.gather [hbm4b:s3+s7], $0x80, s12, s7, $0xb8;
	[tilespmem:$0x1E080] =	vst v63  }
0x13b: {  	_ =	swait.ge [sflag:s14], $0x4000  }
0x13c: {  	s15 =	sand.u32 $0x1C0, s2;
	[sflag:s14] =	ssyncset.done $0x0  }
0x13d: {  	s8 =	simm.s32 $0x2080;
	s12 =	sshrl.u32 s15, $0x2;
	[sflag:s14] =	ssyncadd.s32 $0xFFFFC000  }
0x13e: {  	[hbm4b:s9+s4] =	stream.linear.scatter [tilespmem:s8], [sflag:$0x8], $0x4000, $0x38;
	[tilespmem:$0x1E080] =	vst v63  }
0x13f: {  	v29 =	vld [tilespmem:s12+$0x0]  }
0x140: {  	v30 =	vld [tilespmem:s11+$0x700]  }
0x141: {  	v31 =	vld [tilespmem:s11+$0x710]  }
0x142: {  	v32 =	vld [tilespmem:s11+$0x720]  }
0x143: {  	v33 =	vld [tilespmem:s11+$0x730]  }
0x144: {  	v34 =	vld [tilespmem:s11+$0x740]  }
0x145: {  	v35 =	vld [tilespmem:s11+$0x750];
	v1 =	vadd.s32 v29, v30  }
0x146: {  	v37 =	vld [tilespmem:s11+$0x760];
	v36 =	vadd.s32 v29, v31;
	[tilespmem:s11+$0x700] =	vst v1  }
0x147: {  	v39 =	vld [tilespmem:s11+$0x770];
	v38 =	vadd.s32 v29, v32;
	[tilespmem:s11+$0x710] =	vst v36  }
0x148: {  	v40 =	vadd.s32 v29, v33;
	[tilespmem:s11+$0x720] =	vst v38  }
0x149: {  	v41 =	vadd.s32 v29, v34;
	[tilespmem:s11+$0x730] =	vst v40  }
0x14a: {  	v42 =	vadd.s32 v29, v35;
	[tilespmem:s11+$0x740] =	vst v41  }
0x14b: {  	v43 =	vadd.s32 v29, v37;
	[tilespmem:s11+$0x750] =	vst v42  }
0x14c: {  	v0 =	vadd.s32 v29, v39;
	[tilespmem:s11+$0x760] =	vst v43  }
0x14d: {  	[tilespmem:s11+$0x770] =	vst v0  }
0x14e: {  	_ =	swait.ge [sflag:s21], $0x4000  }
0x14f: {  	[sflag:s21] =	ssyncset.done $0x0  }
0x150: {  	s13 =	sadd.s32 $0x700, s11;
	s15 =	simm.s32 $0x2;
	[sflag:s21] =	ssyncadd.s32 $0xFFFFC000  }
0x151: {  	[tilespmem:s24], [sflag:$0x7] =	stream.indirect.gather [hbm4b:s3+s7], $0x80, s13, s7, $0xb8;
	[tilespmem:$0x1E080] =	vst v63  }
0x152: {  	_ =	swait.ge [sflag:s15], $0x4000  }
0x153: {  	[sflag:s15] =	ssyncset.done $0x0  }
0x154: {  	s13 =	sadd.s32 $0x800, s9;
	[sflag:s15] =	ssyncadd.s32 $0xFFFFC000;
	s15 =	simm.s32 $0x6080  }
0x155: {  	[hbm4b:s13+s4] =	stream.linear.scatter [tilespmem:s15], [sflag:$0x9], $0x4000, $0x38;
	[tilespmem:$0x1E080] =	vst v63  }
0x156: {  	s13 =	sand.u32 $0x1C0, s0  }
0x157: {  	s12 =	sshrl.u32 s13, $0x2;
	v45 =	vld [tilespmem:s11+$0x780]  }
0x158: {  	v44 =	vld [tilespmem:s12+$0x0]  }
0x159: {  	v46 =	vld [tilespmem:s11+$0x790]  }
0x15a: {  	v47 =	vld [tilespmem:s11+$0x7A0]  }
0x15b: {  	v48 =	vld [tilespmem:s11+$0x7B0]  }
0x15c: {  	v49 =	vld [tilespmem:s11+$0x7C0]  }
0x15d: {  	v50 =	vld [tilespmem:s11+$0x7D0];
	v1 =	vadd.s32 v44, v45  }
0x15e: {  	v52 =	vld [tilespmem:s11+$0x7E0];
	v51 =	vadd.s32 v44, v46;
	[tilespmem:s11+$0x780] =	vst v1  }
0x15f: {  	v54 =	vld [tilespmem:s11+$0x7F0];
	v53 =	vadd.s32 v44, v47;
	[tilespmem:s11+$0x790] =	vst v51  }
0x160: {  	v55 =	vadd.s32 v44, v48;
	[tilespmem:s11+$0x7A0] =	vst v53  }
0x161: {  	v56 =	vadd.s32 v44, v49;
	[tilespmem:s11+$0x7B0] =	vst v55  }
0x162: {  	v57 =	vadd.s32 v44, v50;
	[tilespmem:s11+$0x7C0] =	vst v56  }
0x163: {  	v58 =	vadd.s32 v44, v52;
	[tilespmem:s11+$0x7D0] =	vst v57  }
0x164: {  	v0 =	vadd.s32 v44, v54;
	[tilespmem:s11+$0x7E0] =	vst v58  }
0x165: {  	[tilespmem:s11+$0x7F0] =	vst v0  }
0x166: {  	_ =	swait.ge [sflag:s17], $0x4000  }
0x167: {  	[sflag:s17] =	ssyncset.done $0x0  }
0x168: {  	s13 =	sadd.s32 $0x780, s11;
	s12 =	simm.s32 $0x3;
	[sflag:s17] =	ssyncadd.s32 $0xFFFFC000  }
0x169: {  	[tilespmem:s8], [sflag:$0x1] =	stream.indirect.gather [hbm4b:s3+s7], $0x80, s13, s7, $0xb8;
	[tilespmem:$0x1E080] =	vst v63  }
0x16a: {  	_ =	swait.ge [sflag:s12], $0x4000  }
0x16b: {  	[sflag:s12] =	ssyncset.done $0x0  }
0x16c: {  	s13 =	sadd.s32 $0x1000, s9;
	s8 =	simm.s32 $0xA080;
	[sflag:s12] =	ssyncadd.s32 $0xFFFFC000  }
0x16d: {  	[hbm4b:s13+s4] =	stream.linear.scatter [tilespmem:s8], [sflag:$0xA], $0x4000, $0x38;
	[tilespmem:$0x1E080] =	vst v63  }
0x16e: {  	s13 =	sand.u32 $0x1C0, s1  }
0x16f: {  	s12 =	sshrl.u32 s13, $0x2;
	v60 =	vld [tilespmem:s11+$0x800]  }
0x170: {  	v59 =	vld [tilespmem:s12+$0x0]  }
0x171: {  	v61 =	vld [tilespmem:s11+$0x810]  }
0x172: {  	v62 =	vld [tilespmem:s11+$0x820]  }
0x173: {  	v63 =	vld [tilespmem:s11+$0x830]  }
0x174: {  	v9 =	vld [tilespmem:s11+$0x840]  }
0x175: {  	v10 =	vld [tilespmem:s11+$0x850];
	v1 =	vadd.s32 v59, v60  }
0x176: {  	v12 =	vld [tilespmem:s11+$0x860];
	v11 =	vadd.s32 v59, v61;
	[tilespmem:s11+$0x800] =	vst v1  }
0x177: {  	v14 =	vld [tilespmem:s11+$0x870];
	v13 =	vadd.s32 v59, v62;
	[tilespmem:s11+$0x810] =	vst v11  }
0x178: {  	v15 =	vadd.s32 v59, v63;
	[tilespmem:s11+$0x820] =	vst v13  }
0x179: {  	v16 =	vadd.s32 v59, v9;
	[tilespmem:s11+$0x830] =	vst v15  }
0x17a: {  	v17 =	vadd.s32 v59, v10;
	[tilespmem:s11+$0x840] =	vst v16  }
0x17b: {  	v18 =	vadd.s32 v59, v12;
	[tilespmem:s11+$0x850] =	vst v17  }
0x17c: {  	v0 =	vadd.s32 v59, v14;
	[tilespmem:s11+$0x860] =	vst v18  }
0x17d: {  	s13 =	simm.s32 $0x9;
	[tilespmem:s11+$0x870] =	vst v0  }
0x17e: {  	_ =	swait.ge [sflag:s13], $0x4000  }
0x17f: {  	[sflag:s13] =	ssyncset.done $0x0  }
0x180: {  	s12 =	sadd.s32 $0x800, s11;
	[sflag:s13] =	ssyncadd.s32 $0xFFFFC000  }
0x181: {  	[tilespmem:s15], [sflag:$0x2] =	stream.indirect.gather [hbm4b:s3+s7], $0x80, s12, s7, $0xb8;
	[tilespmem:$0x1E080] =	vst v63  }
0x182: {  	s15 =	simm.s32 $0x4  }
0x183: {  	_ =	swait.ge [sflag:s15], $0x4000  }
0x184: {  	[sflag:s15] =	ssyncset.done $0x0  }
0x185: {  	[sflag:s15] =	ssyncadd.s32 $0xFFFFC000;
	s15 =	sadd.s32 $0x1800, s9  }
0x186: {  	[hbm4b:s15+s4] =	stream.linear.scatter [tilespmem:s16], [sflag:$0xB], $0x4000, $0x38;
	[tilespmem:$0x1E080] =	vst v63  }
0x187: {  	s15 =	sand.u32 $0x1C0, s5  }
0x188: {  	s12 =	sshrl.u32 s15, $0x2;
	v20 =	vld [tilespmem:s11+$0x880]  }
0x189: {  	v19 =	vld [tilespmem:s12+$0x0]  }
0x18a: {  	v21 =	vld [tilespmem:s11+$0x890]  }
0x18b: {  	v22 =	vld [tilespmem:s11+$0x8A0]  }
0x18c: {  	v23 =	vld [tilespmem:s11+$0x8B0]  }
0x18d: {  	v24 =	vld [tilespmem:s11+$0x8C0]  }
0x18e: {  	v25 =	vld [tilespmem:s11+$0x8D0];
	v1 =	vadd.s32 v19, v20  }
0x18f: {  	v27 =	vld [tilespmem:s11+$0x8E0];
	v26 =	vadd.s32 v19, v21;
	[tilespmem:s11+$0x880] =	vst v1  }
0x190: {  	v29 =	vld [tilespmem:s11+$0x8F0];
	v28 =	vadd.s32 v19, v22;
	[tilespmem:s11+$0x890] =	vst v26  }
0x191: {  	v30 =	vadd.s32 v19, v23;
	[tilespmem:s11+$0x8A0] =	vst v28  }
0x192: {  	v31 =	vadd.s32 v19, v24;
	[tilespmem:s11+$0x8B0] =	vst v30  }
0x193: {  	v32 =	vadd.s32 v19, v25;
	[tilespmem:s11+$0x8C0] =	vst v31  }
0x194: {  	v33 =	vadd.s32 v19, v27;
	[tilespmem:s11+$0x8D0] =	vst v32  }
0x195: {  	v0 =	vadd.s32 v19, v29;
	[tilespmem:s11+$0x8E0] =	vst v33  }
0x196: {  	[tilespmem:s11+$0x8F0] =	vst v0  }
0x197: {  	_ =	swait.ge [sflag:s25], $0x4000  }
0x198: {  	[sflag:s25] =	ssyncset.done $0x0  }
0x199: {  	s12 =	sadd.s32 $0x880, s11;
	[sflag:s25] =	ssyncadd.s32 $0xFFFFC000  }
0x19a: {  	[tilespmem:s8], [sflag:$0x3] =	stream.indirect.gather [hbm4b:s3+s7], $0x80, s12, s7, $0xb8;
	[tilespmem:$0x1E080] =	vst v63  }
0x19b: {  	_ =	swait.ge [sflag:s26], $0x4000  }
0x19c: {  	[sflag:s26] =	ssyncset.done $0x0  }
0x19d: {  	s8 =	sadd.s32 $0x2000, s9;
	[sflag:s26] =	ssyncadd.s32 $0xFFFFC000  }
0x19e: {  	[hbm4b:s8+s4] =	stream.linear.scatter [tilespmem:s23], [sflag:$0xC], $0x4000, $0x38;
	[tilespmem:$0x1E080] =	vst v63  }
0x19f: {  	s8 =	sand.u32 $0x1C0, s6  }
0x1a0: {  	s12 =	sshrl.u32 s8, $0x2;
	v35 =	vld [tilespmem:s11+$0x900]  }
0x1a1: {  	v34 =	vld [tilespmem:s12+$0x0]  }
0x1a2: {  	v36 =	vld [tilespmem:s11+$0x910]  }
0x1a3: {  	v37 =	vld [tilespmem:s11+$0x920]  }
0x1a4: {  	v38 =	vld [tilespmem:s11+$0x930]  }
0x1a5: {  	v39 =	vld [tilespmem:s11+$0x940]  }
0x1a6: {  	v40 =	vld [tilespmem:s11+$0x950];
	v1 =	vadd.s32 v34, v35  }
0x1a7: {  	v42 =	vld [tilespmem:s11+$0x960];
	v41 =	vadd.s32 v34, v36;
	[tilespmem:s11+$0x900] =	vst v1  }
0x1a8: {  	v44 =	vld [tilespmem:s11+$0x970];
	v43 =	vadd.s32 v34, v37;
	[tilespmem:s11+$0x910] =	vst v41  }
0x1a9: {  	v45 =	vadd.s32 v34, v38;
	[tilespmem:s11+$0x920] =	vst v43  }
0x1aa: {  	v46 =	vadd.s32 v34, v39;
	[tilespmem:s11+$0x930] =	vst v45  }
0x1ab: {  	v47 =	vadd.s32 v34, v40;
	[tilespmem:s11+$0x940] =	vst v46  }
0x1ac: {  	v48 =	vadd.s32 v34, v42;
	[tilespmem:s11+$0x950] =	vst v47  }
0x1ad: {  	v0 =	vadd.s32 v34, v44;
	[tilespmem:s11+$0x960] =	vst v48  }
0x1ae: {  	[tilespmem:s11+$0x970] =	vst v0  }
0x1af: {  	_ =	swait.ge [sflag:s19], $0x4000  }
0x1b0: {  	[sflag:s19] =	ssyncset.done $0x0  }
0x1b1: {  	s12 =	sadd.s32 $0x900, s11;
	[sflag:s19] =	ssyncadd.s32 $0xFFFFC000  }
0x1b2: {  	[tilespmem:s16], [sflag:$0x4] =	stream.indirect.gather [hbm4b:s3+s7], $0x80, s12, s7, $0xb8;
	[tilespmem:$0x1E080] =	vst v63  }
0x1b3: {  	_ =	swait.ge [sflag:s28], $0x4000  }
0x1b4: {  	[sflag:s28] =	ssyncset.done $0x0  }
0x1b5: {  	s12 =	sadd.s32 $0x2800, s9;
	[sflag:s28] =	ssyncadd.s32 $0xFFFFC000  }
0x1b6: {  	[hbm4b:s12+s4] =	stream.linear.scatter [tilespmem:s18], [sflag:$0xD], $0x4000, $0x38;
	[tilespmem:$0x1E080] =	vst v63  }
0x1b7: {  	s12 =	sand.u32 $0x1C0, s31  }
0x1b8: {  	s12 =	sshrl.u32 s12, $0x2;
	v50 =	vld [tilespmem:s11+$0x980]  }
0x1b9: {  	v49 =	vld [tilespmem:s12+$0x0]  }
0x1ba: {  	v51 =	vld [tilespmem:s11+$0x990]  }
0x1bb: {  	v52 =	vld [tilespmem:s11+$0x9A0]  }
0x1bc: {  	v53 =	vld [tilespmem:s11+$0x9B0]  }
0x1bd: {  	v54 =	vld [tilespmem:s11+$0x9C0]  }
0x1be: {  	v55 =	vld [tilespmem:s11+$0x9D0];
	v1 =	vadd.s32 v49, v50  }
0x1bf: {  	v57 =	vld [tilespmem:s11+$0x9E0];
	v56 =	vadd.s32 v49, v51;
	[tilespmem:s11+$0x980] =	vst v1  }
0x1c0: {  	v59 =	vld [tilespmem:s11+$0x9F0];
	v58 =	vadd.s32 v49, v52;
	[tilespmem:s11+$0x990] =	vst v56  }
0x1c1: {  	v60 =	vadd.s32 v49, v53;
	[tilespmem:s11+$0x9A0] =	vst v58  }
0x1c2: {  	v61 =	vadd.s32 v49, v54;
	[tilespmem:s11+$0x9B0] =	vst v60  }
0x1c3: {  	v62 =	vadd.s32 v49, v55;
	[tilespmem:s11+$0x9C0] =	vst v61  }
0x1c4: {  	v63 =	vadd.s32 v49, v57;
	[tilespmem:s11+$0x9D0] =	vst v62  }
0x1c5: {  	v0 =	vadd.s32 v49, v59;
	[tilespmem:s11+$0x9E0] =	vst v63  }
0x1c6: {  	s22 =	sadd.s32 $0x1C, s22;
	p0 =	sne.s32 s10, $0x5400;
	[tilespmem:s11+$0x9F0] =	vst v0  }
0x1c7: {  	s2 =	sadd.s32 $0x1C, s2;
	s10 =	sadd.s32 $0xE00, s10;
	_ =	swait.ge [sflag:s20], $0x4000  }
0x1c8: {  	s0 =	sadd.s32 $0x1C, s0;
	s1 =	sadd.s32 $0x1C, s1;
	[sflag:s20] =	ssyncset.done $0x0  }
0x1c9: {  	s13 =	simm.s32 $0x6080;
	s11 =	sadd.s32 $0x980, s11;
	[sflag:s20] =	ssyncadd.s32 $0xFFFFC000  }
0x1ca: {  	[tilespmem:s23], [sflag:$0x5] =	stream.indirect.gather [hbm4b:s3+s7], $0x80, s11, s7, $0xb8;
	[tilespmem:$0x1E080] =	vst v63  }
.Ltmp0:
0x1cb: {  	s5 =	sadd.s32 $0x1C, s5;
	s15 =	simm.s32 $0xA080;
	(pc) =	sbr.rel @p0 .LBB2_2-.Ltmp0, $4  }
0x1cc: {  	s6 =	sadd.s32 $0x1C, s6;
	s8 =	simm.s32 $0xE080;
	_ =	swait.ge [sflag:s29], $0x4000  }
0x1cd: {  	s31 =	sadd.s32 $0x1C, s31;
	s12 =	simm.s32 $0x12080;
	[sflag:s29] =	ssyncset.done $0x0  }
0x1ce: {  	s11 =	sadd.s32 $0x3000, s9;
	s9 =	sadd.s32 $0x3800, s9;
	[sflag:s29] =	ssyncadd.s32 $0xFFFFC000  }
0x1cf: {  	[hbm4b:s11+s4] =	stream.linear.scatter [tilespmem:s24], [sflag:$0xE], $0x4000, $0x38;
	[tilespmem:$0x1E080] =	vst v63  }
0x1d0: {  	s0 =	rddreg [dreg:$0x17];
	v1 =	vld [tilespmem:$0x1F00]  }
0x1d1: {  	v0 =	vld [tilespmem:s0+$0x0]  }
0x1d2: {  	v2 =	vld [tilespmem:$0x1F10]  }
0x1d3: {  	v3 =	vld [tilespmem:$0x1F20]  }
0x1d4: {  	v4 =	vld [tilespmem:$0x1F30]  }
0x1d5: {  	v5 =	vld [tilespmem:$0x1F40]  }
0x1d6: {  	v6 =	vld [tilespmem:$0x1F50];
	v1 =	vadd.s32 v0, v1  }
0x1d7: {  	v27 =	vld [tilespmem:$0x1F60];
	v26 =	vadd.s32 v0, v2;
	[tilespmem:$0x1F00] =	vst v1  }
0x1d8: {  	v29 =	vld [tilespmem:$0x1F70];
	v28 =	vadd.s32 v0, v3;
	[tilespmem:$0x1F10] =	vst v26  }
0x1d9: {  	v30 =	vadd.s32 v0, v4;
	[tilespmem:$0x1F20] =	vst v28  }
0x1da: {  	v31 =	vadd.s32 v0, v5;
	[tilespmem:$0x1F30] =	vst v30  }
0x1db: {  	v32 =	vadd.s32 v0, v6;
	[tilespmem:$0x1F40] =	vst v31  }
0x1dc: {  	v33 =	vadd.s32 v0, v27;
	[tilespmem:$0x1F50] =	vst v32  }
0x1dd: {  	v0 =	vadd.s32 v0, v29;
	[tilespmem:$0x1F60] =	vst v33  }
0x1de: {  	[tilespmem:$0x1F70] =	vst v0  }
0x1df: {  	_ =	swait.ge [sflag:s30], $0x4000  }
0x1e0: {  	[sflag:s30] =	ssyncset.done $0x0  }
0x1e1: {  	s2 =	simm.s32 $0x16080;
	s22 =	simm.s32 $0x1F00;
	[sflag:s30] =	ssyncadd.s32 $0xFFFFC000  }
0x1e2: {  	[tilespmem:s2], [sflag:$0x6] =	stream.indirect.gather [hbm4b:s3+s7], $0x80, s22, s7, $0xb8;
	[tilespmem:$0x1E080] =	vst v63  }
0x1e3: {  	_ =	swait.ge [sflag:s14], $0x4000  }
0x1e4: {  	[sflag:s14] =	ssyncset.done $0x0;
	s31 =	rddreg [dreg:$0x1d]  }
0x1e5: {  	s1 =	simm.s32 $0x2080;
	s5 =	rddreg [dreg:$0x18];
	[sflag:s14] =	ssyncadd.s32 $0xFFFFC000  }
0x1e6: {  	[hbm4b:s31+s4] =	stream.linear.scatter [tilespmem:s1], [sflag:$0x8], $0x4000, $0x38;
	[tilespmem:$0x1E080] =	vst v63  }
0x1e7: {  	v34 =	vld [tilespmem:s5+$0x0]  }
0x1e8: {  	v35 =	vld [tilespmem:$0x1F80]  }
0x1e9: {  	v36 =	vld [tilespmem:$0x1F90]  }
0x1ea: {  	v37 =	vld [tilespmem:$0x1FA0]  }
0x1eb: {  	v38 =	vld [tilespmem:$0x1FB0]  }
0x1ec: {  	v39 =	vld [tilespmem:$0x1FC0]  }
0x1ed: {  	v40 =	vld [tilespmem:$0x1FD0];
	v1 =	vadd.s32 v34, v35  }
0x1ee: {  	v42 =	vld [tilespmem:$0x1FE0];
	v41 =	vadd.s32 v34, v36;
	[tilespmem:$0x1F80] =	vst v1  }
0x1ef: {  	v44 =	vld [tilespmem:$0x1FF0];
	v43 =	vadd.s32 v34, v37;
	[tilespmem:$0x1F90] =	vst v41  }
0x1f0: {  	v45 =	vadd.s32 v34, v38;
	[tilespmem:$0x1FA0] =	vst v43  }
0x1f1: {  	v46 =	vadd.s32 v34, v39;
	[tilespmem:$0x1FB0] =	vst v45  }
0x1f2: {  	v47 =	vadd.s32 v34, v40;
	[tilespmem:$0x1FC0] =	vst v46  }
0x1f3: {  	v48 =	vadd.s32 v34, v42;
	[tilespmem:$0x1FD0] =	vst v47  }
0x1f4: {  	v0 =	vadd.s32 v34, v44;
	[tilespmem:$0x1FE0] =	vst v48  }
0x1f5: {  	[tilespmem:$0x1FF0] =	vst v0  }
0x1f6: {  	_ =	swait.ge [sflag:s21], $0x4000  }
0x1f7: {  	s6 =	simm.s32 $0x1F80;
	[sflag:s21] =	ssyncset.done $0x0  }
0x1f8: {  	s9 =	simm.s32 $0x2;
	s5 =	simm.s32 $0x1A080;
	[sflag:s21] =	ssyncadd.s32 $0xFFFFC000  }
0x1f9: {  	[tilespmem:s5], [sflag:$0x7] =	stream.indirect.gather [hbm4b:s3+s7], $0x80, s6, s7, $0xb8;
	[tilespmem:$0x1E080] =	vst v63  }
0x1fa: {  	_ =	swait.ge [sflag:s9], $0x4000  }
0x1fb: {  	[sflag:s9] =	ssyncset.done $0x0;
	s10 =	rddreg [dreg:$0x1e]  }
0x1fc: {  	s11 =	rddreg [dreg:$0x19];
	[sflag:s9] =	ssyncadd.s32 $0xFFFFC000  }
0x1fd: {  	[hbm4b:s10+s4] =	stream.linear.scatter [tilespmem:s13], [sflag:$0x9], $0x4000, $0x38;
	[tilespmem:$0x1E080] =	vst v63  }
0x1fe: {  	v49 =	vld [tilespmem:s11+$0x0]  }
0x1ff: {  	v50 =	vld [tilespmem:$0x2000]  }
0x200: {  	v51 =	vld [tilespmem:$0x2010]  }
0x201: {  	v52 =	vld [tilespmem:$0x2020]  }
0x202: {  	v53 =	vld [tilespmem:$0x2030]  }
0x203: {  	v54 =	vld [tilespmem:$0x2040]  }
0x204: {  	v55 =	vld [tilespmem:$0x2050];
	v1 =	vadd.s32 v49, v50  }
0x205: {  	v57 =	vld [tilespmem:$0x2060];
	v56 =	vadd.s32 v49, v51;
	[tilespmem:$0x2000] =	vst v1  }
0x206: {  	v59 =	vld [tilespmem:$0x2070];
	v58 =	vadd.s32 v49, v52;
	[tilespmem:$0x2010] =	vst v56  }
0x207: {  	v60 =	vadd.s32 v49, v53;
	[tilespmem:$0x2020] =	vst v58  }
0x208: {  	v61 =	vadd.s32 v49, v54;
	[tilespmem:$0x2030] =	vst v60  }
0x209: {  	v62 =	vadd.s32 v49, v55;
	[tilespmem:$0x2040] =	vst v61  }
0x20a: {  	v63 =	vadd.s32 v49, v57;
	[tilespmem:$0x2050] =	vst v62  }
0x20b: {  	v0 =	vadd.s32 v49, v59;
	[tilespmem:$0x2060] =	vst v63  }
0x20c: {  	[tilespmem:$0x2070] =	vst v0  }
0x20d: {  	_ =	swait.ge [sflag:s17], $0x4000  }
0x20e: {  	[sflag:s17] =	ssyncset.done $0x0  }
0x20f: {  	s22 =	simm.s32 $0x3;
	s13 =	simm.s32 $0x2000;
	[sflag:s17] =	ssyncadd.s32 $0xFFFFC000  }
0x210: {  	[tilespmem:s1], [sflag:$0x1] =	stream.indirect.gather [hbm4b:s3+s7], $0x80, s13, s7, $0xb8;
	[tilespmem:$0x1E080] =	vst v63  }
0x211: {  	_ =	swait.ge [sflag:s22], $0x4000  }
0x212: {  	[sflag:s22] =	ssyncset.done $0x0  }
0x213: {  	s6 =	simm.s32 $0x4;
	s31 =	rddreg [dreg:$0x1f];
	[sflag:s22] =	ssyncadd.s32 $0xFFFFC000  }
0x214: {  	[hbm4b:s31+s4] =	stream.linear.scatter [tilespmem:s15], [sflag:$0xA], $0x4000, $0x38;
	[tilespmem:$0x1E080] =	vst v63  }
0x215: {  	_ =	swait.ge [sflag:s6], $0x4000  }
0x216: {  	s9 =	sld [smem:$0x7FC]  }
0x217: {  	[sflag:s6] =	ssyncset.done $0x0  }
0x218: {  	[sflag:s6] =	ssyncadd.s32 $0xFFFFC000  }
0x219: {  	[hbm4b:s9+s4] =	stream.linear.scatter [tilespmem:s8], [sflag:$0xB], $0x4000, $0x38;
	[tilespmem:$0x1E080] =	vst v63  }
0x21a: {  	_ =	swait.ge [sflag:s26], $0x4000  }
0x21b: {  	s10 =	sld [smem:$0x7FD]  }
0x21c: {  	[sflag:s26] =	ssyncset.done $0x0  }
0x21d: {  	[sflag:s26] =	ssyncadd.s32 $0xFFFFC000  }
0x21e: {  	[hbm4b:s10+s4] =	stream.linear.scatter [tilespmem:s12], [sflag:$0xC], $0x4000, $0x38;
	[tilespmem:$0x1E080] =	vst v63  }
0x21f: {  	_ =	swait.ge [sflag:s28], $0x4000  }
0x220: {  	[sflag:s28] =	ssyncset.done $0x0  }
0x221: {  	s11 =	rddreg [dreg:$0xa];
	[sflag:s28] =	ssyncadd.s32 $0xFFFFC000  }
0x222: {  	[hbm4b:s11+s4] =	stream.linear.scatter [tilespmem:s2], [sflag:$0xD], $0x4000, $0x38;
	[tilespmem:$0x1E080] =	vst v63  }
0x223: {  	_ =	swait.ge [sflag:s29], $0x4000  }
0x224: {  	[sflag:s29] =	ssyncset.done $0x0  }
0x225: {  	s12 =	rddreg [dreg:$0xb];
	[sflag:s29] =	ssyncadd.s32 $0xFFFFC000  }
0x226: {  	[hbm4b:s12+s4] =	stream.linear.scatter [tilespmem:s5], [sflag:$0xE], $0x4000, $0x38;
	[tilespmem:$0x1E080] =	vst v63  }
0x227: {  	_ =	swait.ge [sflag:s14], $0x4000  }
0x228: {  	[sflag:s14] =	ssyncset.done $0x0  }
0x229: {  	s13 =	rddreg [dreg:$0xc];
	[sflag:s14] =	ssyncadd.s32 $0xFFFFC000  }
0x22a: {  	[hbm4b:s13+s4] =	stream.linear.scatter [tilespmem:s1], [sflag:$0x8], $0x4000, $0x38;
	[tilespmem:$0x1E080] =	vst v63  }
0x22b: {  	_ =	swait.ge [sflag:s17], $0x4000  }
0x22c: {  	[sflag:s17] =	ssyncset.done $0x0  }
0x22d: {  	s15 =	simm.s32 $0x9;
	[sflag:s17] =	ssyncadd.s32 $0xFFFFC000  }
0x22e: {  	_ =	swait.ge [sflag:s15], $0x4000  }
0x22f: {  	[sflag:s15] =	ssyncset.done $0x0  }
0x230: {  	[sflag:s15] =	ssyncadd.s32 $0xFFFFC000  }
0x231: {  	_ =	swait.ge [sflag:s25], $0x4000  }
0x232: {  	[sflag:s25] =	ssyncset.done $0x0  }
0x233: {  	[sflag:s25] =	ssyncadd.s32 $0xFFFFC000  }
0x234: {  	_ =	swait.ge [sflag:s19], $0x4000  }
0x235: {  	[sflag:s19] =	ssyncset.done $0x0  }
0x236: {  	[sflag:s19] =	ssyncadd.s32 $0xFFFFC000  }
0x237: {  	_ =	swait.ge [sflag:s20], $0x4000  }
0x238: {  	[sflag:s20] =	ssyncset.done $0x0  }
0x239: {  	[sflag:s20] =	ssyncadd.s32 $0xFFFFC000  }
0x23a: {  	_ =	swait.ge [sflag:s30], $0x4000  }
0x23b: {  	[sflag:s30] =	ssyncset.done $0x0  }
0x23c: {  	[sflag:s30] =	ssyncadd.s32 $0xFFFFC000  }
0x23d: {  	_ =	swait.ge [sflag:s21], $0x4000  }
0x23e: {  	s22 =	sld [smem:$0x7FB];
	_ =	sdelay $0x2  }
0x23f: {  	s31 =	rddreg [dreg:$0xd];
	s1 =	sadd.s32 $0x1, s22  }
0x240: {  	p0 =	sne.s32 s1, s31  }
.Ltmp1:
0x241: {  	_ = 	snop;
	(pc) =	sbr.rel @p0 .LBB2_1-.Ltmp1, $3  }
0x242: {  	_ =	sdelay $0x1  }
0x243: {  	[sflag:s21] =	ssyncset.done $0x0  }
0x244: {  	[sflag:s21] =	ssyncadd.s32 $0xFFFFC000  }
0x245: {  	_ =	sfence.sel $0x180000  }
0x246: {  	[bflag:$0x0] =	sbarrier.arrive $0xFFFF  }
0x247: {  	_ =	strace $0x90000047  }
0x248: {  	s0 =	stileid.u32;
	[bflag:$0x2] =	sbarrier.arrive $0xFFFF  }
0x249: {  	p0 =	sne.s32 s0, $0x0;
	s0 =	rddreg [dreg:$0x4]  }
0x24a: {  	s0 =	sadd.s32 @!p0 $0x100000, s0  }
0x24b: {  	[sflag:s0] =	ssyncadd.tile.s32 @!p0 $0x1;
	_ =	shalt  }
.Lfunc_end2:
_tile_overlayer_lowered:
.L_overlay_start_2:
0x24c: {  	(tag) =	ssettag $0x2  }
0x24d: {  	s0 =	rddreg [dreg:$0x0];
	s2 =	stileid.u32  }
0x24e: {  	s1 =	rddreg [dreg:$0x1];
	p0 =	sne.s32 s2, $0x0  }
0x24f: {  	s3 =	rddreg [dreg:$0x2];
	[bflag:$0x3] =	sbarrier.arrive $0xFFFF;
	s2 =	simm.s32 @!p0 $0x1C0F  }
0x250: {  	[timem:s3], [sflag:s2] =	dma.local @!p0 [hbm:s0], s1  }
0x251: {  	s0 =	simm.s32 @!p0 $0xF  }
0x252: {  	_ =	swait.ge @!p0 [sflag:s0], s1  }
0x253: {  	s1 =	ssub.s32 @!p0 $0x0, s1;
	[sflag:s0] =	ssyncset.done @!p0 $0x0  }
0x254: {  	[sflag:s0] =	ssyncadd.s32 @!p0 s1  }
0x255: {  	[bflag:$0x3] =	sbarrier.arrive $0xFFFF  }
0x256: {  	_ =	shalt  }

</sc_bundles>
